<compile_context>
chip_gen: v7x
topology: tpu7x:2x2x1
jax: 0.10.2.dev20260603
libtpu: 0.0.44.dev20260713+nightly
codegen_flags: <defaults>
</compile_context>

<pallas_src>
import jax
import jax.numpy as jnp
from jax import lax
from jax.experimental import pallas as pl
from jax.experimental.pallas import tpu as pltpu
from jax.experimental.pallas import tpu_sc as plsc

N = 10000
E = 320000
NHID = 128
NCLASS = 40

NC = 2
NS = 16
NW = NC * NS
CHUNK = 128
NCHUNK = -(-E // (NW * CHUNK))
E_PAD = NW * NCHUNK * CHUNK
ROWS_PER_TILE = 624
TAIL_BASE = NS * ROWS_PER_TILE
TAIL_ROWS = N - TAIL_BASE

LANES = 16
FB = NHID // LANES



def _segsum_body(m_hbm, src_hbm, dst_hbm, w_hbm, out_hbm,
                 acc, src_v, dst_v, w_v, rows, gsem):
    c = lax.axis_index("c")
    s = lax.axis_index("s")
    wid = c * NS + s

    def _zrow(r, _):
        for f in range(FB):
            rows[r, pl.ds(f * LANES, LANES)] = jnp.zeros((LANES,), jnp.float32)
        return 0
    lax.fori_loop(0, CHUNK, _zrow, 0)
    base = s * ROWS_PER_TILE
    off = 0
    while off < ROWS_PER_TILE:
        nrow = min(CHUNK, ROWS_PER_TILE - off)
        pltpu.sync_copy(rows.at[pl.ds(0, nrow)], acc.at[pl.ds(base + off, nrow)])
        off += nrow

    @pl.when(s == 0)
    def _zero_tail():
        pltpu.sync_copy(rows.at[pl.ds(0, TAIL_ROWS)],
                        acc.at[pl.ds(TAIL_BASE, TAIL_ROWS)])

    pltpu.sync_copy(src_hbm.at[wid], src_v)
    pltpu.sync_copy(dst_hbm.at[wid], dst_v)
    pltpu.sync_copy(w_hbm.at[wid], w_v)

    plsc.subcore_barrier()

    def _chunk(j, _):
        pltpu.async_copy(m_hbm.at[src_v.at[j]], rows, gsem).wait()

        def _scale(g, _):
            w16 = w_v[j, pl.ds(g * LANES, LANES)]
            for u in range(LANES):
                e = g * LANES + u
                wb = jnp.full((LANES,), w16[u], jnp.float32)
                for f in range(FB):
                    sl = pl.ds(f * LANES, LANES)
                    rows[e, sl] = rows[e, sl] * wb
            return 0
        lax.fori_loop(0, CHUNK // LANES, _scale, 0)

        pltpu.sync_copy(rows, acc.at[dst_v.at[j]], add=True)
        return 0
    lax.fori_loop(0, NCHUNK, _chunk, 0)

    plsc.subcore_barrier()

    pltpu.sync_copy(acc.at[pl.ds(base, ROWS_PER_TILE)],
                    out_hbm.at[c, pl.ds(base, ROWS_PER_TILE)])

    @pl.when(s == 0)
    def _out_tail():
        pltpu.sync_copy(acc.at[pl.ds(TAIL_BASE, TAIL_ROWS)],
                        out_hbm.at[c, pl.ds(TAIL_BASE, TAIL_ROWS)])


def _segsum(m, src_p, dst_p, w_p, name):
    mesh = plsc.VectorSubcoreMesh(core_axis_name="c", subcore_axis_name="s")
    return pl.kernel(
        _segsum_body,
        out_type=jax.ShapeDtypeStruct((NC, N, NHID), jnp.float32),
        mesh=mesh,
        name=name,
        scratch_types=[
            pltpu.VMEM_SHARED((N, NHID), jnp.float32),
            pltpu.VMEM((NCHUNK, CHUNK), jnp.int32),
            pltpu.VMEM((NCHUNK, CHUNK), jnp.int32),
            pltpu.VMEM((NCHUNK, CHUNK), jnp.float32),
            pltpu.VMEM((CHUNK, NHID), jnp.float32),
            pltpu.SemaphoreType.DMA,
        ],
    )(m, src_p, dst_p, w_p)



ROWS_BLK = 1000
GRID = N // ROWS_BLK


def _dot_t(a, b):
    return lax.dot_general(a, b, (((1,), (1,)), ((), ())),
                           preferred_element_type=jnp.float32)


def _dot(a, b):
    return lax.dot_general(a, b, (((1,), (0,)), ((), ())),
                           preferred_element_type=jnp.float32)


def _gru(agg, x, W_ih, b_ih, W_hh, b_hh):
    gi = _dot_t(agg, W_ih) + b_ih
    gh = _dot_t(x, W_hh) + b_hh
    r = jax.nn.sigmoid(gi[:, 0:NHID] + gh[:, 0:NHID])
    z = jax.nn.sigmoid(gi[:, NHID:2 * NHID] + gh[:, NHID:2 * NHID])
    n = jnp.tanh(gi[:, 2 * NHID:] + r * gh[:, 2 * NHID:])
    return (1.0 - z) * n + z * x


def _embed_conv_body(h_ref, We_ref, be_ref, cw_ref, x_ref, m_ref):
    x = _dot_t(h_ref[...], We_ref[...]) + be_ref[...]
    x_ref[...] = x
    m_ref[...] = _dot(x, cw_ref[...])


def _embed_conv(h, W_emb, b_emb, cw0):
    blk = lambda i: (i, 0)
    full = lambda i: (0, 0)
    return pl.pallas_call(
        _embed_conv_body,
        grid=(GRID,),
        in_specs=[
            pl.BlockSpec((ROWS_BLK, NHID), blk),
            pl.BlockSpec((NHID, NHID), full),
            pl.BlockSpec((1, NHID), full),
            pl.BlockSpec((NHID, NHID), full),
        ],
        out_specs=[pl.BlockSpec((ROWS_BLK, NHID), blk),
                   pl.BlockSpec((ROWS_BLK, NHID), blk)],
        out_shape=[jax.ShapeDtypeStruct((N, NHID), jnp.float32),
                   jax.ShapeDtypeStruct((N, NHID), jnp.float32)],
    )(h, W_emb, b_emb, cw0)


def _gru_conv_body(p_ref, x_ref, Wih_ref, bih_ref, Whh_ref, bhh_ref, cw_ref,
                   xo_ref, mo_ref):
    agg = p_ref[0] + p_ref[1]
    xn = _gru(agg, x_ref[...], Wih_ref[...], bih_ref[...],
              Whh_ref[...], bhh_ref[...])
    xo_ref[...] = xn
    mo_ref[...] = _dot(xn, cw_ref[...])


def _gru_conv(p, x, W_ih, b_ih, W_hh, b_hh, cw1):
    blk = lambda i: (i, 0)
    full = lambda i: (0, 0)
    return pl.pallas_call(
        _gru_conv_body,
        grid=(GRID,),
        in_specs=[
            pl.BlockSpec((NC, ROWS_BLK, NHID), lambda i: (0, i, 0)),
            pl.BlockSpec((ROWS_BLK, NHID), blk),
            pl.BlockSpec((3 * NHID, NHID), full),
            pl.BlockSpec((1, 3 * NHID), full),
            pl.BlockSpec((3 * NHID, NHID), full),
            pl.BlockSpec((1, 3 * NHID), full),
            pl.BlockSpec((NHID, NHID), full),
        ],
        out_specs=[pl.BlockSpec((ROWS_BLK, NHID), blk),
                   pl.BlockSpec((ROWS_BLK, NHID), blk)],
        out_shape=[jax.ShapeDtypeStruct((N, NHID), jnp.float32),
                   jax.ShapeDtypeStruct((N, NHID), jnp.float32)],
    )(p, x, W_ih, b_ih, W_hh, b_hh, cw1)


def _gru_head_body(p_ref, x_ref, xin_ref, Wih_ref, bih_ref, Whh_ref, bhh_ref,
                   Wm_ref, bm_ref, o_ref):
    agg = p_ref[0] + p_ref[1]
    xn = _gru(agg, x_ref[...], Wih_ref[...], bih_ref[...],
              Whh_ref[...], bhh_ref[...])
    xr = xin_ref[...] + xn
    logits = _dot_t(xr, Wm_ref[...]) + bm_ref[...]
    shifted = logits - jnp.max(logits, axis=1, keepdims=True)
    o_ref[...] = shifted - jnp.log(
        jnp.sum(jnp.exp(shifted), axis=1, keepdims=True))


def _gru_head(p, x, x_in, W_ih, b_ih, W_hh, b_hh, W_mlp, b_mlp):
    blk = lambda i: (i, 0)
    full = lambda i: (0, 0)
    return pl.pallas_call(
        _gru_head_body,
        grid=(GRID,),
        in_specs=[
            pl.BlockSpec((NC, ROWS_BLK, NHID), lambda i: (0, i, 0)),
            pl.BlockSpec((ROWS_BLK, NHID), blk),
            pl.BlockSpec((ROWS_BLK, NHID), blk),
            pl.BlockSpec((3 * NHID, NHID), full),
            pl.BlockSpec((1, 3 * NHID), full),
            pl.BlockSpec((3 * NHID, NHID), full),
            pl.BlockSpec((1, 3 * NHID), full),
            pl.BlockSpec((NCLASS, NHID), full),
            pl.BlockSpec((1, NCLASS), full),
        ],
        out_specs=pl.BlockSpec((ROWS_BLK, NCLASS), blk),
        out_shape=jax.ShapeDtypeStruct((N, NCLASS), jnp.float32),
    )(p, x, x_in, W_ih, b_ih, W_hh, b_hh, W_mlp, b_mlp)



def kernel(h, edge_index, edge_weight, W_emb, b_emb, conv_w,
           W_ih, b_ih, W_hh, b_hh, W_mlp, b_mlp):
    pad = E_PAD - E
    src_p = jnp.concatenate(
        [edge_index[0], jnp.zeros((pad,), jnp.int32)]).reshape(NW, NCHUNK, CHUNK)
    dst_p = jnp.concatenate(
        [edge_index[1], jnp.zeros((pad,), jnp.int32)]).reshape(NW, NCHUNK, CHUNK)
    w_p = jnp.concatenate(
        [edge_weight, jnp.zeros((pad,), jnp.float32)]).reshape(NW, NCHUNK, CHUNK)


    be = b_emb.reshape(1, NHID)
    bih = b_ih.reshape(1, 3 * NHID)
    bhh = b_hh.reshape(1, 3 * NHID)
    bm = b_mlp.reshape(1, NCLASS)

    x_in, m = _embed_conv(h, W_emb, be, conv_w[0])
    p = _segsum(m, src_p, dst_p, w_p, 'segsum_l1')
    x1, m1 = _gru_conv(p, x_in, W_ih, bih, W_hh, bhh, conv_w[1])
    p1 = _segsum(m1, src_p, dst_p, w_p, 'segsum_l2')
    return _gru_head(p1, x1, x_in, W_ih, bih, W_hh, bhh, W_mlp, bm)

# --- scband reference (transcript-rebuilt; emitter-appended) ---
"""Pipeline reference for scband-gated-gnn-36687610642604 (READ-ONLY COPY).

The authoritative reference and input builder live on the scoring server;
editing this copy changes nothing except your own understanding.
"""

import jax, jax.numpy as jnp
import numpy as np

N = 10000
E = 320000
NFEAT = 128
NHID = 128
NLAYERS = 2
NCLASS = 40


def setup_inputs(seed: int = 0) -> dict:
    key = jax.random.key(seed)
    ks = jax.random.split(key, 12)
    h = jax.random.normal(ks[0], (N, NFEAT), dtype=jnp.float32)
    edge_index = jax.random.randint(ks[1], (2, E), 0, N, dtype=jnp.int32)
    edge_weight = jax.random.uniform(ks[2], (E,), dtype=jnp.float32)
    W_emb = jax.random.normal(ks[3], (NHID, NFEAT), dtype=jnp.float32) / np.sqrt(NFEAT)
    b_emb = jnp.zeros((NHID,), dtype=jnp.float32)
    conv_w = jax.random.normal(ks[4], (NLAYERS, NHID, NHID), dtype=jnp.float32) / np.sqrt(NHID)
    W_ih = jax.random.normal(ks[5], (3 * NHID, NHID), dtype=jnp.float32) / np.sqrt(NHID)
    b_ih = jnp.zeros((3 * NHID,), dtype=jnp.float32)
    W_hh = jax.random.normal(ks[6], (3 * NHID, NHID), dtype=jnp.float32) / np.sqrt(NHID)
    b_hh = jnp.zeros((3 * NHID,), dtype=jnp.float32)
    W_mlp = jax.random.normal(ks[7], (NCLASS, NHID), dtype=jnp.float32) / np.sqrt(NHID)
    b_mlp = jnp.zeros((NCLASS,), dtype=jnp.float32)
    return {"h": h, "edge_index": edge_index, "edge_weight": edge_weight,
            "W_emb": W_emb, "b_emb": b_emb, "conv_w": conv_w,
            "W_ih": W_ih, "b_ih": b_ih, "W_hh": W_hh, "b_hh": b_hh,
            "W_mlp": W_mlp, "b_mlp": b_mlp}


def _gru_cell(m, h, W_ih, b_ih, W_hh, b_hh):
    # PyTorch GRUCell: gates packed in order (r, z, n)
    gi = m @ W_ih.T + b_ih
    gh = h @ W_hh.T + b_hh
    i_r, i_z, i_n = jnp.split(gi, 3, axis=1)
    h_r, h_z, h_n = jnp.split(gh, 3, axis=1)
    r = jax.nn.sigmoid(i_r + h_r)
    z = jax.nn.sigmoid(i_z + h_z)
    n = jnp.tanh(i_n + r * h_n)
    return (1.0 - z) * n + z * h


def reference(h, edge_index, edge_weight, W_emb, b_emb, conv_w, W_ih, b_ih, W_hh, b_hh, W_mlp, b_mlp):
    src = edge_index[0]
    dst = edge_index[1]
    # embedding_h
    x = h @ W_emb.T + b_emb
    x_in = x
    for i in range(NLAYERS):
        # GatedGraphConv message passing (aggr='add'):
        # m = x @ W_i, then scatter-add m[src] * edge_weight onto dst
        m = x @ conv_w[i]
        msg = m[src] * edge_weight[:, None]
        agg = jax.ops.segment_sum(msg, dst, num_segments=N)
        # outer GRUCell: h = rnn(m_agg, h)
        x = _gru_cell(agg, x, W_ih, b_ih, W_hh, b_hh)
    # residual
    x = x_in + x
    # dropout p=0.0 -> identity; MLP head + log_softmax
    out = x @ W_mlp.T + b_mlp
    return jax.nn.log_softmax(out, axis=1)

if __name__ == "__main__":
    import jax
    _d = setup_inputs()
    print(jax.jit(kernel)(*tuple(_d.values())))

</pallas_src>

<mosaic_0001>
#map = affine_map<(d0, d1) -> (0, 0)>
#map1 = affine_map<(d0, d1) -> (0, 0, 0)>
module attributes {stable_mosaic.version = 14 : i64} {
  func.func @segsum_l1(%arg0: i32, %arg1: i32, %arg2: memref<10000x128xf32, #tpu.memory_space<hbm>>, %arg3: memref<32x79x128xi32, #tpu.memory_space<hbm>>, %arg4: memref<32x79x128xi32, #tpu.memory_space<hbm>>, %arg5: memref<32x79x128xf32, #tpu.memory_space<hbm>>, %arg6: memref<2x10000x128xf32, #tpu.memory_space<hbm>>, %arg7: memref<10000x128xf32, #tpu.memory_space<vmem_shared>>, %arg8: memref<79x128xi32, #tpu.memory_space<vmem>>, %arg9: memref<79x128xi32, #tpu.memory_space<vmem>>, %arg10: memref<79x128xf32, #tpu.memory_space<vmem>>, %arg11: memref<128x128xf32, #tpu.memory_space<vmem>>, %arg12: memref<!tpu.dma_semaphore, #tpu.memory_space<semaphore_mem>>) attributes {dimension_semantics = [#tpu.dimension_semantics<core_parallel>, #tpu.dimension_semantics<subcore_parallel>], iteration_bounds = array<i64: 2, 16>, scalar_prefetch = 0 : i64, scratch_operands = 6 : i64, tpu.core_type = #tpu.core_type<sc_vector_subcore>, window_params = [{transform_indices = #map}, {transform_indices = #map1}, {transform_indices = #map1}, {transform_indices = #map1}, {transform_indices = #map1}]} {
    %mul3A = arith.constant 16 : i32
    %mul3A_0 = arith.muli %arg0, %mul3A : i32
    %add3A = arith.addi %mul3A_0, %arg1 : i32
    %scan3A = arith.constant 0 : i32
    %scan3A_1 = arith.constant 0 : i32
    %scan3A_2 = arith.constant 128 : i32
    %scan3A_3 = arith.addi %scan3A_1, %scan3A_2 : i32
    %scan3A_4 = arith.constant 1 : i32
    %scan3A_5 = scf.for %scan3A_34 = %scan3A_1 to %scan3A_3 step %scan3A_4 iter_args(%scan3A_35 = %scan3A) -> (i32)  : i32 {
      %broadcast_in_dim3A = arith.constant 0.000000e+00 : f32
      %broadcast_in_dim3A_36 = vector.broadcast %broadcast_in_dim3A : f32 to vector<16xf32>
      %swap3A = arith.index_cast %scan3A_34 : i32 to index
      %swap3A_37 = arith.constant 0 : index
      %swap3A_38 = tpu.vector_load %arg11[%swap3A, %swap3A_37] {strides = array<i32>} : memref<128x128xf32, #tpu.memory_space<vmem>>, vector<1x16xf32>,
      %swap3A_39 = vector.shape_cast %swap3A_38 : vector<1x16xf32> to vector<16xf32>
      %swap3A_40 = vector.shape_cast %broadcast_in_dim3A_36 : vector<16xf32> to vector<1x16xf32>
      tpu.vector_store %arg11[%swap3A, %swap3A_37], %swap3A_40 {strides = array<i32>} : memref<128x128xf32, #tpu.memory_space<vmem>>, vector<1x16xf32>,
      %broadcast_in_dim3A_41 = arith.constant 0.000000e+00 : f32
      %broadcast_in_dim3A_42 = vector.broadcast %broadcast_in_dim3A_41 : f32 to vector<16xf32>
      %swap3A_43 = arith.index_cast %scan3A_34 : i32 to index
      %swap3A_44 = arith.constant 16 : index
      %swap3A_45 = tpu.vector_load %arg11[%swap3A_43, %swap3A_44] {strides = array<i32>} : memref<128x128xf32, #tpu.memory_space<vmem>>, vector<1x16xf32>,
      %swap3A_46 = vector.shape_cast %swap3A_45 : vector<1x16xf32> to vector<16xf32>
      %swap3A_47 = vector.shape_cast %broadcast_in_dim3A_42 : vector<16xf32> to vector<1x16xf32>
      tpu.vector_store %arg11[%swap3A_43, %swap3A_44], %swap3A_47 {strides = array<i32>} : memref<128x128xf32, #tpu.memory_space<vmem>>, vector<1x16xf32>,
      %broadcast_in_dim3A_48 = arith.constant 0.000000e+00 : f32
      %broadcast_in_dim3A_49 = vector.broadcast %broadcast_in_dim3A_48 : f32 to vector<16xf32>
      %swap3A_50 = arith.index_cast %scan3A_34 : i32 to index
      %swap3A_51 = arith.constant 32 : index
      %swap3A_52 = tpu.vector_load %arg11[%swap3A_50, %swap3A_51] {strides = array<i32>} : memref<128x128xf32, #tpu.memory_space<vmem>>, vector<1x16xf32>,
      %swap3A_53 = vector.shape_cast %swap3A_52 : vector<1x16xf32> to vector<16xf32>
      %swap3A_54 = vector.shape_cast %broadcast_in_dim3A_49 : vector<16xf32> to vector<1x16xf32>
      tpu.vector_store %arg11[%swap3A_50, %swap3A_51], %swap3A_54 {strides = array<i32>} : memref<128x128xf32, #tpu.memory_space<vmem>>, vector<1x16xf32>,
      %broadcast_in_dim3A_55 = arith.constant 0.000000e+00 : f32
      %broadcast_in_dim3A_56 = vector.broadcast %broadcast_in_dim3A_55 : f32 to vector<16xf32>
      %swap3A_57 = arith.index_cast %scan3A_34 : i32 to index
      %swap3A_58 = arith.constant 48 : index
      %swap3A_59 = tpu.vector_load %arg11[%swap3A_57, %swap3A_58] {strides = array<i32>} : memref<128x128xf32, #tpu.memory_space<vmem>>, vector<1x16xf32>,
      %swap3A_60 = vector.shape_cast %swap3A_59 : vector<1x16xf32> to vector<16xf32>
      %swap3A_61 = vector.shape_cast %broadcast_in_dim3A_56 : vector<16xf32> to vector<1x16xf32>
      tpu.vector_store %arg11[%swap3A_57, %swap3A_58], %swap3A_61 {strides = array<i32>} : memref<128x128xf32, #tpu.memory_space<vmem>>, vector<1x16xf32>,
      %broadcast_in_dim3A_62 = arith.constant 0.000000e+00 : f32
      %broadcast_in_dim3A_63 = vector.broadcast %broadcast_in_dim3A_62 : f32 to vector<16xf32>
      %swap3A_64 = arith.index_cast %scan3A_34 : i32 to index
      %swap3A_65 = arith.constant 64 : index
      %swap3A_66 = tpu.vector_load %arg11[%swap3A_64, %swap3A_65] {strides = array<i32>} : memref<128x128xf32, #tpu.memory_space<vmem>>, vector<1x16xf32>,
      %swap3A_67 = vector.shape_cast %swap3A_66 : vector<1x16xf32> to vector<16xf32>
      %swap3A_68 = vector.shape_cast %broadcast_in_dim3A_63 : vector<16xf32> to vector<1x16xf32>
      tpu.vector_store %arg11[%swap3A_64, %swap3A_65], %swap3A_68 {strides = array<i32>} : memref<128x128xf32, #tpu.memory_space<vmem>>, vector<1x16xf32>,
      %broadcast_in_dim3A_69 = arith.constant 0.000000e+00 : f32
      %broadcast_in_dim3A_70 = vector.broadcast %broadcast_in_dim3A_69 : f32 to vector<16xf32>
      %swap3A_71 = arith.index_cast %scan3A_34 : i32 to index
      %swap3A_72 = arith.constant 80 : index
      %swap3A_73 = tpu.vector_load %arg11[%swap3A_71, %swap3A_72] {strides = array<i32>} : memref<128x128xf32, #tpu.memory_space<vmem>>, vector<1x16xf32>,
      %swap3A_74 = vector.shape_cast %swap3A_73 : vector<1x16xf32> to vector<16xf32>
      %swap3A_75 = vector.shape_cast %broadcast_in_dim3A_70 : vector<16xf32> to vector<1x16xf32>
      tpu.vector_store %arg11[%swap3A_71, %swap3A_72], %swap3A_75 {strides = array<i32>} : memref<128x128xf32, #tpu.memory_space<vmem>>, vector<1x16xf32>,
      %broadcast_in_dim3A_76 = arith.constant 0.000000e+00 : f32
      %broadcast_in_dim3A_77 = vector.broadcast %broadcast_in_dim3A_76 : f32 to vector<16xf32>
      %swap3A_78 = arith.index_cast %scan3A_34 : i32 to index
      %swap3A_79 = arith.constant 96 : index
      %swap3A_80 = tpu.vector_load %arg11[%swap3A_78, %swap3A_79] {strides = array<i32>} : memref<128x128xf32, #tpu.memory_space<vmem>>, vector<1x16xf32>,
      %swap3A_81 = vector.shape_cast %swap3A_80 : vector<1x16xf32> to vector<16xf32>
      %swap3A_82 = vector.shape_cast %broadcast_in_dim3A_77 : vector<16xf32> to vector<1x16xf32>
      tpu.vector_store %arg11[%swap3A_78, %swap3A_79], %swap3A_82 {strides = array<i32>} : memref<128x128xf32, #tpu.memory_space<vmem>>, vector<1x16xf32>,
      %broadcast_in_dim3A_83 = arith.constant 0.000000e+00 : f32
      %broadcast_in_dim3A_84 = vector.broadcast %broadcast_in_dim3A_83 : f32 to vector<16xf32>
      %swap3A_85 = arith.index_cast %scan3A_34 : i32 to index
      %swap3A_86 = arith.constant 112 : index
      %swap3A_87 = tpu.vector_load %arg11[%swap3A_85, %swap3A_86] {strides = array<i32>} : memref<128x128xf32, #tpu.memory_space<vmem>>, vector<1x16xf32>,
      %swap3A_88 = vector.shape_cast %swap3A_87 : vector<1x16xf32> to vector<16xf32>
      %swap3A_89 = vector.shape_cast %broadcast_in_dim3A_84 : vector<16xf32> to vector<1x16xf32>
      tpu.vector_store %arg11[%swap3A_85, %swap3A_86], %swap3A_89 {strides = array<i32>} : memref<128x128xf32, #tpu.memory_space<vmem>>, vector<1x16xf32>,
      %scan3A_90 = arith.constant 0 : i32
      scf.yield %scan3A_90 : i32
    }
    %scan3A_6 = arith.constant 128 : i32
    %mul3A_7 = arith.constant 624 : i32
    %mul3A_8 = arith.muli %arg1, %mul3A_7 : i32
    %add3A_9 = arith.constant 0 : i32
    %add3A_10 = arith.addi %mul3A_8, %add3A_9 : i32
    "tpu.region"() ({
      %run_scoped3A = tpu.sem_alloc : memref<!tpu.dma_semaphore, #tpu.memory_space<semaphore_mem>>
      %dma_start3A = arith.constant 0 : i32
      %dma_start3A_34 = arith.constant 0 : i32
      %dma_start3A_35 = tpu.memref_slice %arg11[%dma_start3A, %dma_start3A_34] : memref<128x128xf32, #tpu.memory_space<vmem>> -> memref<128x128xf32, #tpu.memory_space<vmem>>
      %dma_start3A_36 = arith.constant 0 : i32
      %dma_start3A_37 = tpu.memref_slice %arg7[%add3A_10, %dma_start3A_36] : memref<10000x128xf32, #tpu.memory_space<vmem_shared>> -> memref<128x128xf32, #tpu.memory_space<vmem_shared>>
      %dma_start3A_38 = arith.constant 0 : i32
      %dma_start3A_39 = tpu.memref_slice %arg7[%add3A_10, %dma_start3A_38] : memref<10000x128xf32, #tpu.memory_space<vmem_shared>> -> memref<128x128xf32, #tpu.memory_space<vmem_shared>>
      %dma_start3A_40 = arith.constant 0 : i32
      %dma_start3A_41 = arith.constant 0 : i32
      %dma_start3A_42 = tpu.memref_slice %arg11[%dma_start3A_40, %dma_start3A_41] : memref<128x128xf32, #tpu.memory_space<vmem>> -> memref<128x128xf32, #tpu.memory_space<vmem>>
      tpu.enqueue_dma source(%dma_start3A_42 : memref<128x128xf32, #tpu.memory_space<vmem>>) target(%dma_start3A_39 : memref<128x128xf32, #tpu.memory_space<vmem_shared>>) target_semaphore(%run_scoped3A : memref<!tpu.dma_semaphore, #tpu.memory_space<semaphore_mem>>)
      %dma_wait3A = arith.constant 0 : i32
      %dma_wait3A_43 = arith.constant 0 : i32
      %dma_wait3A_44 = tpu.memref_slice %arg11[%dma_wait3A, %dma_wait3A_43] : memref<128x128xf32, #tpu.memory_space<vmem>> -> memref<128x128xf32, #tpu.memory_space<vmem>>
      %dma_wait3A_45 = arith.constant 0 : i32
      %dma_wait3A_46 = tpu.memref_slice %arg7[%add3A_10, %dma_wait3A_45] : memref<10000x128xf32, #tpu.memory_space<vmem_shared>> -> memref<128x128xf32, #tpu.memory_space<vmem_shared>>
      %dma_wait3A_47 = arith.constant 0 : i32
      %dma_wait3A_48 = tpu.memref_slice %arg7[%add3A_10, %dma_wait3A_47] : memref<10000x128xf32, #tpu.memory_space<vmem_shared>> -> memref<128x128xf32, #tpu.memory_space<vmem_shared>>
      %dma_wait3A_49 = arith.constant 0 : i32
      %dma_wait3A_50 = arith.constant 0 : i32
      %dma_wait3A_51 = tpu.memref_slice %arg11[%dma_wait3A_49, %dma_wait3A_50] : memref<128x128xf32, #tpu.memory_space<vmem>> -> memref<128x128xf32, #tpu.memory_space<vmem>>
      tpu.wait_dma2 semaphore(%run_scoped3A : memref<!tpu.dma_semaphore, #tpu.memory_space<semaphore_mem>>) src(%dma_wait3A_51 : memref<128x128xf32, #tpu.memory_space<vmem>>) dst(%dma_wait3A_48 : memref<128x128xf32, #tpu.memory_space<vmem_shared>>)
      tpu.yield
    }) : () -> ()
    %add3A_11 = arith.constant 128 : i32
    %add3A_12 = arith.addi %mul3A_8, %add3A_11 : i32
    "tpu.region"() ({
      %run_scoped3A = tpu.sem_alloc : memref<!tpu.dma_semaphore, #tpu.memory_space<semaphore_mem>>
      %dma_start3A = arith.constant 0 : i32
      %dma_start3A_34 = arith.constant 0 : i32
      %dma_start3A_35 = tpu.memref_slice %arg11[%dma_start3A, %dma_start3A_34] : memref<128x128xf32, #tpu.memory_space<vmem>> -> memref<128x128xf32, #tpu.memory_space<vmem>>
      %dma_start3A_36 = arith.constant 0 : i32
      %dma_start3A_37 = tpu.memref_slice %arg7[%add3A_12, %dma_start3A_36] : memref<10000x128xf32, #tpu.memory_space<vmem_shared>> -> memref<128x128xf32, #tpu.memory_space<vmem_shared>>
      %dma_start3A_38 = arith.constant 0 : i32
      %dma_start3A_39 = tpu.memref_slice %arg7[%add3A_12, %dma_start3A_38] : memref<10000x128xf32, #tpu.memory_space<vmem_shared>> -> memref<128x128xf32, #tpu.memory_space<vmem_shared>>
      %dma_start3A_40 = arith.constant 0 : i32
      %dma_start3A_41 = arith.constant 0 : i32
      %dma_start3A_42 = tpu.memref_slice %arg11[%dma_start3A_40, %dma_start3A_41] : memref<128x128xf32, #tpu.memory_space<vmem>> -> memref<128x128xf32, #tpu.memory_space<vmem>>
      tpu.enqueue_dma source(%dma_start3A_42 : memref<128x128xf32, #tpu.memory_space<vmem>>) target(%dma_start3A_39 : memref<128x128xf32, #tpu.memory_space<vmem_shared>>) target_semaphore(%run_scoped3A : memref<!tpu.dma_semaphore, #tpu.memory_space<semaphore_mem>>)
      %dma_wait3A = arith.constant 0 : i32
      %dma_wait3A_43 = arith.constant 0 : i32
      %dma_wait3A_44 = tpu.memref_slice %arg11[%dma_wait3A, %dma_wait3A_43] : memref<128x128xf32, #tpu.memory_space<vmem>> -> memref<128x128xf32, #tpu.memory_space<vmem>>
      %dma_wait3A_45 = arith.constant 0 : i32
      %dma_wait3A_46 = tpu.memref_slice %arg7[%add3A_12, %dma_wait3A_45] : memref<10000x128xf32, #tpu.memory_space<vmem_shared>> -> memref<128x128xf32, #tpu.memory_space<vmem_shared>>
      %dma_wait3A_47 = arith.constant 0 : i32
      %dma_wait3A_48 = tpu.memref_slice %arg7[%add3A_12, %dma_wait3A_47] : memref<10000x128xf32, #tpu.memory_space<vmem_shared>> -> memref<128x128xf32, #tpu.memory_space<vmem_shared>>
      %dma_wait3A_49 = arith.constant 0 : i32
      %dma_wait3A_50 = arith.constant 0 : i32
      %dma_wait3A_51 = tpu.memref_slice %arg11[%dma_wait3A_49, %dma_wait3A_50] : memref<128x128xf32, #tpu.memory_space<vmem>> -> memref<128x128xf32, #tpu.memory_space<vmem>>
      tpu.wait_dma2 semaphore(%run_scoped3A : memref<!tpu.dma_semaphore, #tpu.memory_space<semaphore_mem>>) src(%dma_wait3A_51 : memref<128x128xf32, #tpu.memory_space<vmem>>) dst(%dma_wait3A_48 : memref<128x128xf32, #tpu.memory_space<vmem_shared>>)
      tpu.yield
    }) : () -> ()
    %add3A_13 = arith.constant 256 : i32
    %add3A_14 = arith.addi %mul3A_8, %add3A_13 : i32
    "tpu.region"() ({
      %run_scoped3A = tpu.sem_alloc : memref<!tpu.dma_semaphore, #tpu.memory_space<semaphore_mem>>
      %dma_start3A = arith.constant 0 : i32
      %dma_start3A_34 = arith.constant 0 : i32
      %dma_start3A_35 = tpu.memref_slice %arg11[%dma_start3A, %dma_start3A_34] : memref<128x128xf32, #tpu.memory_space<vmem>> -> memref<128x128xf32, #tpu.memory_space<vmem>>
      %dma_start3A_36 = arith.constant 0 : i32
      %dma_start3A_37 = tpu.memref_slice %arg7[%add3A_14, %dma_start3A_36] : memref<10000x128xf32, #tpu.memory_space<vmem_shared>> -> memref<128x128xf32, #tpu.memory_space<vmem_shared>>
      %dma_start3A_38 = arith.constant 0 : i32
      %dma_start3A_39 = tpu.memref_slice %arg7[%add3A_14, %dma_start3A_38] : memref<10000x128xf32, #tpu.memory_space<vmem_shared>> -> memref<128x128xf32, #tpu.memory_space<vmem_shared>>
      %dma_start3A_40 = arith.constant 0 : i32
      %dma_start3A_41 = arith.constant 0 : i32
      %dma_start3A_42 = tpu.memref_slice %arg11[%dma_start3A_40, %dma_start3A_41] : memref<128x128xf32, #tpu.memory_space<vmem>> -> memref<128x128xf32, #tpu.memory_space<vmem>>
      tpu.enqueue_dma source(%dma_start3A_42 : memref<128x128xf32, #tpu.memory_space<vmem>>) target(%dma_start3A_39 : memref<128x128xf32, #tpu.memory_space<vmem_shared>>) target_semaphore(%run_scoped3A : memref<!tpu.dma_semaphore, #tpu.memory_space<semaphore_mem>>)
      %dma_wait3A = arith.constant 0 : i32
      %dma_wait3A_43 = arith.constant 0 : i32
      %dma_wait3A_44 = tpu.memref_slice %arg11[%dma_wait3A, %dma_wait3A_43] : memref<128x128xf32, #tpu.memory_space<vmem>> -> memref<128x128xf32, #tpu.memory_space<vmem>>
      %dma_wait3A_45 = arith.constant 0 : i32
      %dma_wait3A_46 = tpu.memref_slice %arg7[%add3A_14, %dma_wait3A_45] : memref<10000x128xf32, #tpu.memory_space<vmem_shared>> -> memref<128x128xf32, #tpu.memory_space<vmem_shared>>
      %dma_wait3A_47 = arith.constant 0 : i32
      %dma_wait3A_48 = tpu.memref_slice %arg7[%add3A_14, %dma_wait3A_47] : memref<10000x128xf32, #tpu.memory_space<vmem_shared>> -> memref<128x128xf32, #tpu.memory_space<vmem_shared>>
      %dma_wait3A_49 = arith.constant 0 : i32
      %dma_wait3A_50 = arith.constant 0 : i32
      %dma_wait3A_51 = tpu.memref_slice %arg11[%dma_wait3A_49, %dma_wait3A_50] : memref<128x128xf32, #tpu.memory_space<vmem>> -> memref<128x128xf32, #tpu.memory_space<vmem>>
      tpu.wait_dma2 semaphore(%run_scoped3A : memref<!tpu.dma_semaphore, #tpu.memory_space<semaphore_mem>>) src(%dma_wait3A_51 : memref<128x128xf32, #tpu.memory_space<vmem>>) dst(%dma_wait3A_48 : memref<128x128xf32, #tpu.memory_space<vmem_shared>>)
      tpu.yield
    }) : () -> ()
    %add3A_15 = arith.constant 384 : i32
    %add3A_16 = arith.addi %mul3A_8, %add3A_15 : i32
    "tpu.region"() ({
      %run_scoped3A = tpu.sem_alloc : memref<!tpu.dma_semaphore, #tpu.memory_space<semaphore_mem>>
      %dma_start3A = arith.constant 0 : i32
      %dma_start3A_34 = arith.constant 0 : i32
      %dma_start3A_35 = tpu.memref_slice %arg11[%dma_start3A, %dma_start3A_34] : memref<128x128xf32, #tpu.memory_space<vmem>> -> memref<128x128xf32, #tpu.memory_space<vmem>>
      %dma_start3A_36 = arith.constant 0 : i32
      %dma_start3A_37 = tpu.memref_slice %arg7[%add3A_16, %dma_start3A_36] : memref<10000x128xf32, #tpu.memory_space<vmem_shared>> -> memref<128x128xf32, #tpu.memory_space<vmem_shared>>
      %dma_start3A_38 = arith.constant 0 : i32
      %dma_start3A_39 = tpu.memref_slice %arg7[%add3A_16, %dma_start3A_38] : memref<10000x128xf32, #tpu.memory_space<vmem_shared>> -> memref<128x128xf32, #tpu.memory_space<vmem_shared>>
      %dma_start3A_40 = arith.constant 0 : i32
      %dma_start3A_41 = arith.constant 0 : i32
      %dma_start3A_42 = tpu.memref_slice %arg11[%dma_start3A_40, %dma_start3A_41] : memref<128x128xf32, #tpu.memory_space<vmem>> -> memref<128x128xf32, #tpu.memory_space<vmem>>
      tpu.enqueue_dma source(%dma_start3A_42 : memref<128x128xf32, #tpu.memory_space<vmem>>) target(%dma_start3A_39 : memref<128x128xf32, #tpu.memory_space<vmem_shared>>) target_semaphore(%run_scoped3A : memref<!tpu.dma_semaphore, #tpu.memory_space<semaphore_mem>>)
      %dma_wait3A = arith.constant 0 : i32
      %dma_wait3A_43 = arith.constant 0 : i32
      %dma_wait3A_44 = tpu.memref_slice %arg11[%dma_wait3A, %dma_wait3A_43] : memref<128x128xf32, #tpu.memory_space<vmem>> -> memref<128x128xf32, #tpu.memory_space<vmem>>
      %dma_wait3A_45 = arith.constant 0 : i32
      %dma_wait3A_46 = tpu.memref_slice %arg7[%add3A_16, %dma_wait3A_45] : memref<10000x128xf32, #tpu.memory_space<vmem_shared>> -> memref<128x128xf32, #tpu.memory_space<vmem_shared>>
      %dma_wait3A_47 = arith.constant 0 : i32
      %dma_wait3A_48 = tpu.memref_slice %arg7[%add3A_16, %dma_wait3A_47] : memref<10000x128xf32, #tpu.memory_space<vmem_shared>> -> memref<128x128xf32, #tpu.memory_space<vmem_shared>>
      %dma_wait3A_49 = arith.constant 0 : i32
      %dma_wait3A_50 = arith.constant 0 : i32
      %dma_wait3A_51 = tpu.memref_slice %arg11[%dma_wait3A_49, %dma_wait3A_50] : memref<128x128xf32, #tpu.memory_space<vmem>> -> memref<128x128xf32, #tpu.memory_space<vmem>>
      tpu.wait_dma2 semaphore(%run_scoped3A : memref<!tpu.dma_semaphore, #tpu.memory_space<semaphore_mem>>) src(%dma_wait3A_51 : memref<128x128xf32, #tpu.memory_space<vmem>>) dst(%dma_wait3A_48 : memref<128x128xf32, #tpu.memory_space<vmem_shared>>)
      tpu.yield
    }) : () -> ()
    %add3A_17 = arith.constant 512 : i32
    %add3A_18 = arith.addi %mul3A_8, %add3A_17 : i32
    "tpu.region"() ({
      %run_scoped3A = tpu.sem_alloc : memref<!tpu.dma_semaphore, #tpu.memory_space<semaphore_mem>>
      %dma_start3A = arith.constant 0 : i32
      %dma_start3A_34 = arith.constant 0 : i32
      %dma_start3A_35 = tpu.memref_slice %arg11[%dma_start3A, %dma_start3A_34] : memref<128x128xf32, #tpu.memory_space<vmem>> -> memref<112x128xf32, #tpu.memory_space<vmem>>
      %dma_start3A_36 = arith.constant 0 : i32
      %dma_start3A_37 = tpu.memref_slice %arg7[%add3A_18, %dma_start3A_36] : memref<10000x128xf32, #tpu.memory_space<vmem_shared>> -> memref<112x128xf32, #tpu.memory_space<vmem_shared>>
      %dma_start3A_38 = arith.constant 0 : i32
      %dma_start3A_39 = tpu.memref_slice %arg7[%add3A_18, %dma_start3A_38] : memref<10000x128xf32, #tpu.memory_space<vmem_shared>> -> memref<112x128xf32, #tpu.memory_space<vmem_shared>>
      %dma_start3A_40 = arith.constant 0 : i32
      %dma_start3A_41 = arith.constant 0 : i32
      %dma_start3A_42 = tpu.memref_slice %arg11[%dma_start3A_40, %dma_start3A_41] : memref<128x128xf32, #tpu.memory_space<vmem>> -> memref<112x128xf32, #tpu.memory_space<vmem>>
      tpu.enqueue_dma source(%dma_start3A_42 : memref<112x128xf32, #tpu.memory_space<vmem>>) target(%dma_start3A_39 : memref<112x128xf32, #tpu.memory_space<vmem_shared>>) target_semaphore(%run_scoped3A : memref<!tpu.dma_semaphore, #tpu.memory_space<semaphore_mem>>)
      %dma_wait3A = arith.constant 0 : i32
      %dma_wait3A_43 = arith.constant 0 : i32
      %dma_wait3A_44 = tpu.memref_slice %arg11[%dma_wait3A, %dma_wait3A_43] : memref<128x128xf32, #tpu.memory_space<vmem>> -> memref<112x128xf32, #tpu.memory_space<vmem>>
      %dma_wait3A_45 = arith.constant 0 : i32
      %dma_wait3A_46 = tpu.memref_slice %arg7[%add3A_18, %dma_wait3A_45] : memref<10000x128xf32, #tpu.memory_space<vmem_shared>> -> memref<112x128xf32, #tpu.memory_space<vmem_shared>>
      %dma_wait3A_47 = arith.constant 0 : i32
      %dma_wait3A_48 = tpu.memref_slice %arg7[%add3A_18, %dma_wait3A_47] : memref<10000x128xf32, #tpu.memory_space<vmem_shared>> -> memref<112x128xf32, #tpu.memory_space<vmem_shared>>
      %dma_wait3A_49 = arith.constant 0 : i32
      %dma_wait3A_50 = arith.constant 0 : i32
      %dma_wait3A_51 = tpu.memref_slice %arg11[%dma_wait3A_49, %dma_wait3A_50] : memref<128x128xf32, #tpu.memory_space<vmem>> -> memref<112x128xf32, #tpu.memory_space<vmem>>
      tpu.wait_dma2 semaphore(%run_scoped3A : memref<!tpu.dma_semaphore, #tpu.memory_space<semaphore_mem>>) src(%dma_wait3A_51 : memref<112x128xf32, #tpu.memory_space<vmem>>) dst(%dma_wait3A_48 : memref<112x128xf32, #tpu.memory_space<vmem_shared>>)
      tpu.yield
    }) : () -> ()
    %eq3A = arith.constant 0 : i32
    %eq3A_19 = arith.cmpi eq, %arg1, %eq3A : i32
    %convert_element_type3A = arith.extui %eq3A_19 : i1 to i32
    %cond3A = arith.constant 0 : i32
    %cond3A_20 = arith.cmpi ne, %convert_element_type3A, %cond3A : i32
    scf.if %cond3A_20 {
      "tpu.region"() ({
        %run_scoped3A = tpu.sem_alloc : memref<!tpu.dma_semaphore, #tpu.memory_space<semaphore_mem>>
        %dma_start3A = arith.constant 0 : i32
        %dma_start3A_34 = arith.constant 0 : i32
        %dma_start3A_35 = tpu.memref_slice %arg11[%dma_start3A, %dma_start3A_34] : memref<128x128xf32, #tpu.memory_space<vmem>> -> memref<16x128xf32, #tpu.memory_space<vmem>>
        %dma_start3A_36 = arith.constant 9984 : i32
        %dma_start3A_37 = arith.constant 0 : i32
        %dma_start3A_38 = tpu.memref_slice %arg7[%dma_start3A_36, %dma_start3A_37] : memref<10000x128xf32, #tpu.memory_space<vmem_shared>> -> memref<16x128xf32, #tpu.memory_space<vmem_shared>>
        %dma_start3A_39 = arith.constant 9984 : i32
        %dma_start3A_40 = arith.constant 0 : i32
        %dma_start3A_41 = tpu.memref_slice %arg7[%dma_start3A_39, %dma_start3A_40] : memref<10000x128xf32, #tpu.memory_space<vmem_shared>> -> memref<16x128xf32, #tpu.memory_space<vmem_shared>>
        %dma_start3A_42 = arith.constant 0 : i32
        %dma_start3A_43 = arith.constant 0 : i32
        %dma_start3A_44 = tpu.memref_slice %arg11[%dma_start3A_42, %dma_start3A_43] : memref<128x128xf32, #tpu.memory_space<vmem>> -> memref<16x128xf32, #tpu.memory_space<vmem>>
        tpu.enqueue_dma source(%dma_start3A_44 : memref<16x128xf32, #tpu.memory_space<vmem>>) target(%dma_start3A_41 : memref<16x128xf32, #tpu.memory_space<vmem_shared>>) target_semaphore(%run_scoped3A : memref<!tpu.dma_semaphore, #tpu.memory_space<semaphore_mem>>)
        %dma_wait3A = arith.constant 0 : i32
        %dma_wait3A_45 = arith.constant 0 : i32
        %dma_wait3A_46 = tpu.memref_slice %arg11[%dma_wait3A, %dma_wait3A_45] : memref<128x128xf32, #tpu.memory_space<vmem>> -> memref<16x128xf32, #tpu.memory_space<vmem>>
        %dma_wait3A_47 = arith.constant 9984 : i32
        %dma_wait3A_48 = arith.constant 0 : i32
        %dma_wait3A_49 = tpu.memref_slice %arg7[%dma_wait3A_47, %dma_wait3A_48] : memref<10000x128xf32, #tpu.memory_space<vmem_shared>> -> memref<16x128xf32, #tpu.memory_space<vmem_shared>>
        %dma_wait3A_50 = arith.constant 9984 : i32
        %dma_wait3A_51 = arith.constant 0 : i32
        %dma_wait3A_52 = tpu.memref_slice %arg7[%dma_wait3A_50, %dma_wait3A_51] : memref<10000x128xf32, #tpu.memory_space<vmem_shared>> -> memref<16x128xf32, #tpu.memory_space<vmem_shared>>
        %dma_wait3A_53 = arith.constant 0 : i32
        %dma_wait3A_54 = arith.constant 0 : i32
        %dma_wait3A_55 = tpu.memref_slice %arg11[%dma_wait3A_53, %dma_wait3A_54] : memref<128x128xf32, #tpu.memory_space<vmem>> -> memref<16x128xf32, #tpu.memory_space<vmem>>
        tpu.wait_dma2 semaphore(%run_scoped3A : memref<!tpu.dma_semaphore, #tpu.memory_space<semaphore_mem>>) src(%dma_wait3A_55 : memref<16x128xf32, #tpu.memory_space<vmem>>) dst(%dma_wait3A_52 : memref<16x128xf32, #tpu.memory_space<vmem_shared>>)
        tpu.yield
      }) : () -> ()
    } else {
    }
    "tpu.region"() ({
      %run_scoped3A = tpu.sem_alloc : memref<!tpu.dma_semaphore, #tpu.memory_space<semaphore_mem>>
      %dma_start3A = arith.constant 0 : i32
      %dma_start3A_34 = arith.constant 0 : i32
      %dma_start3A_35 = tpu.memref_slice %arg3[%add3A, %dma_start3A, %dma_start3A_34] : memref<32x79x128xi32, #tpu.memory_space<hbm>> -> memref<1x79x128xi32, #tpu.memory_space<hbm>>
      %dma_start3A_36 = tpu.memref_squeeze %dma_start3A_35 : memref<1x79x128xi32, #tpu.memory_space<hbm>> -> memref<79x128xi32, #tpu.memory_space<hbm>>
      %dma_start3A_37 = arith.constant 0 : i32
      %dma_start3A_38 = arith.constant 0 : i32
      %dma_start3A_39 = tpu.memref_slice %arg3[%add3A, %dma_start3A_37, %dma_start3A_38] : memref<32x79x128xi32, #tpu.memory_space<hbm>> -> memref<1x79x128xi32, #tpu.memory_space<hbm>>
      %dma_start3A_40 = tpu.memref_squeeze %dma_start3A_39 : memref<1x79x128xi32, #tpu.memory_space<hbm>> -> memref<79x128xi32, #tpu.memory_space<hbm>>
      tpu.enqueue_dma source(%dma_start3A_40 : memref<79x128xi32, #tpu.memory_space<hbm>>) target(%arg8 : memref<79x128xi32, #tpu.memory_space<vmem>>) target_semaphore(%run_scoped3A : memref<!tpu.dma_semaphore, #tpu.memory_space<semaphore_mem>>)
      %dma_wait3A = arith.constant 0 : i32
      %dma_wait3A_41 = arith.constant 0 : i32
      %dma_wait3A_42 = tpu.memref_slice %arg3[%add3A, %dma_wait3A, %dma_wait3A_41] : memref<32x79x128xi32, #tpu.memory_space<hbm>> -> memref<1x79x128xi32, #tpu.memory_space<hbm>>
      %dma_wait3A_43 = tpu.memref_squeeze %dma_wait3A_42 : memref<1x79x128xi32, #tpu.memory_space<hbm>> -> memref<79x128xi32, #tpu.memory_space<hbm>>
      %dma_wait3A_44 = arith.constant 0 : i32
      %dma_wait3A_45 = arith.constant 0 : i32
      %dma_wait3A_46 = tpu.memref_slice %arg3[%add3A, %dma_wait3A_44, %dma_wait3A_45] : memref<32x79x128xi32, #tpu.memory_space<hbm>> -> memref<1x79x128xi32, #tpu.memory_space<hbm>>
      %dma_wait3A_47 = tpu.memref_squeeze %dma_wait3A_46 : memref<1x79x128xi32, #tpu.memory_space<hbm>> -> memref<79x128xi32, #tpu.memory_space<hbm>>
      tpu.wait_dma2 semaphore(%run_scoped3A : memref<!tpu.dma_semaphore, #tpu.memory_space<semaphore_mem>>) src(%dma_wait3A_47 : memref<79x128xi32, #tpu.memory_space<hbm>>) dst(%arg8 : memref<79x128xi32, #tpu.memory_space<vmem>>)
      tpu.yield
    }) : () -> ()
    "tpu.region"() ({
      %run_scoped3A = tpu.sem_alloc : memref<!tpu.dma_semaphore, #tpu.memory_space<semaphore_mem>>
      %dma_start3A = arith.constant 0 : i32
      %dma_start3A_34 = arith.constant 0 : i32
      %dma_start3A_35 = tpu.memref_slice %arg4[%add3A, %dma_start3A, %dma_start3A_34] : memref<32x79x128xi32, #tpu.memory_space<hbm>> -> memref<1x79x128xi32, #tpu.memory_space<hbm>>
      %dma_start3A_36 = tpu.memref_squeeze %dma_start3A_35 : memref<1x79x128xi32, #tpu.memory_space<hbm>> -> memref<79x128xi32, #tpu.memory_space<hbm>>
      %dma_start3A_37 = arith.constant 0 : i32
      %dma_start3A_38 = arith.constant 0 : i32
      %dma_start3A_39 = tpu.memref_slice %arg4[%add3A, %dma_start3A_37, %dma_start3A_38] : memref<32x79x128xi32, #tpu.memory_space<hbm>> -> memref<1x79x128xi32, #tpu.memory_space<hbm>>
      %dma_start3A_40 = tpu.memref_squeeze %dma_start3A_39 : memref<1x79x128xi32, #tpu.memory_space<hbm>> -> memref<79x128xi32, #tpu.memory_space<hbm>>
      tpu.enqueue_dma source(%dma_start3A_40 : memref<79x128xi32, #tpu.memory_space<hbm>>) target(%arg9 : memref<79x128xi32, #tpu.memory_space<vmem>>) target_semaphore(%run_scoped3A : memref<!tpu.dma_semaphore, #tpu.memory_space<semaphore_mem>>)
      %dma_wait3A = arith.constant 0 : i32
      %dma_wait3A_41 = arith.constant 0 : i32
      %dma_wait3A_42 = tpu.memref_slice %arg4[%add3A, %dma_wait3A, %dma_wait3A_41] : memref<32x79x128xi32, #tpu.memory_space<hbm>> -> memref<1x79x128xi32, #tpu.memory_space<hbm>>
      %dma_wait3A_43 = tpu.memref_squeeze %dma_wait3A_42 : memref<1x79x128xi32, #tpu.memory_space<hbm>> -> memref<79x128xi32, #tpu.memory_space<hbm>>
      %dma_wait3A_44 = arith.constant 0 : i32
      %dma_wait3A_45 = arith.constant 0 : i32
      %dma_wait3A_46 = tpu.memref_slice %arg4[%add3A, %dma_wait3A_44, %dma_wait3A_45] : memref<32x79x128xi32, #tpu.memory_space<hbm>> -> memref<1x79x128xi32, #tpu.memory_space<hbm>>
      %dma_wait3A_47 = tpu.memref_squeeze %dma_wait3A_46 : memref<1x79x128xi32, #tpu.memory_space<hbm>> -> memref<79x128xi32, #tpu.memory_space<hbm>>
      tpu.wait_dma2 semaphore(%run_scoped3A : memref<!tpu.dma_semaphore, #tpu.memory_space<semaphore_mem>>) src(%dma_wait3A_47 : memref<79x128xi32, #tpu.memory_space<hbm>>) dst(%arg9 : memref<79x128xi32, #tpu.memory_space<vmem>>)
      tpu.yield
    }) : () -> ()
    "tpu.region"() ({
      %run_scoped3A = tpu.sem_alloc : memref<!tpu.dma_semaphore, #tpu.memory_space<semaphore_mem>>
      %dma_start3A = arith.constant 0 : i32
      %dma_start3A_34 = arith.constant 0 : i32
      %dma_start3A_35 = tpu.memref_slice %arg5[%add3A, %dma_start3A, %dma_start3A_34] : memref<32x79x128xf32, #tpu.memory_space<hbm>> -> memref<1x79x128xf32, #tpu.memory_space<hbm>>
      %dma_start3A_36 = tpu.memref_squeeze %dma_start3A_35 : memref<1x79x128xf32, #tpu.memory_space<hbm>> -> memref<79x128xf32, #tpu.memory_space<hbm>>
      %dma_start3A_37 = arith.constant 0 : i32
      %dma_start3A_38 = arith.constant 0 : i32
      %dma_start3A_39 = tpu.memref_slice %arg5[%add3A, %dma_start3A_37, %dma_start3A_38] : memref<32x79x128xf32, #tpu.memory_space<hbm>> -> memref<1x79x128xf32, #tpu.memory_space<hbm>>
      %dma_start3A_40 = tpu.memref_squeeze %dma_start3A_39 : memref<1x79x128xf32, #tpu.memory_space<hbm>> -> memref<79x128xf32, #tpu.memory_space<hbm>>
      tpu.enqueue_dma source(%dma_start3A_40 : memref<79x128xf32, #tpu.memory_space<hbm>>) target(%arg10 : memref<79x128xf32, #tpu.memory_space<vmem>>) target_semaphore(%run_scoped3A : memref<!tpu.dma_semaphore, #tpu.memory_space<semaphore_mem>>)
      %dma_wait3A = arith.constant 0 : i32
      %dma_wait3A_41 = arith.constant 0 : i32
      %dma_wait3A_42 = tpu.memref_slice %arg5[%add3A, %dma_wait3A, %dma_wait3A_41] : memref<32x79x128xf32, #tpu.memory_space<hbm>> -> memref<1x79x128xf32, #tpu.memory_space<hbm>>
      %dma_wait3A_43 = tpu.memref_squeeze %dma_wait3A_42 : memref<1x79x128xf32, #tpu.memory_space<hbm>> -> memref<79x128xf32, #tpu.memory_space<hbm>>
      %dma_wait3A_44 = arith.constant 0 : i32
      %dma_wait3A_45 = arith.constant 0 : i32
      %dma_wait3A_46 = tpu.memref_slice %arg5[%add3A, %dma_wait3A_44, %dma_wait3A_45] : memref<32x79x128xf32, #tpu.memory_space<hbm>> -> memref<1x79x128xf32, #tpu.memory_space<hbm>>
      %dma_wait3A_47 = tpu.memref_squeeze %dma_wait3A_46 : memref<1x79x128xf32, #tpu.memory_space<hbm>> -> memref<79x128xf32, #tpu.memory_space<hbm>>
      tpu.wait_dma2 semaphore(%run_scoped3A : memref<!tpu.dma_semaphore, #tpu.memory_space<semaphore_mem>>) src(%dma_wait3A_47 : memref<79x128xf32, #tpu.memory_space<hbm>>) dst(%arg10 : memref<79x128xf32, #tpu.memory_space<vmem>>)
      tpu.yield
    }) : () -> ()
    %barrier3A = arith.constant 0 : index
    tpu.barrier barrier_id(%barrier3A)
    %scan3A_21 = arith.constant 0 : i32
    %scan3A_22 = arith.constant 0 : i32
    %scan3A_23 = arith.constant 79 : i32
    %scan3A_24 = arith.addi %scan3A_22, %scan3A_23 : i32
    %scan3A_25 = arith.constant 1 : i32
    %scan3A_26 = scf.for %scan3A_34 = %scan3A_22 to %scan3A_24 step %scan3A_25 iter_args(%scan3A_35 = %scan3A_21) -> (i32)  : i32 {
      %dma_start3A = arith.constant 0 : i32
      %dma_start3A_36 = tpu.memref_slice %arg8[%scan3A_34, %dma_start3A] : memref<79x128xi32, #tpu.memory_space<vmem>> -> memref<1x128xi32, #tpu.memory_space<vmem>>
      %dma_start3A_37 = tpu.memref_squeeze %dma_start3A_36 : memref<1x128xi32, #tpu.memory_space<vmem>> -> memref<128xi32, #tpu.memory_space<vmem>>
      %dma_start3A_38 = arith.constant 0 : i32
      %dma_start3A_39 = arith.constant 0 : i32
      %dma_start3A_40 = tpu.memref_slice %arg2[%dma_start3A_38, %dma_start3A_39] : memref<10000x128xf32, #tpu.memory_space<hbm>> -> memref<10000x128xf32, #tpu.memory_space<hbm>>
      tpu.enqueue_indirect_dma source(%dma_start3A_40 : memref<10000x128xf32, #tpu.memory_space<hbm>>) target(%arg11 : memref<128x128xf32, #tpu.memory_space<vmem>>) offsets(%dma_start3A_37 : memref<128xi32, #tpu.memory_space<vmem>>) semaphore(%arg12 : memref<!tpu.dma_semaphore, #tpu.memory_space<semaphore_mem>>)
      %dma_wait3A = arith.constant 0 : i32
      %dma_wait3A_41 = tpu.memref_slice %arg8[%scan3A_34, %dma_wait3A] : memref<79x128xi32, #tpu.memory_space<vmem>> -> memref<1x128xi32, #tpu.memory_space<vmem>>
      %dma_wait3A_42 = tpu.memref_squeeze %dma_wait3A_41 : memref<1x128xi32, #tpu.memory_space<vmem>> -> memref<128xi32, #tpu.memory_space<vmem>>
      %dma_wait3A_43 = arith.constant 0 : i32
      %dma_wait3A_44 = arith.constant 0 : i32
      %dma_wait3A_45 = tpu.memref_slice %arg2[%dma_wait3A_43, %dma_wait3A_44] : memref<10000x128xf32, #tpu.memory_space<hbm>> -> memref<10000x128xf32, #tpu.memory_space<hbm>>
      tpu.wait_indirect_dma semaphore(%arg12 : memref<!tpu.dma_semaphore, #tpu.memory_space<semaphore_mem>>) src(%dma_wait3A_45 : memref<10000x128xf32, #tpu.memory_space<hbm>>) dst(%arg11 : memref<128x128xf32, #tpu.memory_space<vmem>>)
      %scan3A_46 = arith.constant 0 : i32
      %scan3A_47 = arith.constant 0 : i32
      %scan3A_48 = arith.constant 8 : i32
      %scan3A_49 = arith.addi %scan3A_47, %scan3A_48 : i32
      %scan3A_50 = arith.constant 1 : i32
      %scan3A_51 = scf.for %scan3A_54 = %scan3A_47 to %scan3A_49 step %scan3A_50 iter_args(%scan3A_55 = %scan3A_46) -> (i32)  : i32 {
        %mul3A_56 = arith.constant 16 : i32
        %mul3A_57 = arith.muli %scan3A_54, %mul3A_56 : i32
        %get3A = arith.index_cast %scan3A_34 : i32 to index
        %get3A_58 = arith.index_cast %mul3A_57 : i32 to index
        %get3A_59 = tpu.vector_load %arg10[%get3A, %get3A_58] {strides = array<i32>} : memref<79x128xf32, #tpu.memory_space<vmem>>, vector<1x16xf32>,
        %get3A_60 = vector.shape_cast %get3A_59 : vector<1x16xf32> to vector<16xf32>
        %mul3A_61 = arith.constant 16 : i32
        %mul3A_62 = arith.muli %scan3A_54, %mul3A_61 : i32
        %add3A_63 = arith.constant 0 : i32
        %add3A_64 = arith.addi %mul3A_62, %add3A_63 : i32
        %slice3A = vector.extract_strided_slice %get3A_60 {offsets = [0], sizes = [1], strides = [1]} : vector<16xf32> to vector<1xf32>
        %squeeze3A = vector.extract %slice3A[0] : f32 from vector<1xf32>
        %broadcast_in_dim3A = vector.broadcast %squeeze3A : f32 to vector<16xf32>
        %get3A_65 = arith.index_cast %add3A_64 : i32 to index
        %get3A_66 = arith.constant 0 : index
        %get3A_67 = tpu.vector_load %arg11[%get3A_65, %get3A_66] {strides = array<i32>} : memref<128x128xf32, #tpu.memory_space<vmem>>, vector<1x16xf32>,
        %get3A_68 = vector.shape_cast %get3A_67 : vector<1x16xf32> to vector<16xf32>
        %mul3A_69 = arith.mulf %get3A_68, %broadcast_in_dim3A : vector<16xf32>
        %swap3A = arith.index_cast %add3A_64 : i32 to index
        %swap3A_70 = arith.constant 0 : index
        %swap3A_71 = tpu.vector_load %arg11[%swap3A, %swap3A_70] {strides = array<i32>} : memref<128x128xf32, #tpu.memory_space<vmem>>, vector<1x16xf32>,
        %swap3A_72 = vector.shape_cast %swap3A_71 : vector<1x16xf32> to vector<16xf32>
        %swap3A_73 = vector.shape_cast %mul3A_69 : vector<16xf32> to vector<1x16xf32>
        tpu.vector_store %arg11[%swap3A, %swap3A_70], %swap3A_73 {strides = array<i32>} : memref<128x128xf32, #tpu.memory_space<vmem>>, vector<1x16xf32>,
        %get3A_74 = arith.index_cast %add3A_64 : i32 to index
        %get3A_75 = arith.constant 16 : index
        %get3A_76 = tpu.vector_load %arg11[%get3A_74, %get3A_75] {strides = array<i32>} : memref<128x128xf32, #tpu.memory_space<vmem>>, vector<1x16xf32>,
        %get3A_77 = vector.shape_cast %get3A_76 : vector<1x16xf32> to vector<16xf32>
        %mul3A_78 = arith.mulf %get3A_77, %broadcast_in_dim3A : vector<16xf32>
        %swap3A_79 = arith.index_cast %add3A_64 : i32 to index
        %swap3A_80 = arith.constant 16 : index
        %swap3A_81 = tpu.vector_load %arg11[%swap3A_79, %swap3A_80] {strides = array<i32>} : memref<128x128xf32, #tpu.memory_space<vmem>>, vector<1x16xf32>,
        %swap3A_82 = vector.shape_cast %swap3A_81 : vector<1x16xf32> to vector<16xf32>
        %swap3A_83 = vector.shape_cast %mul3A_78 : vector<16xf32> to vector<1x16xf32>
        tpu.vector_store %arg11[%swap3A_79, %swap3A_80], %swap3A_83 {strides = array<i32>} : memref<128x128xf32, #tpu.memory_space<vmem>>, vector<1x16xf32>,
        %get3A_84 = arith.index_cast %add3A_64 : i32 to index
        %get3A_85 = arith.constant 32 : index
        %get3A_86 = tpu.vector_load %arg11[%get3A_84, %get3A_85] {strides = array<i32>} : memref<128x128xf32, #tpu.memory_space<vmem>>, vector<1x16xf32>,
        %get3A_87 = vector.shape_cast %get3A_86 : vector<1x16xf32> to vector<16xf32>
        %mul3A_88 = arith.mulf %get3A_87, %broadcast_in_dim3A : vector<16xf32>
        %swap3A_89 = arith.index_cast %add3A_64 : i32 to index
        %swap3A_90 = arith.constant 32 : index
        %swap3A_91 = tpu.vector_load %arg11[%swap3A_89, %swap3A_90] {strides = array<i32>} : memref<128x128xf32, #tpu.memory_space<vmem>>, vector<1x16xf32>,
        %swap3A_92 = vector.shape_cast %swap3A_91 : vector<1x16xf32> to vector<16xf32>
        %swap3A_93 = vector.shape_cast %mul3A_88 : vector<16xf32> to vector<1x16xf32>
        tpu.vector_store %arg11[%swap3A_89, %swap3A_90], %swap3A_93 {strides = array<i32>} : memref<128x128xf32, #tpu.memory_space<vmem>>, vector<1x16xf32>,
        %get3A_94 = arith.index_cast %add3A_64 : i32 to index
        %get3A_95 = arith.constant 48 : index
        %get3A_96 = tpu.vector_load %arg11[%get3A_94, %get3A_95] {strides = array<i32>} : memref<128x128xf32, #tpu.memory_space<vmem>>, vector<1x16xf32>,
        %get3A_97 = vector.shape_cast %get3A_96 : vector<1x16xf32> to vector<16xf32>
        %mul3A_98 = arith.mulf %get3A_97, %broadcast_in_dim3A : vector<16xf32>
        %swap3A_99 = arith.index_cast %add3A_64 : i32 to index
        %swap3A_100 = arith.constant 48 : index
        %swap3A_101 = tpu.vector_load %arg11[%swap3A_99, %swap3A_100] {strides = array<i32>} : memref<128x128xf32, #tpu.memory_space<vmem>>, vector<1x16xf32>,
        %swap3A_102 = vector.shape_cast %swap3A_101 : vector<1x16xf32> to vector<16xf32>
        %swap3A_103 = vector.shape_cast %mul3A_98 : vector<16xf32> to vector<1x16xf32>
        tpu.vector_store %arg11[%swap3A_99, %swap3A_100], %swap3A_103 {strides = array<i32>} : memref<128x128xf32, #tpu.memory_space<vmem>>, vector<1x16xf32>,
        %get3A_104 = arith.index_cast %add3A_64 : i32 to index
        %get3A_105 = arith.constant 64 : index
        %get3A_106 = tpu.vector_load %arg11[%get3A_104, %get3A_105] {strides = array<i32>} : memref<128x128xf32, #tpu.memory_space<vmem>>, vector<1x16xf32>,
        %get3A_107 = vector.shape_cast %get3A_106 : vector<1x16xf32> to vector<16xf32>
        %mul3A_108 = arith.mulf %get3A_107, %broadcast_in_dim3A : vector<16xf32>
        %swap3A_109 = arith.index_cast %add3A_64 : i32 to index
        %swap3A_110 = arith.constant 64 : index
        %swap3A_111 = tpu.vector_load %arg11[%swap3A_109, %swap3A_110] {strides = array<i32>} : memref<128x128xf32, #tpu.memory_space<vmem>>, vector<1x16xf32>,
        %swap3A_112 = vector.shape_cast %swap3A_111 : vector<1x16xf32> to vector<16xf32>
        %swap3A_113 = vector.shape_cast %mul3A_108 : vector<16xf32> to vector<1x16xf32>
        tpu.vector_store %arg11[%swap3A_109, %swap3A_110], %swap3A_113 {strides = array<i32>} : memref<128x128xf32, #tpu.memory_space<vmem>>, vector<1x16xf32>,
        %get3A_114 = arith.index_cast %add3A_64 : i32 to index
        %get3A_115 = arith.constant 80 : index
        %get3A_116 = tpu.vector_load %arg11[%get3A_114, %get3A_115] {strides = array<i32>} : memref<128x128xf32, #tpu.memory_space<vmem>>, vector<1x16xf32>,
        %get3A_117 = vector.shape_cast %get3A_116 : vector<1x16xf32> to vector<16xf32>
        %mul3A_118 = arith.mulf %get3A_117, %broadcast_in_dim3A : vector<16xf32>
        %swap3A_119 = arith.index_cast %add3A_64 : i32 to index
        %swap3A_120 = arith.constant 80 : index
        %swap3A_121 = tpu.vector_load %arg11[%swap3A_119, %swap3A_120] {strides = array<i32>} : memref<128x128xf32, #tpu.memory_space<vmem>>, vector<1x16xf32>,
        %swap3A_122 = vector.shape_cast %swap3A_121 : vector<1x16xf32> to vector<16xf32>
        %swap3A_123 = vector.shape_cast %mul3A_118 : vector<16xf32> to vector<1x16xf32>
        tpu.vector_store %arg11[%swap3A_119, %swap3A_120], %swap3A_123 {strides = array<i32>} : memref<128x128xf32, #tpu.memory_space<vmem>>, vector<1x16xf32>,
        %get3A_124 = arith.index_cast %add3A_64 : i32 to index
        %get3A_125 = arith.constant 96 : index
        %get3A_126 = tpu.vector_load %arg11[%get3A_124, %get3A_125] {strides = array<i32>} : memref<128x128xf32, #tpu.memory_space<vmem>>, vector<1x16xf32>,
        %get3A_127 = vector.shape_cast %get3A_126 : vector<1x16xf32> to vector<16xf32>
        %mul3A_128 = arith.mulf %get3A_127, %broadcast_in_dim3A : vector<16xf32>
        %swap3A_129 = arith.index_cast %add3A_64 : i32 to index
        %swap3A_130 = arith.constant 96 : index
        %swap3A_131 = tpu.vector_load %arg11[%swap3A_129, %swap3A_130] {strides = array<i32>} : memref<128x128xf32, #tpu.memory_space<vmem>>, vector<1x16xf32>,
        %swap3A_132 = vector.shape_cast %swap3A_131 : vector<1x16xf32> to vector<16xf32>
        %swap3A_133 = vector.shape_cast %mul3A_128 : vector<16xf32> to vector<1x16xf32>
        tpu.vector_store %arg11[%swap3A_129, %swap3A_130], %swap3A_133 {strides = array<i32>} : memref<128x128xf32, #tpu.memory_space<vmem>>, vector<1x16xf32>,
        %get3A_134 = arith.index_cast %add3A_64 : i32 to index
        %get3A_135 = arith.constant 112 : index
        %get3A_136 = tpu.vector_load %arg11[%get3A_134, %get3A_135] {strides = array<i32>} : memref<128x128xf32, #tpu.memory_space<vmem>>, vector<1x16xf32>,
        %get3A_137 = vector.shape_cast %get3A_136 : vector<1x16xf32> to vector<16xf32>
        %mul3A_138 = arith.mulf %get3A_137, %broadcast_in_dim3A : vector<16xf32>
        %swap3A_139 = arith.index_cast %add3A_64 : i32 to index
        %swap3A_140 = arith.constant 112 : index
        %swap3A_141 = tpu.vector_load %arg11[%swap3A_139, %swap3A_140] {strides = array<i32>} : memref<128x128xf32, #tpu.memory_space<vmem>>, vector<1x16xf32>,
        %swap3A_142 = vector.shape_cast %swap3A_141 : vector<1x16xf32> to vector<16xf32>
        %swap3A_143 = vector.shape_cast %mul3A_138 : vector<16xf32> to vector<1x16xf32>
        tpu.vector_store %arg11[%swap3A_139, %swap3A_140], %swap3A_143 {strides = array<i32>} : memref<128x128xf32, #tpu.memory_space<vmem>>, vector<1x16xf32>,
        %mul3A_144 = arith.constant 16 : i32
        %mul3A_145 = arith.muli %scan3A_54, %mul3A_144 : i32
        %add3A_146 = arith.constant 1 : i32
        %add3A_147 = arith.addi %mul3A_145, %add3A_146 : i32
        %slice3A_148 = vector.extract_strided_slice %get3A_60 {offsets = [1], sizes = [1], strides = [1]} : vector<16xf32> to vector<1xf32>
        %squeeze3A_149 = vector.extract %slice3A_148[0] : f32 from vector<1xf32>
        %broadcast_in_dim3A_150 = vector.broadcast %squeeze3A_149 : f32 to vector<16xf32>
        %get3A_151 = arith.index_cast %add3A_147 : i32 to index
        %get3A_152 = arith.constant 0 : index
        %get3A_153 = tpu.vector_load %arg11[%get3A_151, %get3A_152] {strides = array<i32>} : memref<128x128xf32, #tpu.memory_space<vmem>>, vector<1x16xf32>,
        %get3A_154 = vector.shape_cast %get3A_153 : vector<1x16xf32> to vector<16xf32>
        %mul3A_155 = arith.mulf %get3A_154, %broadcast_in_dim3A_150 : vector<16xf32>
        %swap3A_156 = arith.index_cast %add3A_147 : i32 to index
        %swap3A_157 = arith.constant 0 : index
        %swap3A_158 = tpu.vector_load %arg11[%swap3A_156, %swap3A_157] {strides = array<i32>} : memref<128x128xf32, #tpu.memory_space<vmem>>, vector<1x16xf32>,
        %swap3A_159 = vector.shape_cast %swap3A_158 : vector<1x16xf32> to vector<16xf32>
        %swap3A_160 = vector.shape_cast %mul3A_155 : vector<16xf32> to vector<1x16xf32>
        tpu.vector_store %arg11[%swap3A_156, %swap3A_157], %swap3A_160 {strides = array<i32>} : memref<128x128xf32, #tpu.memory_space<vmem>>, vector<1x16xf32>,
        %get3A_161 = arith.index_cast %add3A_147 : i32 to index
        %get3A_162 = arith.constant 16 : index
        %get3A_163 = tpu.vector_load %arg11[%get3A_161, %get3A_162] {strides = array<i32>} : memref<128x128xf32, #tpu.memory_space<vmem>>, vector<1x16xf32>,
        %get3A_164 = vector.shape_cast %get3A_163 : vector<1x16xf32> to vector<16xf32>
        %mul3A_165 = arith.mulf %get3A_164, %broadcast_in_dim3A_150 : vector<16xf32>
        %swap3A_166 = arith.index_cast %add3A_147 : i32 to index
        %swap3A_167 = arith.constant 16 : index
        %swap3A_168 = tpu.vector_load %arg11[%swap3A_166, %swap3A_167] {strides = array<i32>} : memref<128x128xf32, #tpu.memory_space<vmem>>, vector<1x16xf32>,
        %swap3A_169 = vector.shape_cast %swap3A_168 : vector<1x16xf32> to vector<16xf32>
        %swap3A_170 = vector.shape_cast %mul3A_165 : vector<16xf32> to vector<1x16xf32>
        tpu.vector_store %arg11[%swap3A_166, %swap3A_167], %swap3A_170 {strides = array<i32>} : memref<128x128xf32, #tpu.memory_space<vmem>>, vector<1x16xf32>,
        %get3A_171 = arith.index_cast %add3A_147 : i32 to index
        %get3A_172 = arith.constant 32 : index
        %get3A_173 = tpu.vector_load %arg11[%get3A_171, %get3A_172] {strides = array<i32>} : memref<128x128xf32, #tpu.memory_space<vmem>>, vector<1x16xf32>,
        %get3A_174 = vector.shape_cast %get3A_173 : vector<1x16xf32> to vector<16xf32>
        %mul3A_175 = arith.mulf %get3A_174, %broadcast_in_dim3A_150 : vector<16xf32>
        %swap3A_176 = arith.index_cast %add3A_147 : i32 to index
        %swap3A_177 = arith.constant 32 : index
        %swap3A_178 = tpu.vector_load %arg11[%swap3A_176, %swap3A_177] {strides = array<i32>} : memref<128x128xf32, #tpu.memory_space<vmem>>, vector<1x16xf32>,
        %swap3A_179 = vector.shape_cast %swap3A_178 : vector<1x16xf32> to vector<16xf32>
        %swap3A_180 = vector.shape_cast %mul3A_175 : vector<16xf32> to vector<1x16xf32>
        tpu.vector_store %arg11[%swap3A_176, %swap3A_177], %swap3A_180 {strides = array<i32>} : memref<128x128xf32, #tpu.memory_space<vmem>>, vector<1x16xf32>,
        %get3A_181 = arith.index_cast %add3A_147 : i32 to index
        %get3A_182 = arith.constant 48 : index
        %get3A_183 = tpu.vector_load %arg11[%get3A_181, %get3A_182] {strides = array<i32>} : memref<128x128xf32, #tpu.memory_space<vmem>>, vector<1x16xf32>,
        %get3A_184 = vector.shape_cast %get3A_183 : vector<1x16xf32> to vector<16xf32>
        %mul3A_185 = arith.mulf %get3A_184, %broadcast_in_dim3A_150 : vector<16xf32>
        %swap3A_186 = arith.index_cast %add3A_147 : i32 to index
        %swap3A_187 = arith.constant 48 : index
        %swap3A_188 = tpu.vector_load %arg11[%swap3A_186, %swap3A_187] {strides = array<i32>} : memref<128x128xf32, #tpu.memory_space<vmem>>, vector<1x16xf32>,
        %swap3A_189 = vector.shape_cast %swap3A_188 : vector<1x16xf32> to vector<16xf32>
        %swap3A_190 = vector.shape_cast %mul3A_185 : vector<16xf32> to vector<1x16xf32>
        tpu.vector_store %arg11[%swap3A_186, %swap3A_187], %swap3A_190 {strides = array<i32>} : memref<128x128xf32, #tpu.memory_space<vmem>>, vector<1x16xf32>,
        %get3A_191 = arith.index_cast %add3A_147 : i32 to index
        %get3A_192 = arith.constant 64 : index
        %get3A_193 = tpu.vector_load %arg11[%get3A_191, %get3A_192] {strides = array<i32>} : memref<128x128xf32, #tpu.memory_space<vmem>>, vector<1x16xf32>,
        %get3A_194 = vector.shape_cast %get3A_193 : vector<1x16xf32> to vector<16xf32>
        %mul3A_195 = arith.mulf %get3A_194, %broadcast_in_dim3A_150 : vector<16xf32>
        %swap3A_196 = arith.index_cast %add3A_147 : i32 to index
        %swap3A_197 = arith.constant 64 : index
        %swap3A_198 = tpu.vector_load %arg11[%swap3A_196, %swap3A_197] {strides = array<i32>} : memref<128x128xf32, #tpu.memory_space<vmem>>, vector<1x16xf32>,
        %swap3A_199 = vector.shape_cast %swap3A_198 : vector<1x16xf32> to vector<16xf32>
        %swap3A_200 = vector.shape_cast %mul3A_195 : vector<16xf32> to vector<1x16xf32>
        tpu.vector_store %arg11[%swap3A_196, %swap3A_197], %swap3A_200 {strides = array<i32>} : memref<128x128xf32, #tpu.memory_space<vmem>>, vector<1x16xf32>,
        %get3A_201 = arith.index_cast %add3A_147 : i32 to index
        %get3A_202 = arith.constant 80 : index
        %get3A_203 = tpu.vector_load %arg11[%get3A_201, %get3A_202] {strides = array<i32>} : memref<128x128xf32, #tpu.memory_space<vmem>>, vector<1x16xf32>,
        %get3A_204 = vector.shape_cast %get3A_203 : vector<1x16xf32> to vector<16xf32>
        %mul3A_205 = arith.mulf %get3A_204, %broadcast_in_dim3A_150 : vector<16xf32>
        %swap3A_206 = arith.index_cast %add3A_147 : i32 to index
        %swap3A_207 = arith.constant 80 : index
        %swap3A_208 = tpu.vector_load %arg11[%swap3A_206, %swap3A_207] {strides = array<i32>} : memref<128x128xf32, #tpu.memory_space<vmem>>, vector<1x16xf32>,
        %swap3A_209 = vector.shape_cast %swap3A_208 : vector<1x16xf32> to vector<16xf32>
        %swap3A_210 = vector.shape_cast %mul3A_205 : vector<16xf32> to vector<1x16xf32>
        tpu.vector_store %arg11[%swap3A_206, %swap3A_207], %swap3A_210 {strides = array<i32>} : memref<128x128xf32, #tpu.memory_space<vmem>>, vector<1x16xf32>,
        %get3A_211 = arith.index_cast %add3A_147 : i32 to index
        %get3A_212 = arith.constant 96 : index
        %get3A_213 = tpu.vector_load %arg11[%get3A_211, %get3A_212] {strides = array<i32>} : memref<128x128xf32, #tpu.memory_space<vmem>>, vector<1x16xf32>,
        %get3A_214 = vector.shape_cast %get3A_213 : vector<1x16xf32> to vector<16xf32>
        %mul3A_215 = arith.mulf %get3A_214, %broadcast_in_dim3A_150 : vector<16xf32>
        %swap3A_216 = arith.index_cast %add3A_147 : i32 to index
        %swap3A_217 = arith.constant 96 : index
        %swap3A_218 = tpu.vector_load %arg11[%swap3A_216, %swap3A_217] {strides = array<i32>} : memref<128x128xf32, #tpu.memory_space<vmem>>, vector<1x16xf32>,
        %swap3A_219 = vector.shape_cast %swap3A_218 : vector<1x16xf32> to vector<16xf32>
        %swap3A_220 = vector.shape_cast %mul3A_215 : vector<16xf32> to vector<1x16xf32>
        tpu.vector_store %arg11[%swap3A_216, %swap3A_217], %swap3A_220 {strides = array<i32>} : memref<128x128xf32, #tpu.memory_space<vmem>>, vector<1x16xf32>,
        %get3A_221 = arith.index_cast %add3A_147 : i32 to index
        %get3A_222 = arith.constant 112 : index
        %get3A_223 = tpu.vector_load %arg11[%get3A_221, %get3A_222] {strides = array<i32>} : memref<128x128xf32, #tpu.memory_space<vmem>>, vector<1x16xf32>,
        %get3A_224 = vector.shape_cast %get3A_223 : vector<1x16xf32> to vector<16xf32>
        %mul3A_225 = arith.mulf %get3A_224, %broadcast_in_dim3A_150 : vector<16xf32>
        %swap3A_226 = arith.index_cast %add3A_147 : i32 to index
        %swap3A_227 = arith.constant 112 : index
        %swap3A_228 = tpu.vector_load %arg11[%swap3A_226, %swap3A_227] {strides = array<i32>} : memref<128x128xf32, #tpu.memory_space<vmem>>, vector<1x16xf32>,
        %swap3A_229 = vector.shape_cast %swap3A_228 : vector<1x16xf32> to vector<16xf32>
        %swap3A_230 = vector.shape_cast %mul3A_225 : vector<16xf32> to vector<1x16xf32>
        tpu.vector_store %arg11[%swap3A_226, %swap3A_227], %swap3A_230 {strides = array<i32>} : memref<128x128xf32, #tpu.memory_space<vmem>>, vector<1x16xf32>,
        %mul3A_231 = arith.constant 16 : i32
        %mul3A_232 = arith.muli %scan3A_54, %mul3A_231 : i32
        %add3A_233 = arith.constant 2 : i32
        %add3A_234 = arith.addi %mul3A_232, %add3A_233 : i32
        %slice3A_235 = vector.extract_strided_slice %get3A_60 {offsets = [2], sizes = [1], strides = [1]} : vector<16xf32> to vector<1xf32>
        %squeeze3A_236 = vector.extract %slice3A_235[0] : f32 from vector<1xf32>
        %broadcast_in_dim3A_237 = vector.broadcast %squeeze3A_236 : f32 to vector<16xf32>
        %get3A_238 = arith.index_cast %add3A_234 : i32 to index
        %get3A_239 = arith.constant 0 : index
        %get3A_240 = tpu.vector_load %arg11[%get3A_238, %get3A_239] {strides = array<i32>} : memref<128x128xf32, #tpu.memory_space<vmem>>, vector<1x16xf32>,
        %get3A_241 = vector.shape_cast %get3A_240 : vector<1x16xf32> to vector<16xf32>
        %mul3A_242 = arith.mulf %get3A_241, %broadcast_in_dim3A_237 : vector<16xf32>
        %swap3A_243 = arith.index_cast %add3A_234 : i32 to index
        %swap3A_244 = arith.constant 0 : index
        %swap3A_245 = tpu.vector_load %arg11[%swap3A_243, %swap3A_244] {strides = array<i32>} : memref<128x128xf32, #tpu.memory_space<vmem>>, vector<1x16xf32>,
        %swap3A_246 = vector.shape_cast %swap3A_245 : vector<1x16xf32> to vector<16xf32>
        %swap3A_247 = vector.shape_cast %mul3A_242 : vector<16xf32> to vector<1x16xf32>
        tpu.vector_store %arg11[%swap3A_243, %swap3A_244], %swap3A_247 {strides = array<i32>} : memref<128x128xf32, #tpu.memory_space<vmem>>, vector<1x16xf32>,
        %get3A_248 = arith.index_cast %add3A_234 : i32 to index
        %get3A_249 = arith.constant 16 : index
        %get3A_250 = tpu.vector_load %arg11[%get3A_248, %get3A_249] {strides = array<i32>} : memref<128x128xf32, #tpu.memory_space<vmem>>, vector<1x16xf32>,
        %get3A_251 = vector.shape_cast %get3A_250 : vector<1x16xf32> to vector<16xf32>
        %mul3A_252 = arith.mulf %get3A_251, %broadcast_in_dim3A_237 : vector<16xf32>
        %swap3A_253 = arith.index_cast %add3A_234 : i32 to index
        %swap3A_254 = arith.constant 16 : index
        %swap3A_255 = tpu.vector_load %arg11[%swap3A_253, %swap3A_254] {strides = array<i32>} : memref<128x128xf32, #tpu.memory_space<vmem>>, vector<1x16xf32>,
        %swap3A_256 = vector.shape_cast %swap3A_255 : vector<1x16xf32> to vector<16xf32>
        %swap3A_257 = vector.shape_cast %mul3A_252 : vector<16xf32> to vector<1x16xf32>
        tpu.vector_store %arg11[%swap3A_253, %swap3A_254], %swap3A_257 {strides = array<i32>} : memref<128x128xf32, #tpu.memory_space<vmem>>, vector<1x16xf32>,
        %get3A_258 = arith.index_cast %add3A_234 : i32 to index
        %get3A_259 = arith.constant 32 : index
        %get3A_260 = tpu.vector_load %arg11[%get3A_258, %get3A_259] {strides = array<i32>} : memref<128x128xf32, #tpu.memory_space<vmem>>, vector<1x16xf32>,
        %get3A_261 = vector.shape_cast %get3A_260 : vector<1x16xf32> to vector<16xf32>
        %mul3A_262 = arith.mulf %get3A_261, %broadcast_in_dim3A_237 : vector<16xf32>
        %swap3A_263 = arith.index_cast %add3A_234 : i32 to index
        %swap3A_264 = arith.constant 32 : index
        %swap3A_265 = tpu.vector_load %arg11[%swap3A_263, %swap3A_264] {strides = array<i32>} : memref<128x128xf32, #tpu.memory_space<vmem>>, vector<1x16xf32>,
        %swap3A_266 = vector.shape_cast %swap3A_265 : vector<1x16xf32> to vector<16xf32>
        %swap3A_267 = vector.shape_cast %mul3A_262 : vector<16xf32> to vector<1x16xf32>
        tpu.vector_store %arg11[%swap3A_263, %swap3A_264], %swap3A_267 {strides = array<i32>} : memref<128x128xf32, #tpu.memory_space<vmem>>, vector<1x16xf32>,
        %get3A_268 = arith.index_cast %add3A_234 : i32 to index
        %get3A_269 = arith.constant 48 : index
        %get3A_270 = tpu.vector_load %arg11[%get3A_268, %get3A_269] {strides = array<i32>} : memref<128x128xf32, #tpu.memory_space<vmem>>, vector<1x16xf32>,
        %get3A_271 = vector.shape_cast %get3A_270 : vector<1x16xf32> to vector<16xf32>
        %mul3A_272 = arith.mulf %get3A_271, %broadcast_in_dim3A_237 : vector<16xf32>
        %swap3A_273 = arith.index_cast %add3A_234 : i32 to index
        %swap3A_274 = arith.constant 48 : index
        %swap3A_275 = tpu.vector_load %arg11[%swap3A_273, %swap3A_274] {strides = array<i32>} : memref<128x128xf32, #tpu.memory_space<vmem>>, vector<1x16xf32>,
        %swap3A_276 = vector.shape_cast %swap3A_275 : vector<1x16xf32> to vector<16xf32>
        %swap3A_277 = vector.shape_cast %mul3A_272 : vector<16xf32> to vector<1x16xf32>
        tpu.vector_store %arg11[%swap3A_273, %swap3A_274], %swap3A_277 {strides = array<i32>} : memref<128x128xf32, #tpu.memory_space<vmem>>, vector<1x16xf32>,
        %get3A_278 = arith.index_cast %add3A_234 : i32 to index
        %get3A_279 = arith.constant 64 : index
        %get3A_280 = tpu.vector_load %arg11[%get3A_278, %get3A_279] {strides = array<i32>} : memref<128x128xf32, #tpu.memory_space<vmem>>, vector<1x16xf32>,
        %get3A_281 = vector.shape_cast %get3A_280 : vector<1x16xf32> to vector<16xf32>
        %mul3A_282 = arith.mulf %get3A_281, %broadcast_in_dim3A_237 : vector<16xf32>
        %swap3A_283 = arith.index_cast %add3A_234 : i32 to index
        %swap3A_284 = arith.constant 64 : index
        %swap3A_285 = tpu.vector_load %arg11[%swap3A_283, %swap3A_284] {strides = array<i32>} : memref<128x128xf32, #tpu.memory_space<vmem>>, vector<1x16xf32>,
        %swap3A_286 = vector.shape_cast %swap3A_285 : vector<1x16xf32> to vector<16xf32>
        %swap3A_287 = vector.shape_cast %mul3A_282 : vector<16xf32> to vector<1x16xf32>
        tpu.vector_store %arg11[%swap3A_283, %swap3A_284], %swap3A_287 {strides = array<i32>} : memref<128x128xf32, #tpu.memory_space<vmem>>, vector<1x16xf32>,
        %get3A_288 = arith.index_cast %add3A_234 : i32 to index
        %get3A_289 = arith.constant 80 : index
        %get3A_290 = tpu.vector_load %arg11[%get3A_288, %get3A_289] {strides = array<i32>} : memref<128x128xf32, #tpu.memory_space<vmem>>, vector<1x16xf32>,
        %get3A_291 = vector.shape_cast %get3A_290 : vector<1x16xf32> to vector<16xf32>
        %mul3A_292 = arith.mulf %get3A_291, %broadcast_in_dim3A_237 : vector<16xf32>
        %swap3A_293 = arith.index_cast %add3A_234 : i32 to index
        %swap3A_294 = arith.constant 80 : index
        %swap3A_295 = tpu.vector_load %arg11[%swap3A_293, %swap3A_294] {strides = array<i32>} : memref<128x128xf32, #tpu.memory_space<vmem>>, vector<1x16xf32>,
        %swap3A_296 = vector.shape_cast %swap3A_295 : vector<1x16xf32> to vector<16xf32>
        %swap3A_297 = vector.shape_cast %mul3A_292 : vector<16xf32> to vector<1x16xf32>
        tpu.vector_store %arg11[%swap3A_293, %swap3A_294], %swap3A_297 {strides = array<i32>} : memref<128x128xf32, #tpu.memory_space<vmem>>, vector<1x16xf32>,
        %get3A_298 = arith.index_cast %add3A_234 : i32 to index
        %get3A_299 = arith.constant 96 : index
        %get3A_300 = tpu.vector_load %arg11[%get3A_298, %get3A_299] {strides = array<i32>} : memref<128x128xf32, #tpu.memory_space<vmem>>, vector<1x16xf32>,
        %get3A_301 = vector.shape_cast %get3A_300 : vector<1x16xf32> to vector<16xf32>
        %mul3A_302 = arith.mulf %get3A_301, %broadcast_in_dim3A_237 : vector<16xf32>
        %swap3A_303 = arith.index_cast %add3A_234 : i32 to index
        %swap3A_304 = arith.constant 96 : index
        %swap3A_305 = tpu.vector_load %arg11[%swap3A_303, %swap3A_304] {strides = array<i32>} : memref<128x128xf32, #tpu.memory_space<vmem>>, vector<1x16xf32>,
        %swap3A_306 = vector.shape_cast %swap3A_305 : vector<1x16xf32> to vector<16xf32>
        %swap3A_307 = vector.shape_cast %mul3A_302 : vector<16xf32> to vector<1x16xf32>
        tpu.vector_store %arg11[%swap3A_303, %swap3A_304], %swap3A_307 {strides = array<i32>} : memref<128x128xf32, #tpu.memory_space<vmem>>, vector<1x16xf32>,
        %get3A_308 = arith.index_cast %add3A_234 : i32 to index
        %get3A_309 = arith.constant 112 : index
        %get3A_310 = tpu.vector_load %arg11[%get3A_308, %get3A_309] {strides = array<i32>} : memref<128x128xf32, #tpu.memory_space<vmem>>, vector<1x16xf32>,
        %get3A_311 = vector.shape_cast %get3A_310 : vector<1x16xf32> to vector<16xf32>
        %mul3A_312 = arith.mulf %get3A_311, %broadcast_in_dim3A_237 : vector<16xf32>
        %swap3A_313 = arith.index_cast %add3A_234 : i32 to index
        %swap3A_314 = arith.constant 112 : index
        %swap3A_315 = tpu.vector_load %arg11[%swap3A_313, %swap3A_314] {strides = array<i32>} : memref<128x128xf32, #tpu.memory_space<vmem>>, vector<1x16xf32>,
        %swap3A_316 = vector.shape_cast %swap3A_315 : vector<1x16xf32> to vector<16xf32>
        %swap3A_317 = vector.shape_cast %mul3A_312 : vector<16xf32> to vector<1x16xf32>
        tpu.vector_store %arg11[%swap3A_313, %swap3A_314], %swap3A_317 {strides = array<i32>} : memref<128x128xf32, #tpu.memory_space<vmem>>, vector<1x16xf32>,
        %mul3A_318 = arith.constant 16 : i32
        %mul3A_319 = arith.muli %scan3A_54, %mul3A_318 : i32
        %add3A_320 = arith.constant 3 : i32
        %add3A_321 = arith.addi %mul3A_319, %add3A_320 : i32
        %slice3A_322 = vector.extract_strided_slice %get3A_60 {offsets = [3], sizes = [1], strides = [1]} : vector<16xf32> to vector<1xf32>
        %squeeze3A_323 = vector.extract %slice3A_322[0] : f32 from vector<1xf32>
        %broadcast_in_dim3A_324 = vector.broadcast %squeeze3A_323 : f32 to vector<16xf32>
        %get3A_325 = arith.index_cast %add3A_321 : i32 to index
        %get3A_326 = arith.constant 0 : index
        %get3A_327 = tpu.vector_load %arg11[%get3A_325, %get3A_326] {strides = array<i32>} : memref<128x128xf32, #tpu.memory_space<vmem>>, vector<1x16xf32>,
        %get3A_328 = vector.shape_cast %get3A_327 : vector<1x16xf32> to vector<16xf32>
        %mul3A_329 = arith.mulf %get3A_328, %broadcast_in_dim3A_324 : vector<16xf32>
        %swap3A_330 = arith.index_cast %add3A_321 : i32 to index
        %swap3A_331 = arith.constant 0 : index
        %swap3A_332 = tpu.vector_load %arg11[%swap3A_330, %swap3A_331] {strides = array<i32>} : memref<128x128xf32, #tpu.memory_space<vmem>>, vector<1x16xf32>,
        %swap3A_333 = vector.shape_cast %swap3A_332 : vector<1x16xf32> to vector<16xf32>
        %swap3A_334 = vector.shape_cast %mul3A_329 : vector<16xf32> to vector<1x16xf32>
        tpu.vector_store %arg11[%swap3A_330, %swap3A_331], %swap3A_334 {strides = array<i32>} : memref<128x128xf32, #tpu.memory_space<vmem>>, vector<1x16xf32>,
        %get3A_335 = arith.index_cast %add3A_321 : i32 to index
        %get3A_336 = arith.constant 16 : index
        %get3A_337 = tpu.vector_load %arg11[%get3A_335, %get3A_336] {strides = array<i32>} : memref<128x128xf32, #tpu.memory_space<vmem>>, vector<1x16xf32>,
        %get3A_338 = vector.shape_cast %get3A_337 : vector<1x16xf32> to vector<16xf32>
        %mul3A_339 = arith.mulf %get3A_338, %broadcast_in_dim3A_324 : vector<16xf32>
        %swap3A_340 = arith.index_cast %add3A_321 : i32 to index
        %swap3A_341 = arith.constant 16 : index
        %swap3A_342 = tpu.vector_load %arg11[%swap3A_340, %swap3A_341] {strides = array<i32>} : memref<128x128xf32, #tpu.memory_space<vmem>>, vector<1x16xf32>,
        %swap3A_343 = vector.shape_cast %swap3A_342 : vector<1x16xf32> to vector<16xf32>
        %swap3A_344 = vector.shape_cast %mul3A_339 : vector<16xf32> to vector<1x16xf32>
        tpu.vector_store %arg11[%swap3A_340, %swap3A_341], %swap3A_344 {strides = array<i32>} : memref<128x128xf32, #tpu.memory_space<vmem>>, vector<1x16xf32>,
        %get3A_345 = arith.index_cast %add3A_321 : i32 to index
        %get3A_346 = arith.constant 32 : index
        %get3A_347 = tpu.vector_load %arg11[%get3A_345, %get3A_346] {strides = array<i32>} : memref<128x128xf32, #tpu.memory_space<vmem>>, vector<1x16xf32>,
        %get3A_348 = vector.shape_cast %get3A_347 : vector<1x16xf32> to vector<16xf32>
        %mul3A_349 = arith.mulf %get3A_348, %broadcast_in_dim3A_324 : vector<16xf32>
        %swap3A_350 = arith.index_cast %add3A_321 : i32 to index
        %swap3A_351 = arith.constant 32 : index
        %swap3A_352 = tpu.vector_load %arg11[%swap3A_350, %swap3A_351] {strides = array<i32>} : memref<128x128xf32, #tpu.memory_space<vmem>>, vector<1x16xf32>,
        %swap3A_353 = vector.shape_cast %swap3A_352 : vector<1x16xf32> to vector<16xf32>
        %swap3A_354 = vector.shape_cast %mul3A_349 : vector<16xf32> to vector<1x16xf32>
        tpu.vector_store %arg11[%swap3A_350, %swap3A_351], %swap3A_354 {strides = array<i32>} : memref<128x128xf32, #tpu.memory_space<vmem>>, vector<1x16xf32>,
        %get3A_355 = arith.index_cast %add3A_321 : i32 to index
        %get3A_356 = arith.constant 48 : index
        %get3A_357 = tpu.vector_load %arg11[%get3A_355, %get3A_356] {strides = array<i32>} : memref<128x128xf32, #tpu.memory_space<vmem>>, vector<1x16xf32>,
        %get3A_358 = vector.shape_cast %get3A_357 : vector<1x16xf32> to vector<16xf32>
        %mul3A_359 = arith.mulf %get3A_358, %broadcast_in_dim3A_324 : vector<16xf32>
        %swap3A_360 = arith.index_cast %add3A_321 : i32 to index
        %swap3A_361 = arith.constant 48 : index
        %swap3A_362 = tpu.vector_load %arg11[%swap3A_360, %swap3A_361] {strides = array<i32>} : memref<128x128xf32, #tpu.memory_space<vmem>>, vector<1x16xf32>,
        %swap3A_363 = vector.shape_cast %swap3A_362 : vector<1x16xf32> to vector<16xf32>
        %swap3A_364 = vector.shape_cast %mul3A_359 : vector<16xf32> to vector<1x16xf32>
        tpu.vector_store %arg11[%swap3A_360, %swap3A_361], %swap3A_364 {strides = array<i32>} : memref<128x128xf32, #tpu.memory_space<vmem>>, vector<1x16xf32>,
        %get3A_365 = arith.index_cast %add3A_321 : i32 to index
        %get3A_366 = arith.constant 64 : index
        %get3A_367 = tpu.vector_load %arg11[%get3A_365, %get3A_366] {strides = array<i32>} : memref<128x128xf32, #tpu.memory_space<vmem>>, vector<1x16xf32>,
        %get3A_368 = vector.shape_cast %get3A_367 : vector<1x16xf32> to vector<16xf32>
        %mul3A_369 = arith.mulf %get3A_368, %broadcast_in_dim3A_324 : vector<16xf32>
        %swap3A_370 = arith.index_cast %add3A_321 : i32 to index
        %swap3A_371 = arith.constant 64 : index
        %swap3A_372 = tpu.vector_load %arg11[%swap3A_370, %swap3A_371] {strides = array<i32>} : memref<128x128xf32, #tpu.memory_space<vmem>>, vector<1x16xf32>,
        %swap3A_373 = vector.shape_cast %swap3A_372 : vector<1x16xf32> to vector<16xf32>
        %swap3A_374 = vector.shape_cast %mul3A_369 : vector<16xf32> to vector<1x16xf32>
        tpu.vector_store %arg11[%swap3A_370, %swap3A_371], %swap3A_374 {strides = array<i32>} : memref<128x128xf32, #tpu.memory_space<vmem>>, vector<1x16xf32>,
        %get3A_375 = arith.index_cast %add3A_321 : i32 to index
        %get3A_376 = arith.constant 80 : index
        %get3A_377 = tpu.vector_load %arg11[%get3A_375, %get3A_376] {strides = array<i32>} : memref<128x128xf32, #tpu.memory_space<vmem>>, vector<1x16xf32>,
        %get3A_378 = vector.shape_cast %get3A_377 : vector<1x16xf32> to vector<16xf32>
        %mul3A_379 = arith.mulf %get3A_378, %broadcast_in_dim3A_324 : vector<16xf32>
        %swap3A_380 = arith.index_cast %add3A_321 : i32 to index
        %swap3A_381 = arith.constant 80 : index
        %swap3A_382 = tpu.vector_load %arg11[%swap3A_380, %swap3A_381] {strides = array<i32>} : memref<128x128xf32, #tpu.memory_space<vmem>>, vector<1x16xf32>,
        %swap3A_383 = vector.shape_cast %swap3A_382 : vector<1x16xf32> to vector<16xf32>
        %swap3A_384 = vector.shape_cast %mul3A_379 : vector<16xf32> to vector<1x16xf32>
        tpu.vector_store %arg11[%swap3A_380, %swap3A_381], %swap3A_384 {strides = array<i32>} : memref<128x128xf32, #tpu.memory_space<vmem>>, vector<1x16xf32>,
        %get3A_385 = arith.index_cast %add3A_321 : i32 to index
        %get3A_386 = arith.constant 96 : index
        %get3A_387 = tpu.vector_load %arg11[%get3A_385, %get3A_386] {strides = array<i32>} : memref<128x128xf32, #tpu.memory_space<vmem>>, vector<1x16xf32>,
        %get3A_388 = vector.shape_cast %get3A_387 : vector<1x16xf32> to vector<16xf32>
        %mul3A_389 = arith.mulf %get3A_388, %broadcast_in_dim3A_324 : vector<16xf32>
        %swap3A_390 = arith.index_cast %add3A_321 : i32 to index
        %swap3A_391 = arith.constant 96 : index
        %swap3A_392 = tpu.vector_load %arg11[%swap3A_390, %swap3A_391] {strides = array<i32>} : memref<128x128xf32, #tpu.memory_space<vmem>>, vector<1x16xf32>,
        %swap3A_393 = vector.shape_cast %swap3A_392 : vector<1x16xf32> to vector<16xf32>
        %swap3A_394 = vector.shape_cast %mul3A_389 : vector<16xf32> to vector<1x16xf32>
        tpu.vector_store %arg11[%swap3A_390, %swap3A_391], %swap3A_394 {strides = array<i32>} : memref<128x128xf32, #tpu.memory_space<vmem>>, vector<1x16xf32>,
        %get3A_395 = arith.index_cast %add3A_321 : i32 to index
        %get3A_396 = arith.constant 112 : index
        %get3A_397 = tpu.vector_load %arg11[%get3A_395, %get3A_396] {strides = array<i32>} : memref<128x128xf32, #tpu.memory_space<vmem>>, vector<1x16xf32>,
        %get3A_398 = vector.shape_cast %get3A_397 : vector<1x16xf32> to vector<16xf32>
        %mul3A_399 = arith.mulf %get3A_398, %broadcast_in_dim3A_324 : vector<16xf32>
        %swap3A_400 = arith.index_cast %add3A_321 : i32 to index
        %swap3A_401 = arith.constant 112 : index
        %swap3A_402 = tpu.vector_load %arg11[%swap3A_400, %swap3A_401] {strides = array<i32>} : memref<128x128xf32, #tpu.memory_space<vmem>>, vector<1x16xf32>,
        %swap3A_403 = vector.shape_cast %swap3A_402 : vector<1x16xf32> to vector<16xf32>
        %swap3A_404 = vector.shape_cast %mul3A_399 : vector<16xf32> to vector<1x16xf32>
        tpu.vector_store %arg11[%swap3A_400, %swap3A_401], %swap3A_404 {strides = array<i32>} : memref<128x128xf32, #tpu.memory_space<vmem>>, vector<1x16xf32>,
        %mul3A_405 = arith.constant 16 : i32
        %mul3A_406 = arith.muli %scan3A_54, %mul3A_405 : i32
        %add3A_407 = arith.constant 4 : i32
        %add3A_408 = arith.addi %mul3A_406, %add3A_407 : i32
        %slice3A_409 = vector.extract_strided_slice %get3A_60 {offsets = [4], sizes = [1], strides = [1]} : vector<16xf32> to vector<1xf32>
        %squeeze3A_410 = vector.extract %slice3A_409[0] : f32 from vector<1xf32>
        %broadcast_in_dim3A_411 = vector.broadcast %squeeze3A_410 : f32 to vector<16xf32>
        %get3A_412 = arith.index_cast %add3A_408 : i32 to index
        %get3A_413 = arith.constant 0 : index
        %get3A_414 = tpu.vector_load %arg11[%get3A_412, %get3A_413] {strides = array<i32>} : memref<128x128xf32, #tpu.memory_space<vmem>>, vector<1x16xf32>,
        %get3A_415 = vector.shape_cast %get3A_414 : vector<1x16xf32> to vector<16xf32>
        %mul3A_416 = arith.mulf %get3A_415, %broadcast_in_dim3A_411 : vector<16xf32>
        %swap3A_417 = arith.index_cast %add3A_408 : i32 to index
        %swap3A_418 = arith.constant 0 : index
        %swap3A_419 = tpu.vector_load %arg11[%swap3A_417, %swap3A_418] {strides = array<i32>} : memref<128x128xf32, #tpu.memory_space<vmem>>, vector<1x16xf32>,
        %swap3A_420 = vector.shape_cast %swap3A_419 : vector<1x16xf32> to vector<16xf32>
        %swap3A_421 = vector.shape_cast %mul3A_416 : vector<16xf32> to vector<1x16xf32>
        tpu.vector_store %arg11[%swap3A_417, %swap3A_418], %swap3A_421 {strides = array<i32>} : memref<128x128xf32, #tpu.memory_space<vmem>>, vector<1x16xf32>,
        %get3A_422 = arith.index_cast %add3A_408 : i32 to index
        %get3A_423 = arith.constant 16 : index
        %get3A_424 = tpu.vector_load %arg11[%get3A_422, %get3A_423] {strides = array<i32>} : memref<128x128xf32, #tpu.memory_space<vmem>>, vector<1x16xf32>,
        %get3A_425 = vector.shape_cast %get3A_424 : vector<1x16xf32> to vector<16xf32>
        %mul3A_426 = arith.mulf %get3A_425, %broadcast_in_dim3A_411 : vector<16xf32>
        %swap3A_427 = arith.index_cast %add3A_408 : i32 to index
        %swap3A_428 = arith.constant 16 : index
        %swap3A_429 = tpu.vector_load %arg11[%swap3A_427, %swap3A_428] {strides = array<i32>} : memref<128x128xf32, #tpu.memory_space<vmem>>, vector<1x16xf32>,
        %swap3A_430 = vector.shape_cast %swap3A_429 : vector<1x16xf32> to vector<16xf32>
        %swap3A_431 = vector.shape_cast %mul3A_426 : vector<16xf32> to vector<1x16xf32>
        tpu.vector_store %arg11[%swap3A_427, %swap3A_428], %swap3A_431 {strides = array<i32>} : memref<128x128xf32, #tpu.memory_space<vmem>>, vector<1x16xf32>,
        %get3A_432 = arith.index_cast %add3A_408 : i32 to index
        %get3A_433 = arith.constant 32 : index
        %get3A_434 = tpu.vector_load %arg11[%get3A_432, %get3A_433] {strides = array<i32>} : memref<128x128xf32, #tpu.memory_space<vmem>>, vector<1x16xf32>,
        %get3A_435 = vector.shape_cast %get3A_434 : vector<1x16xf32> to vector<16xf32>
        %mul3A_436 = arith.mulf %get3A_435, %broadcast_in_dim3A_411 : vector<16xf32>
        %swap3A_437 = arith.index_cast %add3A_408 : i32 to index
        %swap3A_438 = arith.constant 32 : index
        %swap3A_439 = tpu.vector_load %arg11[%swap3A_437, %swap3A_438] {strides = array<i32>} : memref<128x128xf32, #tpu.memory_space<vmem>>, vector<1x16xf32>,
        %swap3A_440 = vector.shape_cast %swap3A_439 : vector<1x16xf32> to vector<16xf32>
        %swap3A_441 = vector.shape_cast %mul3A_436 : vector<16xf32> to vector<1x16xf32>
        tpu.vector_store %arg11[%swap3A_437, %swap3A_438], %swap3A_441 {strides = array<i32>} : memref<128x128xf32, #tpu.memory_space<vmem>>, vector<1x16xf32>,
        %get3A_442 = arith.index_cast %add3A_408 : i32 to index
        %get3A_443 = arith.constant 48 : index
        %get3A_444 = tpu.vector_load %arg11[%get3A_442, %get3A_443] {strides = array<i32>} : memref<128x128xf32, #tpu.memory_space<vmem>>, vector<1x16xf32>,
        %get3A_445 = vector.shape_cast %get3A_444 : vector<1x16xf32> to vector<16xf32>
        %mul3A_446 = arith.mulf %get3A_445, %broadcast_in_dim3A_411 : vector<16xf32>
        %swap3A_447 = arith.index_cast %add3A_408 : i32 to index
        %swap3A_448 = arith.constant 48 : index
        %swap3A_449 = tpu.vector_load %arg11[%swap3A_447, %swap3A_448] {strides = array<i32>} : memref<128x128xf32, #tpu.memory_space<vmem>>, vector<1x16xf32>,
        %swap3A_450 = vector.shape_cast %swap3A_449 : vector<1x16xf32> to vector<16xf32>
        %swap3A_451 = vector.shape_cast %mul3A_446 : vector<16xf32> to vector<1x16xf32>
        tpu.vector_store %arg11[%swap3A_447, %swap3A_448], %swap3A_451 {strides = array<i32>} : memref<128x128xf32, #tpu.memory_space<vmem>>, vector<1x16xf32>,
        %get3A_452 = arith.index_cast %add3A_408 : i32 to index
        %get3A_453 = arith.constant 64 : index
        %get3A_454 = tpu.vector_load %arg11[%get3A_452, %get3A_453] {strides = array<i32>} : memref<128x128xf32, #tpu.memory_space<vmem>>, vector<1x16xf32>,
        %get3A_455 = vector.shape_cast %get3A_454 : vector<1x16xf32> to vector<16xf32>
        %mul3A_456 = arith.mulf %get3A_455, %broadcast_in_dim3A_411 : vector<16xf32>
        %swap3A_457 = arith.index_cast %add3A_408 : i32 to index
        %swap3A_458 = arith.constant 64 : index
        %swap3A_459 = tpu.vector_load %arg11[%swap3A_457, %swap3A_458] {strides = array<i32>} : memref<128x128xf32, #tpu.memory_space<vmem>>, vector<1x16xf32>,
        %swap3A_460 = vector.shape_cast %swap3A_459 : vector<1x16xf32> to vector<16xf32>
        %swap3A_461 = vector.shape_cast %mul3A_456 : vector<16xf32> to vector<1x16xf32>
        tpu.vector_store %arg11[%swap3A_457, %swap3A_458], %swap3A_461 {strides = array<i32>} : memref<128x128xf32, #tpu.memory_space<vmem>>, vector<1x16xf32>,
        %get3A_462 = arith.index_cast %add3A_408 : i32 to index
        %get3A_463 = arith.constant 80 : index
        %get3A_464 = tpu.vector_load %arg11[%get3A_462, %get3A_463] {strides = array<i32>} : memref<128x128xf32, #tpu.memory_space<vmem>>, vector<1x16xf32>,
        %get3A_465 = vector.shape_cast %get3A_464 : vector<1x16xf32> to vector<16xf32>
        %mul3A_466 = arith.mulf %get3A_465, %broadcast_in_dim3A_411 : vector<16xf32>
        %swap3A_467 = arith.index_cast %add3A_408 : i32 to index
        %swap3A_468 = arith.constant 80 : index
        %swap3A_469 = tpu.vector_load %arg11[%swap3A_467, %swap3A_468] {strides = array<i32>} : memref<128x128xf32, #tpu.memory_space<vmem>>, vector<1x16xf32>,
        %swap3A_470 = vector.shape_cast %swap3A_469 : vector<1x16xf32> to vector<16xf32>
        %swap3A_471 = vector.shape_cast %mul3A_466 : vector<16xf32> to vector<1x16xf32>
        tpu.vector_store %arg11[%swap3A_467, %swap3A_468], %swap3A_471 {strides = array<i32>} : memref<128x128xf32, #tpu.memory_space<vmem>>, vector<1x16xf32>,
        %get3A_472 = arith.index_cast %add3A_408 : i32 to index
        %get3A_473 = arith.constant 96 : index
        %get3A_474 = tpu.vector_load %arg11[%get3A_472, %get3A_473] {strides = array<i32>} : memref<128x128xf32, #tpu.memory_space<vmem>>, vector<1x16xf32>,
        %get3A_475 = vector.shape_cast %get3A_474 : vector<1x16xf32> to vector<16xf32>
        %mul3A_476 = arith.mulf %get3A_475, %broadcast_in_dim3A_411 : vector<16xf32>
        %swap3A_477 = arith.index_cast %add3A_408 : i32 to index
        %swap3A_478 = arith.constant 96 : index
        %swap3A_479 = tpu.vector_load %arg11[%swap3A_477, %swap3A_478] {strides = array<i32>} : memref<128x128xf32, #tpu.memory_space<vmem>>, vector<1x16xf32>,
        %swap3A_480 = vector.shape_cast %swap3A_479 : vector<1x16xf32> to vector<16xf32>
        %swap3A_481 = vector.shape_cast %mul3A_476 : vector<16xf32> to vector<1x16xf32>
        tpu.vector_store %arg11[%swap3A_477, %swap3A_478], %swap3A_481 {strides = array<i32>} : memref<128x128xf32, #tpu.memory_space<vmem>>, vector<1x16xf32>,
        %get3A_482 = arith.index_cast %add3A_408 : i32 to index
        %get3A_483 = arith.constant 112 : index
        %get3A_484 = tpu.vector_load %arg11[%get3A_482, %get3A_483] {strides = array<i32>} : memref<128x128xf32, #tpu.memory_space<vmem>>, vector<1x16xf32>,
        %get3A_485 = vector.shape_cast %get3A_484 : vector<1x16xf32> to vector<16xf32>
        %mul3A_486 = arith.mulf %get3A_485, %broadcast_in_dim3A_411 : vector<16xf32>
        %swap3A_487 = arith.index_cast %add3A_408 : i32 to index
        %swap3A_488 = arith.constant 112 : index
        %swap3A_489 = tpu.vector_load %arg11[%swap3A_487, %swap3A_488] {strides = array<i32>} : memref<128x128xf32, #tpu.memory_space<vmem>>, vector<1x16xf32>,
        %swap3A_490 = vector.shape_cast %swap3A_489 : vector<1x16xf32> to vector<16xf32>
        %swap3A_491 = vector.shape_cast %mul3A_486 : vector<16xf32> to vector<1x16xf32>
        tpu.vector_store %arg11[%swap3A_487, %swap3A_488], %swap3A_491 {strides = array<i32>} : memref<128x128xf32, #tpu.memory_space<vmem>>, vector<1x16xf32>,
        %mul3A_492 = arith.constant 16 : i32
        %mul3A_493 = arith.muli %scan3A_54, %mul3A_492 : i32
        %add3A_494 = arith.constant 5 : i32
        %add3A_495 = arith.addi %mul3A_493, %add3A_494 : i32
        %slice3A_496 = vector.extract_strided_slice %get3A_60 {offsets = [5], sizes = [1], strides = [1]} : vector<16xf32> to vector<1xf32>
        %squeeze3A_497 = vector.extract %slice3A_496[0] : f32 from vector<1xf32>
        %broadcast_in_dim3A_498 = vector.broadcast %squeeze3A_497 : f32 to vector<16xf32>
        %get3A_499 = arith.index_cast %add3A_495 : i32 to index
        %get3A_500 = arith.constant 0 : index
        %get3A_501 = tpu.vector_load %arg11[%get3A_499, %get3A_500] {strides = array<i32>} : memref<128x128xf32, #tpu.memory_space<vmem>>, vector<1x16xf32>,
        %get3A_502 = vector.shape_cast %get3A_501 : vector<1x16xf32> to vector<16xf32>
        %mul3A_503 = arith.mulf %get3A_502, %broadcast_in_dim3A_498 : vector<16xf32>
        %swap3A_504 = arith.index_cast %add3A_495 : i32 to index
        %swap3A_505 = arith.constant 0 : index
        %swap3A_506 = tpu.vector_load %arg11[%swap3A_504, %swap3A_505] {strides = array<i32>} : memref<128x128xf32, #tpu.memory_space<vmem>>, vector<1x16xf32>,
        %swap3A_507 = vector.shape_cast %swap3A_506 : vector<1x16xf32> to vector<16xf32>
        %swap3A_508 = vector.shape_cast %mul3A_503 : vector<16xf32> to vector<1x16xf32>
        tpu.vector_store %arg11[%swap3A_504, %swap3A_505], %swap3A_508 {strides = array<i32>} : memref<128x128xf32, #tpu.memory_space<vmem>>, vector<1x16xf32>,
        %get3A_509 = arith.index_cast %add3A_495 : i32 to index
        %get3A_510 = arith.constant 16 : index
        %get3A_511 = tpu.vector_load %arg11[%get3A_509, %get3A_510] {strides = array<i32>} : memref<128x128xf32, #tpu.memory_space<vmem>>, vector<1x16xf32>,
        %get3A_512 = vector.shape_cast %get3A_511 : vector<1x16xf32> to vector<16xf32>
        %mul3A_513 = arith.mulf %get3A_512, %broadcast_in_dim3A_498 : vector<16xf32>
        %swap3A_514 = arith.index_cast %add3A_495 : i32 to index
        %swap3A_515 = arith.constant 16 : index
        %swap3A_516 = tpu.vector_load %arg11[%swap3A_514, %swap3A_515] {strides = array<i32>} : memref<128x128xf32, #tpu.memory_space<vmem>>, vector<1x16xf32>,
        %swap3A_517 = vector.shape_cast %swap3A_516 : vector<1x16xf32> to vector<16xf32>
        %swap3A_518 = vector.shape_cast %mul3A_513 : vector<16xf32> to vector<1x16xf32>
        tpu.vector_store %arg11[%swap3A_514, %swap3A_515], %swap3A_518 {strides = array<i32>} : memref<128x128xf32, #tpu.memory_space<vmem>>, vector<1x16xf32>,
        %get3A_519 = arith.index_cast %add3A_495 : i32 to index
        %get3A_520 = arith.constant 32 : index
        %get3A_521 = tpu.vector_load %arg11[%get3A_519, %get3A_520] {strides = array<i32>} : memref<128x128xf32, #tpu.memory_space<vmem>>, vector<1x16xf32>,
        %get3A_522 = vector.shape_cast %get3A_521 : vector<1x16xf32> to vector<16xf32>
        %mul3A_523 = arith.mulf %get3A_522, %broadcast_in_dim3A_498 : vector<16xf32>
        %swap3A_524 = arith.index_cast %add3A_495 : i32 to index
        %swap3A_525 = arith.constant 32 : index
        %swap3A_526 = tpu.vector_load %arg11[%swap3A_524, %swap3A_525] {strides = array<i32>} : memref<128x128xf32, #tpu.memory_space<vmem>>, vector<1x16xf32>,
        %swap3A_527 = vector.shape_cast %swap3A_526 : vector<1x16xf32> to vector<16xf32>
        %swap3A_528 = vector.shape_cast %mul3A_523 : vector<16xf32> to vector<1x16xf32>
        tpu.vector_store %arg11[%swap3A_524, %swap3A_525], %swap3A_528 {strides = array<i32>} : memref<128x128xf32, #tpu.memory_space<vmem>>, vector<1x16xf32>,
        %get3A_529 = arith.index_cast %add3A_495 : i32 to index
        %get3A_530 = arith.constant 48 : index
        %get3A_531 = tpu.vector_load %arg11[%get3A_529, %get3A_530] {strides = array<i32>} : memref<128x128xf32, #tpu.memory_space<vmem>>, vector<1x16xf32>,
        %get3A_532 = vector.shape_cast %get3A_531 : vector<1x16xf32> to vector<16xf32>
        %mul3A_533 = arith.mulf %get3A_532, %broadcast_in_dim3A_498 : vector<16xf32>
        %swap3A_534 = arith.index_cast %add3A_495 : i32 to index
        %swap3A_535 = arith.constant 48 : index
        %swap3A_536 = tpu.vector_load %arg11[%swap3A_534, %swap3A_535] {strides = array<i32>} : memref<128x128xf32, #tpu.memory_space<vmem>>, vector<1x16xf32>,
        %swap3A_537 = vector.shape_cast %swap3A_536 : vector<1x16xf32> to vector<16xf32>
        %swap3A_538 = vector.shape_cast %mul3A_533 : vector<16xf32> to vector<1x16xf32>
        tpu.vector_store %arg11[%swap3A_534, %swap3A_535], %swap3A_538 {strides = array<i32>} : memref<128x128xf32, #tpu.memory_space<vmem>>, vector<1x16xf32>,
        %get3A_539 = arith.index_cast %add3A_495 : i32 to index
        %get3A_540 = arith.constant 64 : index
        %get3A_541 = tpu.vector_load %arg11[%get3A_539, %get3A_540] {strides = array<i32>} : memref<128x128xf32, #tpu.memory_space<vmem>>, vector<1x16xf32>,
        %get3A_542 = vector.shape_cast %get3A_541 : vector<1x16xf32> to vector<16xf32>
        %mul3A_543 = arith.mulf %get3A_542, %broadcast_in_dim3A_498 : vector<16xf32>
        %swap3A_544 = arith.index_cast %add3A_495 : i32 to index
        %swap3A_545 = arith.constant 64 : index
        %swap3A_546 = tpu.vector_load %arg11[%swap3A_544, %swap3A_545] {strides = array<i32>} : memref<128x128xf32, #tpu.memory_space<vmem>>, vector<1x16xf32>,
        %swap3A_547 = vector.shape_cast %swap3A_546 : vector<1x16xf32> to vector<16xf32>
        %swap3A_548 = vector.shape_cast %mul3A_543 : vector<16xf32> to vector<1x16xf32>
        tpu.vector_store %arg11[%swap3A_544, %swap3A_545], %swap3A_548 {strides = array<i32>} : memref<128x128xf32, #tpu.memory_space<vmem>>, vector<1x16xf32>,
        %get3A_549 = arith.index_cast %add3A_495 : i32 to index
        %get3A_550 = arith.constant 80 : index
        %get3A_551 = tpu.vector_load %arg11[%get3A_549, %get3A_550] {strides = array<i32>} : memref<128x128xf32, #tpu.memory_space<vmem>>, vector<1x16xf32>,
        %get3A_552 = vector.shape_cast %get3A_551 : vector<1x16xf32> to vector<16xf32>
        %mul3A_553 = arith.mulf %get3A_552, %broadcast_in_dim3A_498 : vector<16xf32>
        %swap3A_554 = arith.index_cast %add3A_495 : i32 to index
        %swap3A_555 = arith.constant 80 : index
        %swap3A_556 = tpu.vector_load %arg11[%swap3A_554, %swap3A_555] {strides = array<i32>} : memref<128x128xf32, #tpu.memory_space<vmem>>, vector<1x16xf32>,
        %swap3A_557 = vector.shape_cast %swap3A_556 : vector<1x16xf32> to vector<16xf32>
        %swap3A_558 = vector.shape_cast %mul3A_553 : vector<16xf32> to vector<1x16xf32>
        tpu.vector_store %arg11[%swap3A_554, %swap3A_555], %swap3A_558 {strides = array<i32>} : memref<128x128xf32, #tpu.memory_space<vmem>>, vector<1x16xf32>,
        %get3A_559 = arith.index_cast %add3A_495 : i32 to index
        %get3A_560 = arith.constant 96 : index
        %get3A_561 = tpu.vector_load %arg11[%get3A_559, %get3A_560] {strides = array<i32>} : memref<128x128xf32, #tpu.memory_space<vmem>>, vector<1x16xf32>,
        %get3A_562 = vector.shape_cast %get3A_561 : vector<1x16xf32> to vector<16xf32>
        %mul3A_563 = arith.mulf %get3A_562, %broadcast_in_dim3A_498 : vector<16xf32>
        %swap3A_564 = arith.index_cast %add3A_495 : i32 to index
        %swap3A_565 = arith.constant 96 : index
        %swap3A_566 = tpu.vector_load %arg11[%swap3A_564, %swap3A_565] {strides = array<i32>} : memref<128x128xf32, #tpu.memory_space<vmem>>, vector<1x16xf32>,
        %swap3A_567 = vector.shape_cast %swap3A_566 : vector<1x16xf32> to vector<16xf32>
        %swap3A_568 = vector.shape_cast %mul3A_563 : vector<16xf32> to vector<1x16xf32>
        tpu.vector_store %arg11[%swap3A_564, %swap3A_565], %swap3A_568 {strides = array<i32>} : memref<128x128xf32, #tpu.memory_space<vmem>>, vector<1x16xf32>,
        %get3A_569 = arith.index_cast %add3A_495 : i32 to index
        %get3A_570 = arith.constant 112 : index
        %get3A_571 = tpu.vector_load %arg11[%get3A_569, %get3A_570] {strides = array<i32>} : memref<128x128xf32, #tpu.memory_space<vmem>>, vector<1x16xf32>,
        %get3A_572 = vector.shape_cast %get3A_571 : vector<1x16xf32> to vector<16xf32>
        %mul3A_573 = arith.mulf %get3A_572, %broadcast_in_dim3A_498 : vector<16xf32>
        %swap3A_574 = arith.index_cast %add3A_495 : i32 to index
        %swap3A_575 = arith.constant 112 : index
        %swap3A_576 = tpu.vector_load %arg11[%swap3A_574, %swap3A_575] {strides = array<i32>} : memref<128x128xf32, #tpu.memory_space<vmem>>, vector<1x16xf32>,
        %swap3A_577 = vector.shape_cast %swap3A_576 : vector<1x16xf32> to vector<16xf32>
        %swap3A_578 = vector.shape_cast %mul3A_573 : vector<16xf32> to vector<1x16xf32>
        tpu.vector_store %arg11[%swap3A_574, %swap3A_575], %swap3A_578 {strides = array<i32>} : memref<128x128xf32, #tpu.memory_space<vmem>>, vector<1x16xf32>,
        %mul3A_579 = arith.constant 16 : i32
        %mul3A_580 = arith.muli %scan3A_54, %mul3A_579 : i32
        %add3A_581 = arith.constant 6 : i32
        %add3A_582 = arith.addi %mul3A_580, %add3A_581 : i32
        %slice3A_583 = vector.extract_strided_slice %get3A_60 {offsets = [6], sizes = [1], strides = [1]} : vector<16xf32> to vector<1xf32>
        %squeeze3A_584 = vector.extract %slice3A_583[0] : f32 from vector<1xf32>
        %broadcast_in_dim3A_585 = vector.broadcast %squeeze3A_584 : f32 to vector<16xf32>
        %get3A_586 = arith.index_cast %add3A_582 : i32 to index
        %get3A_587 = arith.constant 0 : index
        %get3A_588 = tpu.vector_load %arg11[%get3A_586, %get3A_587] {strides = array<i32>} : memref<128x128xf32, #tpu.memory_space<vmem>>, vector<1x16xf32>,
        %get3A_589 = vector.shape_cast %get3A_588 : vector<1x16xf32> to vector<16xf32>
        %mul3A_590 = arith.mulf %get3A_589, %broadcast_in_dim3A_585 : vector<16xf32>
        %swap3A_591 = arith.index_cast %add3A_582 : i32 to index
        %swap3A_592 = arith.constant 0 : index
        %swap3A_593 = tpu.vector_load %arg11[%swap3A_591, %swap3A_592] {strides = array<i32>} : memref<128x128xf32, #tpu.memory_space<vmem>>, vector<1x16xf32>,
        %swap3A_594 = vector.shape_cast %swap3A_593 : vector<1x16xf32> to vector<16xf32>
        %swap3A_595 = vector.shape_cast %mul3A_590 : vector<16xf32> to vector<1x16xf32>
        tpu.vector_store %arg11[%swap3A_591, %swap3A_592], %swap3A_595 {strides = array<i32>} : memref<128x128xf32, #tpu.memory_space<vmem>>, vector<1x16xf32>,
        %get3A_596 = arith.index_cast %add3A_582 : i32 to index
        %get3A_597 = arith.constant 16 : index
        %get3A_598 = tpu.vector_load %arg11[%get3A_596, %get3A_597] {strides = array<i32>} : memref<128x128xf32, #tpu.memory_space<vmem>>, vector<1x16xf32>,
        %get3A_599 = vector.shape_cast %get3A_598 : vector<1x16xf32> to vector<16xf32>
        %mul3A_600 = arith.mulf %get3A_599, %broadcast_in_dim3A_585 : vector<16xf32>
        %swap3A_601 = arith.index_cast %add3A_582 : i32 to index
        %swap3A_602 = arith.constant 16 : index
        %swap3A_603 = tpu.vector_load %arg11[%swap3A_601, %swap3A_602] {strides = array<i32>} : memref<128x128xf32, #tpu.memory_space<vmem>>, vector<1x16xf32>,
        %swap3A_604 = vector.shape_cast %swap3A_603 : vector<1x16xf32> to vector<16xf32>
        %swap3A_605 = vector.shape_cast %mul3A_600 : vector<16xf32> to vector<1x16xf32>
        tpu.vector_store %arg11[%swap3A_601, %swap3A_602], %swap3A_605 {strides = array<i32>} : memref<128x128xf32, #tpu.memory_space<vmem>>, vector<1x16xf32>,
        %get3A_606 = arith.index_cast %add3A_582 : i32 to index
        %get3A_607 = arith.constant 32 : index
        %get3A_608 = tpu.vector_load %arg11[%get3A_606, %get3A_607] {strides = array<i32>} : memref<128x128xf32, #tpu.memory_space<vmem>>, vector<1x16xf32>,
        %get3A_609 = vector.shape_cast %get3A_608 : vector<1x16xf32> to vector<16xf32>
        %mul3A_610 = arith.mulf %get3A_609, %broadcast_in_dim3A_585 : vector<16xf32>
        %swap3A_611 = arith.index_cast %add3A_582 : i32 to index
        %swap3A_612 = arith.constant 32 : index
        %swap3A_613 = tpu.vector_load %arg11[%swap3A_611, %swap3A_612] {strides = array<i32>} : memref<128x128xf32, #tpu.memory_space<vmem>>, vector<1x16xf32>,
        %swap3A_614 = vector.shape_cast %swap3A_613 : vector<1x16xf32> to vector<16xf32>
        %swap3A_615 = vector.shape_cast %mul3A_610 : vector<16xf32> to vector<1x16xf32>
        tpu.vector_store %arg11[%swap3A_611, %swap3A_612], %swap3A_615 {strides = array<i32>} : memref<128x128xf32, #tpu.memory_space<vmem>>, vector<1x16xf32>,
        %get3A_616 = arith.index_cast %add3A_582 : i32 to index
        %get3A_617 = arith.constant 48 : index
        %get3A_618 = tpu.vector_load %arg11[%get3A_616, %get3A_617] {strides = array<i32>} : memref<128x128xf32, #tpu.memory_space<vmem>>, vector<1x16xf32>,
        %get3A_619 = vector.shape_cast %get3A_618 : vector<1x16xf32> to vector<16xf32>
        %mul3A_620 = arith.mulf %get3A_619, %broadcast_in_dim3A_585 : vector<16xf32>
        %swap3A_621 = arith.index_cast %add3A_582 : i32 to index
        %swap3A_622 = arith.constant 48 : index
        %swap3A_623 = tpu.vector_load %arg11[%swap3A_621, %swap3A_622] {strides = array<i32>} : memref<128x128xf32, #tpu.memory_space<vmem>>, vector<1x16xf32>,
        %swap3A_624 = vector.shape_cast %swap3A_623 : vector<1x16xf32> to vector<16xf32>
        %swap3A_625 = vector.shape_cast %mul3A_620 : vector<16xf32> to vector<1x16xf32>
        tpu.vector_store %arg11[%swap3A_621, %swap3A_622], %swap3A_625 {strides = array<i32>} : memref<128x128xf32, #tpu.memory_space<vmem>>, vector<1x16xf32>,
        %get3A_626 = arith.index_cast %add3A_582 : i32 to index
        %get3A_627 = arith.constant 64 : index
        %get3A_628 = tpu.vector_load %arg11[%get3A_626, %get3A_627] {strides = array<i32>} : memref<128x128xf32, #tpu.memory_space<vmem>>, vector<1x16xf32>,
        %get3A_629 = vector.shape_cast %get3A_628 : vector<1x16xf32> to vector<16xf32>
        %mul3A_630 = arith.mulf %get3A_629, %broadcast_in_dim3A_585 : vector<16xf32>
        %swap3A_631 = arith.index_cast %add3A_582 : i32 to index
        %swap3A_632 = arith.constant 64 : index
        %swap3A_633 = tpu.vector_load %arg11[%swap3A_631, %swap3A_632] {strides = array<i32>} : memref<128x128xf32, #tpu.memory_space<vmem>>, vector<1x16xf32>,
        %swap3A_634 = vector.shape_cast %swap3A_633 : vector<1x16xf32> to vector<16xf32>
        %swap3A_635 = vector.shape_cast %mul3A_630 : vector<16xf32> to vector<1x16xf32>
        tpu.vector_store %arg11[%swap3A_631, %swap3A_632], %swap3A_635 {strides = array<i32>} : memref<128x128xf32, #tpu.memory_space<vmem>>, vector<1x16xf32>,
        %get3A_636 = arith.index_cast %add3A_582 : i32 to index
        %get3A_637 = arith.constant 80 : index
        %get3A_638 = tpu.vector_load %arg11[%get3A_636, %get3A_637] {strides = array<i32>} : memref<128x128xf32, #tpu.memory_space<vmem>>, vector<1x16xf32>,
        %get3A_639 = vector.shape_cast %get3A_638 : vector<1x16xf32> to vector<16xf32>
        %mul3A_640 = arith.mulf %get3A_639, %broadcast_in_dim3A_585 : vector<16xf32>
        %swap3A_641 = arith.index_cast %add3A_582 : i32 to index
        %swap3A_642 = arith.constant 80 : index
        %swap3A_643 = tpu.vector_load %arg11[%swap3A_641, %swap3A_642] {strides = array<i32>} : memref<128x128xf32, #tpu.memory_space<vmem>>, vector<1x16xf32>,
        %swap3A_644 = vector.shape_cast %swap3A_643 : vector<1x16xf32> to vector<16xf32>
        %swap3A_645 = vector.shape_cast %mul3A_640 : vector<16xf32> to vector<1x16xf32>
        tpu.vector_store %arg11[%swap3A_641, %swap3A_642], %swap3A_645 {strides = array<i32>} : memref<128x128xf32, #tpu.memory_space<vmem>>, vector<1x16xf32>,
        %get3A_646 = arith.index_cast %add3A_582 : i32 to index
        %get3A_647 = arith.constant 96 : index
        %get3A_648 = tpu.vector_load %arg11[%get3A_646, %get3A_647] {strides = array<i32>} : memref<128x128xf32, #tpu.memory_space<vmem>>, vector<1x16xf32>,
        %get3A_649 = vector.shape_cast %get3A_648 : vector<1x16xf32> to vector<16xf32>
        %mul3A_650 = arith.mulf %get3A_649, %broadcast_in_dim3A_585 : vector<16xf32>
        %swap3A_651 = arith.index_cast %add3A_582 : i32 to index
        %swap3A_652 = arith.constant 96 : index
        %swap3A_653 = tpu.vector_load %arg11[%swap3A_651, %swap3A_652] {strides = array<i32>} : memref<128x128xf32, #tpu.memory_space<vmem>>, vector<1x16xf32>,
        %swap3A_654 = vector.shape_cast %swap3A_653 : vector<1x16xf32> to vector<16xf32>
        %swap3A_655 = vector.shape_cast %mul3A_650 : vector<16xf32> to vector<1x16xf32>
        tpu.vector_store %arg11[%swap3A_651, %swap3A_652], %swap3A_655 {strides = array<i32>} : memref<128x128xf32, #tpu.memory_space<vmem>>, vector<1x16xf32>,
        %get3A_656 = arith.index_cast %add3A_582 : i32 to index
        %get3A_657 = arith.constant 112 : index
        %get3A_658 = tpu.vector_load %arg11[%get3A_656, %get3A_657] {strides = array<i32>} : memref<128x128xf32, #tpu.memory_space<vmem>>, vector<1x16xf32>,
        %get3A_659 = vector.shape_cast %get3A_658 : vector<1x16xf32> to vector<16xf32>
        %mul3A_660 = arith.mulf %get3A_659, %broadcast_in_dim3A_585 : vector<16xf32>
        %swap3A_661 = arith.index_cast %add3A_582 : i32 to index
        %swap3A_662 = arith.constant 112 : index
        %swap3A_663 = tpu.vector_load %arg11[%swap3A_661, %swap3A_662] {strides = array<i32>} : memref<128x128xf32, #tpu.memory_space<vmem>>, vector<1x16xf32>,
        %swap3A_664 = vector.shape_cast %swap3A_663 : vector<1x16xf32> to vector<16xf32>
        %swap3A_665 = vector.shape_cast %mul3A_660 : vector<16xf32> to vector<1x16xf32>
        tpu.vector_store %arg11[%swap3A_661, %swap3A_662], %swap3A_665 {strides = array<i32>} : memref<128x128xf32, #tpu.memory_space<vmem>>, vector<1x16xf32>,
        %mul3A_666 = arith.constant 16 : i32
        %mul3A_667 = arith.muli %scan3A_54, %mul3A_666 : i32
        %add3A_668 = arith.constant 7 : i32
        %add3A_669 = arith.addi %mul3A_667, %add3A_668 : i32
        %slice3A_670 = vector.extract_strided_slice %get3A_60 {offsets = [7], sizes = [1], strides = [1]} : vector<16xf32> to vector<1xf32>
        %squeeze3A_671 = vector.extract %slice3A_670[0] : f32 from vector<1xf32>
        %broadcast_in_dim3A_672 = vector.broadcast %squeeze3A_671 : f32 to vector<16xf32>
        %get3A_673 = arith.index_cast %add3A_669 : i32 to index
        %get3A_674 = arith.constant 0 : index
        %get3A_675 = tpu.vector_load %arg11[%get3A_673, %get3A_674] {strides = array<i32>} : memref<128x128xf32, #tpu.memory_space<vmem>>, vector<1x16xf32>,
        %get3A_676 = vector.shape_cast %get3A_675 : vector<1x16xf32> to vector<16xf32>
        %mul3A_677 = arith.mulf %get3A_676, %broadcast_in_dim3A_672 : vector<16xf32>
        %swap3A_678 = arith.index_cast %add3A_669 : i32 to index
        %swap3A_679 = arith.constant 0 : index
        %swap3A_680 = tpu.vector_load %arg11[%swap3A_678, %swap3A_679] {strides = array<i32>} : memref<128x128xf32, #tpu.memory_space<vmem>>, vector<1x16xf32>,
        %swap3A_681 = vector.shape_cast %swap3A_680 : vector<1x16xf32> to vector<16xf32>
        %swap3A_682 = vector.shape_cast %mul3A_677 : vector<16xf32> to vector<1x16xf32>
        tpu.vector_store %arg11[%swap3A_678, %swap3A_679], %swap3A_682 {strides = array<i32>} : memref<128x128xf32, #tpu.memory_space<vmem>>, vector<1x16xf32>,
        %get3A_683 = arith.index_cast %add3A_669 : i32 to index
        %get3A_684 = arith.constant 16 : index
        %get3A_685 = tpu.vector_load %arg11[%get3A_683, %get3A_684] {strides = array<i32>} : memref<128x128xf32, #tpu.memory_space<vmem>>, vector<1x16xf32>,
        %get3A_686 = vector.shape_cast %get3A_685 : vector<1x16xf32> to vector<16xf32>
        %mul3A_687 = arith.mulf %get3A_686, %broadcast_in_dim3A_672 : vector<16xf32>
        %swap3A_688 = arith.index_cast %add3A_669 : i32 to index
        %swap3A_689 = arith.constant 16 : index
        %swap3A_690 = tpu.vector_load %arg11[%swap3A_688, %swap3A_689] {strides = array<i32>} : memref<128x128xf32, #tpu.memory_space<vmem>>, vector<1x16xf32>,
        %swap3A_691 = vector.shape_cast %swap3A_690 : vector<1x16xf32> to vector<16xf32>
        %swap3A_692 = vector.shape_cast %mul3A_687 : vector<16xf32> to vector<1x16xf32>
        tpu.vector_store %arg11[%swap3A_688, %swap3A_689], %swap3A_692 {strides = array<i32>} : memref<128x128xf32, #tpu.memory_space<vmem>>, vector<1x16xf32>,
        %get3A_693 = arith.index_cast %add3A_669 : i32 to index
        %get3A_694 = arith.constant 32 : index
        %get3A_695 = tpu.vector_load %arg11[%get3A_693, %get3A_694] {strides = array<i32>} : memref<128x128xf32, #tpu.memory_space<vmem>>, vector<1x16xf32>,
        %get3A_696 = vector.shape_cast %get3A_695 : vector<1x16xf32> to vector<16xf32>
        %mul3A_697 = arith.mulf %get3A_696, %broadcast_in_dim3A_672 : vector<16xf32>
        %swap3A_698 = arith.index_cast %add3A_669 : i32 to index
        %swap3A_699 = arith.constant 32 : index
        %swap3A_700 = tpu.vector_load %arg11[%swap3A_698, %swap3A_699] {strides = array<i32>} : memref<128x128xf32, #tpu.memory_space<vmem>>, vector<1x16xf32>,
        %swap3A_701 = vector.shape_cast %swap3A_700 : vector<1x16xf32> to vector<16xf32>
        %swap3A_702 = vector.shape_cast %mul3A_697 : vector<16xf32> to vector<1x16xf32>
        tpu.vector_store %arg11[%swap3A_698, %swap3A_699], %swap3A_702 {strides = array<i32>} : memref<128x128xf32, #tpu.memory_space<vmem>>, vector<1x16xf32>,
        %get3A_703 = arith.index_cast %add3A_669 : i32 to index
        %get3A_704 = arith.constant 48 : index
        %get3A_705 = tpu.vector_load %arg11[%get3A_703, %get3A_704] {strides = array<i32>} : memref<128x128xf32, #tpu.memory_space<vmem>>, vector<1x16xf32>,
        %get3A_706 = vector.shape_cast %get3A_705 : vector<1x16xf32> to vector<16xf32>
        %mul3A_707 = arith.mulf %get3A_706, %broadcast_in_dim3A_672 : vector<16xf32>
        %swap3A_708 = arith.index_cast %add3A_669 : i32 to index
        %swap3A_709 = arith.constant 48 : index
        %swap3A_710 = tpu.vector_load %arg11[%swap3A_708, %swap3A_709] {strides = array<i32>} : memref<128x128xf32, #tpu.memory_space<vmem>>, vector<1x16xf32>,
        %swap3A_711 = vector.shape_cast %swap3A_710 : vector<1x16xf32> to vector<16xf32>
        %swap3A_712 = vector.shape_cast %mul3A_707 : vector<16xf32> to vector<1x16xf32>
        tpu.vector_store %arg11[%swap3A_708, %swap3A_709], %swap3A_712 {strides = array<i32>} : memref<128x128xf32, #tpu.memory_space<vmem>>, vector<1x16xf32>,
        %get3A_713 = arith.index_cast %add3A_669 : i32 to index
        %get3A_714 = arith.constant 64 : index
        %get3A_715 = tpu.vector_load %arg11[%get3A_713, %get3A_714] {strides = array<i32>} : memref<128x128xf32, #tpu.memory_space<vmem>>, vector<1x16xf32>,
        %get3A_716 = vector.shape_cast %get3A_715 : vector<1x16xf32> to vector<16xf32>
        %mul3A_717 = arith.mulf %get3A_716, %broadcast_in_dim3A_672 : vector<16xf32>
        %swap3A_718 = arith.index_cast %add3A_669 : i32 to index
        %swap3A_719 = arith.constant 64 : index
        %swap3A_720 = tpu.vector_load %arg11[%swap3A_718, %swap3A_719] {strides = array<i32>} : memref<128x128xf32, #tpu.memory_space<vmem>>, vector<1x16xf32>,
        %swap3A_721 = vector.shape_cast %swap3A_720 : vector<1x16xf32> to vector<16xf32>
        %swap3A_722 = vector.shape_cast %mul3A_717 : vector<16xf32> to vector<1x16xf32>
        tpu.vector_store %arg11[%swap3A_718, %swap3A_719], %swap3A_722 {strides = array<i32>} : memref<128x128xf32, #tpu.memory_space<vmem>>, vector<1x16xf32>,
        %get3A_723 = arith.index_cast %add3A_669 : i32 to index
        %get3A_724 = arith.constant 80 : index
        %get3A_725 = tpu.vector_load %arg11[%get3A_723, %get3A_724] {strides = array<i32>} : memref<128x128xf32, #tpu.memory_space<vmem>>, vector<1x16xf32>,
        %get3A_726 = vector.shape_cast %get3A_725 : vector<1x16xf32> to vector<16xf32>
        %mul3A_727 = arith.mulf %get3A_726, %broadcast_in_dim3A_672 : vector<16xf32>
        %swap3A_728 = arith.index_cast %add3A_669 : i32 to index
        %swap3A_729 = arith.constant 80 : index
        %swap3A_730 = tpu.vector_load %arg11[%swap3A_728, %swap3A_729] {strides = array<i32>} : memref<128x128xf32, #tpu.memory_space<vmem>>, vector<1x16xf32>,
        %swap3A_731 = vector.shape_cast %swap3A_730 : vector<1x16xf32> to vector<16xf32>
        %swap3A_732 = vector.shape_cast %mul3A_727 : vector<16xf32> to vector<1x16xf32>
        tpu.vector_store %arg11[%swap3A_728, %swap3A_729], %swap3A_732 {strides = array<i32>} : memref<128x128xf32, #tpu.memory_space<vmem>>, vector<1x16xf32>,
        %get3A_733 = arith.index_cast %add3A_669 : i32 to index
        %get3A_734 = arith.constant 96 : index
        %get3A_735 = tpu.vector_load %arg11[%get3A_733, %get3A_734] {strides = array<i32>} : memref<128x128xf32, #tpu.memory_space<vmem>>, vector<1x16xf32>,
        %get3A_736 = vector.shape_cast %get3A_735 : vector<1x16xf32> to vector<16xf32>
        %mul3A_737 = arith.mulf %get3A_736, %broadcast_in_dim3A_672 : vector<16xf32>
        %swap3A_738 = arith.index_cast %add3A_669 : i32 to index
        %swap3A_739 = arith.constant 96 : index
        %swap3A_740 = tpu.vector_load %arg11[%swap3A_738, %swap3A_739] {strides = array<i32>} : memref<128x128xf32, #tpu.memory_space<vmem>>, vector<1x16xf32>,
        %swap3A_741 = vector.shape_cast %swap3A_740 : vector<1x16xf32> to vector<16xf32>
        %swap3A_742 = vector.shape_cast %mul3A_737 : vector<16xf32> to vector<1x16xf32>
        tpu.vector_store %arg11[%swap3A_738, %swap3A_739], %swap3A_742 {strides = array<i32>} : memref<128x128xf32, #tpu.memory_space<vmem>>, vector<1x16xf32>,
        %get3A_743 = arith.index_cast %add3A_669 : i32 to index
        %get3A_744 = arith.constant 112 : index
        %get3A_745 = tpu.vector_load %arg11[%get3A_743, %get3A_744] {strides = array<i32>} : memref<128x128xf32, #tpu.memory_space<vmem>>, vector<1x16xf32>,
        %get3A_746 = vector.shape_cast %get3A_745 : vector<1x16xf32> to vector<16xf32>
        %mul3A_747 = arith.mulf %get3A_746, %broadcast_in_dim3A_672 : vector<16xf32>
        %swap3A_748 = arith.index_cast %add3A_669 : i32 to index
        %swap3A_749 = arith.constant 112 : index
        %swap3A_750 = tpu.vector_load %arg11[%swap3A_748, %swap3A_749] {strides = array<i32>} : memref<128x128xf32, #tpu.memory_space<vmem>>, vector<1x16xf32>,
        %swap3A_751 = vector.shape_cast %swap3A_750 : vector<1x16xf32> to vector<16xf32>
        %swap3A_752 = vector.shape_cast %mul3A_747 : vector<16xf32> to vector<1x16xf32>
        tpu.vector_store %arg11[%swap3A_748, %swap3A_749], %swap3A_752 {strides = array<i32>} : memref<128x128xf32, #tpu.memory_space<vmem>>, vector<1x16xf32>,
        %mul3A_753 = arith.constant 16 : i32
        %mul3A_754 = arith.muli %scan3A_54, %mul3A_753 : i32
        %add3A_755 = arith.constant 8 : i32
        %add3A_756 = arith.addi %mul3A_754, %add3A_755 : i32
        %slice3A_757 = vector.extract_strided_slice %get3A_60 {offsets = [8], sizes = [1], strides = [1]} : vector<16xf32> to vector<1xf32>
        %squeeze3A_758 = vector.extract %slice3A_757[0] : f32 from vector<1xf32>
        %broadcast_in_dim3A_759 = vector.broadcast %squeeze3A_758 : f32 to vector<16xf32>
        %get3A_760 = arith.index_cast %add3A_756 : i32 to index
        %get3A_761 = arith.constant 0 : index
        %get3A_762 = tpu.vector_load %arg11[%get3A_760, %get3A_761] {strides = array<i32>} : memref<128x128xf32, #tpu.memory_space<vmem>>, vector<1x16xf32>,
        %get3A_763 = vector.shape_cast %get3A_762 : vector<1x16xf32> to vector<16xf32>
        %mul3A_764 = arith.mulf %get3A_763, %broadcast_in_dim3A_759 : vector<16xf32>
        %swap3A_765 = arith.index_cast %add3A_756 : i32 to index
        %swap3A_766 = arith.constant 0 : index
        %swap3A_767 = tpu.vector_load %arg11[%swap3A_765, %swap3A_766] {strides = array<i32>} : memref<128x128xf32, #tpu.memory_space<vmem>>, vector<1x16xf32>,
        %swap3A_768 = vector.shape_cast %swap3A_767 : vector<1x16xf32> to vector<16xf32>
        %swap3A_769 = vector.shape_cast %mul3A_764 : vector<16xf32> to vector<1x16xf32>
        tpu.vector_store %arg11[%swap3A_765, %swap3A_766], %swap3A_769 {strides = array<i32>} : memref<128x128xf32, #tpu.memory_space<vmem>>, vector<1x16xf32>,
        %get3A_770 = arith.index_cast %add3A_756 : i32 to index
        %get3A_771 = arith.constant 16 : index
        %get3A_772 = tpu.vector_load %arg11[%get3A_770, %get3A_771] {strides = array<i32>} : memref<128x128xf32, #tpu.memory_space<vmem>>, vector<1x16xf32>,
        %get3A_773 = vector.shape_cast %get3A_772 : vector<1x16xf32> to vector<16xf32>
        %mul3A_774 = arith.mulf %get3A_773, %broadcast_in_dim3A_759 : vector<16xf32>
        %swap3A_775 = arith.index_cast %add3A_756 : i32 to index
        %swap3A_776 = arith.constant 16 : index
        %swap3A_777 = tpu.vector_load %arg11[%swap3A_775, %swap3A_776] {strides = array<i32>} : memref<128x128xf32, #tpu.memory_space<vmem>>, vector<1x16xf32>,
        %swap3A_778 = vector.shape_cast %swap3A_777 : vector<1x16xf32> to vector<16xf32>
        %swap3A_779 = vector.shape_cast %mul3A_774 : vector<16xf32> to vector<1x16xf32>
        tpu.vector_store %arg11[%swap3A_775, %swap3A_776], %swap3A_779 {strides = array<i32>} : memref<128x128xf32, #tpu.memory_space<vmem>>, vector<1x16xf32>,
        %get3A_780 = arith.index_cast %add3A_756 : i32 to index
        %get3A_781 = arith.constant 32 : index
        %get3A_782 = tpu.vector_load %arg11[%get3A_780, %get3A_781] {strides = array<i32>} : memref<128x128xf32, #tpu.memory_space<vmem>>, vector<1x16xf32>,
        %get3A_783 = vector.shape_cast %get3A_782 : vector<1x16xf32> to vector<16xf32>
        %mul3A_784 = arith.mulf %get3A_783, %broadcast_in_dim3A_759 : vector<16xf32>
        %swap3A_785 = arith.index_cast %add3A_756 : i32 to index
        %swap3A_786 = arith.constant 32 : index
        %swap3A_787 = tpu.vector_load %arg11[%swap3A_785, %swap3A_786] {strides = array<i32>} : memref<128x128xf32, #tpu.memory_space<vmem>>, vector<1x16xf32>,
        %swap3A_788 = vector.shape_cast %swap3A_787 : vector<1x16xf32> to vector<16xf32>
        %swap3A_789 = vector.shape_cast %mul3A_784 : vector<16xf32> to vector<1x16xf32>
        tpu.vector_store %arg11[%swap3A_785, %swap3A_786], %swap3A_789 {strides = array<i32>} : memref<128x128xf32, #tpu.memory_space<vmem>>, vector<1x16xf32>,
        %get3A_790 = arith.index_cast %add3A_756 : i32 to index
        %get3A_791 = arith.constant 48 : index
        %get3A_792 = tpu.vector_load %arg11[%get3A_790, %get3A_791] {strides = array<i32>} : memref<128x128xf32, #tpu.memory_space<vmem>>, vector<1x16xf32>,
        %get3A_793 = vector.shape_cast %get3A_792 : vector<1x16xf32> to vector<16xf32>
        %mul3A_794 = arith.mulf %get3A_793, %broadcast_in_dim3A_759 : vector<16xf32>
        %swap3A_795 = arith.index_cast %add3A_756 : i32 to index
        %swap3A_796 = arith.constant 48 : index
        %swap3A_797 = tpu.vector_load %arg11[%swap3A_795, %swap3A_796] {strides = array<i32>} : memref<128x128xf32, #tpu.memory_space<vmem>>, vector<1x16xf32>,
        %swap3A_798 = vector.shape_cast %swap3A_797 : vector<1x16xf32> to vector<16xf32>
        %swap3A_799 = vector.shape_cast %mul3A_794 : vector<16xf32> to vector<1x16xf32>
        tpu.vector_store %arg11[%swap3A_795, %swap3A_796], %swap3A_799 {strides = array<i32>} : memref<128x128xf32, #tpu.memory_space<vmem>>, vector<1x16xf32>,
        %get3A_800 = arith.index_cast %add3A_756 : i32 to index
        %get3A_801 = arith.constant 64 : index
        %get3A_802 = tpu.vector_load %arg11[%get3A_800, %get3A_801] {strides = array<i32>} : memref<128x128xf32, #tpu.memory_space<vmem>>, vector<1x16xf32>,
        %get3A_803 = vector.shape_cast %get3A_802 : vector<1x16xf32> to vector<16xf32>
        %mul3A_804 = arith.mulf %get3A_803, %broadcast_in_dim3A_759 : vector<16xf32>
        %swap3A_805 = arith.index_cast %add3A_756 : i32 to index
        %swap3A_806 = arith.constant 64 : index
        %swap3A_807 = tpu.vector_load %arg11[%swap3A_805, %swap3A_806] {strides = array<i32>} : memref<128x128xf32, #tpu.memory_space<vmem>>, vector<1x16xf32>,
        %swap3A_808 = vector.shape_cast %swap3A_807 : vector<1x16xf32> to vector<16xf32>
        %swap3A_809 = vector.shape_cast %mul3A_804 : vector<16xf32> to vector<1x16xf32>
        tpu.vector_store %arg11[%swap3A_805, %swap3A_806], %swap3A_809 {strides = array<i32>} : memref<128x128xf32, #tpu.memory_space<vmem>>, vector<1x16xf32>,
        %get3A_810 = arith.index_cast %add3A_756 : i32 to index
        %get3A_811 = arith.constant 80 : index
        %get3A_812 = tpu.vector_load %arg11[%get3A_810, %get3A_811] {strides = array<i32>} : memref<128x128xf32, #tpu.memory_space<vmem>>, vector<1x16xf32>,
        %get3A_813 = vector.shape_cast %get3A_812 : vector<1x16xf32> to vector<16xf32>
        %mul3A_814 = arith.mulf %get3A_813, %broadcast_in_dim3A_759 : vector<16xf32>
        %swap3A_815 = arith.index_cast %add3A_756 : i32 to index
        %swap3A_816 = arith.constant 80 : index
        %swap3A_817 = tpu.vector_load %arg11[%swap3A_815, %swap3A_816] {strides = array<i32>} : memref<128x128xf32, #tpu.memory_space<vmem>>, vector<1x16xf32>,
        %swap3A_818 = vector.shape_cast %swap3A_817 : vector<1x16xf32> to vector<16xf32>
        %swap3A_819 = vector.shape_cast %mul3A_814 : vector<16xf32> to vector<1x16xf32>
        tpu.vector_store %arg11[%swap3A_815, %swap3A_816], %swap3A_819 {strides = array<i32>} : memref<128x128xf32, #tpu.memory_space<vmem>>, vector<1x16xf32>,
        %get3A_820 = arith.index_cast %add3A_756 : i32 to index
        %get3A_821 = arith.constant 96 : index
        %get3A_822 = tpu.vector_load %arg11[%get3A_820, %get3A_821] {strides = array<i32>} : memref<128x128xf32, #tpu.memory_space<vmem>>, vector<1x16xf32>,
        %get3A_823 = vector.shape_cast %get3A_822 : vector<1x16xf32> to vector<16xf32>
        %mul3A_824 = arith.mulf %get3A_823, %broadcast_in_dim3A_759 : vector<16xf32>
        %swap3A_825 = arith.index_cast %add3A_756 : i32 to index
        %swap3A_826 = arith.constant 96 : index
        %swap3A_827 = tpu.vector_load %arg11[%swap3A_825, %swap3A_826] {strides = array<i32>} : memref<128x128xf32, #tpu.memory_space<vmem>>, vector<1x16xf32>,
        %swap3A_828 = vector.shape_cast %swap3A_827 : vector<1x16xf32> to vector<16xf32>
        %swap3A_829 = vector.shape_cast %mul3A_824 : vector<16xf32> to vector<1x16xf32>
        tpu.vector_store %arg11[%swap3A_825, %swap3A_826], %swap3A_829 {strides = array<i32>} : memref<128x128xf32, #tpu.memory_space<vmem>>, vector<1x16xf32>,
        %get3A_830 = arith.index_cast %add3A_756 : i32 to index
        %get3A_831 = arith.constant 112 : index
        %get3A_832 = tpu.vector_load %arg11[%get3A_830, %get3A_831] {strides = array<i32>} : memref<128x128xf32, #tpu.memory_space<vmem>>, vector<1x16xf32>,
        %get3A_833 = vector.shape_cast %get3A_832 : vector<1x16xf32> to vector<16xf32>
        %mul3A_834 = arith.mulf %get3A_833, %broadcast_in_dim3A_759 : vector<16xf32>
        %swap3A_835 = arith.index_cast %add3A_756 : i32 to index
        %swap3A_836 = arith.constant 112 : index
        %swap3A_837 = tpu.vector_load %arg11[%swap3A_835, %swap3A_836] {strides = array<i32>} : memref<128x128xf32, #tpu.memory_space<vmem>>, vector<1x16xf32>,
        %swap3A_838 = vector.shape_cast %swap3A_837 : vector<1x16xf32> to vector<16xf32>
        %swap3A_839 = vector.shape_cast %mul3A_834 : vector<16xf32> to vector<1x16xf32>
        tpu.vector_store %arg11[%swap3A_835, %swap3A_836], %swap3A_839 {strides = array<i32>} : memref<128x128xf32, #tpu.memory_space<vmem>>, vector<1x16xf32>,
        %mul3A_840 = arith.constant 16 : i32
        %mul3A_841 = arith.muli %scan3A_54, %mul3A_840 : i32
        %add3A_842 = arith.constant 9 : i32
        %add3A_843 = arith.addi %mul3A_841, %add3A_842 : i32
        %slice3A_844 = vector.extract_strided_slice %get3A_60 {offsets = [9], sizes = [1], strides = [1]} : vector<16xf32> to vector<1xf32>
        %squeeze3A_845 = vector.extract %slice3A_844[0] : f32 from vector<1xf32>
        %broadcast_in_dim3A_846 = vector.broadcast %squeeze3A_845 : f32 to vector<16xf32>
        %get3A_847 = arith.index_cast %add3A_843 : i32 to index
        %get3A_848 = arith.constant 0 : index
        %get3A_849 = tpu.vector_load %arg11[%get3A_847, %get3A_848] {strides = array<i32>} : memref<128x128xf32, #tpu.memory_space<vmem>>, vector<1x16xf32>,
        %get3A_850 = vector.shape_cast %get3A_849 : vector<1x16xf32> to vector<16xf32>
        %mul3A_851 = arith.mulf %get3A_850, %broadcast_in_dim3A_846 : vector<16xf32>
        %swap3A_852 = arith.index_cast %add3A_843 : i32 to index
        %swap3A_853 = arith.constant 0 : index
        %swap3A_854 = tpu.vector_load %arg11[%swap3A_852, %swap3A_853] {strides = array<i32>} : memref<128x128xf32, #tpu.memory_space<vmem>>, vector<1x16xf32>,
        %swap3A_855 = vector.shape_cast %swap3A_854 : vector<1x16xf32> to vector<16xf32>
        %swap3A_856 = vector.shape_cast %mul3A_851 : vector<16xf32> to vector<1x16xf32>
        tpu.vector_store %arg11[%swap3A_852, %swap3A_853], %swap3A_856 {strides = array<i32>} : memref<128x128xf32, #tpu.memory_space<vmem>>, vector<1x16xf32>,
        %get3A_857 = arith.index_cast %add3A_843 : i32 to index
        %get3A_858 = arith.constant 16 : index
        %get3A_859 = tpu.vector_load %arg11[%get3A_857, %get3A_858] {strides = array<i32>} : memref<128x128xf32, #tpu.memory_space<vmem>>, vector<1x16xf32>,
        %get3A_860 = vector.shape_cast %get3A_859 : vector<1x16xf32> to vector<16xf32>
        %mul3A_861 = arith.mulf %get3A_860, %broadcast_in_dim3A_846 : vector<16xf32>
        %swap3A_862 = arith.index_cast %add3A_843 : i32 to index
        %swap3A_863 = arith.constant 16 : index
        %swap3A_864 = tpu.vector_load %arg11[%swap3A_862, %swap3A_863] {strides = array<i32>} : memref<128x128xf32, #tpu.memory_space<vmem>>, vector<1x16xf32>,
        %swap3A_865 = vector.shape_cast %swap3A_864 : vector<1x16xf32> to vector<16xf32>
        %swap3A_866 = vector.shape_cast %mul3A_861 : vector<16xf32> to vector<1x16xf32>
        tpu.vector_store %arg11[%swap3A_862, %swap3A_863], %swap3A_866 {strides = array<i32>} : memref<128x128xf32, #tpu.memory_space<vmem>>, vector<1x16xf32>,
        %get3A_867 = arith.index_cast %add3A_843 : i32 to index
        %get3A_868 = arith.constant 32 : index
        %get3A_869 = tpu.vector_load %arg11[%get3A_867, %get3A_868] {strides = array<i32>} : memref<128x128xf32, #tpu.memory_space<vmem>>, vector<1x16xf32>,
        %get3A_870 = vector.shape_cast %get3A_869 : vector<1x16xf32> to vector<16xf32>
        %mul3A_871 = arith.mulf %get3A_870, %broadcast_in_dim3A_846 : vector<16xf32>
        %swap3A_872 = arith.index_cast %add3A_843 : i32 to index
        %swap3A_873 = arith.constant 32 : index
        %swap3A_874 = tpu.vector_load %arg11[%swap3A_872, %swap3A_873] {strides = array<i32>} : memref<128x128xf32, #tpu.memory_space<vmem>>, vector<1x16xf32>,
        %swap3A_875 = vector.shape_cast %swap3A_874 : vector<1x16xf32> to vector<16xf32>
        %swap3A_876 = vector.shape_cast %mul3A_871 : vector<16xf32> to vector<1x16xf32>
        tpu.vector_store %arg11[%swap3A_872, %swap3A_873], %swap3A_876 {strides = array<i32>} : memref<128x128xf32, #tpu.memory_space<vmem>>, vector<1x16xf32>,
        %get3A_877 = arith.index_cast %add3A_843 : i32 to index
        %get3A_878 = arith.constant 48 : index
        %get3A_879 = tpu.vector_load %arg11[%get3A_877, %get3A_878] {strides = array<i32>} : memref<128x128xf32, #tpu.memory_space<vmem>>, vector<1x16xf32>,
        %get3A_880 = vector.shape_cast %get3A_879 : vector<1x16xf32> to vector<16xf32>
        %mul3A_881 = arith.mulf %get3A_880, %broadcast_in_dim3A_846 : vector<16xf32>
        %swap3A_882 = arith.index_cast %add3A_843 : i32 to index
        %swap3A_883 = arith.constant 48 : index
        %swap3A_884 = tpu.vector_load %arg11[%swap3A_882, %swap3A_883] {strides = array<i32>} : memref<128x128xf32, #tpu.memory_space<vmem>>, vector<1x16xf32>,
        %swap3A_885 = vector.shape_cast %swap3A_884 : vector<1x16xf32> to vector<16xf32>
        %swap3A_886 = vector.shape_cast %mul3A_881 : vector<16xf32> to vector<1x16xf32>
        tpu.vector_store %arg11[%swap3A_882, %swap3A_883], %swap3A_886 {strides = array<i32>} : memref<128x128xf32, #tpu.memory_space<vmem>>, vector<1x16xf32>,
        %get3A_887 = arith.index_cast %add3A_843 : i32 to index
        %get3A_888 = arith.constant 64 : index
        %get3A_889 = tpu.vector_load %arg11[%get3A_887, %get3A_888] {strides = array<i32>} : memref<128x128xf32, #tpu.memory_space<vmem>>, vector<1x16xf32>,
        %get3A_890 = vector.shape_cast %get3A_889 : vector<1x16xf32> to vector<16xf32>
        %mul3A_891 = arith.mulf %get3A_890, %broadcast_in_dim3A_846 : vector<16xf32>
        %swap3A_892 = arith.index_cast %add3A_843 : i32 to index
        %swap3A_893 = arith.constant 64 : index
        %swap3A_894 = tpu.vector_load %arg11[%swap3A_892, %swap3A_893] {strides = array<i32>} : memref<128x128xf32, #tpu.memory_space<vmem>>, vector<1x16xf32>,
        %swap3A_895 = vector.shape_cast %swap3A_894 : vector<1x16xf32> to vector<16xf32>
        %swap3A_896 = vector.shape_cast %mul3A_891 : vector<16xf32> to vector<1x16xf32>
        tpu.vector_store %arg11[%swap3A_892, %swap3A_893], %swap3A_896 {strides = array<i32>} : memref<128x128xf32, #tpu.memory_space<vmem>>, vector<1x16xf32>,
        %get3A_897 = arith.index_cast %add3A_843 : i32 to index
        %get3A_898 = arith.constant 80 : index
        %get3A_899 = tpu.vector_load %arg11[%get3A_897, %get3A_898] {strides = array<i32>} : memref<128x128xf32, #tpu.memory_space<vmem>>, vector<1x16xf32>,
        %get3A_900 = vector.shape_cast %get3A_899 : vector<1x16xf32> to vector<16xf32>
        %mul3A_901 = arith.mulf %get3A_900, %broadcast_in_dim3A_846 : vector<16xf32>
        %swap3A_902 = arith.index_cast %add3A_843 : i32 to index
        %swap3A_903 = arith.constant 80 : index
        %swap3A_904 = tpu.vector_load %arg11[%swap3A_902, %swap3A_903] {strides = array<i32>} : memref<128x128xf32, #tpu.memory_space<vmem>>, vector<1x16xf32>,
        %swap3A_905 = vector.shape_cast %swap3A_904 : vector<1x16xf32> to vector<16xf32>
        %swap3A_906 = vector.shape_cast %mul3A_901 : vector<16xf32> to vector<1x16xf32>
        tpu.vector_store %arg11[%swap3A_902, %swap3A_903], %swap3A_906 {strides = array<i32>} : memref<128x128xf32, #tpu.memory_space<vmem>>, vector<1x16xf32>,
        %get3A_907 = arith.index_cast %add3A_843 : i32 to index
        %get3A_908 = arith.constant 96 : index
        %get3A_909 = tpu.vector_load %arg11[%get3A_907, %get3A_908] {strides = array<i32>} : memref<128x128xf32, #tpu.memory_space<vmem>>, vector<1x16xf32>,
        %get3A_910 = vector.shape_cast %get3A_909 : vector<1x16xf32> to vector<16xf32>
        %mul3A_911 = arith.mulf %get3A_910, %broadcast_in_dim3A_846 : vector<16xf32>
        %swap3A_912 = arith.index_cast %add3A_843 : i32 to index
        %swap3A_913 = arith.constant 96 : index
        %swap3A_914 = tpu.vector_load %arg11[%swap3A_912, %swap3A_913] {strides = array<i32>} : memref<128x128xf32, #tpu.memory_space<vmem>>, vector<1x16xf32>,
        %swap3A_915 = vector.shape_cast %swap3A_914 : vector<1x16xf32> to vector<16xf32>
        %swap3A_916 = vector.shape_cast %mul3A_911 : vector<16xf32> to vector<1x16xf32>
        tpu.vector_store %arg11[%swap3A_912, %swap3A_913], %swap3A_916 {strides = array<i32>} : memref<128x128xf32, #tpu.memory_space<vmem>>, vector<1x16xf32>,
        %get3A_917 = arith.index_cast %add3A_843 : i32 to index
        %get3A_918 = arith.constant 112 : index
        %get3A_919 = tpu.vector_load %arg11[%get3A_917, %get3A_918] {strides = array<i32>} : memref<128x128xf32, #tpu.memory_space<vmem>>, vector<1x16xf32>,
        %get3A_920 = vector.shape_cast %get3A_919 : vector<1x16xf32> to vector<16xf32>
        %mul3A_921 = arith.mulf %get3A_920, %broadcast_in_dim3A_846 : vector<16xf32>
        %swap3A_922 = arith.index_cast %add3A_843 : i32 to index
        %swap3A_923 = arith.constant 112 : index
        %swap3A_924 = tpu.vector_load %arg11[%swap3A_922, %swap3A_923] {strides = array<i32>} : memref<128x128xf32, #tpu.memory_space<vmem>>, vector<1x16xf32>,
        %swap3A_925 = vector.shape_cast %swap3A_924 : vector<1x16xf32> to vector<16xf32>
        %swap3A_926 = vector.shape_cast %mul3A_921 : vector<16xf32> to vector<1x16xf32>
        tpu.vector_store %arg11[%swap3A_922, %swap3A_923], %swap3A_926 {strides = array<i32>} : memref<128x128xf32, #tpu.memory_space<vmem>>, vector<1x16xf32>,
        %mul3A_927 = arith.constant 16 : i32
        %mul3A_928 = arith.muli %scan3A_54, %mul3A_927 : i32
        %add3A_929 = arith.constant 10 : i32
        %add3A_930 = arith.addi %mul3A_928, %add3A_929 : i32
        %slice3A_931 = vector.extract_strided_slice %get3A_60 {offsets = [10], sizes = [1], strides = [1]} : vector<16xf32> to vector<1xf32>
        %squeeze3A_932 = vector.extract %slice3A_931[0] : f32 from vector<1xf32>
        %broadcast_in_dim3A_933 = vector.broadcast %squeeze3A_932 : f32 to vector<16xf32>
        %get3A_934 = arith.index_cast %add3A_930 : i32 to index
        %get3A_935 = arith.constant 0 : index
        %get3A_936 = tpu.vector_load %arg11[%get3A_934, %get3A_935] {strides = array<i32>} : memref<128x128xf32, #tpu.memory_space<vmem>>, vector<1x16xf32>,
        %get3A_937 = vector.shape_cast %get3A_936 : vector<1x16xf32> to vector<16xf32>
        %mul3A_938 = arith.mulf %get3A_937, %broadcast_in_dim3A_933 : vector<16xf32>
        %swap3A_939 = arith.index_cast %add3A_930 : i32 to index
        %swap3A_940 = arith.constant 0 : index
        %swap3A_941 = tpu.vector_load %arg11[%swap3A_939, %swap3A_940] {strides = array<i32>} : memref<128x128xf32, #tpu.memory_space<vmem>>, vector<1x16xf32>,
        %swap3A_942 = vector.shape_cast %swap3A_941 : vector<1x16xf32> to vector<16xf32>
        %swap3A_943 = vector.shape_cast %mul3A_938 : vector<16xf32> to vector<1x16xf32>
        tpu.vector_store %arg11[%swap3A_939, %swap3A_940], %swap3A_943 {strides = array<i32>} : memref<128x128xf32, #tpu.memory_space<vmem>>, vector<1x16xf32>,
        %get3A_944 = arith.index_cast %add3A_930 : i32 to index
        %get3A_945 = arith.constant 16 : index
        %get3A_946 = tpu.vector_load %arg11[%get3A_944, %get3A_945] {strides = array<i32>} : memref<128x128xf32, #tpu.memory_space<vmem>>, vector<1x16xf32>,
        %get3A_947 = vector.shape_cast %get3A_946 : vector<1x16xf32> to vector<16xf32>
        %mul3A_948 = arith.mulf %get3A_947, %broadcast_in_dim3A_933 : vector<16xf32>
        %swap3A_949 = arith.index_cast %add3A_930 : i32 to index
        %swap3A_950 = arith.constant 16 : index
        %swap3A_951 = tpu.vector_load %arg11[%swap3A_949, %swap3A_950] {strides = array<i32>} : memref<128x128xf32, #tpu.memory_space<vmem>>, vector<1x16xf32>,
        %swap3A_952 = vector.shape_cast %swap3A_951 : vector<1x16xf32> to vector<16xf32>
        %swap3A_953 = vector.shape_cast %mul3A_948 : vector<16xf32> to vector<1x16xf32>
        tpu.vector_store %arg11[%swap3A_949, %swap3A_950], %swap3A_953 {strides = array<i32>} : memref<128x128xf32, #tpu.memory_space<vmem>>, vector<1x16xf32>,
        %get3A_954 = arith.index_cast %add3A_930 : i32 to index
        %get3A_955 = arith.constant 32 : index
        %get3A_956 = tpu.vector_load %arg11[%get3A_954, %get3A_955] {strides = array<i32>} : memref<128x128xf32, #tpu.memory_space<vmem>>, vector<1x16xf32>,
        %get3A_957 = vector.shape_cast %get3A_956 : vector<1x16xf32> to vector<16xf32>
        %mul3A_958 = arith.mulf %get3A_957, %broadcast_in_dim3A_933 : vector<16xf32>
        %swap3A_959 = arith.index_cast %add3A_930 : i32 to index
        %swap3A_960 = arith.constant 32 : index
        %swap3A_961 = tpu.vector_load %arg11[%swap3A_959, %swap3A_960] {strides = array<i32>} : memref<128x128xf32, #tpu.memory_space<vmem>>, vector<1x16xf32>,
        %swap3A_962 = vector.shape_cast %swap3A_961 : vector<1x16xf32> to vector<16xf32>
        %swap3A_963 = vector.shape_cast %mul3A_958 : vector<16xf32> to vector<1x16xf32>
        tpu.vector_store %arg11[%swap3A_959, %swap3A_960], %swap3A_963 {strides = array<i32>} : memref<128x128xf32, #tpu.memory_space<vmem>>, vector<1x16xf32>,
        %get3A_964 = arith.index_cast %add3A_930 : i32 to index
        %get3A_965 = arith.constant 48 : index
        %get3A_966 = tpu.vector_load %arg11[%get3A_964, %get3A_965] {strides = array<i32>} : memref<128x128xf32, #tpu.memory_space<vmem>>, vector<1x16xf32>,
        %get3A_967 = vector.shape_cast %get3A_966 : vector<1x16xf32> to vector<16xf32>
        %mul3A_968 = arith.mulf %get3A_967, %broadcast_in_dim3A_933 : vector<16xf32>
        %swap3A_969 = arith.index_cast %add3A_930 : i32 to index
        %swap3A_970 = arith.constant 48 : index
        %swap3A_971 = tpu.vector_load %arg11[%swap3A_969, %swap3A_970] {strides = array<i32>} : memref<128x128xf32, #tpu.memory_space<vmem>>, vector<1x16xf32>,
        %swap3A_972 = vector.shape_cast %swap3A_971 : vector<1x16xf32> to vector<16xf32>
        %swap3A_973 = vector.shape_cast %mul3A_968 : vector<16xf32> to vector<1x16xf32>
        tpu.vector_store %arg11[%swap3A_969, %swap3A_970], %swap3A_973 {strides = array<i32>} : memref<128x128xf32, #tpu.memory_space<vmem>>, vector<1x16xf32>,
        %get3A_974 = arith.index_cast %add3A_930 : i32 to index
        %get3A_975 = arith.constant 64 : index
        %get3A_976 = tpu.vector_load %arg11[%get3A_974, %get3A_975] {strides = array<i32>} : memref<128x128xf32, #tpu.memory_space<vmem>>, vector<1x16xf32>,
        %get3A_977 = vector.shape_cast %get3A_976 : vector<1x16xf32> to vector<16xf32>
        %mul3A_978 = arith.mulf %get3A_977, %broadcast_in_dim3A_933 : vector<16xf32>
        %swap3A_979 = arith.index_cast %add3A_930 : i32 to index
        %swap3A_980 = arith.constant 64 : index
        %swap3A_981 = tpu.vector_load %arg11[%swap3A_979, %swap3A_980] {strides = array<i32>} : memref<128x128xf32, #tpu.memory_space<vmem>>, vector<1x16xf32>,
        %swap3A_982 = vector.shape_cast %swap3A_981 : vector<1x16xf32> to vector<16xf32>
        %swap3A_983 = vector.shape_cast %mul3A_978 : vector<16xf32> to vector<1x16xf32>
        tpu.vector_store %arg11[%swap3A_979, %swap3A_980], %swap3A_983 {strides = array<i32>} : memref<128x128xf32, #tpu.memory_space<vmem>>, vector<1x16xf32>,
        %get3A_984 = arith.index_cast %add3A_930 : i32 to index
        %get3A_985 = arith.constant 80 : index
        %get3A_986 = tpu.vector_load %arg11[%get3A_984, %get3A_985] {strides = array<i32>} : memref<128x128xf32, #tpu.memory_space<vmem>>, vector<1x16xf32>,
        %get3A_987 = vector.shape_cast %get3A_986 : vector<1x16xf32> to vector<16xf32>
        %mul3A_988 = arith.mulf %get3A_987, %broadcast_in_dim3A_933 : vector<16xf32>
        %swap3A_989 = arith.index_cast %add3A_930 : i32 to index
        %swap3A_990 = arith.constant 80 : index
        %swap3A_991 = tpu.vector_load %arg11[%swap3A_989, %swap3A_990] {strides = array<i32>} : memref<128x128xf32, #tpu.memory_space<vmem>>, vector<1x16xf32>,
        %swap3A_992 = vector.shape_cast %swap3A_991 : vector<1x16xf32> to vector<16xf32>
        %swap3A_993 = vector.shape_cast %mul3A_988 : vector<16xf32> to vector<1x16xf32>
        tpu.vector_store %arg11[%swap3A_989, %swap3A_990], %swap3A_993 {strides = array<i32>} : memref<128x128xf32, #tpu.memory_space<vmem>>, vector<1x16xf32>,
        %get3A_994 = arith.index_cast %add3A_930 : i32 to index
        %get3A_995 = arith.constant 96 : index
        %get3A_996 = tpu.vector_load %arg11[%get3A_994, %get3A_995] {strides = array<i32>} : memref<128x128xf32, #tpu.memory_space<vmem>>, vector<1x16xf32>,
        %get3A_997 = vector.shape_cast %get3A_996 : vector<1x16xf32> to vector<16xf32>
        %mul3A_998 = arith.mulf %get3A_997, %broadcast_in_dim3A_933 : vector<16xf32>
        %swap3A_999 = arith.index_cast %add3A_930 : i32 to index
        %swap3A_1000 = arith.constant 96 : index
        %swap3A_1001 = tpu.vector_load %arg11[%swap3A_999, %swap3A_1000] {strides = array<i32>} : memref<128x128xf32, #tpu.memory_space<vmem>>, vector<1x16xf32>,
        %swap3A_1002 = vector.shape_cast %swap3A_1001 : vector<1x16xf32> to vector<16xf32>
        %swap3A_1003 = vector.shape_cast %mul3A_998 : vector<16xf32> to vector<1x16xf32>
        tpu.vector_store %arg11[%swap3A_999, %swap3A_1000], %swap3A_1003 {strides = array<i32>} : memref<128x128xf32, #tpu.memory_space<vmem>>, vector<1x16xf32>,
        %get3A_1004 = arith.index_cast %add3A_930 : i32 to index
        %get3A_1005 = arith.constant 112 : index
        %get3A_1006 = tpu.vector_load %arg11[%get3A_1004, %get3A_1005] {strides = array<i32>} : memref<128x128xf32, #tpu.memory_space<vmem>>, vector<1x16xf32>,
        %get3A_1007 = vector.shape_cast %get3A_1006 : vector<1x16xf32> to vector<16xf32>
        %mul3A_1008 = arith.mulf %get3A_1007, %broadcast_in_dim3A_933 : vector<16xf32>
        %swap3A_1009 = arith.index_cast %add3A_930 : i32 to index
        %swap3A_1010 = arith.constant 112 : index
        %swap3A_1011 = tpu.vector_load %arg11[%swap3A_1009, %swap3A_1010] {strides = array<i32>} : memref<128x128xf32, #tpu.memory_space<vmem>>, vector<1x16xf32>,
        %swap3A_1012 = vector.shape_cast %swap3A_1011 : vector<1x16xf32> to vector<16xf32>
        %swap3A_1013 = vector.shape_cast %mul3A_1008 : vector<16xf32> to vector<1x16xf32>
        tpu.vector_store %arg11[%swap3A_1009, %swap3A_1010], %swap3A_1013 {strides = array<i32>} : memref<128x128xf32, #tpu.memory_space<vmem>>, vector<1x16xf32>,
        %mul3A_1014 = arith.constant 16 : i32
        %mul3A_1015 = arith.muli %scan3A_54, %mul3A_1014 : i32
        %add3A_1016 = arith.constant 11 : i32
        %add3A_1017 = arith.addi %mul3A_1015, %add3A_1016 : i32
        %slice3A_1018 = vector.extract_strided_slice %get3A_60 {offsets = [11], sizes = [1], strides = [1]} : vector<16xf32> to vector<1xf32>
        %squeeze3A_1019 = vector.extract %slice3A_1018[0] : f32 from vector<1xf32>
        %broadcast_in_dim3A_1020 = vector.broadcast %squeeze3A_1019 : f32 to vector<16xf32>
        %get3A_1021 = arith.index_cast %add3A_1017 : i32 to index
        %get3A_1022 = arith.constant 0 : index
        %get3A_1023 = tpu.vector_load %arg11[%get3A_1021, %get3A_1022] {strides = array<i32>} : memref<128x128xf32, #tpu.memory_space<vmem>>, vector<1x16xf32>,
        %get3A_1024 = vector.shape_cast %get3A_1023 : vector<1x16xf32> to vector<16xf32>
        %mul3A_1025 = arith.mulf %get3A_1024, %broadcast_in_dim3A_1020 : vector<16xf32>
        %swap3A_1026 = arith.index_cast %add3A_1017 : i32 to index
        %swap3A_1027 = arith.constant 0 : index
        %swap3A_1028 = tpu.vector_load %arg11[%swap3A_1026, %swap3A_1027] {strides = array<i32>} : memref<128x128xf32, #tpu.memory_space<vmem>>, vector<1x16xf32>,
        %swap3A_1029 = vector.shape_cast %swap3A_1028 : vector<1x16xf32> to vector<16xf32>
        %swap3A_1030 = vector.shape_cast %mul3A_1025 : vector<16xf32> to vector<1x16xf32>
        tpu.vector_store %arg11[%swap3A_1026, %swap3A_1027], %swap3A_1030 {strides = array<i32>} : memref<128x128xf32, #tpu.memory_space<vmem>>, vector<1x16xf32>,
        %get3A_1031 = arith.index_cast %add3A_1017 : i32 to index
        %get3A_1032 = arith.constant 16 : index
        %get3A_1033 = tpu.vector_load %arg11[%get3A_1031, %get3A_1032] {strides = array<i32>} : memref<128x128xf32, #tpu.memory_space<vmem>>, vector<1x16xf32>,
        %get3A_1034 = vector.shape_cast %get3A_1033 : vector<1x16xf32> to vector<16xf32>
        %mul3A_1035 = arith.mulf %get3A_1034, %broadcast_in_dim3A_1020 : vector<16xf32>
        %swap3A_1036 = arith.index_cast %add3A_1017 : i32 to index
        %swap3A_1037 = arith.constant 16 : index
        %swap3A_1038 = tpu.vector_load %arg11[%swap3A_1036, %swap3A_1037] {strides = array<i32>} : memref<128x128xf32, #tpu.memory_space<vmem>>, vector<1x16xf32>,
        %swap3A_1039 = vector.shape_cast %swap3A_1038 : vector<1x16xf32> to vector<16xf32>
        %swap3A_1040 = vector.shape_cast %mul3A_1035 : vector<16xf32> to vector<1x16xf32>
        tpu.vector_store %arg11[%swap3A_1036, %swap3A_1037], %swap3A_1040 {strides = array<i32>} : memref<128x128xf32, #tpu.memory_space<vmem>>, vector<1x16xf32>,
        %get3A_1041 = arith.index_cast %add3A_1017 : i32 to index
        %get3A_1042 = arith.constant 32 : index
        %get3A_1043 = tpu.vector_load %arg11[%get3A_1041, %get3A_1042] {strides = array<i32>} : memref<128x128xf32, #tpu.memory_space<vmem>>, vector<1x16xf32>,
        %get3A_1044 = vector.shape_cast %get3A_1043 : vector<1x16xf32> to vector<16xf32>
        %mul3A_1045 = arith.mulf %get3A_1044, %broadcast_in_dim3A_1020 : vector<16xf32>
        %swap3A_1046 = arith.index_cast %add3A_1017 : i32 to index
        %swap3A_1047 = arith.constant 32 : index
        %swap3A_1048 = tpu.vector_load %arg11[%swap3A_1046, %swap3A_1047] {strides = array<i32>} : memref<128x128xf32, #tpu.memory_space<vmem>>, vector<1x16xf32>,
        %swap3A_1049 = vector.shape_cast %swap3A_1048 : vector<1x16xf32> to vector<16xf32>
        %swap3A_1050 = vector.shape_cast %mul3A_1045 : vector<16xf32> to vector<1x16xf32>
        tpu.vector_store %arg11[%swap3A_1046, %swap3A_1047], %swap3A_1050 {strides = array<i32>} : memref<128x128xf32, #tpu.memory_space<vmem>>, vector<1x16xf32>,
        %get3A_1051 = arith.index_cast %add3A_1017 : i32 to index
        %get3A_1052 = arith.constant 48 : index
        %get3A_1053 = tpu.vector_load %arg11[%get3A_1051, %get3A_1052] {strides = array<i32>} : memref<128x128xf32, #tpu.memory_space<vmem>>, vector<1x16xf32>,
        %get3A_1054 = vector.shape_cast %get3A_1053 : vector<1x16xf32> to vector<16xf32>
        %mul3A_1055 = arith.mulf %get3A_1054, %broadcast_in_dim3A_1020 : vector<16xf32>
        %swap3A_1056 = arith.index_cast %add3A_1017 : i32 to index
        %swap3A_1057 = arith.constant 48 : index
        %swap3A_1058 = tpu.vector_load %arg11[%swap3A_1056, %swap3A_1057] {strides = array<i32>} : memref<128x128xf32, #tpu.memory_space<vmem>>, vector<1x16xf32>,
        %swap3A_1059 = vector.shape_cast %swap3A_1058 : vector<1x16xf32> to vector<16xf32>
        %swap3A_1060 = vector.shape_cast %mul3A_1055 : vector<16xf32> to vector<1x16xf32>
        tpu.vector_store %arg11[%swap3A_1056, %swap3A_1057], %swap3A_1060 {strides = array<i32>} : memref<128x128xf32, #tpu.memory_space<vmem>>, vector<1x16xf32>,
        %get3A_1061 = arith.index_cast %add3A_1017 : i32 to index
        %get3A_1062 = arith.constant 64 : index
        %get3A_1063 = tpu.vector_load %arg11[%get3A_1061, %get3A_1062] {strides = array<i32>} : memref<128x128xf32, #tpu.memory_space<vmem>>, vector<1x16xf32>,
        %get3A_1064 = vector.shape_cast %get3A_1063 : vector<1x16xf32> to vector<16xf32>
        %mul3A_1065 = arith.mulf %get3A_1064, %broadcast_in_dim3A_1020 : vector<16xf32>
        %swap3A_1066 = arith.index_cast %add3A_1017 : i32 to index
        %swap3A_1067 = arith.constant 64 : index
        %swap3A_1068 = tpu.vector_load %arg11[%swap3A_1066, %swap3A_1067] {strides = array<i32>} : memref<128x128xf32, #tpu.memory_space<vmem>>, vector<1x16xf32>,
        %swap3A_1069 = vector.shape_cast %swap3A_1068 : vector<1x16xf32> to vector<16xf32>
        %swap3A_1070 = vector.shape_cast %mul3A_1065 : vector<16xf32> to vector<1x16xf32>
        tpu.vector_store %arg11[%swap3A_1066, %swap3A_1067], %swap3A_1070 {strides = array<i32>} : memref<128x128xf32, #tpu.memory_space<vmem>>, vector<1x16xf32>,
        %get3A_1071 = arith.index_cast %add3A_1017 : i32 to index
        %get3A_1072 = arith.constant 80 : index
        %get3A_1073 = tpu.vector_load %arg11[%get3A_1071, %get3A_1072] {strides = array<i32>} : memref<128x128xf32, #tpu.memory_space<vmem>>, vector<1x16xf32>,
        %get3A_1074 = vector.shape_cast %get3A_1073 : vector<1x16xf32> to vector<16xf32>
        %mul3A_1075 = arith.mulf %get3A_1074, %broadcast_in_dim3A_1020 : vector<16xf32>
        %swap3A_1076 = arith.index_cast %add3A_1017 : i32 to index
        %swap3A_1077 = arith.constant 80 : index
        %swap3A_1078 = tpu.vector_load %arg11[%swap3A_1076, %swap3A_1077] {strides = array<i32>} : memref<128x128xf32, #tpu.memory_space<vmem>>, vector<1x16xf32>,
        %swap3A_1079 = vector.shape_cast %swap3A_1078 : vector<1x16xf32> to vector<16xf32>
        %swap3A_1080 = vector.shape_cast %mul3A_1075 : vector<16xf32> to vector<1x16xf32>
        tpu.vector_store %arg11[%swap3A_1076, %swap3A_1077], %swap3A_1080 {strides = array<i32>} : memref<128x128xf32, #tpu.memory_space<vmem>>, vector<1x16xf32>,
        %get3A_1081 = arith.index_cast %add3A_1017 : i32 to index
        %get3A_1082 = arith.constant 96 : index
        %get3A_1083 = tpu.vector_load %arg11[%get3A_1081, %get3A_1082] {strides = array<i32>} : memref<128x128xf32, #tpu.memory_space<vmem>>, vector<1x16xf32>,
        %get3A_1084 = vector.shape_cast %get3A_1083 : vector<1x16xf32> to vector<16xf32>
        %mul3A_1085 = arith.mulf %get3A_1084, %broadcast_in_dim3A_1020 : vector<16xf32>
        %swap3A_1086 = arith.index_cast %add3A_1017 : i32 to index
        %swap3A_1087 = arith.constant 96 : index
        %swap3A_1088 = tpu.vector_load %arg11[%swap3A_1086, %swap3A_1087] {strides = array<i32>} : memref<128x128xf32, #tpu.memory_space<vmem>>, vector<1x16xf32>,
        %swap3A_1089 = vector.shape_cast %swap3A_1088 : vector<1x16xf32> to vector<16xf32>
        %swap3A_1090 = vector.shape_cast %mul3A_1085 : vector<16xf32> to vector<1x16xf32>
        tpu.vector_store %arg11[%swap3A_1086, %swap3A_1087], %swap3A_1090 {strides = array<i32>} : memref<128x128xf32, #tpu.memory_space<vmem>>, vector<1x16xf32>,
        %get3A_1091 = arith.index_cast %add3A_1017 : i32 to index
        %get3A_1092 = arith.constant 112 : index
        %get3A_1093 = tpu.vector_load %arg11[%get3A_1091, %get3A_1092] {strides = array<i32>} : memref<128x128xf32, #tpu.memory_space<vmem>>, vector<1x16xf32>,
        %get3A_1094 = vector.shape_cast %get3A_1093 : vector<1x16xf32> to vector<16xf32>
        %mul3A_1095 = arith.mulf %get3A_1094, %broadcast_in_dim3A_1020 : vector<16xf32>
        %swap3A_1096 = arith.index_cast %add3A_1017 : i32 to index
        %swap3A_1097 = arith.constant 112 : index
        %swap3A_1098 = tpu.vector_load %arg11[%swap3A_1096, %swap3A_1097] {strides = array<i32>} : memref<128x128xf32, #tpu.memory_space<vmem>>, vector<1x16xf32>,
        %swap3A_1099 = vector.shape_cast %swap3A_1098 : vector<1x16xf32> to vector<16xf32>
        %swap3A_1100 = vector.shape_cast %mul3A_1095 : vector<16xf32> to vector<1x16xf32>
        tpu.vector_store %arg11[%swap3A_1096, %swap3A_1097], %swap3A_1100 {strides = array<i32>} : memref<128x128xf32, #tpu.memory_space<vmem>>, vector<1x16xf32>,
        %mul3A_1101 = arith.constant 16 : i32
        %mul3A_1102 = arith.muli %scan3A_54, %mul3A_1101 : i32
        %add3A_1103 = arith.constant 12 : i32
        %add3A_1104 = arith.addi %mul3A_1102, %add3A_1103 : i32
        %slice3A_1105 = vector.extract_strided_slice %get3A_60 {offsets = [12], sizes = [1], strides = [1]} : vector<16xf32> to vector<1xf32>
        %squeeze3A_1106 = vector.extract %slice3A_1105[0] : f32 from vector<1xf32>
        %broadcast_in_dim3A_1107 = vector.broadcast %squeeze3A_1106 : f32 to vector<16xf32>
        %get3A_1108 = arith.index_cast %add3A_1104 : i32 to index
        %get3A_1109 = arith.constant 0 : index
        %get3A_1110 = tpu.vector_load %arg11[%get3A_1108, %get3A_1109] {strides = array<i32>} : memref<128x128xf32, #tpu.memory_space<vmem>>, vector<1x16xf32>,
        %get3A_1111 = vector.shape_cast %get3A_1110 : vector<1x16xf32> to vector<16xf32>
        %mul3A_1112 = arith.mulf %get3A_1111, %broadcast_in_dim3A_1107 : vector<16xf32>
        %swap3A_1113 = arith.index_cast %add3A_1104 : i32 to index
        %swap3A_1114 = arith.constant 0 : index
        %swap3A_1115 = tpu.vector_load %arg11[%swap3A_1113, %swap3A_1114] {strides = array<i32>} : memref<128x128xf32, #tpu.memory_space<vmem>>, vector<1x16xf32>,
        %swap3A_1116 = vector.shape_cast %swap3A_1115 : vector<1x16xf32> to vector<16xf32>
        %swap3A_1117 = vector.shape_cast %mul3A_1112 : vector<16xf32> to vector<1x16xf32>
        tpu.vector_store %arg11[%swap3A_1113, %swap3A_1114], %swap3A_1117 {strides = array<i32>} : memref<128x128xf32, #tpu.memory_space<vmem>>, vector<1x16xf32>,
        %get3A_1118 = arith.index_cast %add3A_1104 : i32 to index
        %get3A_1119 = arith.constant 16 : index
        %get3A_1120 = tpu.vector_load %arg11[%get3A_1118, %get3A_1119] {strides = array<i32>} : memref<128x128xf32, #tpu.memory_space<vmem>>, vector<1x16xf32>,
        %get3A_1121 = vector.shape_cast %get3A_1120 : vector<1x16xf32> to vector<16xf32>
        %mul3A_1122 = arith.mulf %get3A_1121, %broadcast_in_dim3A_1107 : vector<16xf32>
        %swap3A_1123 = arith.index_cast %add3A_1104 : i32 to index
        %swap3A_1124 = arith.constant 16 : index
        %swap3A_1125 = tpu.vector_load %arg11[%swap3A_1123, %swap3A_1124] {strides = array<i32>} : memref<128x128xf32, #tpu.memory_space<vmem>>, vector<1x16xf32>,
        %swap3A_1126 = vector.shape_cast %swap3A_1125 : vector<1x16xf32> to vector<16xf32>
        %swap3A_1127 = vector.shape_cast %mul3A_1122 : vector<16xf32> to vector<1x16xf32>
        tpu.vector_store %arg11[%swap3A_1123, %swap3A_1124], %swap3A_1127 {strides = array<i32>} : memref<128x128xf32, #tpu.memory_space<vmem>>, vector<1x16xf32>,
        %get3A_1128 = arith.index_cast %add3A_1104 : i32 to index
        %get3A_1129 = arith.constant 32 : index
        %get3A_1130 = tpu.vector_load %arg11[%get3A_1128, %get3A_1129] {strides = array<i32>} : memref<128x128xf32, #tpu.memory_space<vmem>>, vector<1x16xf32>,
        %get3A_1131 = vector.shape_cast %get3A_1130 : vector<1x16xf32> to vector<16xf32>
        %mul3A_1132 = arith.mulf %get3A_1131, %broadcast_in_dim3A_1107 : vector<16xf32>
        %swap3A_1133 = arith.index_cast %add3A_1104 : i32 to index
        %swap3A_1134 = arith.constant 32 : index
        %swap3A_1135 = tpu.vector_load %arg11[%swap3A_1133, %swap3A_1134] {strides = array<i32>} : memref<128x128xf32, #tpu.memory_space<vmem>>, vector<1x16xf32>,
        %swap3A_1136 = vector.shape_cast %swap3A_1135 : vector<1x16xf32> to vector<16xf32>
        %swap3A_1137 = vector.shape_cast %mul3A_1132 : vector<16xf32> to vector<1x16xf32>
        tpu.vector_store %arg11[%swap3A_1133, %swap3A_1134], %swap3A_1137 {strides = array<i32>} : memref<128x128xf32, #tpu.memory_space<vmem>>, vector<1x16xf32>,
        %get3A_1138 = arith.index_cast %add3A_1104 : i32 to index
        %get3A_1139 = arith.constant 48 : index
        %get3A_1140 = tpu.vector_load %arg11[%get3A_1138, %get3A_1139] {strides = array<i32>} : memref<128x128xf32, #tpu.memory_space<vmem>>, vector<1x16xf32>,
        %get3A_1141 = vector.shape_cast %get3A_1140 : vector<1x16xf32> to vector<16xf32>
        %mul3A_1142 = arith.mulf %get3A_1141, %broadcast_in_dim3A_1107 : vector<16xf32>
        %swap3A_1143 = arith.index_cast %add3A_1104 : i32 to index
        %swap3A_1144 = arith.constant 48 : index
        %swap3A_1145 = tpu.vector_load %arg11[%swap3A_1143, %swap3A_1144] {strides = array<i32>} : memref<128x128xf32, #tpu.memory_space<vmem>>, vector<1x16xf32>,
        %swap3A_1146 = vector.shape_cast %swap3A_1145 : vector<1x16xf32> to vector<16xf32>
        %swap3A_1147 = vector.shape_cast %mul3A_1142 : vector<16xf32> to vector<1x16xf32>
        tpu.vector_store %arg11[%swap3A_1143, %swap3A_1144], %swap3A_1147 {strides = array<i32>} : memref<128x128xf32, #tpu.memory_space<vmem>>, vector<1x16xf32>,
        %get3A_1148 = arith.index_cast %add3A_1104 : i32 to index
        %get3A_1149 = arith.constant 64 : index
        %get3A_1150 = tpu.vector_load %arg11[%get3A_1148, %get3A_1149] {strides = array<i32>} : memref<128x128xf32, #tpu.memory_space<vmem>>, vector<1x16xf32>,
        %get3A_1151 = vector.shape_cast %get3A_1150 : vector<1x16xf32> to vector<16xf32>
        %mul3A_1152 = arith.mulf %get3A_1151, %broadcast_in_dim3A_1107 : vector<16xf32>
        %swap3A_1153 = arith.index_cast %add3A_1104 : i32 to index
        %swap3A_1154 = arith.constant 64 : index
        %swap3A_1155 = tpu.vector_load %arg11[%swap3A_1153, %swap3A_1154] {strides = array<i32>} : memref<128x128xf32, #tpu.memory_space<vmem>>, vector<1x16xf32>,
        %swap3A_1156 = vector.shape_cast %swap3A_1155 : vector<1x16xf32> to vector<16xf32>
        %swap3A_1157 = vector.shape_cast %mul3A_1152 : vector<16xf32> to vector<1x16xf32>
        tpu.vector_store %arg11[%swap3A_1153, %swap3A_1154], %swap3A_1157 {strides = array<i32>} : memref<128x128xf32, #tpu.memory_space<vmem>>, vector<1x16xf32>,
        %get3A_1158 = arith.index_cast %add3A_1104 : i32 to index
        %get3A_1159 = arith.constant 80 : index
        %get3A_1160 = tpu.vector_load %arg11[%get3A_1158, %get3A_1159] {strides = array<i32>} : memref<128x128xf32, #tpu.memory_space<vmem>>, vector<1x16xf32>,
        %get3A_1161 = vector.shape_cast %get3A_1160 : vector<1x16xf32> to vector<16xf32>
        %mul3A_1162 = arith.mulf %get3A_1161, %broadcast_in_dim3A_1107 : vector<16xf32>
        %swap3A_1163 = arith.index_cast %add3A_1104 : i32 to index
        %swap3A_1164 = arith.constant 80 : index
        %swap3A_1165 = tpu.vector_load %arg11[%swap3A_1163, %swap3A_1164] {strides = array<i32>} : memref<128x128xf32, #tpu.memory_space<vmem>>, vector<1x16xf32>,
        %swap3A_1166 = vector.shape_cast %swap3A_1165 : vector<1x16xf32> to vector<16xf32>
        %swap3A_1167 = vector.shape_cast %mul3A_1162 : vector<16xf32> to vector<1x16xf32>
        tpu.vector_store %arg11[%swap3A_1163, %swap3A_1164], %swap3A_1167 {strides = array<i32>} : memref<128x128xf32, #tpu.memory_space<vmem>>, vector<1x16xf32>,
        %get3A_1168 = arith.index_cast %add3A_1104 : i32 to index
        %get3A_1169 = arith.constant 96 : index
        %get3A_1170 = tpu.vector_load %arg11[%get3A_1168, %get3A_1169] {strides = array<i32>} : memref<128x128xf32, #tpu.memory_space<vmem>>, vector<1x16xf32>,
        %get3A_1171 = vector.shape_cast %get3A_1170 : vector<1x16xf32> to vector<16xf32>
        %mul3A_1172 = arith.mulf %get3A_1171, %broadcast_in_dim3A_1107 : vector<16xf32>
        %swap3A_1173 = arith.index_cast %add3A_1104 : i32 to index
        %swap3A_1174 = arith.constant 96 : index
        %swap3A_1175 = tpu.vector_load %arg11[%swap3A_1173, %swap3A_1174] {strides = array<i32>} : memref<128x128xf32, #tpu.memory_space<vmem>>, vector<1x16xf32>,
        %swap3A_1176 = vector.shape_cast %swap3A_1175 : vector<1x16xf32> to vector<16xf32>
        %swap3A_1177 = vector.shape_cast %mul3A_1172 : vector<16xf32> to vector<1x16xf32>
        tpu.vector_store %arg11[%swap3A_1173, %swap3A_1174], %swap3A_1177 {strides = array<i32>} : memref<128x128xf32, #tpu.memory_space<vmem>>, vector<1x16xf32>,
        %get3A_1178 = arith.index_cast %add3A_1104 : i32 to index
        %get3A_1179 = arith.constant 112 : index
        %get3A_1180 = tpu.vector_load %arg11[%get3A_1178, %get3A_1179] {strides = array<i32>} : memref<128x128xf32, #tpu.memory_space<vmem>>, vector<1x16xf32>,
        %get3A_1181 = vector.shape_cast %get3A_1180 : vector<1x16xf32> to vector<16xf32>
        %mul3A_1182 = arith.mulf %get3A_1181, %broadcast_in_dim3A_1107 : vector<16xf32>
        %swap3A_1183 = arith.index_cast %add3A_1104 : i32 to index
        %swap3A_1184 = arith.constant 112 : index
        %swap3A_1185 = tpu.vector_load %arg11[%swap3A_1183, %swap3A_1184] {strides = array<i32>} : memref<128x128xf32, #tpu.memory_space<vmem>>, vector<1x16xf32>,
        %swap3A_1186 = vector.shape_cast %swap3A_1185 : vector<1x16xf32> to vector<16xf32>
        %swap3A_1187 = vector.shape_cast %mul3A_1182 : vector<16xf32> to vector<1x16xf32>
        tpu.vector_store %arg11[%swap3A_1183, %swap3A_1184], %swap3A_1187 {strides = array<i32>} : memref<128x128xf32, #tpu.memory_space<vmem>>, vector<1x16xf32>,
        %mul3A_1188 = arith.constant 16 : i32
        %mul3A_1189 = arith.muli %scan3A_54, %mul3A_1188 : i32
        %add3A_1190 = arith.constant 13 : i32
        %add3A_1191 = arith.addi %mul3A_1189, %add3A_1190 : i32
        %slice3A_1192 = vector.extract_strided_slice %get3A_60 {offsets = [13], sizes = [1], strides = [1]} : vector<16xf32> to vector<1xf32>
        %squeeze3A_1193 = vector.extract %slice3A_1192[0] : f32 from vector<1xf32>
        %broadcast_in_dim3A_1194 = vector.broadcast %squeeze3A_1193 : f32 to vector<16xf32>
        %get3A_1195 = arith.index_cast %add3A_1191 : i32 to index
        %get3A_1196 = arith.constant 0 : index
        %get3A_1197 = tpu.vector_load %arg11[%get3A_1195, %get3A_1196] {strides = array<i32>} : memref<128x128xf32, #tpu.memory_space<vmem>>, vector<1x16xf32>,
        %get3A_1198 = vector.shape_cast %get3A_1197 : vector<1x16xf32> to vector<16xf32>
        %mul3A_1199 = arith.mulf %get3A_1198, %broadcast_in_dim3A_1194 : vector<16xf32>
        %swap3A_1200 = arith.index_cast %add3A_1191 : i32 to index
        %swap3A_1201 = arith.constant 0 : index
        %swap3A_1202 = tpu.vector_load %arg11[%swap3A_1200, %swap3A_1201] {strides = array<i32>} : memref<128x128xf32, #tpu.memory_space<vmem>>, vector<1x16xf32>,
        %swap3A_1203 = vector.shape_cast %swap3A_1202 : vector<1x16xf32> to vector<16xf32>
        %swap3A_1204 = vector.shape_cast %mul3A_1199 : vector<16xf32> to vector<1x16xf32>
        tpu.vector_store %arg11[%swap3A_1200, %swap3A_1201], %swap3A_1204 {strides = array<i32>} : memref<128x128xf32, #tpu.memory_space<vmem>>, vector<1x16xf32>,
        %get3A_1205 = arith.index_cast %add3A_1191 : i32 to index
        %get3A_1206 = arith.constant 16 : index
        %get3A_1207 = tpu.vector_load %arg11[%get3A_1205, %get3A_1206] {strides = array<i32>} : memref<128x128xf32, #tpu.memory_space<vmem>>, vector<1x16xf32>,
        %get3A_1208 = vector.shape_cast %get3A_1207 : vector<1x16xf32> to vector<16xf32>
        %mul3A_1209 = arith.mulf %get3A_1208, %broadcast_in_dim3A_1194 : vector<16xf32>
        %swap3A_1210 = arith.index_cast %add3A_1191 : i32 to index
        %swap3A_1211 = arith.constant 16 : index
        %swap3A_1212 = tpu.vector_load %arg11[%swap3A_1210, %swap3A_1211] {strides = array<i32>} : memref<128x128xf32, #tpu.memory_space<vmem>>, vector<1x16xf32>,
        %swap3A_1213 = vector.shape_cast %swap3A_1212 : vector<1x16xf32> to vector<16xf32>
        %swap3A_1214 = vector.shape_cast %mul3A_1209 : vector<16xf32> to vector<1x16xf32>
        tpu.vector_store %arg11[%swap3A_1210, %swap3A_1211], %swap3A_1214 {strides = array<i32>} : memref<128x128xf32, #tpu.memory_space<vmem>>, vector<1x16xf32>,
        %get3A_1215 = arith.index_cast %add3A_1191 : i32 to index
        %get3A_1216 = arith.constant 32 : index
        %get3A_1217 = tpu.vector_load %arg11[%get3A_1215, %get3A_1216] {strides = array<i32>} : memref<128x128xf32, #tpu.memory_space<vmem>>, vector<1x16xf32>,
        %get3A_1218 = vector.shape_cast %get3A_1217 : vector<1x16xf32> to vector<16xf32>
        %mul3A_1219 = arith.mulf %get3A_1218, %broadcast_in_dim3A_1194 : vector<16xf32>
        %swap3A_1220 = arith.index_cast %add3A_1191 : i32 to index
        %swap3A_1221 = arith.constant 32 : index
        %swap3A_1222 = tpu.vector_load %arg11[%swap3A_1220, %swap3A_1221] {strides = array<i32>} : memref<128x128xf32, #tpu.memory_space<vmem>>, vector<1x16xf32>,
        %swap3A_1223 = vector.shape_cast %swap3A_1222 : vector<1x16xf32> to vector<16xf32>
        %swap3A_1224 = vector.shape_cast %mul3A_1219 : vector<16xf32> to vector<1x16xf32>
        tpu.vector_store %arg11[%swap3A_1220, %swap3A_1221], %swap3A_1224 {strides = array<i32>} : memref<128x128xf32, #tpu.memory_space<vmem>>, vector<1x16xf32>,
        %get3A_1225 = arith.index_cast %add3A_1191 : i32 to index
        %get3A_1226 = arith.constant 48 : index
        %get3A_1227 = tpu.vector_load %arg11[%get3A_1225, %get3A_1226] {strides = array<i32>} : memref<128x128xf32, #tpu.memory_space<vmem>>, vector<1x16xf32>,
        %get3A_1228 = vector.shape_cast %get3A_1227 : vector<1x16xf32> to vector<16xf32>
        %mul3A_1229 = arith.mulf %get3A_1228, %broadcast_in_dim3A_1194 : vector<16xf32>
        %swap3A_1230 = arith.index_cast %add3A_1191 : i32 to index
        %swap3A_1231 = arith.constant 48 : index
        %swap3A_1232 = tpu.vector_load %arg11[%swap3A_1230, %swap3A_1231] {strides = array<i32>} : memref<128x128xf32, #tpu.memory_space<vmem>>, vector<1x16xf32>,
        %swap3A_1233 = vector.shape_cast %swap3A_1232 : vector<1x16xf32> to vector<16xf32>
        %swap3A_1234 = vector.shape_cast %mul3A_1229 : vector<16xf32> to vector<1x16xf32>
        tpu.vector_store %arg11[%swap3A_1230, %swap3A_1231], %swap3A_1234 {strides = array<i32>} : memref<128x128xf32, #tpu.memory_space<vmem>>, vector<1x16xf32>,
        %get3A_1235 = arith.index_cast %add3A_1191 : i32 to index
        %get3A_1236 = arith.constant 64 : index
        %get3A_1237 = tpu.vector_load %arg11[%get3A_1235, %get3A_1236] {strides = array<i32>} : memref<128x128xf32, #tpu.memory_space<vmem>>, vector<1x16xf32>,
        %get3A_1238 = vector.shape_cast %get3A_1237 : vector<1x16xf32> to vector<16xf32>
        %mul3A_1239 = arith.mulf %get3A_1238, %broadcast_in_dim3A_1194 : vector<16xf32>
        %swap3A_1240 = arith.index_cast %add3A_1191 : i32 to index
        %swap3A_1241 = arith.constant 64 : index
        %swap3A_1242 = tpu.vector_load %arg11[%swap3A_1240, %swap3A_1241] {strides = array<i32>} : memref<128x128xf32, #tpu.memory_space<vmem>>, vector<1x16xf32>,
        %swap3A_1243 = vector.shape_cast %swap3A_1242 : vector<1x16xf32> to vector<16xf32>
        %swap3A_1244 = vector.shape_cast %mul3A_1239 : vector<16xf32> to vector<1x16xf32>
        tpu.vector_store %arg11[%swap3A_1240, %swap3A_1241], %swap3A_1244 {strides = array<i32>} : memref<128x128xf32, #tpu.memory_space<vmem>>, vector<1x16xf32>,
        %get3A_1245 = arith.index_cast %add3A_1191 : i32 to index
        %get3A_1246 = arith.constant 80 : index
        %get3A_1247 = tpu.vector_load %arg11[%get3A_1245, %get3A_1246] {strides = array<i32>} : memref<128x128xf32, #tpu.memory_space<vmem>>, vector<1x16xf32>,
        %get3A_1248 = vector.shape_cast %get3A_1247 : vector<1x16xf32> to vector<16xf32>
        %mul3A_1249 = arith.mulf %get3A_1248, %broadcast_in_dim3A_1194 : vector<16xf32>
        %swap3A_1250 = arith.index_cast %add3A_1191 : i32 to index
        %swap3A_1251 = arith.constant 80 : index
        %swap3A_1252 = tpu.vector_load %arg11[%swap3A_1250, %swap3A_1251] {strides = array<i32>} : memref<128x128xf32, #tpu.memory_space<vmem>>, vector<1x16xf32>,
        %swap3A_1253 = vector.shape_cast %swap3A_1252 : vector<1x16xf32> to vector<16xf32>
        %swap3A_1254 = vector.shape_cast %mul3A_1249 : vector<16xf32> to vector<1x16xf32>
        tpu.vector_store %arg11[%swap3A_1250, %swap3A_1251], %swap3A_1254 {strides = array<i32>} : memref<128x128xf32, #tpu.memory_space<vmem>>, vector<1x16xf32>,
        %get3A_1255 = arith.index_cast %add3A_1191 : i32 to index
        %get3A_1256 = arith.constant 96 : index
        %get3A_1257 = tpu.vector_load %arg11[%get3A_1255, %get3A_1256] {strides = array<i32>} : memref<128x128xf32, #tpu.memory_space<vmem>>, vector<1x16xf32>,
        %get3A_1258 = vector.shape_cast %get3A_1257 : vector<1x16xf32> to vector<16xf32>
        %mul3A_1259 = arith.mulf %get3A_1258, %broadcast_in_dim3A_1194 : vector<16xf32>
        %swap3A_1260 = arith.index_cast %add3A_1191 : i32 to index
        %swap3A_1261 = arith.constant 96 : index
        %swap3A_1262 = tpu.vector_load %arg11[%swap3A_1260, %swap3A_1261] {strides = array<i32>} : memref<128x128xf32, #tpu.memory_space<vmem>>, vector<1x16xf32>,
        %swap3A_1263 = vector.shape_cast %swap3A_1262 : vector<1x16xf32> to vector<16xf32>
        %swap3A_1264 = vector.shape_cast %mul3A_1259 : vector<16xf32> to vector<1x16xf32>
        tpu.vector_store %arg11[%swap3A_1260, %swap3A_1261], %swap3A_1264 {strides = array<i32>} : memref<128x128xf32, #tpu.memory_space<vmem>>, vector<1x16xf32>,
        %get3A_1265 = arith.index_cast %add3A_1191 : i32 to index
        %get3A_1266 = arith.constant 112 : index
        %get3A_1267 = tpu.vector_load %arg11[%get3A_1265, %get3A_1266] {strides = array<i32>} : memref<128x128xf32, #tpu.memory_space<vmem>>, vector<1x16xf32>,
        %get3A_1268 = vector.shape_cast %get3A_1267 : vector<1x16xf32> to vector<16xf32>
        %mul3A_1269 = arith.mulf %get3A_1268, %broadcast_in_dim3A_1194 : vector<16xf32>
        %swap3A_1270 = arith.index_cast %add3A_1191 : i32 to index
        %swap3A_1271 = arith.constant 112 : index
        %swap3A_1272 = tpu.vector_load %arg11[%swap3A_1270, %swap3A_1271] {strides = array<i32>} : memref<128x128xf32, #tpu.memory_space<vmem>>, vector<1x16xf32>,
        %swap3A_1273 = vector.shape_cast %swap3A_1272 : vector<1x16xf32> to vector<16xf32>
        %swap3A_1274 = vector.shape_cast %mul3A_1269 : vector<16xf32> to vector<1x16xf32>
        tpu.vector_store %arg11[%swap3A_1270, %swap3A_1271], %swap3A_1274 {strides = array<i32>} : memref<128x128xf32, #tpu.memory_space<vmem>>, vector<1x16xf32>,
        %mul3A_1275 = arith.constant 16 : i32
        %mul3A_1276 = arith.muli %scan3A_54, %mul3A_1275 : i32
        %add3A_1277 = arith.constant 14 : i32
        %add3A_1278 = arith.addi %mul3A_1276, %add3A_1277 : i32
        %slice3A_1279 = vector.extract_strided_slice %get3A_60 {offsets = [14], sizes = [1], strides = [1]} : vector<16xf32> to vector<1xf32>
        %squeeze3A_1280 = vector.extract %slice3A_1279[0] : f32 from vector<1xf32>
        %broadcast_in_dim3A_1281 = vector.broadcast %squeeze3A_1280 : f32 to vector<16xf32>
        %get3A_1282 = arith.index_cast %add3A_1278 : i32 to index
        %get3A_1283 = arith.constant 0 : index
        %get3A_1284 = tpu.vector_load %arg11[%get3A_1282, %get3A_1283] {strides = array<i32>} : memref<128x128xf32, #tpu.memory_space<vmem>>, vector<1x16xf32>,
        %get3A_1285 = vector.shape_cast %get3A_1284 : vector<1x16xf32> to vector<16xf32>
        %mul3A_1286 = arith.mulf %get3A_1285, %broadcast_in_dim3A_1281 : vector<16xf32>
        %swap3A_1287 = arith.index_cast %add3A_1278 : i32 to index
        %swap3A_1288 = arith.constant 0 : index
        %swap3A_1289 = tpu.vector_load %arg11[%swap3A_1287, %swap3A_1288] {strides = array<i32>} : memref<128x128xf32, #tpu.memory_space<vmem>>, vector<1x16xf32>,
        %swap3A_1290 = vector.shape_cast %swap3A_1289 : vector<1x16xf32> to vector<16xf32>
        %swap3A_1291 = vector.shape_cast %mul3A_1286 : vector<16xf32> to vector<1x16xf32>
        tpu.vector_store %arg11[%swap3A_1287, %swap3A_1288], %swap3A_1291 {strides = array<i32>} : memref<128x128xf32, #tpu.memory_space<vmem>>, vector<1x16xf32>,
        %get3A_1292 = arith.index_cast %add3A_1278 : i32 to index
        %get3A_1293 = arith.constant 16 : index
        %get3A_1294 = tpu.vector_load %arg11[%get3A_1292, %get3A_1293] {strides = array<i32>} : memref<128x128xf32, #tpu.memory_space<vmem>>, vector<1x16xf32>,
        %get3A_1295 = vector.shape_cast %get3A_1294 : vector<1x16xf32> to vector<16xf32>
        %mul3A_1296 = arith.mulf %get3A_1295, %broadcast_in_dim3A_1281 : vector<16xf32>
        %swap3A_1297 = arith.index_cast %add3A_1278 : i32 to index
        %swap3A_1298 = arith.constant 16 : index
        %swap3A_1299 = tpu.vector_load %arg11[%swap3A_1297, %swap3A_1298] {strides = array<i32>} : memref<128x128xf32, #tpu.memory_space<vmem>>, vector<1x16xf32>,
        %swap3A_1300 = vector.shape_cast %swap3A_1299 : vector<1x16xf32> to vector<16xf32>
        %swap3A_1301 = vector.shape_cast %mul3A_1296 : vector<16xf32> to vector<1x16xf32>
        tpu.vector_store %arg11[%swap3A_1297, %swap3A_1298], %swap3A_1301 {strides = array<i32>} : memref<128x128xf32, #tpu.memory_space<vmem>>, vector<1x16xf32>,
        %get3A_1302 = arith.index_cast %add3A_1278 : i32 to index
        %get3A_1303 = arith.constant 32 : index
        %get3A_1304 = tpu.vector_load %arg11[%get3A_1302, %get3A_1303] {strides = array<i32>} : memref<128x128xf32, #tpu.memory_space<vmem>>, vector<1x16xf32>,
        %get3A_1305 = vector.shape_cast %get3A_1304 : vector<1x16xf32> to vector<16xf32>
        %mul3A_1306 = arith.mulf %get3A_1305, %broadcast_in_dim3A_1281 : vector<16xf32>
        %swap3A_1307 = arith.index_cast %add3A_1278 : i32 to index
        %swap3A_1308 = arith.constant 32 : index
        %swap3A_1309 = tpu.vector_load %arg11[%swap3A_1307, %swap3A_1308] {strides = array<i32>} : memref<128x128xf32, #tpu.memory_space<vmem>>, vector<1x16xf32>,
        %swap3A_1310 = vector.shape_cast %swap3A_1309 : vector<1x16xf32> to vector<16xf32>
        %swap3A_1311 = vector.shape_cast %mul3A_1306 : vector<16xf32> to vector<1x16xf32>
        tpu.vector_store %arg11[%swap3A_1307, %swap3A_1308], %swap3A_1311 {strides = array<i32>} : memref<128x128xf32, #tpu.memory_space<vmem>>, vector<1x16xf32>,
        %get3A_1312 = arith.index_cast %add3A_1278 : i32 to index
        %get3A_1313 = arith.constant 48 : index
        %get3A_1314 = tpu.vector_load %arg11[%get3A_1312, %get3A_1313] {strides = array<i32>} : memref<128x128xf32, #tpu.memory_space<vmem>>, vector<1x16xf32>,
        %get3A_1315 = vector.shape_cast %get3A_1314 : vector<1x16xf32> to vector<16xf32>
        %mul3A_1316 = arith.mulf %get3A_1315, %broadcast_in_dim3A_1281 : vector<16xf32>
        %swap3A_1317 = arith.index_cast %add3A_1278 : i32 to index
        %swap3A_1318 = arith.constant 48 : index
        %swap3A_1319 = tpu.vector_load %arg11[%swap3A_1317, %swap3A_1318] {strides = array<i32>} : memref<128x128xf32, #tpu.memory_space<vmem>>, vector<1x16xf32>,
        %swap3A_1320 = vector.shape_cast %swap3A_1319 : vector<1x16xf32> to vector<16xf32>
        %swap3A_1321 = vector.shape_cast %mul3A_1316 : vector<16xf32> to vector<1x16xf32>
        tpu.vector_store %arg11[%swap3A_1317, %swap3A_1318], %swap3A_1321 {strides = array<i32>} : memref<128x128xf32, #tpu.memory_space<vmem>>, vector<1x16xf32>,
        %get3A_1322 = arith.index_cast %add3A_1278 : i32 to index
        %get3A_1323 = arith.constant 64 : index
        %get3A_1324 = tpu.vector_load %arg11[%get3A_1322, %get3A_1323] {strides = array<i32>} : memref<128x128xf32, #tpu.memory_space<vmem>>, vector<1x16xf32>,
        %get3A_1325 = vector.shape_cast %get3A_1324 : vector<1x16xf32> to vector<16xf32>
        %mul3A_1326 = arith.mulf %get3A_1325, %broadcast_in_dim3A_1281 : vector<16xf32>
        %swap3A_1327 = arith.index_cast %add3A_1278 : i32 to index
        %swap3A_1328 = arith.constant 64 : index
        %swap3A_1329 = tpu.vector_load %arg11[%swap3A_1327, %swap3A_1328] {strides = array<i32>} : memref<128x128xf32, #tpu.memory_space<vmem>>, vector<1x16xf32>,
        %swap3A_1330 = vector.shape_cast %swap3A_1329 : vector<1x16xf32> to vector<16xf32>
        %swap3A_1331 = vector.shape_cast %mul3A_1326 : vector<16xf32> to vector<1x16xf32>
        tpu.vector_store %arg11[%swap3A_1327, %swap3A_1328], %swap3A_1331 {strides = array<i32>} : memref<128x128xf32, #tpu.memory_space<vmem>>, vector<1x16xf32>,
        %get3A_1332 = arith.index_cast %add3A_1278 : i32 to index
        %get3A_1333 = arith.constant 80 : index
        %get3A_1334 = tpu.vector_load %arg11[%get3A_1332, %get3A_1333] {strides = array<i32>} : memref<128x128xf32, #tpu.memory_space<vmem>>, vector<1x16xf32>,
        %get3A_1335 = vector.shape_cast %get3A_1334 : vector<1x16xf32> to vector<16xf32>
        %mul3A_1336 = arith.mulf %get3A_1335, %broadcast_in_dim3A_1281 : vector<16xf32>
        %swap3A_1337 = arith.index_cast %add3A_1278 : i32 to index
        %swap3A_1338 = arith.constant 80 : index
        %swap3A_1339 = tpu.vector_load %arg11[%swap3A_1337, %swap3A_1338] {strides = array<i32>} : memref<128x128xf32, #tpu.memory_space<vmem>>, vector<1x16xf32>,
        %swap3A_1340 = vector.shape_cast %swap3A_1339 : vector<1x16xf32> to vector<16xf32>
        %swap3A_1341 = vector.shape_cast %mul3A_1336 : vector<16xf32> to vector<1x16xf32>
        tpu.vector_store %arg11[%swap3A_1337, %swap3A_1338], %swap3A_1341 {strides = array<i32>} : memref<128x128xf32, #tpu.memory_space<vmem>>, vector<1x16xf32>,
        %get3A_1342 = arith.index_cast %add3A_1278 : i32 to index
        %get3A_1343 = arith.constant 96 : index
        %get3A_1344 = tpu.vector_load %arg11[%get3A_1342, %get3A_1343] {strides = array<i32>} : memref<128x128xf32, #tpu.memory_space<vmem>>, vector<1x16xf32>,
        %get3A_1345 = vector.shape_cast %get3A_1344 : vector<1x16xf32> to vector<16xf32>
        %mul3A_1346 = arith.mulf %get3A_1345, %broadcast_in_dim3A_1281 : vector<16xf32>
        %swap3A_1347 = arith.index_cast %add3A_1278 : i32 to index
        %swap3A_1348 = arith.constant 96 : index
        %swap3A_1349 = tpu.vector_load %arg11[%swap3A_1347, %swap3A_1348] {strides = array<i32>} : memref<128x128xf32, #tpu.memory_space<vmem>>, vector<1x16xf32>,
        %swap3A_1350 = vector.shape_cast %swap3A_1349 : vector<1x16xf32> to vector<16xf32>
        %swap3A_1351 = vector.shape_cast %mul3A_1346 : vector<16xf32> to vector<1x16xf32>
        tpu.vector_store %arg11[%swap3A_1347, %swap3A_1348], %swap3A_1351 {strides = array<i32>} : memref<128x128xf32, #tpu.memory_space<vmem>>, vector<1x16xf32>,
        %get3A_1352 = arith.index_cast %add3A_1278 : i32 to index
        %get3A_1353 = arith.constant 112 : index
        %get3A_1354 = tpu.vector_load %arg11[%get3A_1352, %get3A_1353] {strides = array<i32>} : memref<128x128xf32, #tpu.memory_space<vmem>>, vector<1x16xf32>,
        %get3A_1355 = vector.shape_cast %get3A_1354 : vector<1x16xf32> to vector<16xf32>
        %mul3A_1356 = arith.mulf %get3A_1355, %broadcast_in_dim3A_1281 : vector<16xf32>
        %swap3A_1357 = arith.index_cast %add3A_1278 : i32 to index
        %swap3A_1358 = arith.constant 112 : index
        %swap3A_1359 = tpu.vector_load %arg11[%swap3A_1357, %swap3A_1358] {strides = array<i32>} : memref<128x128xf32, #tpu.memory_space<vmem>>, vector<1x16xf32>,
        %swap3A_1360 = vector.shape_cast %swap3A_1359 : vector<1x16xf32> to vector<16xf32>
        %swap3A_1361 = vector.shape_cast %mul3A_1356 : vector<16xf32> to vector<1x16xf32>
        tpu.vector_store %arg11[%swap3A_1357, %swap3A_1358], %swap3A_1361 {strides = array<i32>} : memref<128x128xf32, #tpu.memory_space<vmem>>, vector<1x16xf32>,
        %mul3A_1362 = arith.constant 16 : i32
        %mul3A_1363 = arith.muli %scan3A_54, %mul3A_1362 : i32
        %add3A_1364 = arith.constant 15 : i32
        %add3A_1365 = arith.addi %mul3A_1363, %add3A_1364 : i32
        %slice3A_1366 = vector.extract_strided_slice %get3A_60 {offsets = [15], sizes = [1], strides = [1]} : vector<16xf32> to vector<1xf32>
        %squeeze3A_1367 = vector.extract %slice3A_1366[0] : f32 from vector<1xf32>
        %broadcast_in_dim3A_1368 = vector.broadcast %squeeze3A_1367 : f32 to vector<16xf32>
        %get3A_1369 = arith.index_cast %add3A_1365 : i32 to index
        %get3A_1370 = arith.constant 0 : index
        %get3A_1371 = tpu.vector_load %arg11[%get3A_1369, %get3A_1370] {strides = array<i32>} : memref<128x128xf32, #tpu.memory_space<vmem>>, vector<1x16xf32>,
        %get3A_1372 = vector.shape_cast %get3A_1371 : vector<1x16xf32> to vector<16xf32>
        %mul3A_1373 = arith.mulf %get3A_1372, %broadcast_in_dim3A_1368 : vector<16xf32>
        %swap3A_1374 = arith.index_cast %add3A_1365 : i32 to index
        %swap3A_1375 = arith.constant 0 : index
        %swap3A_1376 = tpu.vector_load %arg11[%swap3A_1374, %swap3A_1375] {strides = array<i32>} : memref<128x128xf32, #tpu.memory_space<vmem>>, vector<1x16xf32>,
        %swap3A_1377 = vector.shape_cast %swap3A_1376 : vector<1x16xf32> to vector<16xf32>
        %swap3A_1378 = vector.shape_cast %mul3A_1373 : vector<16xf32> to vector<1x16xf32>
        tpu.vector_store %arg11[%swap3A_1374, %swap3A_1375], %swap3A_1378 {strides = array<i32>} : memref<128x128xf32, #tpu.memory_space<vmem>>, vector<1x16xf32>,
        %get3A_1379 = arith.index_cast %add3A_1365 : i32 to index
        %get3A_1380 = arith.constant 16 : index
        %get3A_1381 = tpu.vector_load %arg11[%get3A_1379, %get3A_1380] {strides = array<i32>} : memref<128x128xf32, #tpu.memory_space<vmem>>, vector<1x16xf32>,
        %get3A_1382 = vector.shape_cast %get3A_1381 : vector<1x16xf32> to vector<16xf32>
        %mul3A_1383 = arith.mulf %get3A_1382, %broadcast_in_dim3A_1368 : vector<16xf32>
        %swap3A_1384 = arith.index_cast %add3A_1365 : i32 to index
        %swap3A_1385 = arith.constant 16 : index
        %swap3A_1386 = tpu.vector_load %arg11[%swap3A_1384, %swap3A_1385] {strides = array<i32>} : memref<128x128xf32, #tpu.memory_space<vmem>>, vector<1x16xf32>,
        %swap3A_1387 = vector.shape_cast %swap3A_1386 : vector<1x16xf32> to vector<16xf32>
        %swap3A_1388 = vector.shape_cast %mul3A_1383 : vector<16xf32> to vector<1x16xf32>
        tpu.vector_store %arg11[%swap3A_1384, %swap3A_1385], %swap3A_1388 {strides = array<i32>} : memref<128x128xf32, #tpu.memory_space<vmem>>, vector<1x16xf32>,
        %get3A_1389 = arith.index_cast %add3A_1365 : i32 to index
        %get3A_1390 = arith.constant 32 : index
        %get3A_1391 = tpu.vector_load %arg11[%get3A_1389, %get3A_1390] {strides = array<i32>} : memref<128x128xf32, #tpu.memory_space<vmem>>, vector<1x16xf32>,
        %get3A_1392 = vector.shape_cast %get3A_1391 : vector<1x16xf32> to vector<16xf32>
        %mul3A_1393 = arith.mulf %get3A_1392, %broadcast_in_dim3A_1368 : vector<16xf32>
        %swap3A_1394 = arith.index_cast %add3A_1365 : i32 to index
        %swap3A_1395 = arith.constant 32 : index
        %swap3A_1396 = tpu.vector_load %arg11[%swap3A_1394, %swap3A_1395] {strides = array<i32>} : memref<128x128xf32, #tpu.memory_space<vmem>>, vector<1x16xf32>,
        %swap3A_1397 = vector.shape_cast %swap3A_1396 : vector<1x16xf32> to vector<16xf32>
        %swap3A_1398 = vector.shape_cast %mul3A_1393 : vector<16xf32> to vector<1x16xf32>
        tpu.vector_store %arg11[%swap3A_1394, %swap3A_1395], %swap3A_1398 {strides = array<i32>} : memref<128x128xf32, #tpu.memory_space<vmem>>, vector<1x16xf32>,
        %get3A_1399 = arith.index_cast %add3A_1365 : i32 to index
        %get3A_1400 = arith.constant 48 : index
        %get3A_1401 = tpu.vector_load %arg11[%get3A_1399, %get3A_1400] {strides = array<i32>} : memref<128x128xf32, #tpu.memory_space<vmem>>, vector<1x16xf32>,
        %get3A_1402 = vector.shape_cast %get3A_1401 : vector<1x16xf32> to vector<16xf32>
        %mul3A_1403 = arith.mulf %get3A_1402, %broadcast_in_dim3A_1368 : vector<16xf32>
        %swap3A_1404 = arith.index_cast %add3A_1365 : i32 to index
        %swap3A_1405 = arith.constant 48 : index
        %swap3A_1406 = tpu.vector_load %arg11[%swap3A_1404, %swap3A_1405] {strides = array<i32>} : memref<128x128xf32, #tpu.memory_space<vmem>>, vector<1x16xf32>,
        %swap3A_1407 = vector.shape_cast %swap3A_1406 : vector<1x16xf32> to vector<16xf32>
        %swap3A_1408 = vector.shape_cast %mul3A_1403 : vector<16xf32> to vector<1x16xf32>
        tpu.vector_store %arg11[%swap3A_1404, %swap3A_1405], %swap3A_1408 {strides = array<i32>} : memref<128x128xf32, #tpu.memory_space<vmem>>, vector<1x16xf32>,
        %get3A_1409 = arith.index_cast %add3A_1365 : i32 to index
        %get3A_1410 = arith.constant 64 : index
        %get3A_1411 = tpu.vector_load %arg11[%get3A_1409, %get3A_1410] {strides = array<i32>} : memref<128x128xf32, #tpu.memory_space<vmem>>, vector<1x16xf32>,
        %get3A_1412 = vector.shape_cast %get3A_1411 : vector<1x16xf32> to vector<16xf32>
        %mul3A_1413 = arith.mulf %get3A_1412, %broadcast_in_dim3A_1368 : vector<16xf32>
        %swap3A_1414 = arith.index_cast %add3A_1365 : i32 to index
        %swap3A_1415 = arith.constant 64 : index
        %swap3A_1416 = tpu.vector_load %arg11[%swap3A_1414, %swap3A_1415] {strides = array<i32>} : memref<128x128xf32, #tpu.memory_space<vmem>>, vector<1x16xf32>,
        %swap3A_1417 = vector.shape_cast %swap3A_1416 : vector<1x16xf32> to vector<16xf32>
        %swap3A_1418 = vector.shape_cast %mul3A_1413 : vector<16xf32> to vector<1x16xf32>
        tpu.vector_store %arg11[%swap3A_1414, %swap3A_1415], %swap3A_1418 {strides = array<i32>} : memref<128x128xf32, #tpu.memory_space<vmem>>, vector<1x16xf32>,
        %get3A_1419 = arith.index_cast %add3A_1365 : i32 to index
        %get3A_1420 = arith.constant 80 : index
        %get3A_1421 = tpu.vector_load %arg11[%get3A_1419, %get3A_1420] {strides = array<i32>} : memref<128x128xf32, #tpu.memory_space<vmem>>, vector<1x16xf32>,
        %get3A_1422 = vector.shape_cast %get3A_1421 : vector<1x16xf32> to vector<16xf32>
        %mul3A_1423 = arith.mulf %get3A_1422, %broadcast_in_dim3A_1368 : vector<16xf32>
        %swap3A_1424 = arith.index_cast %add3A_1365 : i32 to index
        %swap3A_1425 = arith.constant 80 : index
        %swap3A_1426 = tpu.vector_load %arg11[%swap3A_1424, %swap3A_1425] {strides = array<i32>} : memref<128x128xf32, #tpu.memory_space<vmem>>, vector<1x16xf32>,
        %swap3A_1427 = vector.shape_cast %swap3A_1426 : vector<1x16xf32> to vector<16xf32>
        %swap3A_1428 = vector.shape_cast %mul3A_1423 : vector<16xf32> to vector<1x16xf32>
        tpu.vector_store %arg11[%swap3A_1424, %swap3A_1425], %swap3A_1428 {strides = array<i32>} : memref<128x128xf32, #tpu.memory_space<vmem>>, vector<1x16xf32>,
        %get3A_1429 = arith.index_cast %add3A_1365 : i32 to index
        %get3A_1430 = arith.constant 96 : index
        %get3A_1431 = tpu.vector_load %arg11[%get3A_1429, %get3A_1430] {strides = array<i32>} : memref<128x128xf32, #tpu.memory_space<vmem>>, vector<1x16xf32>,
        %get3A_1432 = vector.shape_cast %get3A_1431 : vector<1x16xf32> to vector<16xf32>
        %mul3A_1433 = arith.mulf %get3A_1432, %broadcast_in_dim3A_1368 : vector<16xf32>
        %swap3A_1434 = arith.index_cast %add3A_1365 : i32 to index
        %swap3A_1435 = arith.constant 96 : index
        %swap3A_1436 = tpu.vector_load %arg11[%swap3A_1434, %swap3A_1435] {strides = array<i32>} : memref<128x128xf32, #tpu.memory_space<vmem>>, vector<1x16xf32>,
        %swap3A_1437 = vector.shape_cast %swap3A_1436 : vector<1x16xf32> to vector<16xf32>
        %swap3A_1438 = vector.shape_cast %mul3A_1433 : vector<16xf32> to vector<1x16xf32>
        tpu.vector_store %arg11[%swap3A_1434, %swap3A_1435], %swap3A_1438 {strides = array<i32>} : memref<128x128xf32, #tpu.memory_space<vmem>>, vector<1x16xf32>,
        %get3A_1439 = arith.index_cast %add3A_1365 : i32 to index
        %get3A_1440 = arith.constant 112 : index
        %get3A_1441 = tpu.vector_load %arg11[%get3A_1439, %get3A_1440] {strides = array<i32>} : memref<128x128xf32, #tpu.memory_space<vmem>>, vector<1x16xf32>,
        %get3A_1442 = vector.shape_cast %get3A_1441 : vector<1x16xf32> to vector<16xf32>
        %mul3A_1443 = arith.mulf %get3A_1442, %broadcast_in_dim3A_1368 : vector<16xf32>
        %swap3A_1444 = arith.index_cast %add3A_1365 : i32 to index
        %swap3A_1445 = arith.constant 112 : index
        %swap3A_1446 = tpu.vector_load %arg11[%swap3A_1444, %swap3A_1445] {strides = array<i32>} : memref<128x128xf32, #tpu.memory_space<vmem>>, vector<1x16xf32>,
        %swap3A_1447 = vector.shape_cast %swap3A_1446 : vector<1x16xf32> to vector<16xf32>
        %swap3A_1448 = vector.shape_cast %mul3A_1443 : vector<16xf32> to vector<1x16xf32>
        tpu.vector_store %arg11[%swap3A_1444, %swap3A_1445], %swap3A_1448 {strides = array<i32>} : memref<128x128xf32, #tpu.memory_space<vmem>>, vector<1x16xf32>,
        %scan3A_1449 = arith.constant 0 : i32
        scf.yield %scan3A_1449 : i32
      }
      %scan3A_52 = arith.constant 8 : i32
      "tpu.region"() ({
        %run_scoped3A = tpu.sem_alloc : memref<!tpu.dma_semaphore, #tpu.memory_space<semaphore_mem>>
        %dma_start3A_54 = arith.constant 0 : i32
        %dma_start3A_55 = tpu.memref_slice %arg9[%scan3A_34, %dma_start3A_54] : memref<79x128xi32, #tpu.memory_space<vmem>> -> memref<1x128xi32, #tpu.memory_space<vmem>>
        %dma_start3A_56 = tpu.memref_squeeze %dma_start3A_55 : memref<1x128xi32, #tpu.memory_space<vmem>> -> memref<128xi32, #tpu.memory_space<vmem>>
        %dma_start3A_57 = arith.constant 0 : i32
        %dma_start3A_58 = arith.constant 0 : i32
        %dma_start3A_59 = tpu.memref_slice %arg7[%dma_start3A_57, %dma_start3A_58] : memref<10000x128xf32, #tpu.memory_space<vmem_shared>> -> memref<10000x128xf32, #tpu.memory_space<vmem_shared>>
        tpu.enqueue_indirect_dma source(%arg11 : memref<128x128xf32, #tpu.memory_space<vmem>>) target(%dma_start3A_59 : memref<10000x128xf32, #tpu.memory_space<vmem_shared>>) offsets(%dma_start3A_56 : memref<128xi32, #tpu.memory_space<vmem>>) semaphore(%run_scoped3A : memref<!tpu.dma_semaphore, #tpu.memory_space<semaphore_mem>>) {add = true}
        %dma_wait3A_60 = arith.constant 0 : i32
        %dma_wait3A_61 = tpu.memref_slice %arg9[%scan3A_34, %dma_wait3A_60] : memref<79x128xi32, #tpu.memory_space<vmem>> -> memref<1x128xi32, #tpu.memory_space<vmem>>
        %dma_wait3A_62 = tpu.memref_squeeze %dma_wait3A_61 : memref<1x128xi32, #tpu.memory_space<vmem>> -> memref<128xi32, #tpu.memory_space<vmem>>
        %dma_wait3A_63 = arith.constant 0 : i32
        %dma_wait3A_64 = arith.constant 0 : i32
        %dma_wait3A_65 = tpu.memref_slice %arg7[%dma_wait3A_63, %dma_wait3A_64] : memref<10000x128xf32, #tpu.memory_space<vmem_shared>> -> memref<10000x128xf32, #tpu.memory_space<vmem_shared>>
        tpu.wait_indirect_dma semaphore(%run_scoped3A : memref<!tpu.dma_semaphore, #tpu.memory_space<semaphore_mem>>) src(%arg11 : memref<128x128xf32, #tpu.memory_space<vmem>>) dst(%dma_wait3A_65 : memref<10000x128xf32, #tpu.memory_space<vmem_shared>>)
        tpu.yield
      }) : () -> ()
      %scan3A_53 = arith.constant 0 : i32
      scf.yield %scan3A_53 : i32
    }
    %scan3A_27 = arith.constant 79 : i32
    %barrier3A_28 = arith.constant 0 : index
    tpu.barrier barrier_id(%barrier3A_28)
    "tpu.region"() ({
      %run_scoped3A = tpu.sem_alloc : memref<!tpu.dma_semaphore, #tpu.memory_space<semaphore_mem>>
      %dma_start3A = arith.constant 0 : i32
      %dma_start3A_34 = tpu.memref_slice %arg6[%arg0, %mul3A_8, %dma_start3A] : memref<2x10000x128xf32, #tpu.memory_space<hbm>> -> memref<1x624x128xf32, #tpu.memory_space<hbm>>
      %dma_start3A_35 = tpu.memref_squeeze %dma_start3A_34 : memref<1x624x128xf32, #tpu.memory_space<hbm>> -> memref<624x128xf32, #tpu.memory_space<hbm>>
      %dma_start3A_36 = arith.constant 0 : i32
      %dma_start3A_37 = tpu.memref_slice %arg7[%mul3A_8, %dma_start3A_36] : memref<10000x128xf32, #tpu.memory_space<vmem_shared>> -> memref<624x128xf32, #tpu.memory_space<vmem_shared>>
      tpu.enqueue_dma source(%dma_start3A_37 : memref<624x128xf32, #tpu.memory_space<vmem_shared>>) target(%dma_start3A_35 : memref<624x128xf32, #tpu.memory_space<hbm>>) target_semaphore(%run_scoped3A : memref<!tpu.dma_semaphore, #tpu.memory_space<semaphore_mem>>)
      %dma_wait3A = arith.constant 0 : i32
      %dma_wait3A_38 = tpu.memref_slice %arg6[%arg0, %mul3A_8, %dma_wait3A] : memref<2x10000x128xf32, #tpu.memory_space<hbm>> -> memref<1x624x128xf32, #tpu.memory_space<hbm>>
      %dma_wait3A_39 = tpu.memref_squeeze %dma_wait3A_38 : memref<1x624x128xf32, #tpu.memory_space<hbm>> -> memref<624x128xf32, #tpu.memory_space<hbm>>
      %dma_wait3A_40 = arith.constant 0 : i32
      %dma_wait3A_41 = tpu.memref_slice %arg7[%mul3A_8, %dma_wait3A_40] : memref<10000x128xf32, #tpu.memory_space<vmem_shared>> -> memref<624x128xf32, #tpu.memory_space<vmem_shared>>
      tpu.wait_dma2 semaphore(%run_scoped3A : memref<!tpu.dma_semaphore, #tpu.memory_space<semaphore_mem>>) src(%dma_wait3A_41 : memref<624x128xf32, #tpu.memory_space<vmem_shared>>) dst(%dma_wait3A_39 : memref<624x128xf32, #tpu.memory_space<hbm>>)
      tpu.yield
    }) : () -> ()
    %eq3A_29 = arith.constant 0 : i32
    %eq3A_30 = arith.cmpi eq, %arg1, %eq3A_29 : i32
    %convert_element_type3A_31 = arith.extui %eq3A_30 : i1 to i32
    %cond3A_32 = arith.constant 0 : i32
    %cond3A_33 = arith.cmpi ne, %convert_element_type3A_31, %cond3A_32 : i32
    scf.if %cond3A_33 {
      "tpu.region"() ({
        %run_scoped3A = tpu.sem_alloc : memref<!tpu.dma_semaphore, #tpu.memory_space<semaphore_mem>>
        %dma_start3A = arith.constant 9984 : i32
        %dma_start3A_34 = arith.constant 0 : i32
        %dma_start3A_35 = tpu.memref_slice %arg6[%arg0, %dma_start3A, %dma_start3A_34] : memref<2x10000x128xf32, #tpu.memory_space<hbm>> -> memref<1x16x128xf32, #tpu.memory_space<hbm>>
        %dma_start3A_36 = tpu.memref_squeeze %dma_start3A_35 : memref<1x16x128xf32, #tpu.memory_space<hbm>> -> memref<16x128xf32, #tpu.memory_space<hbm>>
        %dma_start3A_37 = arith.constant 9984 : i32
        %dma_start3A_38 = arith.constant 0 : i32
        %dma_start3A_39 = tpu.memref_slice %arg7[%dma_start3A_37, %dma_start3A_38] : memref<10000x128xf32, #tpu.memory_space<vmem_shared>> -> memref<16x128xf32, #tpu.memory_space<vmem_shared>>
        tpu.enqueue_dma source(%dma_start3A_39 : memref<16x128xf32, #tpu.memory_space<vmem_shared>>) target(%dma_start3A_36 : memref<16x128xf32, #tpu.memory_space<hbm>>) target_semaphore(%run_scoped3A : memref<!tpu.dma_semaphore, #tpu.memory_space<semaphore_mem>>)
        %dma_wait3A = arith.constant 9984 : i32
        %dma_wait3A_40 = arith.constant 0 : i32
        %dma_wait3A_41 = tpu.memref_slice %arg6[%arg0, %dma_wait3A, %dma_wait3A_40] : memref<2x10000x128xf32, #tpu.memory_space<hbm>> -> memref<1x16x128xf32, #tpu.memory_space<hbm>>
        %dma_wait3A_42 = tpu.memref_squeeze %dma_wait3A_41 : memref<1x16x128xf32, #tpu.memory_space<hbm>> -> memref<16x128xf32, #tpu.memory_space<hbm>>
        %dma_wait3A_43 = arith.constant 9984 : i32
        %dma_wait3A_44 = arith.constant 0 : i32
        %dma_wait3A_45 = tpu.memref_slice %arg7[%dma_wait3A_43, %dma_wait3A_44] : memref<10000x128xf32, #tpu.memory_space<vmem_shared>> -> memref<16x128xf32, #tpu.memory_space<vmem_shared>>
        tpu.wait_dma2 semaphore(%run_scoped3A : memref<!tpu.dma_semaphore, #tpu.memory_space<semaphore_mem>>) src(%dma_wait3A_45 : memref<16x128xf32, #tpu.memory_space<vmem_shared>>) dst(%dma_wait3A_42 : memref<16x128xf32, #tpu.memory_space<hbm>>)
        tpu.yield
      }) : () -> ()
    } else {
    }
    return
  }
}

#map = affine_map<(d0, d1) -> (0, 0)>
#map1 = affine_map<(d0, d1) -> (0, 0, 0)>
module attributes {stable_mosaic.version = 14 : i64} {
  func.func @segsum_l2(%arg0: i32, %arg1: i32, %arg2: memref<10000x128xf32, #tpu.memory_space<hbm>>, %arg3: memref<32x79x128xi32, #tpu.memory_space<hbm>>, %arg4: memref<32x79x128xi32, #tpu.memory_space<hbm>>, %arg5: memref<32x79x128xf32, #tpu.memory_space<hbm>>, %arg6: memref<2x10000x128xf32, #tpu.memory_space<hbm>>, %arg7: memref<10000x128xf32, #tpu.memory_space<vmem_shared>>, %arg8: memref<79x128xi32, #tpu.memory_space<vmem>>, %arg9: memref<79x128xi32, #tpu.memory_space<vmem>>, %arg10: memref<79x128xf32, #tpu.memory_space<vmem>>, %arg11: memref<128x128xf32, #tpu.memory_space<vmem>>, %arg12: memref<!tpu.dma_semaphore, #tpu.memory_space<semaphore_mem>>) attributes {dimension_semantics = [#tpu.dimension_semantics<core_parallel>, #tpu.dimension_semantics<subcore_parallel>], iteration_bounds = array<i64: 2, 16>, scalar_prefetch = 0 : i64, scratch_operands = 6 : i64, tpu.core_type = #tpu.core_type<sc_vector_subcore>, window_params = [{transform_indices = #map}, {transform_indices = #map1}, {transform_indices = #map1}, {transform_indices = #map1}, {transform_indices = #map1}]} {
    %mul3A = arith.constant 16 : i32
    %mul3A_0 = arith.muli %arg0, %mul3A : i32
    %add3A = arith.addi %mul3A_0, %arg1 : i32
    %scan3A = arith.constant 0 : i32
    %scan3A_1 = arith.constant 0 : i32
    %scan3A_2 = arith.constant 128 : i32
    %scan3A_3 = arith.addi %scan3A_1, %scan3A_2 : i32
    %scan3A_4 = arith.constant 1 : i32
    %scan3A_5 = scf.for %scan3A_34 = %scan3A_1 to %scan3A_3 step %scan3A_4 iter_args(%scan3A_35 = %scan3A) -> (i32)  : i32 {
      %broadcast_in_dim3A = arith.constant 0.000000e+00 : f32
      %broadcast_in_dim3A_36 = vector.broadcast %broadcast_in_dim3A : f32 to vector<16xf32>
      %swap3A = arith.index_cast %scan3A_34 : i32 to index
      %swap3A_37 = arith.constant 0 : index
      %swap3A_38 = tpu.vector_load %arg11[%swap3A, %swap3A_37] {strides = array<i32>} : memref<128x128xf32, #tpu.memory_space<vmem>>, vector<1x16xf32>,
      %swap3A_39 = vector.shape_cast %swap3A_38 : vector<1x16xf32> to vector<16xf32>
      %swap3A_40 = vector.shape_cast %broadcast_in_dim3A_36 : vector<16xf32> to vector<1x16xf32>
      tpu.vector_store %arg11[%swap3A, %swap3A_37], %swap3A_40 {strides = array<i32>} : memref<128x128xf32, #tpu.memory_space<vmem>>, vector<1x16xf32>,
      %broadcast_in_dim3A_41 = arith.constant 0.000000e+00 : f32
      %broadcast_in_dim3A_42 = vector.broadcast %broadcast_in_dim3A_41 : f32 to vector<16xf32>
      %swap3A_43 = arith.index_cast %scan3A_34 : i32 to index
      %swap3A_44 = arith.constant 16 : index
      %swap3A_45 = tpu.vector_load %arg11[%swap3A_43, %swap3A_44] {strides = array<i32>} : memref<128x128xf32, #tpu.memory_space<vmem>>, vector<1x16xf32>,
      %swap3A_46 = vector.shape_cast %swap3A_45 : vector<1x16xf32> to vector<16xf32>
      %swap3A_47 = vector.shape_cast %broadcast_in_dim3A_42 : vector<16xf32> to vector<1x16xf32>
      tpu.vector_store %arg11[%swap3A_43, %swap3A_44], %swap3A_47 {strides = array<i32>} : memref<128x128xf32, #tpu.memory_space<vmem>>, vector<1x16xf32>,
      %broadcast_in_dim3A_48 = arith.constant 0.000000e+00 : f32
      %broadcast_in_dim3A_49 = vector.broadcast %broadcast_in_dim3A_48 : f32 to vector<16xf32>
      %swap3A_50 = arith.index_cast %scan3A_34 : i32 to index
      %swap3A_51 = arith.constant 32 : index
      %swap3A_52 = tpu.vector_load %arg11[%swap3A_50, %swap3A_51] {strides = array<i32>} : memref<128x128xf32, #tpu.memory_space<vmem>>, vector<1x16xf32>,
      %swap3A_53 = vector.shape_cast %swap3A_52 : vector<1x16xf32> to vector<16xf32>
      %swap3A_54 = vector.shape_cast %broadcast_in_dim3A_49 : vector<16xf32> to vector<1x16xf32>
      tpu.vector_store %arg11[%swap3A_50, %swap3A_51], %swap3A_54 {strides = array<i32>} : memref<128x128xf32, #tpu.memory_space<vmem>>, vector<1x16xf32>,
      %broadcast_in_dim3A_55 = arith.constant 0.000000e+00 : f32
      %broadcast_in_dim3A_56 = vector.broadcast %broadcast_in_dim3A_55 : f32 to vector<16xf32>
      %swap3A_57 = arith.index_cast %scan3A_34 : i32 to index
      %swap3A_58 = arith.constant 48 : index
      %swap3A_59 = tpu.vector_load %arg11[%swap3A_57, %swap3A_58] {strides = array<i32>} : memref<128x128xf32, #tpu.memory_space<vmem>>, vector<1x16xf32>,
      %swap3A_60 = vector.shape_cast %swap3A_59 : vector<1x16xf32> to vector<16xf32>
      %swap3A_61 = vector.shape_cast %broadcast_in_dim3A_56 : vector<16xf32> to vector<1x16xf32>
      tpu.vector_store %arg11[%swap3A_57, %swap3A_58], %swap3A_61 {strides = array<i32>} : memref<128x128xf32, #tpu.memory_space<vmem>>, vector<1x16xf32>,
      %broadcast_in_dim3A_62 = arith.constant 0.000000e+00 : f32
      %broadcast_in_dim3A_63 = vector.broadcast %broadcast_in_dim3A_62 : f32 to vector<16xf32>
      %swap3A_64 = arith.index_cast %scan3A_34 : i32 to index
      %swap3A_65 = arith.constant 64 : index
      %swap3A_66 = tpu.vector_load %arg11[%swap3A_64, %swap3A_65] {strides = array<i32>} : memref<128x128xf32, #tpu.memory_space<vmem>>, vector<1x16xf32>,
      %swap3A_67 = vector.shape_cast %swap3A_66 : vector<1x16xf32> to vector<16xf32>
      %swap3A_68 = vector.shape_cast %broadcast_in_dim3A_63 : vector<16xf32> to vector<1x16xf32>
      tpu.vector_store %arg11[%swap3A_64, %swap3A_65], %swap3A_68 {strides = array<i32>} : memref<128x128xf32, #tpu.memory_space<vmem>>, vector<1x16xf32>,
      %broadcast_in_dim3A_69 = arith.constant 0.000000e+00 : f32
      %broadcast_in_dim3A_70 = vector.broadcast %broadcast_in_dim3A_69 : f32 to vector<16xf32>
      %swap3A_71 = arith.index_cast %scan3A_34 : i32 to index
      %swap3A_72 = arith.constant 80 : index
      %swap3A_73 = tpu.vector_load %arg11[%swap3A_71, %swap3A_72] {strides = array<i32>} : memref<128x128xf32, #tpu.memory_space<vmem>>, vector<1x16xf32>,
      %swap3A_74 = vector.shape_cast %swap3A_73 : vector<1x16xf32> to vector<16xf32>
      %swap3A_75 = vector.shape_cast %broadcast_in_dim3A_70 : vector<16xf32> to vector<1x16xf32>
      tpu.vector_store %arg11[%swap3A_71, %swap3A_72], %swap3A_75 {strides = array<i32>} : memref<128x128xf32, #tpu.memory_space<vmem>>, vector<1x16xf32>,
      %broadcast_in_dim3A_76 = arith.constant 0.000000e+00 : f32
      %broadcast_in_dim3A_77 = vector.broadcast %broadcast_in_dim3A_76 : f32 to vector<16xf32>
      %swap3A_78 = arith.index_cast %scan3A_34 : i32 to index
      %swap3A_79 = arith.constant 96 : index
      %swap3A_80 = tpu.vector_load %arg11[%swap3A_78, %swap3A_79] {strides = array<i32>} : memref<128x128xf32, #tpu.memory_space<vmem>>, vector<1x16xf32>,
      %swap3A_81 = vector.shape_cast %swap3A_80 : vector<1x16xf32> to vector<16xf32>
      %swap3A_82 = vector.shape_cast %broadcast_in_dim3A_77 : vector<16xf32> to vector<1x16xf32>
      tpu.vector_store %arg11[%swap3A_78, %swap3A_79], %swap3A_82 {strides = array<i32>} : memref<128x128xf32, #tpu.memory_space<vmem>>, vector<1x16xf32>,
      %broadcast_in_dim3A_83 = arith.constant 0.000000e+00 : f32
      %broadcast_in_dim3A_84 = vector.broadcast %broadcast_in_dim3A_83 : f32 to vector<16xf32>
      %swap3A_85 = arith.index_cast %scan3A_34 : i32 to index
      %swap3A_86 = arith.constant 112 : index
      %swap3A_87 = tpu.vector_load %arg11[%swap3A_85, %swap3A_86] {strides = array<i32>} : memref<128x128xf32, #tpu.memory_space<vmem>>, vector<1x16xf32>,
      %swap3A_88 = vector.shape_cast %swap3A_87 : vector<1x16xf32> to vector<16xf32>
      %swap3A_89 = vector.shape_cast %broadcast_in_dim3A_84 : vector<16xf32> to vector<1x16xf32>
      tpu.vector_store %arg11[%swap3A_85, %swap3A_86], %swap3A_89 {strides = array<i32>} : memref<128x128xf32, #tpu.memory_space<vmem>>, vector<1x16xf32>,
      %scan3A_90 = arith.constant 0 : i32
      scf.yield %scan3A_90 : i32
    }
    %scan3A_6 = arith.constant 128 : i32
    %mul3A_7 = arith.constant 624 : i32
    %mul3A_8 = arith.muli %arg1, %mul3A_7 : i32
    %add3A_9 = arith.constant 0 : i32
    %add3A_10 = arith.addi %mul3A_8, %add3A_9 : i32
    "tpu.region"() ({
      %run_scoped3A = tpu.sem_alloc : memref<!tpu.dma_semaphore, #tpu.memory_space<semaphore_mem>>
      %dma_start3A = arith.constant 0 : i32
      %dma_start3A_34 = arith.constant 0 : i32
      %dma_start3A_35 = tpu.memref_slice %arg11[%dma_start3A, %dma_start3A_34] : memref<128x128xf32, #tpu.memory_space<vmem>> -> memref<128x128xf32, #tpu.memory_space<vmem>>
      %dma_start3A_36 = arith.constant 0 : i32
      %dma_start3A_37 = tpu.memref_slice %arg7[%add3A_10, %dma_start3A_36] : memref<10000x128xf32, #tpu.memory_space<vmem_shared>> -> memref<128x128xf32, #tpu.memory_space<vmem_shared>>
      %dma_start3A_38 = arith.constant 0 : i32
      %dma_start3A_39 = tpu.memref_slice %arg7[%add3A_10, %dma_start3A_38] : memref<10000x128xf32, #tpu.memory_space<vmem_shared>> -> memref<128x128xf32, #tpu.memory_space<vmem_shared>>
      %dma_start3A_40 = arith.constant 0 : i32
      %dma_start3A_41 = arith.constant 0 : i32
      %dma_start3A_42 = tpu.memref_slice %arg11[%dma_start3A_40, %dma_start3A_41] : memref<128x128xf32, #tpu.memory_space<vmem>> -> memref<128x128xf32, #tpu.memory_space<vmem>>
      tpu.enqueue_dma source(%dma_start3A_42 : memref<128x128xf32, #tpu.memory_space<vmem>>) target(%dma_start3A_39 : memref<128x128xf32, #tpu.memory_space<vmem_shared>>) target_semaphore(%run_scoped3A : memref<!tpu.dma_semaphore, #tpu.memory_space<semaphore_mem>>)
      %dma_wait3A = arith.constant 0 : i32
      %dma_wait3A_43 = arith.constant 0 : i32
      %dma_wait3A_44 = tpu.memref_slice %arg11[%dma_wait3A, %dma_wait3A_43] : memref<128x128xf32, #tpu.memory_space<vmem>> -> memref<128x128xf32, #tpu.memory_space<vmem>>
      %dma_wait3A_45 = arith.constant 0 : i32
      %dma_wait3A_46 = tpu.memref_slice %arg7[%add3A_10, %dma_wait3A_45] : memref<10000x128xf32, #tpu.memory_space<vmem_shared>> -> memref<128x128xf32, #tpu.memory_space<vmem_shared>>
      %dma_wait3A_47 = arith.constant 0 : i32
      %dma_wait3A_48 = tpu.memref_slice %arg7[%add3A_10, %dma_wait3A_47] : memref<10000x128xf32, #tpu.memory_space<vmem_shared>> -> memref<128x128xf32, #tpu.memory_space<vmem_shared>>
      %dma_wait3A_49 = arith.constant 0 : i32
      %dma_wait3A_50 = arith.constant 0 : i32
      %dma_wait3A_51 = tpu.memref_slice %arg11[%dma_wait3A_49, %dma_wait3A_50] : memref<128x128xf32, #tpu.memory_space<vmem>> -> memref<128x128xf32, #tpu.memory_space<vmem>>
      tpu.wait_dma2 semaphore(%run_scoped3A : memref<!tpu.dma_semaphore, #tpu.memory_space<semaphore_mem>>) src(%dma_wait3A_51 : memref<128x128xf32, #tpu.memory_space<vmem>>) dst(%dma_wait3A_48 : memref<128x128xf32, #tpu.memory_space<vmem_shared>>)
      tpu.yield
    }) : () -> ()
    %add3A_11 = arith.constant 128 : i32
    %add3A_12 = arith.addi %mul3A_8, %add3A_11 : i32
    "tpu.region"() ({
      %run_scoped3A = tpu.sem_alloc : memref<!tpu.dma_semaphore, #tpu.memory_space<semaphore_mem>>
      %dma_start3A = arith.constant 0 : i32
      %dma_start3A_34 = arith.constant 0 : i32
      %dma_start3A_35 = tpu.memref_slice %arg11[%dma_start3A, %dma_start3A_34] : memref<128x128xf32, #tpu.memory_space<vmem>> -> memref<128x128xf32, #tpu.memory_space<vmem>>
      %dma_start3A_36 = arith.constant 0 : i32
      %dma_start3A_37 = tpu.memref_slice %arg7[%add3A_12, %dma_start3A_36] : memref<10000x128xf32, #tpu.memory_space<vmem_shared>> -> memref<128x128xf32, #tpu.memory_space<vmem_shared>>
      %dma_start3A_38 = arith.constant 0 : i32
      %dma_start3A_39 = tpu.memref_slice %arg7[%add3A_12, %dma_start3A_38] : memref<10000x128xf32, #tpu.memory_space<vmem_shared>> -> memref<128x128xf32, #tpu.memory_space<vmem_shared>>
      %dma_start3A_40 = arith.constant 0 : i32
      %dma_start3A_41 = arith.constant 0 : i32
      %dma_start3A_42 = tpu.memref_slice %arg11[%dma_start3A_40, %dma_start3A_41] : memref<128x128xf32, #tpu.memory_space<vmem>> -> memref<128x128xf32, #tpu.memory_space<vmem>>
      tpu.enqueue_dma source(%dma_start3A_42 : memref<128x128xf32, #tpu.memory_space<vmem>>) target(%dma_start3A_39 : memref<128x128xf32, #tpu.memory_space<vmem_shared>>) target_semaphore(%run_scoped3A : memref<!tpu.dma_semaphore, #tpu.memory_space<semaphore_mem>>)
      %dma_wait3A = arith.constant 0 : i32
      %dma_wait3A_43 = arith.constant 0 : i32
      %dma_wait3A_44 = tpu.memref_slice %arg11[%dma_wait3A, %dma_wait3A_43] : memref<128x128xf32, #tpu.memory_space<vmem>> -> memref<128x128xf32, #tpu.memory_space<vmem>>
      %dma_wait3A_45 = arith.constant 0 : i32
      %dma_wait3A_46 = tpu.memref_slice %arg7[%add3A_12, %dma_wait3A_45] : memref<10000x128xf32, #tpu.memory_space<vmem_shared>> -> memref<128x128xf32, #tpu.memory_space<vmem_shared>>
      %dma_wait3A_47 = arith.constant 0 : i32
      %dma_wait3A_48 = tpu.memref_slice %arg7[%add3A_12, %dma_wait3A_47] : memref<10000x128xf32, #tpu.memory_space<vmem_shared>> -> memref<128x128xf32, #tpu.memory_space<vmem_shared>>
      %dma_wait3A_49 = arith.constant 0 : i32
      %dma_wait3A_50 = arith.constant 0 : i32
      %dma_wait3A_51 = tpu.memref_slice %arg11[%dma_wait3A_49, %dma_wait3A_50] : memref<128x128xf32, #tpu.memory_space<vmem>> -> memref<128x128xf32, #tpu.memory_space<vmem>>
      tpu.wait_dma2 semaphore(%run_scoped3A : memref<!tpu.dma_semaphore, #tpu.memory_space<semaphore_mem>>) src(%dma_wait3A_51 : memref<128x128xf32, #tpu.memory_space<vmem>>) dst(%dma_wait3A_48 : memref<128x128xf32, #tpu.memory_space<vmem_shared>>)
      tpu.yield
    }) : () -> ()
    %add3A_13 = arith.constant 256 : i32
    %add3A_14 = arith.addi %mul3A_8, %add3A_13 : i32
    "tpu.region"() ({
      %run_scoped3A = tpu.sem_alloc : memref<!tpu.dma_semaphore, #tpu.memory_space<semaphore_mem>>
      %dma_start3A = arith.constant 0 : i32
      %dma_start3A_34 = arith.constant 0 : i32
      %dma_start3A_35 = tpu.memref_slice %arg11[%dma_start3A, %dma_start3A_34] : memref<128x128xf32, #tpu.memory_space<vmem>> -> memref<128x128xf32, #tpu.memory_space<vmem>>
      %dma_start3A_36 = arith.constant 0 : i32
      %dma_start3A_37 = tpu.memref_slice %arg7[%add3A_14, %dma_start3A_36] : memref<10000x128xf32, #tpu.memory_space<vmem_shared>> -> memref<128x128xf32, #tpu.memory_space<vmem_shared>>
      %dma_start3A_38 = arith.constant 0 : i32
      %dma_start3A_39 = tpu.memref_slice %arg7[%add3A_14, %dma_start3A_38] : memref<10000x128xf32, #tpu.memory_space<vmem_shared>> -> memref<128x128xf32, #tpu.memory_space<vmem_shared>>
      %dma_start3A_40 = arith.constant 0 : i32
      %dma_start3A_41 = arith.constant 0 : i32
      %dma_start3A_42 = tpu.memref_slice %arg11[%dma_start3A_40, %dma_start3A_41] : memref<128x128xf32, #tpu.memory_space<vmem>> -> memref<128x128xf32, #tpu.memory_space<vmem>>
      tpu.enqueue_dma source(%dma_start3A_42 : memref<128x128xf32, #tpu.memory_space<vmem>>) target(%dma_start3A_39 : memref<128x128xf32, #tpu.memory_space<vmem_shared>>) target_semaphore(%run_scoped3A : memref<!tpu.dma_semaphore, #tpu.memory_space<semaphore_mem>>)
      %dma_wait3A = arith.constant 0 : i32
      %dma_wait3A_43 = arith.constant 0 : i32
      %dma_wait3A_44 = tpu.memref_slice %arg11[%dma_wait3A, %dma_wait3A_43] : memref<128x128xf32, #tpu.memory_space<vmem>> -> memref<128x128xf32, #tpu.memory_space<vmem>>
      %dma_wait3A_45 = arith.constant 0 : i32
      %dma_wait3A_46 = tpu.memref_slice %arg7[%add3A_14, %dma_wait3A_45] : memref<10000x128xf32, #tpu.memory_space<vmem_shared>> -> memref<128x128xf32, #tpu.memory_space<vmem_shared>>
      %dma_wait3A_47 = arith.constant 0 : i32
      %dma_wait3A_48 = tpu.memref_slice %arg7[%add3A_14, %dma_wait3A_47] : memref<10000x128xf32, #tpu.memory_space<vmem_shared>> -> memref<128x128xf32, #tpu.memory_space<vmem_shared>>
      %dma_wait3A_49 = arith.constant 0 : i32
      %dma_wait3A_50 = arith.constant 0 : i32
      %dma_wait3A_51 = tpu.memref_slice %arg11[%dma_wait3A_49, %dma_wait3A_50] : memref<128x128xf32, #tpu.memory_space<vmem>> -> memref<128x128xf32, #tpu.memory_space<vmem>>
      tpu.wait_dma2 semaphore(%run_scoped3A : memref<!tpu.dma_semaphore, #tpu.memory_space<semaphore_mem>>) src(%dma_wait3A_51 : memref<128x128xf32, #tpu.memory_space<vmem>>) dst(%dma_wait3A_48 : memref<128x128xf32, #tpu.memory_space<vmem_shared>>)
      tpu.yield
    }) : () -> ()
    %add3A_15 = arith.constant 384 : i32
    %add3A_16 = arith.addi %mul3A_8, %add3A_15 : i32
    "tpu.region"() ({
      %run_scoped3A = tpu.sem_alloc : memref<!tpu.dma_semaphore, #tpu.memory_space<semaphore_mem>>
      %dma_start3A = arith.constant 0 : i32
      %dma_start3A_34 = arith.constant 0 : i32
      %dma_start3A_35 = tpu.memref_slice %arg11[%dma_start3A, %dma_start3A_34] : memref<128x128xf32, #tpu.memory_space<vmem>> -> memref<128x128xf32, #tpu.memory_space<vmem>>
      %dma_start3A_36 = arith.constant 0 : i32
      %dma_start3A_37 = tpu.memref_slice %arg7[%add3A_16, %dma_start3A_36] : memref<10000x128xf32, #tpu.memory_space<vmem_shared>> -> memref<128x128xf32, #tpu.memory_space<vmem_shared>>
      %dma_start3A_38 = arith.constant 0 : i32
      %dma_start3A_39 = tpu.memref_slice %arg7[%add3A_16, %dma_start3A_38] : memref<10000x128xf32, #tpu.memory_space<vmem_shared>> -> memref<128x128xf32, #tpu.memory_space<vmem_shared>>
      %dma_start3A_40 = arith.constant 0 : i32
      %dma_start3A_41 = arith.constant 0 : i32
      %dma_start3A_42 = tpu.memref_slice %arg11[%dma_start3A_40, %dma_start3A_41] : memref<128x128xf32, #tpu.memory_space<vmem>> -> memref<128x128xf32, #tpu.memory_space<vmem>>
      tpu.enqueue_dma source(%dma_start3A_42 : memref<128x128xf32, #tpu.memory_space<vmem>>) target(%dma_start3A_39 : memref<128x128xf32, #tpu.memory_space<vmem_shared>>) target_semaphore(%run_scoped3A : memref<!tpu.dma_semaphore, #tpu.memory_space<semaphore_mem>>)
      %dma_wait3A = arith.constant 0 : i32
      %dma_wait3A_43 = arith.constant 0 : i32
      %dma_wait3A_44 = tpu.memref_slice %arg11[%dma_wait3A, %dma_wait3A_43] : memref<128x128xf32, #tpu.memory_space<vmem>> -> memref<128x128xf32, #tpu.memory_space<vmem>>
      %dma_wait3A_45 = arith.constant 0 : i32
      %dma_wait3A_46 = tpu.memref_slice %arg7[%add3A_16, %dma_wait3A_45] : memref<10000x128xf32, #tpu.memory_space<vmem_shared>> -> memref<128x128xf32, #tpu.memory_space<vmem_shared>>
      %dma_wait3A_47 = arith.constant 0 : i32
      %dma_wait3A_48 = tpu.memref_slice %arg7[%add3A_16, %dma_wait3A_47] : memref<10000x128xf32, #tpu.memory_space<vmem_shared>> -> memref<128x128xf32, #tpu.memory_space<vmem_shared>>
      %dma_wait3A_49 = arith.constant 0 : i32
      %dma_wait3A_50 = arith.constant 0 : i32
      %dma_wait3A_51 = tpu.memref_slice %arg11[%dma_wait3A_49, %dma_wait3A_50] : memref<128x128xf32, #tpu.memory_space<vmem>> -> memref<128x128xf32, #tpu.memory_space<vmem>>
      tpu.wait_dma2 semaphore(%run_scoped3A : memref<!tpu.dma_semaphore, #tpu.memory_space<semaphore_mem>>) src(%dma_wait3A_51 : memref<128x128xf32, #tpu.memory_space<vmem>>) dst(%dma_wait3A_48 : memref<128x128xf32, #tpu.memory_space<vmem_shared>>)
      tpu.yield
    }) : () -> ()
    %add3A_17 = arith.constant 512 : i32
    %add3A_18 = arith.addi %mul3A_8, %add3A_17 : i32
    "tpu.region"() ({
      %run_scoped3A = tpu.sem_alloc : memref<!tpu.dma_semaphore, #tpu.memory_space<semaphore_mem>>
      %dma_start3A = arith.constant 0 : i32
      %dma_start3A_34 = arith.constant 0 : i32
      %dma_start3A_35 = tpu.memref_slice %arg11[%dma_start3A, %dma_start3A_34] : memref<128x128xf32, #tpu.memory_space<vmem>> -> memref<112x128xf32, #tpu.memory_space<vmem>>
      %dma_start3A_36 = arith.constant 0 : i32
      %dma_start3A_37 = tpu.memref_slice %arg7[%add3A_18, %dma_start3A_36] : memref<10000x128xf32, #tpu.memory_space<vmem_shared>> -> memref<112x128xf32, #tpu.memory_space<vmem_shared>>
      %dma_start3A_38 = arith.constant 0 : i32
      %dma_start3A_39 = tpu.memref_slice %arg7[%add3A_18, %dma_start3A_38] : memref<10000x128xf32, #tpu.memory_space<vmem_shared>> -> memref<112x128xf32, #tpu.memory_space<vmem_shared>>
      %dma_start3A_40 = arith.constant 0 : i32
      %dma_start3A_41 = arith.constant 0 : i32
      %dma_start3A_42 = tpu.memref_slice %arg11[%dma_start3A_40, %dma_start3A_41] : memref<128x128xf32, #tpu.memory_space<vmem>> -> memref<112x128xf32, #tpu.memory_space<vmem>>
      tpu.enqueue_dma source(%dma_start3A_42 : memref<112x128xf32, #tpu.memory_space<vmem>>) target(%dma_start3A_39 : memref<112x128xf32, #tpu.memory_space<vmem_shared>>) target_semaphore(%run_scoped3A : memref<!tpu.dma_semaphore, #tpu.memory_space<semaphore_mem>>)
      %dma_wait3A = arith.constant 0 : i32
      %dma_wait3A_43 = arith.constant 0 : i32
      %dma_wait3A_44 = tpu.memref_slice %arg11[%dma_wait3A, %dma_wait3A_43] : memref<128x128xf32, #tpu.memory_space<vmem>> -> memref<112x128xf32, #tpu.memory_space<vmem>>
      %dma_wait3A_45 = arith.constant 0 : i32
      %dma_wait3A_46 = tpu.memref_slice %arg7[%add3A_18, %dma_wait3A_45] : memref<10000x128xf32, #tpu.memory_space<vmem_shared>> -> memref<112x128xf32, #tpu.memory_space<vmem_shared>>
      %dma_wait3A_47 = arith.constant 0 : i32
      %dma_wait3A_48 = tpu.memref_slice %arg7[%add3A_18, %dma_wait3A_47] : memref<10000x128xf32, #tpu.memory_space<vmem_shared>> -> memref<112x128xf32, #tpu.memory_space<vmem_shared>>
      %dma_wait3A_49 = arith.constant 0 : i32
      %dma_wait3A_50 = arith.constant 0 : i32
      %dma_wait3A_51 = tpu.memref_slice %arg11[%dma_wait3A_49, %dma_wait3A_50] : memref<128x128xf32, #tpu.memory_space<vmem>> -> memref<112x128xf32, #tpu.memory_space<vmem>>
      tpu.wait_dma2 semaphore(%run_scoped3A : memref<!tpu.dma_semaphore, #tpu.memory_space<semaphore_mem>>) src(%dma_wait3A_51 : memref<112x128xf32, #tpu.memory_space<vmem>>) dst(%dma_wait3A_48 : memref<112x128xf32, #tpu.memory_space<vmem_shared>>)
      tpu.yield
    }) : () -> ()
    %eq3A = arith.constant 0 : i32
    %eq3A_19 = arith.cmpi eq, %arg1, %eq3A : i32
    %convert_element_type3A = arith.extui %eq3A_19 : i1 to i32
    %cond3A = arith.constant 0 : i32
    %cond3A_20 = arith.cmpi ne, %convert_element_type3A, %cond3A : i32
    scf.if %cond3A_20 {
      "tpu.region"() ({
        %run_scoped3A = tpu.sem_alloc : memref<!tpu.dma_semaphore, #tpu.memory_space<semaphore_mem>>
        %dma_start3A = arith.constant 0 : i32
        %dma_start3A_34 = arith.constant 0 : i32
        %dma_start3A_35 = tpu.memref_slice %arg11[%dma_start3A, %dma_start3A_34] : memref<128x128xf32, #tpu.memory_space<vmem>> -> memref<16x128xf32, #tpu.memory_space<vmem>>
        %dma_start3A_36 = arith.constant 9984 : i32
        %dma_start3A_37 = arith.constant 0 : i32
        %dma_start3A_38 = tpu.memref_slice %arg7[%dma_start3A_36, %dma_start3A_37] : memref<10000x128xf32, #tpu.memory_space<vmem_shared>> -> memref<16x128xf32, #tpu.memory_space<vmem_shared>>
        %dma_start3A_39 = arith.constant 9984 : i32
        %dma_start3A_40 = arith.constant 0 : i32
        %dma_start3A_41 = tpu.memref_slice %arg7[%dma_start3A_39, %dma_start3A_40] : memref<10000x128xf32, #tpu.memory_space<vmem_shared>> -> memref<16x128xf32, #tpu.memory_space<vmem_shared>>
        %dma_start3A_42 = arith.constant 0 : i32
        %dma_start3A_43 = arith.constant 0 : i32
        %dma_start3A_44 = tpu.memref_slice %arg11[%dma_start3A_42, %dma_start3A_43] : memref<128x128xf32, #tpu.memory_space<vmem>> -> memref<16x128xf32, #tpu.memory_space<vmem>>
        tpu.enqueue_dma source(%dma_start3A_44 : memref<16x128xf32, #tpu.memory_space<vmem>>) target(%dma_start3A_41 : memref<16x128xf32, #tpu.memory_space<vmem_shared>>) target_semaphore(%run_scoped3A : memref<!tpu.dma_semaphore, #tpu.memory_space<semaphore_mem>>)
        %dma_wait3A = arith.constant 0 : i32
        %dma_wait3A_45 = arith.constant 0 : i32
        %dma_wait3A_46 = tpu.memref_slice %arg11[%dma_wait3A, %dma_wait3A_45] : memref<128x128xf32, #tpu.memory_space<vmem>> -> memref<16x128xf32, #tpu.memory_space<vmem>>
        %dma_wait3A_47 = arith.constant 9984 : i32
        %dma_wait3A_48 = arith.constant 0 : i32
        %dma_wait3A_49 = tpu.memref_slice %arg7[%dma_wait3A_47, %dma_wait3A_48] : memref<10000x128xf32, #tpu.memory_space<vmem_shared>> -> memref<16x128xf32, #tpu.memory_space<vmem_shared>>
        %dma_wait3A_50 = arith.constant 9984 : i32
        %dma_wait3A_51 = arith.constant 0 : i32
        %dma_wait3A_52 = tpu.memref_slice %arg7[%dma_wait3A_50, %dma_wait3A_51] : memref<10000x128xf32, #tpu.memory_space<vmem_shared>> -> memref<16x128xf32, #tpu.memory_space<vmem_shared>>
        %dma_wait3A_53 = arith.constant 0 : i32
        %dma_wait3A_54 = arith.constant 0 : i32
        %dma_wait3A_55 = tpu.memref_slice %arg11[%dma_wait3A_53, %dma_wait3A_54] : memref<128x128xf32, #tpu.memory_space<vmem>> -> memref<16x128xf32, #tpu.memory_space<vmem>>
        tpu.wait_dma2 semaphore(%run_scoped3A : memref<!tpu.dma_semaphore, #tpu.memory_space<semaphore_mem>>) src(%dma_wait3A_55 : memref<16x128xf32, #tpu.memory_space<vmem>>) dst(%dma_wait3A_52 : memref<16x128xf32, #tpu.memory_space<vmem_shared>>)
        tpu.yield
      }) : () -> ()
    } else {
    }
    "tpu.region"() ({
      %run_scoped3A = tpu.sem_alloc : memref<!tpu.dma_semaphore, #tpu.memory_space<semaphore_mem>>
      %dma_start3A = arith.constant 0 : i32
      %dma_start3A_34 = arith.constant 0 : i32
      %dma_start3A_35 = tpu.memref_slice %arg3[%add3A, %dma_start3A, %dma_start3A_34] : memref<32x79x128xi32, #tpu.memory_space<hbm>> -> memref<1x79x128xi32, #tpu.memory_space<hbm>>
      %dma_start3A_36 = tpu.memref_squeeze %dma_start3A_35 : memref<1x79x128xi32, #tpu.memory_space<hbm>> -> memref<79x128xi32, #tpu.memory_space<hbm>>
      %dma_start3A_37 = arith.constant 0 : i32
      %dma_start3A_38 = arith.constant 0 : i32
      %dma_start3A_39 = tpu.memref_slice %arg3[%add3A, %dma_start3A_37, %dma_start3A_38] : memref<32x79x128xi32, #tpu.memory_space<hbm>> -> memref<1x79x128xi32, #tpu.memory_space<hbm>>
      %dma_start3A_40 = tpu.memref_squeeze %dma_start3A_39 : memref<1x79x128xi32, #tpu.memory_space<hbm>> -> memref<79x128xi32, #tpu.memory_space<hbm>>
      tpu.enqueue_dma source(%dma_start3A_40 : memref<79x128xi32, #tpu.memory_space<hbm>>) target(%arg8 : memref<79x128xi32, #tpu.memory_space<vmem>>) target_semaphore(%run_scoped3A : memref<!tpu.dma_semaphore, #tpu.memory_space<semaphore_mem>>)
      %dma_wait3A = arith.constant 0 : i32
      %dma_wait3A_41 = arith.constant 0 : i32
      %dma_wait3A_42 = tpu.memref_slice %arg3[%add3A, %dma_wait3A, %dma_wait3A_41] : memref<32x79x128xi32, #tpu.memory_space<hbm>> -> memref<1x79x128xi32, #tpu.memory_space<hbm>>
      %dma_wait3A_43 = tpu.memref_squeeze %dma_wait3A_42 : memref<1x79x128xi32, #tpu.memory_space<hbm>> -> memref<79x128xi32, #tpu.memory_space<hbm>>
      %dma_wait3A_44 = arith.constant 0 : i32
      %dma_wait3A_45 = arith.constant 0 : i32
      %dma_wait3A_46 = tpu.memref_slice %arg3[%add3A, %dma_wait3A_44, %dma_wait3A_45] : memref<32x79x128xi32, #tpu.memory_space<hbm>> -> memref<1x79x128xi32, #tpu.memory_space<hbm>>
      %dma_wait3A_47 = tpu.memref_squeeze %dma_wait3A_46 : memref<1x79x128xi32, #tpu.memory_space<hbm>> -> memref<79x128xi32, #tpu.memory_space<hbm>>
      tpu.wait_dma2 semaphore(%run_scoped3A : memref<!tpu.dma_semaphore, #tpu.memory_space<semaphore_mem>>) src(%dma_wait3A_47 : memref<79x128xi32, #tpu.memory_space<hbm>>) dst(%arg8 : memref<79x128xi32, #tpu.memory_space<vmem>>)
      tpu.yield
    }) : () -> ()
    "tpu.region"() ({
      %run_scoped3A = tpu.sem_alloc : memref<!tpu.dma_semaphore, #tpu.memory_space<semaphore_mem>>
      %dma_start3A = arith.constant 0 : i32
      %dma_start3A_34 = arith.constant 0 : i32
      %dma_start3A_35 = tpu.memref_slice %arg4[%add3A, %dma_start3A, %dma_start3A_34] : memref<32x79x128xi32, #tpu.memory_space<hbm>> -> memref<1x79x128xi32, #tpu.memory_space<hbm>>
      %dma_start3A_36 = tpu.memref_squeeze %dma_start3A_35 : memref<1x79x128xi32, #tpu.memory_space<hbm>> -> memref<79x128xi32, #tpu.memory_space<hbm>>
      %dma_start3A_37 = arith.constant 0 : i32
      %dma_start3A_38 = arith.constant 0 : i32
      %dma_start3A_39 = tpu.memref_slice %arg4[%add3A, %dma_start3A_37, %dma_start3A_38] : memref<32x79x128xi32, #tpu.memory_space<hbm>> -> memref<1x79x128xi32, #tpu.memory_space<hbm>>
      %dma_start3A_40 = tpu.memref_squeeze %dma_start3A_39 : memref<1x79x128xi32, #tpu.memory_space<hbm>> -> memref<79x128xi32, #tpu.memory_space<hbm>>
      tpu.enqueue_dma source(%dma_start3A_40 : memref<79x128xi32, #tpu.memory_space<hbm>>) target(%arg9 : memref<79x128xi32, #tpu.memory_space<vmem>>) target_semaphore(%run_scoped3A : memref<!tpu.dma_semaphore, #tpu.memory_space<semaphore_mem>>)
      %dma_wait3A = arith.constant 0 : i32
      %dma_wait3A_41 = arith.constant 0 : i32
      %dma_wait3A_42 = tpu.memref_slice %arg4[%add3A, %dma_wait3A, %dma_wait3A_41] : memref<32x79x128xi32, #tpu.memory_space<hbm>> -> memref<1x79x128xi32, #tpu.memory_space<hbm>>
      %dma_wait3A_43 = tpu.memref_squeeze %dma_wait3A_42 : memref<1x79x128xi32, #tpu.memory_space<hbm>> -> memref<79x128xi32, #tpu.memory_space<hbm>>
      %dma_wait3A_44 = arith.constant 0 : i32
      %dma_wait3A_45 = arith.constant 0 : i32
      %dma_wait3A_46 = tpu.memref_slice %arg4[%add3A, %dma_wait3A_44, %dma_wait3A_45] : memref<32x79x128xi32, #tpu.memory_space<hbm>> -> memref<1x79x128xi32, #tpu.memory_space<hbm>>
      %dma_wait3A_47 = tpu.memref_squeeze %dma_wait3A_46 : memref<1x79x128xi32, #tpu.memory_space<hbm>> -> memref<79x128xi32, #tpu.memory_space<hbm>>
      tpu.wait_dma2 semaphore(%run_scoped3A : memref<!tpu.dma_semaphore, #tpu.memory_space<semaphore_mem>>) src(%dma_wait3A_47 : memref<79x128xi32, #tpu.memory_space<hbm>>) dst(%arg9 : memref<79x128xi32, #tpu.memory_space<vmem>>)
      tpu.yield
    }) : () -> ()
    "tpu.region"() ({
      %run_scoped3A = tpu.sem_alloc : memref<!tpu.dma_semaphore, #tpu.memory_space<semaphore_mem>>
      %dma_start3A = arith.constant 0 : i32
      %dma_start3A_34 = arith.constant 0 : i32
      %dma_start3A_35 = tpu.memref_slice %arg5[%add3A, %dma_start3A, %dma_start3A_34] : memref<32x79x128xf32, #tpu.memory_space<hbm>> -> memref<1x79x128xf32, #tpu.memory_space<hbm>>
      %dma_start3A_36 = tpu.memref_squeeze %dma_start3A_35 : memref<1x79x128xf32, #tpu.memory_space<hbm>> -> memref<79x128xf32, #tpu.memory_space<hbm>>
      %dma_start3A_37 = arith.constant 0 : i32
      %dma_start3A_38 = arith.constant 0 : i32
      %dma_start3A_39 = tpu.memref_slice %arg5[%add3A, %dma_start3A_37, %dma_start3A_38] : memref<32x79x128xf32, #tpu.memory_space<hbm>> -> memref<1x79x128xf32, #tpu.memory_space<hbm>>
      %dma_start3A_40 = tpu.memref_squeeze %dma_start3A_39 : memref<1x79x128xf32, #tpu.memory_space<hbm>> -> memref<79x128xf32, #tpu.memory_space<hbm>>
      tpu.enqueue_dma source(%dma_start3A_40 : memref<79x128xf32, #tpu.memory_space<hbm>>) target(%arg10 : memref<79x128xf32, #tpu.memory_space<vmem>>) target_semaphore(%run_scoped3A : memref<!tpu.dma_semaphore, #tpu.memory_space<semaphore_mem>>)
      %dma_wait3A = arith.constant 0 : i32
      %dma_wait3A_41 = arith.constant 0 : i32
      %dma_wait3A_42 = tpu.memref_slice %arg5[%add3A, %dma_wait3A, %dma_wait3A_41] : memref<32x79x128xf32, #tpu.memory_space<hbm>> -> memref<1x79x128xf32, #tpu.memory_space<hbm>>
      %dma_wait3A_43 = tpu.memref_squeeze %dma_wait3A_42 : memref<1x79x128xf32, #tpu.memory_space<hbm>> -> memref<79x128xf32, #tpu.memory_space<hbm>>
      %dma_wait3A_44 = arith.constant 0 : i32
      %dma_wait3A_45 = arith.constant 0 : i32
      %dma_wait3A_46 = tpu.memref_slice %arg5[%add3A, %dma_wait3A_44, %dma_wait3A_45] : memref<32x79x128xf32, #tpu.memory_space<hbm>> -> memref<1x79x128xf32, #tpu.memory_space<hbm>>
      %dma_wait3A_47 = tpu.memref_squeeze %dma_wait3A_46 : memref<1x79x128xf32, #tpu.memory_space<hbm>> -> memref<79x128xf32, #tpu.memory_space<hbm>>
      tpu.wait_dma2 semaphore(%run_scoped3A : memref<!tpu.dma_semaphore, #tpu.memory_space<semaphore_mem>>) src(%dma_wait3A_47 : memref<79x128xf32, #tpu.memory_space<hbm>>) dst(%arg10 : memref<79x128xf32, #tpu.memory_space<vmem>>)
      tpu.yield
    }) : () -> ()
    %barrier3A = arith.constant 0 : index
    tpu.barrier barrier_id(%barrier3A)
    %scan3A_21 = arith.constant 0 : i32
    %scan3A_22 = arith.constant 0 : i32
    %scan3A_23 = arith.constant 79 : i32
    %scan3A_24 = arith.addi %scan3A_22, %scan3A_23 : i32
    %scan3A_25 = arith.constant 1 : i32
    %scan3A_26 = scf.for %scan3A_34 = %scan3A_22 to %scan3A_24 step %scan3A_25 iter_args(%scan3A_35 = %scan3A_21) -> (i32)  : i32 {
      %dma_start3A = arith.constant 0 : i32
      %dma_start3A_36 = tpu.memref_slice %arg8[%scan3A_34, %dma_start3A] : memref<79x128xi32, #tpu.memory_space<vmem>> -> memref<1x128xi32, #tpu.memory_space<vmem>>
      %dma_start3A_37 = tpu.memref_squeeze %dma_start3A_36 : memref<1x128xi32, #tpu.memory_space<vmem>> -> memref<128xi32, #tpu.memory_space<vmem>>
      %dma_start3A_38 = arith.constant 0 : i32
      %dma_start3A_39 = arith.constant 0 : i32
      %dma_start3A_40 = tpu.memref_slice %arg2[%dma_start3A_38, %dma_start3A_39] : memref<10000x128xf32, #tpu.memory_space<hbm>> -> memref<10000x128xf32, #tpu.memory_space<hbm>>
      tpu.enqueue_indirect_dma source(%dma_start3A_40 : memref<10000x128xf32, #tpu.memory_space<hbm>>) target(%arg11 : memref<128x128xf32, #tpu.memory_space<vmem>>) offsets(%dma_start3A_37 : memref<128xi32, #tpu.memory_space<vmem>>) semaphore(%arg12 : memref<!tpu.dma_semaphore, #tpu.memory_space<semaphore_mem>>)
      %dma_wait3A = arith.constant 0 : i32
      %dma_wait3A_41 = tpu.memref_slice %arg8[%scan3A_34, %dma_wait3A] : memref<79x128xi32, #tpu.memory_space<vmem>> -> memref<1x128xi32, #tpu.memory_space<vmem>>
      %dma_wait3A_42 = tpu.memref_squeeze %dma_wait3A_41 : memref<1x128xi32, #tpu.memory_space<vmem>> -> memref<128xi32, #tpu.memory_space<vmem>>
      %dma_wait3A_43 = arith.constant 0 : i32
      %dma_wait3A_44 = arith.constant 0 : i32
      %dma_wait3A_45 = tpu.memref_slice %arg2[%dma_wait3A_43, %dma_wait3A_44] : memref<10000x128xf32, #tpu.memory_space<hbm>> -> memref<10000x128xf32, #tpu.memory_space<hbm>>
      tpu.wait_indirect_dma semaphore(%arg12 : memref<!tpu.dma_semaphore, #tpu.memory_space<semaphore_mem>>) src(%dma_wait3A_45 : memref<10000x128xf32, #tpu.memory_space<hbm>>) dst(%arg11 : memref<128x128xf32, #tpu.memory_space<vmem>>)
      %scan3A_46 = arith.constant 0 : i32
      %scan3A_47 = arith.constant 0 : i32
      %scan3A_48 = arith.constant 8 : i32
      %scan3A_49 = arith.addi %scan3A_47, %scan3A_48 : i32
      %scan3A_50 = arith.constant 1 : i32
      %scan3A_51 = scf.for %scan3A_54 = %scan3A_47 to %scan3A_49 step %scan3A_50 iter_args(%scan3A_55 = %scan3A_46) -> (i32)  : i32 {
        %mul3A_56 = arith.constant 16 : i32
        %mul3A_57 = arith.muli %scan3A_54, %mul3A_56 : i32
        %get3A = arith.index_cast %scan3A_34 : i32 to index
        %get3A_58 = arith.index_cast %mul3A_57 : i32 to index
        %get3A_59 = tpu.vector_load %arg10[%get3A, %get3A_58] {strides = array<i32>} : memref<79x128xf32, #tpu.memory_space<vmem>>, vector<1x16xf32>,
        %get3A_60 = vector.shape_cast %get3A_59 : vector<1x16xf32> to vector<16xf32>
        %mul3A_61 = arith.constant 16 : i32
        %mul3A_62 = arith.muli %scan3A_54, %mul3A_61 : i32
        %add3A_63 = arith.constant 0 : i32
        %add3A_64 = arith.addi %mul3A_62, %add3A_63 : i32
        %slice3A = vector.extract_strided_slice %get3A_60 {offsets = [0], sizes = [1], strides = [1]} : vector<16xf32> to vector<1xf32>
        %squeeze3A = vector.extract %slice3A[0] : f32 from vector<1xf32>
        %broadcast_in_dim3A = vector.broadcast %squeeze3A : f32 to vector<16xf32>
        %get3A_65 = arith.index_cast %add3A_64 : i32 to index
        %get3A_66 = arith.constant 0 : index
        %get3A_67 = tpu.vector_load %arg11[%get3A_65, %get3A_66] {strides = array<i32>} : memref<128x128xf32, #tpu.memory_space<vmem>>, vector<1x16xf32>,
        %get3A_68 = vector.shape_cast %get3A_67 : vector<1x16xf32> to vector<16xf32>
        %mul3A_69 = arith.mulf %get3A_68, %broadcast_in_dim3A : vector<16xf32>
        %swap3A = arith.index_cast %add3A_64 : i32 to index
        %swap3A_70 = arith.constant 0 : index
        %swap3A_71 = tpu.vector_load %arg11[%swap3A, %swap3A_70] {strides = array<i32>} : memref<128x128xf32, #tpu.memory_space<vmem>>, vector<1x16xf32>,
        %swap3A_72 = vector.shape_cast %swap3A_71 : vector<1x16xf32> to vector<16xf32>
        %swap3A_73 = vector.shape_cast %mul3A_69 : vector<16xf32> to vector<1x16xf32>
        tpu.vector_store %arg11[%swap3A, %swap3A_70], %swap3A_73 {strides = array<i32>} : memref<128x128xf32, #tpu.memory_space<vmem>>, vector<1x16xf32>,
        %get3A_74 = arith.index_cast %add3A_64 : i32 to index
        %get3A_75 = arith.constant 16 : index
        %get3A_76 = tpu.vector_load %arg11[%get3A_74, %get3A_75] {strides = array<i32>} : memref<128x128xf32, #tpu.memory_space<vmem>>, vector<1x16xf32>,
        %get3A_77 = vector.shape_cast %get3A_76 : vector<1x16xf32> to vector<16xf32>
        %mul3A_78 = arith.mulf %get3A_77, %broadcast_in_dim3A : vector<16xf32>
        %swap3A_79 = arith.index_cast %add3A_64 : i32 to index
        %swap3A_80 = arith.constant 16 : index
        %swap3A_81 = tpu.vector_load %arg11[%swap3A_79, %swap3A_80] {strides = array<i32>} : memref<128x128xf32, #tpu.memory_space<vmem>>, vector<1x16xf32>,
        %swap3A_82 = vector.shape_cast %swap3A_81 : vector<1x16xf32> to vector<16xf32>
        %swap3A_83 = vector.shape_cast %mul3A_78 : vector<16xf32> to vector<1x16xf32>
        tpu.vector_store %arg11[%swap3A_79, %swap3A_80], %swap3A_83 {strides = array<i32>} : memref<128x128xf32, #tpu.memory_space<vmem>>, vector<1x16xf32>,
        %get3A_84 = arith.index_cast %add3A_64 : i32 to index
        %get3A_85 = arith.constant 32 : index
        %get3A_86 = tpu.vector_load %arg11[%get3A_84, %get3A_85] {strides = array<i32>} : memref<128x128xf32, #tpu.memory_space<vmem>>, vector<1x16xf32>,
        %get3A_87 = vector.shape_cast %get3A_86 : vector<1x16xf32> to vector<16xf32>
        %mul3A_88 = arith.mulf %get3A_87, %broadcast_in_dim3A : vector<16xf32>
        %swap3A_89 = arith.index_cast %add3A_64 : i32 to index
        %swap3A_90 = arith.constant 32 : index
        %swap3A_91 = tpu.vector_load %arg11[%swap3A_89, %swap3A_90] {strides = array<i32>} : memref<128x128xf32, #tpu.memory_space<vmem>>, vector<1x16xf32>,
        %swap3A_92 = vector.shape_cast %swap3A_91 : vector<1x16xf32> to vector<16xf32>
        %swap3A_93 = vector.shape_cast %mul3A_88 : vector<16xf32> to vector<1x16xf32>
        tpu.vector_store %arg11[%swap3A_89, %swap3A_90], %swap3A_93 {strides = array<i32>} : memref<128x128xf32, #tpu.memory_space<vmem>>, vector<1x16xf32>,
        %get3A_94 = arith.index_cast %add3A_64 : i32 to index
        %get3A_95 = arith.constant 48 : index
        %get3A_96 = tpu.vector_load %arg11[%get3A_94, %get3A_95] {strides = array<i32>} : memref<128x128xf32, #tpu.memory_space<vmem>>, vector<1x16xf32>,
        %get3A_97 = vector.shape_cast %get3A_96 : vector<1x16xf32> to vector<16xf32>
        %mul3A_98 = arith.mulf %get3A_97, %broadcast_in_dim3A : vector<16xf32>
        %swap3A_99 = arith.index_cast %add3A_64 : i32 to index
        %swap3A_100 = arith.constant 48 : index
        %swap3A_101 = tpu.vector_load %arg11[%swap3A_99, %swap3A_100] {strides = array<i32>} : memref<128x128xf32, #tpu.memory_space<vmem>>, vector<1x16xf32>,
        %swap3A_102 = vector.shape_cast %swap3A_101 : vector<1x16xf32> to vector<16xf32>
        %swap3A_103 = vector.shape_cast %mul3A_98 : vector<16xf32> to vector<1x16xf32>
        tpu.vector_store %arg11[%swap3A_99, %swap3A_100], %swap3A_103 {strides = array<i32>} : memref<128x128xf32, #tpu.memory_space<vmem>>, vector<1x16xf32>,
        %get3A_104 = arith.index_cast %add3A_64 : i32 to index
        %get3A_105 = arith.constant 64 : index
        %get3A_106 = tpu.vector_load %arg11[%get3A_104, %get3A_105] {strides = array<i32>} : memref<128x128xf32, #tpu.memory_space<vmem>>, vector<1x16xf32>,
        %get3A_107 = vector.shape_cast %get3A_106 : vector<1x16xf32> to vector<16xf32>
        %mul3A_108 = arith.mulf %get3A_107, %broadcast_in_dim3A : vector<16xf32>
        %swap3A_109 = arith.index_cast %add3A_64 : i32 to index
        %swap3A_110 = arith.constant 64 : index
        %swap3A_111 = tpu.vector_load %arg11[%swap3A_109, %swap3A_110] {strides = array<i32>} : memref<128x128xf32, #tpu.memory_space<vmem>>, vector<1x16xf32>,
        %swap3A_112 = vector.shape_cast %swap3A_111 : vector<1x16xf32> to vector<16xf32>
        %swap3A_113 = vector.shape_cast %mul3A_108 : vector<16xf32> to vector<1x16xf32>
        tpu.vector_store %arg11[%swap3A_109, %swap3A_110], %swap3A_113 {strides = array<i32>} : memref<128x128xf32, #tpu.memory_space<vmem>>, vector<1x16xf32>,
        %get3A_114 = arith.index_cast %add3A_64 : i32 to index
        %get3A_115 = arith.constant 80 : index
        %get3A_116 = tpu.vector_load %arg11[%get3A_114, %get3A_115] {strides = array<i32>} : memref<128x128xf32, #tpu.memory_space<vmem>>, vector<1x16xf32>,
        %get3A_117 = vector.shape_cast %get3A_116 : vector<1x16xf32> to vector<16xf32>
        %mul3A_118 = arith.mulf %get3A_117, %broadcast_in_dim3A : vector<16xf32>
        %swap3A_119 = arith.index_cast %add3A_64 : i32 to index
        %swap3A_120 = arith.constant 80 : index
        %swap3A_121 = tpu.vector_load %arg11[%swap3A_119, %swap3A_120] {strides = array<i32>} : memref<128x128xf32, #tpu.memory_space<vmem>>, vector<1x16xf32>,
        %swap3A_122 = vector.shape_cast %swap3A_121 : vector<1x16xf32> to vector<16xf32>
        %swap3A_123 = vector.shape_cast %mul3A_118 : vector<16xf32> to vector<1x16xf32>
        tpu.vector_store %arg11[%swap3A_119, %swap3A_120], %swap3A_123 {strides = array<i32>} : memref<128x128xf32, #tpu.memory_space<vmem>>, vector<1x16xf32>,
        %get3A_124 = arith.index_cast %add3A_64 : i32 to index
        %get3A_125 = arith.constant 96 : index
        %get3A_126 = tpu.vector_load %arg11[%get3A_124, %get3A_125] {strides = array<i32>} : memref<128x128xf32, #tpu.memory_space<vmem>>, vector<1x16xf32>,
        %get3A_127 = vector.shape_cast %get3A_126 : vector<1x16xf32> to vector<16xf32>
        %mul3A_128 = arith.mulf %get3A_127, %broadcast_in_dim3A : vector<16xf32>
        %swap3A_129 = arith.index_cast %add3A_64 : i32 to index
        %swap3A_130 = arith.constant 96 : index
        %swap3A_131 = tpu.vector_load %arg11[%swap3A_129, %swap3A_130] {strides = array<i32>} : memref<128x128xf32, #tpu.memory_space<vmem>>, vector<1x16xf32>,
        %swap3A_132 = vector.shape_cast %swap3A_131 : vector<1x16xf32> to vector<16xf32>
        %swap3A_133 = vector.shape_cast %mul3A_128 : vector<16xf32> to vector<1x16xf32>
        tpu.vector_store %arg11[%swap3A_129, %swap3A_130], %swap3A_133 {strides = array<i32>} : memref<128x128xf32, #tpu.memory_space<vmem>>, vector<1x16xf32>,
        %get3A_134 = arith.index_cast %add3A_64 : i32 to index
        %get3A_135 = arith.constant 112 : index
        %get3A_136 = tpu.vector_load %arg11[%get3A_134, %get3A_135] {strides = array<i32>} : memref<128x128xf32, #tpu.memory_space<vmem>>, vector<1x16xf32>,
        %get3A_137 = vector.shape_cast %get3A_136 : vector<1x16xf32> to vector<16xf32>
        %mul3A_138 = arith.mulf %get3A_137, %broadcast_in_dim3A : vector<16xf32>
        %swap3A_139 = arith.index_cast %add3A_64 : i32 to index
        %swap3A_140 = arith.constant 112 : index
        %swap3A_141 = tpu.vector_load %arg11[%swap3A_139, %swap3A_140] {strides = array<i32>} : memref<128x128xf32, #tpu.memory_space<vmem>>, vector<1x16xf32>,
        %swap3A_142 = vector.shape_cast %swap3A_141 : vector<1x16xf32> to vector<16xf32>
        %swap3A_143 = vector.shape_cast %mul3A_138 : vector<16xf32> to vector<1x16xf32>
        tpu.vector_store %arg11[%swap3A_139, %swap3A_140], %swap3A_143 {strides = array<i32>} : memref<128x128xf32, #tpu.memory_space<vmem>>, vector<1x16xf32>,
        %mul3A_144 = arith.constant 16 : i32
        %mul3A_145 = arith.muli %scan3A_54, %mul3A_144 : i32
        %add3A_146 = arith.constant 1 : i32
        %add3A_147 = arith.addi %mul3A_145, %add3A_146 : i32
        %slice3A_148 = vector.extract_strided_slice %get3A_60 {offsets = [1], sizes = [1], strides = [1]} : vector<16xf32> to vector<1xf32>
        %squeeze3A_149 = vector.extract %slice3A_148[0] : f32 from vector<1xf32>
        %broadcast_in_dim3A_150 = vector.broadcast %squeeze3A_149 : f32 to vector<16xf32>
        %get3A_151 = arith.index_cast %add3A_147 : i32 to index
        %get3A_152 = arith.constant 0 : index
        %get3A_153 = tpu.vector_load %arg11[%get3A_151, %get3A_152] {strides = array<i32>} : memref<128x128xf32, #tpu.memory_space<vmem>>, vector<1x16xf32>,
        %get3A_154 = vector.shape_cast %get3A_153 : vector<1x16xf32> to vector<16xf32>
        %mul3A_155 = arith.mulf %get3A_154, %broadcast_in_dim3A_150 : vector<16xf32>
        %swap3A_156 = arith.index_cast %add3A_147 : i32 to index
        %swap3A_157 = arith.constant 0 : index
        %swap3A_158 = tpu.vector_load %arg11[%swap3A_156, %swap3A_157] {strides = array<i32>} : memref<128x128xf32, #tpu.memory_space<vmem>>, vector<1x16xf32>,
        %swap3A_159 = vector.shape_cast %swap3A_158 : vector<1x16xf32> to vector<16xf32>
        %swap3A_160 = vector.shape_cast %mul3A_155 : vector<16xf32> to vector<1x16xf32>
        tpu.vector_store %arg11[%swap3A_156, %swap3A_157], %swap3A_160 {strides = array<i32>} : memref<128x128xf32, #tpu.memory_space<vmem>>, vector<1x16xf32>,
        %get3A_161 = arith.index_cast %add3A_147 : i32 to index
        %get3A_162 = arith.constant 16 : index
        %get3A_163 = tpu.vector_load %arg11[%get3A_161, %get3A_162] {strides = array<i32>} : memref<128x128xf32, #tpu.memory_space<vmem>>, vector<1x16xf32>,
        %get3A_164 = vector.shape_cast %get3A_163 : vector<1x16xf32> to vector<16xf32>
        %mul3A_165 = arith.mulf %get3A_164, %broadcast_in_dim3A_150 : vector<16xf32>
        %swap3A_166 = arith.index_cast %add3A_147 : i32 to index
        %swap3A_167 = arith.constant 16 : index
        %swap3A_168 = tpu.vector_load %arg11[%swap3A_166, %swap3A_167] {strides = array<i32>} : memref<128x128xf32, #tpu.memory_space<vmem>>, vector<1x16xf32>,
        %swap3A_169 = vector.shape_cast %swap3A_168 : vector<1x16xf32> to vector<16xf32>
        %swap3A_170 = vector.shape_cast %mul3A_165 : vector<16xf32> to vector<1x16xf32>
        tpu.vector_store %arg11[%swap3A_166, %swap3A_167], %swap3A_170 {strides = array<i32>} : memref<128x128xf32, #tpu.memory_space<vmem>>, vector<1x16xf32>,
        %get3A_171 = arith.index_cast %add3A_147 : i32 to index
        %get3A_172 = arith.constant 32 : index
        %get3A_173 = tpu.vector_load %arg11[%get3A_171, %get3A_172] {strides = array<i32>} : memref<128x128xf32, #tpu.memory_space<vmem>>, vector<1x16xf32>,
        %get3A_174 = vector.shape_cast %get3A_173 : vector<1x16xf32> to vector<16xf32>
        %mul3A_175 = arith.mulf %get3A_174, %broadcast_in_dim3A_150 : vector<16xf32>
        %swap3A_176 = arith.index_cast %add3A_147 : i32 to index
        %swap3A_177 = arith.constant 32 : index
        %swap3A_178 = tpu.vector_load %arg11[%swap3A_176, %swap3A_177] {strides = array<i32>} : memref<128x128xf32, #tpu.memory_space<vmem>>, vector<1x16xf32>,
        %swap3A_179 = vector.shape_cast %swap3A_178 : vector<1x16xf32> to vector<16xf32>
        %swap3A_180 = vector.shape_cast %mul3A_175 : vector<16xf32> to vector<1x16xf32>
        tpu.vector_store %arg11[%swap3A_176, %swap3A_177], %swap3A_180 {strides = array<i32>} : memref<128x128xf32, #tpu.memory_space<vmem>>, vector<1x16xf32>,
        %get3A_181 = arith.index_cast %add3A_147 : i32 to index
        %get3A_182 = arith.constant 48 : index
        %get3A_183 = tpu.vector_load %arg11[%get3A_181, %get3A_182] {strides = array<i32>} : memref<128x128xf32, #tpu.memory_space<vmem>>, vector<1x16xf32>,
        %get3A_184 = vector.shape_cast %get3A_183 : vector<1x16xf32> to vector<16xf32>
        %mul3A_185 = arith.mulf %get3A_184, %broadcast_in_dim3A_150 : vector<16xf32>
        %swap3A_186 = arith.index_cast %add3A_147 : i32 to index
        %swap3A_187 = arith.constant 48 : index
        %swap3A_188 = tpu.vector_load %arg11[%swap3A_186, %swap3A_187] {strides = array<i32>} : memref<128x128xf32, #tpu.memory_space<vmem>>, vector<1x16xf32>,
        %swap3A_189 = vector.shape_cast %swap3A_188 : vector<1x16xf32> to vector<16xf32>
        %swap3A_190 = vector.shape_cast %mul3A_185 : vector<16xf32> to vector<1x16xf32>
        tpu.vector_store %arg11[%swap3A_186, %swap3A_187], %swap3A_190 {strides = array<i32>} : memref<128x128xf32, #tpu.memory_space<vmem>>, vector<1x16xf32>,
        %get3A_191 = arith.index_cast %add3A_147 : i32 to index
        %get3A_192 = arith.constant 64 : index
        %get3A_193 = tpu.vector_load %arg11[%get3A_191, %get3A_192] {strides = array<i32>} : memref<128x128xf32, #tpu.memory_space<vmem>>, vector<1x16xf32>,
        %get3A_194 = vector.shape_cast %get3A_193 : vector<1x16xf32> to vector<16xf32>
        %mul3A_195 = arith.mulf %get3A_194, %broadcast_in_dim3A_150 : vector<16xf32>
        %swap3A_196 = arith.index_cast %add3A_147 : i32 to index
        %swap3A_197 = arith.constant 64 : index
        %swap3A_198 = tpu.vector_load %arg11[%swap3A_196, %swap3A_197] {strides = array<i32>} : memref<128x128xf32, #tpu.memory_space<vmem>>, vector<1x16xf32>,
        %swap3A_199 = vector.shape_cast %swap3A_198 : vector<1x16xf32> to vector<16xf32>
        %swap3A_200 = vector.shape_cast %mul3A_195 : vector<16xf32> to vector<1x16xf32>
        tpu.vector_store %arg11[%swap3A_196, %swap3A_197], %swap3A_200 {strides = array<i32>} : memref<128x128xf32, #tpu.memory_space<vmem>>, vector<1x16xf32>,
        %get3A_201 = arith.index_cast %add3A_147 : i32 to index
        %get3A_202 = arith.constant 80 : index
        %get3A_203 = tpu.vector_load %arg11[%get3A_201, %get3A_202] {strides = array<i32>} : memref<128x128xf32, #tpu.memory_space<vmem>>, vector<1x16xf32>,
        %get3A_204 = vector.shape_cast %get3A_203 : vector<1x16xf32> to vector<16xf32>
        %mul3A_205 = arith.mulf %get3A_204, %broadcast_in_dim3A_150 : vector<16xf32>
        %swap3A_206 = arith.index_cast %add3A_147 : i32 to index
        %swap3A_207 = arith.constant 80 : index
        %swap3A_208 = tpu.vector_load %arg11[%swap3A_206, %swap3A_207] {strides = array<i32>} : memref<128x128xf32, #tpu.memory_space<vmem>>, vector<1x16xf32>,
        %swap3A_209 = vector.shape_cast %swap3A_208 : vector<1x16xf32> to vector<16xf32>
        %swap3A_210 = vector.shape_cast %mul3A_205 : vector<16xf32> to vector<1x16xf32>
        tpu.vector_store %arg11[%swap3A_206, %swap3A_207], %swap3A_210 {strides = array<i32>} : memref<128x128xf32, #tpu.memory_space<vmem>>, vector<1x16xf32>,
        %get3A_211 = arith.index_cast %add3A_147 : i32 to index
        %get3A_212 = arith.constant 96 : index
        %get3A_213 = tpu.vector_load %arg11[%get3A_211, %get3A_212] {strides = array<i32>} : memref<128x128xf32, #tpu.memory_space<vmem>>, vector<1x16xf32>,
        %get3A_214 = vector.shape_cast %get3A_213 : vector<1x16xf32> to vector<16xf32>
        %mul3A_215 = arith.mulf %get3A_214, %broadcast_in_dim3A_150 : vector<16xf32>
        %swap3A_216 = arith.index_cast %add3A_147 : i32 to index
        %swap3A_217 = arith.constant 96 : index
        %swap3A_218 = tpu.vector_load %arg11[%swap3A_216, %swap3A_217] {strides = array<i32>} : memref<128x128xf32, #tpu.memory_space<vmem>>, vector<1x16xf32>,
        %swap3A_219 = vector.shape_cast %swap3A_218 : vector<1x16xf32> to vector<16xf32>
        %swap3A_220 = vector.shape_cast %mul3A_215 : vector<16xf32> to vector<1x16xf32>
        tpu.vector_store %arg11[%swap3A_216, %swap3A_217], %swap3A_220 {strides = array<i32>} : memref<128x128xf32, #tpu.memory_space<vmem>>, vector<1x16xf32>,
        %get3A_221 = arith.index_cast %add3A_147 : i32 to index
        %get3A_222 = arith.constant 112 : index
        %get3A_223 = tpu.vector_load %arg11[%get3A_221, %get3A_222] {strides = array<i32>} : memref<128x128xf32, #tpu.memory_space<vmem>>, vector<1x16xf32>,
        %get3A_224 = vector.shape_cast %get3A_223 : vector<1x16xf32> to vector<16xf32>
        %mul3A_225 = arith.mulf %get3A_224, %broadcast_in_dim3A_150 : vector<16xf32>
        %swap3A_226 = arith.index_cast %add3A_147 : i32 to index
        %swap3A_227 = arith.constant 112 : index
        %swap3A_228 = tpu.vector_load %arg11[%swap3A_226, %swap3A_227] {strides = array<i32>} : memref<128x128xf32, #tpu.memory_space<vmem>>, vector<1x16xf32>,
        %swap3A_229 = vector.shape_cast %swap3A_228 : vector<1x16xf32> to vector<16xf32>
        %swap3A_230 = vector.shape_cast %mul3A_225 : vector<16xf32> to vector<1x16xf32>
        tpu.vector_store %arg11[%swap3A_226, %swap3A_227], %swap3A_230 {strides = array<i32>} : memref<128x128xf32, #tpu.memory_space<vmem>>, vector<1x16xf32>,
        %mul3A_231 = arith.constant 16 : i32
        %mul3A_232 = arith.muli %scan3A_54, %mul3A_231 : i32
        %add3A_233 = arith.constant 2 : i32
        %add3A_234 = arith.addi %mul3A_232, %add3A_233 : i32
        %slice3A_235 = vector.extract_strided_slice %get3A_60 {offsets = [2], sizes = [1], strides = [1]} : vector<16xf32> to vector<1xf32>
        %squeeze3A_236 = vector.extract %slice3A_235[0] : f32 from vector<1xf32>
        %broadcast_in_dim3A_237 = vector.broadcast %squeeze3A_236 : f32 to vector<16xf32>
        %get3A_238 = arith.index_cast %add3A_234 : i32 to index
        %get3A_239 = arith.constant 0 : index
        %get3A_240 = tpu.vector_load %arg11[%get3A_238, %get3A_239] {strides = array<i32>} : memref<128x128xf32, #tpu.memory_space<vmem>>, vector<1x16xf32>,
        %get3A_241 = vector.shape_cast %get3A_240 : vector<1x16xf32> to vector<16xf32>
        %mul3A_242 = arith.mulf %get3A_241, %broadcast_in_dim3A_237 : vector<16xf32>
        %swap3A_243 = arith.index_cast %add3A_234 : i32 to index
        %swap3A_244 = arith.constant 0 : index
        %swap3A_245 = tpu.vector_load %arg11[%swap3A_243, %swap3A_244] {strides = array<i32>} : memref<128x128xf32, #tpu.memory_space<vmem>>, vector<1x16xf32>,
        %swap3A_246 = vector.shape_cast %swap3A_245 : vector<1x16xf32> to vector<16xf32>
        %swap3A_247 = vector.shape_cast %mul3A_242 : vector<16xf32> to vector<1x16xf32>
        tpu.vector_store %arg11[%swap3A_243, %swap3A_244], %swap3A_247 {strides = array<i32>} : memref<128x128xf32, #tpu.memory_space<vmem>>, vector<1x16xf32>,
        %get3A_248 = arith.index_cast %add3A_234 : i32 to index
        %get3A_249 = arith.constant 16 : index
        %get3A_250 = tpu.vector_load %arg11[%get3A_248, %get3A_249] {strides = array<i32>} : memref<128x128xf32, #tpu.memory_space<vmem>>, vector<1x16xf32>,
        %get3A_251 = vector.shape_cast %get3A_250 : vector<1x16xf32> to vector<16xf32>
        %mul3A_252 = arith.mulf %get3A_251, %broadcast_in_dim3A_237 : vector<16xf32>
        %swap3A_253 = arith.index_cast %add3A_234 : i32 to index
        %swap3A_254 = arith.constant 16 : index
        %swap3A_255 = tpu.vector_load %arg11[%swap3A_253, %swap3A_254] {strides = array<i32>} : memref<128x128xf32, #tpu.memory_space<vmem>>, vector<1x16xf32>,
        %swap3A_256 = vector.shape_cast %swap3A_255 : vector<1x16xf32> to vector<16xf32>
        %swap3A_257 = vector.shape_cast %mul3A_252 : vector<16xf32> to vector<1x16xf32>
        tpu.vector_store %arg11[%swap3A_253, %swap3A_254], %swap3A_257 {strides = array<i32>} : memref<128x128xf32, #tpu.memory_space<vmem>>, vector<1x16xf32>,
        %get3A_258 = arith.index_cast %add3A_234 : i32 to index
        %get3A_259 = arith.constant 32 : index
        %get3A_260 = tpu.vector_load %arg11[%get3A_258, %get3A_259] {strides = array<i32>} : memref<128x128xf32, #tpu.memory_space<vmem>>, vector<1x16xf32>,
        %get3A_261 = vector.shape_cast %get3A_260 : vector<1x16xf32> to vector<16xf32>
        %mul3A_262 = arith.mulf %get3A_261, %broadcast_in_dim3A_237 : vector<16xf32>
        %swap3A_263 = arith.index_cast %add3A_234 : i32 to index
        %swap3A_264 = arith.constant 32 : index
        %swap3A_265 = tpu.vector_load %arg11[%swap3A_263, %swap3A_264] {strides = array<i32>} : memref<128x128xf32, #tpu.memory_space<vmem>>, vector<1x16xf32>,
        %swap3A_266 = vector.shape_cast %swap3A_265 : vector<1x16xf32> to vector<16xf32>
        %swap3A_267 = vector.shape_cast %mul3A_262 : vector<16xf32> to vector<1x16xf32>
        tpu.vector_store %arg11[%swap3A_263, %swap3A_264], %swap3A_267 {strides = array<i32>} : memref<128x128xf32, #tpu.memory_space<vmem>>, vector<1x16xf32>,
        %get3A_268 = arith.index_cast %add3A_234 : i32 to index
        %get3A_269 = arith.constant 48 : index
        %get3A_270 = tpu.vector_load %arg11[%get3A_268, %get3A_269] {strides = array<i32>} : memref<128x128xf32, #tpu.memory_space<vmem>>, vector<1x16xf32>,
        %get3A_271 = vector.shape_cast %get3A_270 : vector<1x16xf32> to vector<16xf32>
        %mul3A_272 = arith.mulf %get3A_271, %broadcast_in_dim3A_237 : vector<16xf32>
        %swap3A_273 = arith.index_cast %add3A_234 : i32 to index
        %swap3A_274 = arith.constant 48 : index
        %swap3A_275 = tpu.vector_load %arg11[%swap3A_273, %swap3A_274] {strides = array<i32>} : memref<128x128xf32, #tpu.memory_space<vmem>>, vector<1x16xf32>,
        %swap3A_276 = vector.shape_cast %swap3A_275 : vector<1x16xf32> to vector<16xf32>
        %swap3A_277 = vector.shape_cast %mul3A_272 : vector<16xf32> to vector<1x16xf32>
        tpu.vector_store %arg11[%swap3A_273, %swap3A_274], %swap3A_277 {strides = array<i32>} : memref<128x128xf32, #tpu.memory_space<vmem>>, vector<1x16xf32>,
        %get3A_278 = arith.index_cast %add3A_234 : i32 to index
        %get3A_279 = arith.constant 64 : index
        %get3A_280 = tpu.vector_load %arg11[%get3A_278, %get3A_279] {strides = array<i32>} : memref<128x128xf32, #tpu.memory_space<vmem>>, vector<1x16xf32>,
        %get3A_281 = vector.shape_cast %get3A_280 : vector<1x16xf32> to vector<16xf32>
        %mul3A_282 = arith.mulf %get3A_281, %broadcast_in_dim3A_237 : vector<16xf32>
        %swap3A_283 = arith.index_cast %add3A_234 : i32 to index
        %swap3A_284 = arith.constant 64 : index
        %swap3A_285 = tpu.vector_load %arg11[%swap3A_283, %swap3A_284] {strides = array<i32>} : memref<128x128xf32, #tpu.memory_space<vmem>>, vector<1x16xf32>,
        %swap3A_286 = vector.shape_cast %swap3A_285 : vector<1x16xf32> to vector<16xf32>
        %swap3A_287 = vector.shape_cast %mul3A_282 : vector<16xf32> to vector<1x16xf32>
        tpu.vector_store %arg11[%swap3A_283, %swap3A_284], %swap3A_287 {strides = array<i32>} : memref<128x128xf32, #tpu.memory_space<vmem>>, vector<1x16xf32>,
        %get3A_288 = arith.index_cast %add3A_234 : i32 to index
        %get3A_289 = arith.constant 80 : index
        %get3A_290 = tpu.vector_load %arg11[%get3A_288, %get3A_289] {strides = array<i32>} : memref<128x128xf32, #tpu.memory_space<vmem>>, vector<1x16xf32>,
        %get3A_291 = vector.shape_cast %get3A_290 : vector<1x16xf32> to vector<16xf32>
        %mul3A_292 = arith.mulf %get3A_291, %broadcast_in_dim3A_237 : vector<16xf32>
        %swap3A_293 = arith.index_cast %add3A_234 : i32 to index
        %swap3A_294 = arith.constant 80 : index
        %swap3A_295 = tpu.vector_load %arg11[%swap3A_293, %swap3A_294] {strides = array<i32>} : memref<128x128xf32, #tpu.memory_space<vmem>>, vector<1x16xf32>,
        %swap3A_296 = vector.shape_cast %swap3A_295 : vector<1x16xf32> to vector<16xf32>
        %swap3A_297 = vector.shape_cast %mul3A_292 : vector<16xf32> to vector<1x16xf32>
        tpu.vector_store %arg11[%swap3A_293, %swap3A_294], %swap3A_297 {strides = array<i32>} : memref<128x128xf32, #tpu.memory_space<vmem>>, vector<1x16xf32>,
        %get3A_298 = arith.index_cast %add3A_234 : i32 to index
        %get3A_299 = arith.constant 96 : index
        %get3A_300 = tpu.vector_load %arg11[%get3A_298, %get3A_299] {strides = array<i32>} : memref<128x128xf32, #tpu.memory_space<vmem>>, vector<1x16xf32>,
        %get3A_301 = vector.shape_cast %get3A_300 : vector<1x16xf32> to vector<16xf32>
        %mul3A_302 = arith.mulf %get3A_301, %broadcast_in_dim3A_237 : vector<16xf32>
        %swap3A_303 = arith.index_cast %add3A_234 : i32 to index
        %swap3A_304 = arith.constant 96 : index
        %swap3A_305 = tpu.vector_load %arg11[%swap3A_303, %swap3A_304] {strides = array<i32>} : memref<128x128xf32, #tpu.memory_space<vmem>>, vector<1x16xf32>,
        %swap3A_306 = vector.shape_cast %swap3A_305 : vector<1x16xf32> to vector<16xf32>
        %swap3A_307 = vector.shape_cast %mul3A_302 : vector<16xf32> to vector<1x16xf32>
        tpu.vector_store %arg11[%swap3A_303, %swap3A_304], %swap3A_307 {strides = array<i32>} : memref<128x128xf32, #tpu.memory_space<vmem>>, vector<1x16xf32>,
        %get3A_308 = arith.index_cast %add3A_234 : i32 to index
        %get3A_309 = arith.constant 112 : index
        %get3A_310 = tpu.vector_load %arg11[%get3A_308, %get3A_309] {strides = array<i32>} : memref<128x128xf32, #tpu.memory_space<vmem>>, vector<1x16xf32>,
        %get3A_311 = vector.shape_cast %get3A_310 : vector<1x16xf32> to vector<16xf32>
        %mul3A_312 = arith.mulf %get3A_311, %broadcast_in_dim3A_237 : vector<16xf32>
        %swap3A_313 = arith.index_cast %add3A_234 : i32 to index
        %swap3A_314 = arith.constant 112 : index
        %swap3A_315 = tpu.vector_load %arg11[%swap3A_313, %swap3A_314] {strides = array<i32>} : memref<128x128xf32, #tpu.memory_space<vmem>>, vector<1x16xf32>,
        %swap3A_316 = vector.shape_cast %swap3A_315 : vector<1x16xf32> to vector<16xf32>
        %swap3A_317 = vector.shape_cast %mul3A_312 : vector<16xf32> to vector<1x16xf32>
        tpu.vector_store %arg11[%swap3A_313, %swap3A_314], %swap3A_317 {strides = array<i32>} : memref<128x128xf32, #tpu.memory_space<vmem>>, vector<1x16xf32>,
        %mul3A_318 = arith.constant 16 : i32
        %mul3A_319 = arith.muli %scan3A_54, %mul3A_318 : i32
        %add3A_320 = arith.constant 3 : i32
        %add3A_321 = arith.addi %mul3A_319, %add3A_320 : i32
        %slice3A_322 = vector.extract_strided_slice %get3A_60 {offsets = [3], sizes = [1], strides = [1]} : vector<16xf32> to vector<1xf32>
        %squeeze3A_323 = vector.extract %slice3A_322[0] : f32 from vector<1xf32>
        %broadcast_in_dim3A_324 = vector.broadcast %squeeze3A_323 : f32 to vector<16xf32>
        %get3A_325 = arith.index_cast %add3A_321 : i32 to index
        %get3A_326 = arith.constant 0 : index
        %get3A_327 = tpu.vector_load %arg11[%get3A_325, %get3A_326] {strides = array<i32>} : memref<128x128xf32, #tpu.memory_space<vmem>>, vector<1x16xf32>,
        %get3A_328 = vector.shape_cast %get3A_327 : vector<1x16xf32> to vector<16xf32>
        %mul3A_329 = arith.mulf %get3A_328, %broadcast_in_dim3A_324 : vector<16xf32>
        %swap3A_330 = arith.index_cast %add3A_321 : i32 to index
        %swap3A_331 = arith.constant 0 : index
        %swap3A_332 = tpu.vector_load %arg11[%swap3A_330, %swap3A_331] {strides = array<i32>} : memref<128x128xf32, #tpu.memory_space<vmem>>, vector<1x16xf32>,
        %swap3A_333 = vector.shape_cast %swap3A_332 : vector<1x16xf32> to vector<16xf32>
        %swap3A_334 = vector.shape_cast %mul3A_329 : vector<16xf32> to vector<1x16xf32>
        tpu.vector_store %arg11[%swap3A_330, %swap3A_331], %swap3A_334 {strides = array<i32>} : memref<128x128xf32, #tpu.memory_space<vmem>>, vector<1x16xf32>,
        %get3A_335 = arith.index_cast %add3A_321 : i32 to index
        %get3A_336 = arith.constant 16 : index
        %get3A_337 = tpu.vector_load %arg11[%get3A_335, %get3A_336] {strides = array<i32>} : memref<128x128xf32, #tpu.memory_space<vmem>>, vector<1x16xf32>,
        %get3A_338 = vector.shape_cast %get3A_337 : vector<1x16xf32> to vector<16xf32>
        %mul3A_339 = arith.mulf %get3A_338, %broadcast_in_dim3A_324 : vector<16xf32>
        %swap3A_340 = arith.index_cast %add3A_321 : i32 to index
        %swap3A_341 = arith.constant 16 : index
        %swap3A_342 = tpu.vector_load %arg11[%swap3A_340, %swap3A_341] {strides = array<i32>} : memref<128x128xf32, #tpu.memory_space<vmem>>, vector<1x16xf32>,
        %swap3A_343 = vector.shape_cast %swap3A_342 : vector<1x16xf32> to vector<16xf32>
        %swap3A_344 = vector.shape_cast %mul3A_339 : vector<16xf32> to vector<1x16xf32>
        tpu.vector_store %arg11[%swap3A_340, %swap3A_341], %swap3A_344 {strides = array<i32>} : memref<128x128xf32, #tpu.memory_space<vmem>>, vector<1x16xf32>,
        %get3A_345 = arith.index_cast %add3A_321 : i32 to index
        %get3A_346 = arith.constant 32 : index
        %get3A_347 = tpu.vector_load %arg11[%get3A_345, %get3A_346] {strides = array<i32>} : memref<128x128xf32, #tpu.memory_space<vmem>>, vector<1x16xf32>,
        %get3A_348 = vector.shape_cast %get3A_347 : vector<1x16xf32> to vector<16xf32>
        %mul3A_349 = arith.mulf %get3A_348, %broadcast_in_dim3A_324 : vector<16xf32>
        %swap3A_350 = arith.index_cast %add3A_321 : i32 to index
        %swap3A_351 = arith.constant 32 : index
        %swap3A_352 = tpu.vector_load %arg11[%swap3A_350, %swap3A_351] {strides = array<i32>} : memref<128x128xf32, #tpu.memory_space<vmem>>, vector<1x16xf32>,
        %swap3A_353 = vector.shape_cast %swap3A_352 : vector<1x16xf32> to vector<16xf32>
        %swap3A_354 = vector.shape_cast %mul3A_349 : vector<16xf32> to vector<1x16xf32>
        tpu.vector_store %arg11[%swap3A_350, %swap3A_351], %swap3A_354 {strides = array<i32>} : memref<128x128xf32, #tpu.memory_space<vmem>>, vector<1x16xf32>,
        %get3A_355 = arith.index_cast %add3A_321 : i32 to index
        %get3A_356 = arith.constant 48 : index
        %get3A_357 = tpu.vector_load %arg11[%get3A_355, %get3A_356] {strides = array<i32>} : memref<128x128xf32, #tpu.memory_space<vmem>>, vector<1x16xf32>,
        %get3A_358 = vector.shape_cast %get3A_357 : vector<1x16xf32> to vector<16xf32>
        %mul3A_359 = arith.mulf %get3A_358, %broadcast_in_dim3A_324 : vector<16xf32>
        %swap3A_360 = arith.index_cast %add3A_321 : i32 to index
        %swap3A_361 = arith.constant 48 : index
        %swap3A_362 = tpu.vector_load %arg11[%swap3A_360, %swap3A_361] {strides = array<i32>} : memref<128x128xf32, #tpu.memory_space<vmem>>, vector<1x16xf32>,
        %swap3A_363 = vector.shape_cast %swap3A_362 : vector<1x16xf32> to vector<16xf32>
        %swap3A_364 = vector.shape_cast %mul3A_359 : vector<16xf32> to vector<1x16xf32>
        tpu.vector_store %arg11[%swap3A_360, %swap3A_361], %swap3A_364 {strides = array<i32>} : memref<128x128xf32, #tpu.memory_space<vmem>>, vector<1x16xf32>,
        %get3A_365 = arith.index_cast %add3A_321 : i32 to index
        %get3A_366 = arith.constant 64 : index
        %get3A_367 = tpu.vector_load %arg11[%get3A_365, %get3A_366] {strides = array<i32>} : memref<128x128xf32, #tpu.memory_space<vmem>>, vector<1x16xf32>,
        %get3A_368 = vector.shape_cast %get3A_367 : vector<1x16xf32> to vector<16xf32>
        %mul3A_369 = arith.mulf %get3A_368, %broadcast_in_dim3A_324 : vector<16xf32>
        %swap3A_370 = arith.index_cast %add3A_321 : i32 to index
        %swap3A_371 = arith.constant 64 : index
        %swap3A_372 = tpu.vector_load %arg11[%swap3A_370, %swap3A_371] {strides = array<i32>} : memref<128x128xf32, #tpu.memory_space<vmem>>, vector<1x16xf32>,
        %swap3A_373 = vector.shape_cast %swap3A_372 : vector<1x16xf32> to vector<16xf32>
        %swap3A_374 = vector.shape_cast %mul3A_369 : vector<16xf32> to vector<1x16xf32>
        tpu.vector_store %arg11[%swap3A_370, %swap3A_371], %swap3A_374 {strides = array<i32>} : memref<128x128xf32, #tpu.memory_space<vmem>>, vector<1x16xf32>,
        %get3A_375 = arith.index_cast %add3A_321 : i32 to index
        %get3A_376 = arith.constant 80 : index
        %get3A_377 = tpu.vector_load %arg11[%get3A_375, %get3A_376] {strides = array<i32>} : memref<128x128xf32, #tpu.memory_space<vmem>>, vector<1x16xf32>,
        %get3A_378 = vector.shape_cast %get3A_377 : vector<1x16xf32> to vector<16xf32>
        %mul3A_379 = arith.mulf %get3A_378, %broadcast_in_dim3A_324 : vector<16xf32>
        %swap3A_380 = arith.index_cast %add3A_321 : i32 to index
        %swap3A_381 = arith.constant 80 : index
        %swap3A_382 = tpu.vector_load %arg11[%swap3A_380, %swap3A_381] {strides = array<i32>} : memref<128x128xf32, #tpu.memory_space<vmem>>, vector<1x16xf32>,
        %swap3A_383 = vector.shape_cast %swap3A_382 : vector<1x16xf32> to vector<16xf32>
        %swap3A_384 = vector.shape_cast %mul3A_379 : vector<16xf32> to vector<1x16xf32>
        tpu.vector_store %arg11[%swap3A_380, %swap3A_381], %swap3A_384 {strides = array<i32>} : memref<128x128xf32, #tpu.memory_space<vmem>>, vector<1x16xf32>,
        %get3A_385 = arith.index_cast %add3A_321 : i32 to index
        %get3A_386 = arith.constant 96 : index
        %get3A_387 = tpu.vector_load %arg11[%get3A_385, %get3A_386] {strides = array<i32>} : memref<128x128xf32, #tpu.memory_space<vmem>>, vector<1x16xf32>,
        %get3A_388 = vector.shape_cast %get3A_387 : vector<1x16xf32> to vector<16xf32>
        %mul3A_389 = arith.mulf %get3A_388, %broadcast_in_dim3A_324 : vector<16xf32>
        %swap3A_390 = arith.index_cast %add3A_321 : i32 to index
        %swap3A_391 = arith.constant 96 : index
        %swap3A_392 = tpu.vector_load %arg11[%swap3A_390, %swap3A_391] {strides = array<i32>} : memref<128x128xf32, #tpu.memory_space<vmem>>, vector<1x16xf32>,
        %swap3A_393 = vector.shape_cast %swap3A_392 : vector<1x16xf32> to vector<16xf32>
        %swap3A_394 = vector.shape_cast %mul3A_389 : vector<16xf32> to vector<1x16xf32>
        tpu.vector_store %arg11[%swap3A_390, %swap3A_391], %swap3A_394 {strides = array<i32>} : memref<128x128xf32, #tpu.memory_space<vmem>>, vector<1x16xf32>,
        %get3A_395 = arith.index_cast %add3A_321 : i32 to index
        %get3A_396 = arith.constant 112 : index
        %get3A_397 = tpu.vector_load %arg11[%get3A_395, %get3A_396] {strides = array<i32>} : memref<128x128xf32, #tpu.memory_space<vmem>>, vector<1x16xf32>,
        %get3A_398 = vector.shape_cast %get3A_397 : vector<1x16xf32> to vector<16xf32>
        %mul3A_399 = arith.mulf %get3A_398, %broadcast_in_dim3A_324 : vector<16xf32>
        %swap3A_400 = arith.index_cast %add3A_321 : i32 to index
        %swap3A_401 = arith.constant 112 : index
        %swap3A_402 = tpu.vector_load %arg11[%swap3A_400, %swap3A_401] {strides = array<i32>} : memref<128x128xf32, #tpu.memory_space<vmem>>, vector<1x16xf32>,
        %swap3A_403 = vector.shape_cast %swap3A_402 : vector<1x16xf32> to vector<16xf32>
        %swap3A_404 = vector.shape_cast %mul3A_399 : vector<16xf32> to vector<1x16xf32>
        tpu.vector_store %arg11[%swap3A_400, %swap3A_401], %swap3A_404 {strides = array<i32>} : memref<128x128xf32, #tpu.memory_space<vmem>>, vector<1x16xf32>,
        %mul3A_405 = arith.constant 16 : i32
        %mul3A_406 = arith.muli %scan3A_54, %mul3A_405 : i32
        %add3A_407 = arith.constant 4 : i32
        %add3A_408 = arith.addi %mul3A_406, %add3A_407 : i32
        %slice3A_409 = vector.extract_strided_slice %get3A_60 {offsets = [4], sizes = [1], strides = [1]} : vector<16xf32> to vector<1xf32>
        %squeeze3A_410 = vector.extract %slice3A_409[0] : f32 from vector<1xf32>
        %broadcast_in_dim3A_411 = vector.broadcast %squeeze3A_410 : f32 to vector<16xf32>
        %get3A_412 = arith.index_cast %add3A_408 : i32 to index
        %get3A_413 = arith.constant 0 : index
        %get3A_414 = tpu.vector_load %arg11[%get3A_412, %get3A_413] {strides = array<i32>} : memref<128x128xf32, #tpu.memory_space<vmem>>, vector<1x16xf32>,
        %get3A_415 = vector.shape_cast %get3A_414 : vector<1x16xf32> to vector<16xf32>
        %mul3A_416 = arith.mulf %get3A_415, %broadcast_in_dim3A_411 : vector<16xf32>
        %swap3A_417 = arith.index_cast %add3A_408 : i32 to index
        %swap3A_418 = arith.constant 0 : index
        %swap3A_419 = tpu.vector_load %arg11[%swap3A_417, %swap3A_418] {strides = array<i32>} : memref<128x128xf32, #tpu.memory_space<vmem>>, vector<1x16xf32>,
        %swap3A_420 = vector.shape_cast %swap3A_419 : vector<1x16xf32> to vector<16xf32>
        %swap3A_421 = vector.shape_cast %mul3A_416 : vector<16xf32> to vector<1x16xf32>
        tpu.vector_store %arg11[%swap3A_417, %swap3A_418], %swap3A_421 {strides = array<i32>} : memref<128x128xf32, #tpu.memory_space<vmem>>, vector<1x16xf32>,
        %get3A_422 = arith.index_cast %add3A_408 : i32 to index
        %get3A_423 = arith.constant 16 : index
        %get3A_424 = tpu.vector_load %arg11[%get3A_422, %get3A_423] {strides = array<i32>} : memref<128x128xf32, #tpu.memory_space<vmem>>, vector<1x16xf32>,
        %get3A_425 = vector.shape_cast %get3A_424 : vector<1x16xf32> to vector<16xf32>
        %mul3A_426 = arith.mulf %get3A_425, %broadcast_in_dim3A_411 : vector<16xf32>
        %swap3A_427 = arith.index_cast %add3A_408 : i32 to index
        %swap3A_428 = arith.constant 16 : index
        %swap3A_429 = tpu.vector_load %arg11[%swap3A_427, %swap3A_428] {strides = array<i32>} : memref<128x128xf32, #tpu.memory_space<vmem>>, vector<1x16xf32>,
        %swap3A_430 = vector.shape_cast %swap3A_429 : vector<1x16xf32> to vector<16xf32>
        %swap3A_431 = vector.shape_cast %mul3A_426 : vector<16xf32> to vector<1x16xf32>
        tpu.vector_store %arg11[%swap3A_427, %swap3A_428], %swap3A_431 {strides = array<i32>} : memref<128x128xf32, #tpu.memory_space<vmem>>, vector<1x16xf32>,
        %get3A_432 = arith.index_cast %add3A_408 : i32 to index
        %get3A_433 = arith.constant 32 : index
        %get3A_434 = tpu.vector_load %arg11[%get3A_432, %get3A_433] {strides = array<i32>} : memref<128x128xf32, #tpu.memory_space<vmem>>, vector<1x16xf32>,
        %get3A_435 = vector.shape_cast %get3A_434 : vector<1x16xf32> to vector<16xf32>
        %mul3A_436 = arith.mulf %get3A_435, %broadcast_in_dim3A_411 : vector<16xf32>
        %swap3A_437 = arith.index_cast %add3A_408 : i32 to index
        %swap3A_438 = arith.constant 32 : index
        %swap3A_439 = tpu.vector_load %arg11[%swap3A_437, %swap3A_438] {strides = array<i32>} : memref<128x128xf32, #tpu.memory_space<vmem>>, vector<1x16xf32>,
        %swap3A_440 = vector.shape_cast %swap3A_439 : vector<1x16xf32> to vector<16xf32>
        %swap3A_441 = vector.shape_cast %mul3A_436 : vector<16xf32> to vector<1x16xf32>
        tpu.vector_store %arg11[%swap3A_437, %swap3A_438], %swap3A_441 {strides = array<i32>} : memref<128x128xf32, #tpu.memory_space<vmem>>, vector<1x16xf32>,
        %get3A_442 = arith.index_cast %add3A_408 : i32 to index
        %get3A_443 = arith.constant 48 : index
        %get3A_444 = tpu.vector_load %arg11[%get3A_442, %get3A_443] {strides = array<i32>} : memref<128x128xf32, #tpu.memory_space<vmem>>, vector<1x16xf32>,
        %get3A_445 = vector.shape_cast %get3A_444 : vector<1x16xf32> to vector<16xf32>
        %mul3A_446 = arith.mulf %get3A_445, %broadcast_in_dim3A_411 : vector<16xf32>
        %swap3A_447 = arith.index_cast %add3A_408 : i32 to index
        %swap3A_448 = arith.constant 48 : index
        %swap3A_449 = tpu.vector_load %arg11[%swap3A_447, %swap3A_448] {strides = array<i32>} : memref<128x128xf32, #tpu.memory_space<vmem>>, vector<1x16xf32>,
        %swap3A_450 = vector.shape_cast %swap3A_449 : vector<1x16xf32> to vector<16xf32>
        %swap3A_451 = vector.shape_cast %mul3A_446 : vector<16xf32> to vector<1x16xf32>
        tpu.vector_store %arg11[%swap3A_447, %swap3A_448], %swap3A_451 {strides = array<i32>} : memref<128x128xf32, #tpu.memory_space<vmem>>, vector<1x16xf32>,
        %get3A_452 = arith.index_cast %add3A_408 : i32 to index
        %get3A_453 = arith.constant 64 : index
        %get3A_454 = tpu.vector_load %arg11[%get3A_452, %get3A_453] {strides = array<i32>} : memref<128x128xf32, #tpu.memory_space<vmem>>, vector<1x16xf32>,
        %get3A_455 = vector.shape_cast %get3A_454 : vector<1x16xf32> to vector<16xf32>
        %mul3A_456 = arith.mulf %get3A_455, %broadcast_in_dim3A_411 : vector<16xf32>
        %swap3A_457 = arith.index_cast %add3A_408 : i32 to index
        %swap3A_458 = arith.constant 64 : index
        %swap3A_459 = tpu.vector_load %arg11[%swap3A_457, %swap3A_458] {strides = array<i32>} : memref<128x128xf32, #tpu.memory_space<vmem>>, vector<1x16xf32>,
        %swap3A_460 = vector.shape_cast %swap3A_459 : vector<1x16xf32> to vector<16xf32>
        %swap3A_461 = vector.shape_cast %mul3A_456 : vector<16xf32> to vector<1x16xf32>
        tpu.vector_store %arg11[%swap3A_457, %swap3A_458], %swap3A_461 {strides = array<i32>} : memref<128x128xf32, #tpu.memory_space<vmem>>, vector<1x16xf32>,
        %get3A_462 = arith.index_cast %add3A_408 : i32 to index
        %get3A_463 = arith.constant 80 : index
        %get3A_464 = tpu.vector_load %arg11[%get3A_462, %get3A_463] {strides = array<i32>} : memref<128x128xf32, #tpu.memory_space<vmem>>, vector<1x16xf32>,
        %get3A_465 = vector.shape_cast %get3A_464 : vector<1x16xf32> to vector<16xf32>
        %mul3A_466 = arith.mulf %get3A_465, %broadcast_in_dim3A_411 : vector<16xf32>
        %swap3A_467 = arith.index_cast %add3A_408 : i32 to index
        %swap3A_468 = arith.constant 80 : index
        %swap3A_469 = tpu.vector_load %arg11[%swap3A_467, %swap3A_468] {strides = array<i32>} : memref<128x128xf32, #tpu.memory_space<vmem>>, vector<1x16xf32>,
        %swap3A_470 = vector.shape_cast %swap3A_469 : vector<1x16xf32> to vector<16xf32>
        %swap3A_471 = vector.shape_cast %mul3A_466 : vector<16xf32> to vector<1x16xf32>
        tpu.vector_store %arg11[%swap3A_467, %swap3A_468], %swap3A_471 {strides = array<i32>} : memref<128x128xf32, #tpu.memory_space<vmem>>, vector<1x16xf32>,
        %get3A_472 = arith.index_cast %add3A_408 : i32 to index
        %get3A_473 = arith.constant 96 : index
        %get3A_474 = tpu.vector_load %arg11[%get3A_472, %get3A_473] {strides = array<i32>} : memref<128x128xf32, #tpu.memory_space<vmem>>, vector<1x16xf32>,
        %get3A_475 = vector.shape_cast %get3A_474 : vector<1x16xf32> to vector<16xf32>
        %mul3A_476 = arith.mulf %get3A_475, %broadcast_in_dim3A_411 : vector<16xf32>
        %swap3A_477 = arith.index_cast %add3A_408 : i32 to index
        %swap3A_478 = arith.constant 96 : index
        %swap3A_479 = tpu.vector_load %arg11[%swap3A_477, %swap3A_478] {strides = array<i32>} : memref<128x128xf32, #tpu.memory_space<vmem>>, vector<1x16xf32>,
        %swap3A_480 = vector.shape_cast %swap3A_479 : vector<1x16xf32> to vector<16xf32>
        %swap3A_481 = vector.shape_cast %mul3A_476 : vector<16xf32> to vector<1x16xf32>
        tpu.vector_store %arg11[%swap3A_477, %swap3A_478], %swap3A_481 {strides = array<i32>} : memref<128x128xf32, #tpu.memory_space<vmem>>, vector<1x16xf32>,
        %get3A_482 = arith.index_cast %add3A_408 : i32 to index
        %get3A_483 = arith.constant 112 : index
        %get3A_484 = tpu.vector_load %arg11[%get3A_482, %get3A_483] {strides = array<i32>} : memref<128x128xf32, #tpu.memory_space<vmem>>, vector<1x16xf32>,
        %get3A_485 = vector.shape_cast %get3A_484 : vector<1x16xf32> to vector<16xf32>
        %mul3A_486 = arith.mulf %get3A_485, %broadcast_in_dim3A_411 : vector<16xf32>
        %swap3A_487 = arith.index_cast %add3A_408 : i32 to index
        %swap3A_488 = arith.constant 112 : index
        %swap3A_489 = tpu.vector_load %arg11[%swap3A_487, %swap3A_488] {strides = array<i32>} : memref<128x128xf32, #tpu.memory_space<vmem>>, vector<1x16xf32>,
        %swap3A_490 = vector.shape_cast %swap3A_489 : vector<1x16xf32> to vector<16xf32>
        %swap3A_491 = vector.shape_cast %mul3A_486 : vector<16xf32> to vector<1x16xf32>
        tpu.vector_store %arg11[%swap3A_487, %swap3A_488], %swap3A_491 {strides = array<i32>} : memref<128x128xf32, #tpu.memory_space<vmem>>, vector<1x16xf32>,
        %mul3A_492 = arith.constant 16 : i32
        %mul3A_493 = arith.muli %scan3A_54, %mul3A_492 : i32
        %add3A_494 = arith.constant 5 : i32
        %add3A_495 = arith.addi %mul3A_493, %add3A_494 : i32
        %slice3A_496 = vector.extract_strided_slice %get3A_60 {offsets = [5], sizes = [1], strides = [1]} : vector<16xf32> to vector<1xf32>
        %squeeze3A_497 = vector.extract %slice3A_496[0] : f32 from vector<1xf32>
        %broadcast_in_dim3A_498 = vector.broadcast %squeeze3A_497 : f32 to vector<16xf32>
        %get3A_499 = arith.index_cast %add3A_495 : i32 to index
        %get3A_500 = arith.constant 0 : index
        %get3A_501 = tpu.vector_load %arg11[%get3A_499, %get3A_500] {strides = array<i32>} : memref<128x128xf32, #tpu.memory_space<vmem>>, vector<1x16xf32>,
        %get3A_502 = vector.shape_cast %get3A_501 : vector<1x16xf32> to vector<16xf32>
        %mul3A_503 = arith.mulf %get3A_502, %broadcast_in_dim3A_498 : vector<16xf32>
        %swap3A_504 = arith.index_cast %add3A_495 : i32 to index
        %swap3A_505 = arith.constant 0 : index
        %swap3A_506 = tpu.vector_load %arg11[%swap3A_504, %swap3A_505] {strides = array<i32>} : memref<128x128xf32, #tpu.memory_space<vmem>>, vector<1x16xf32>,
        %swap3A_507 = vector.shape_cast %swap3A_506 : vector<1x16xf32> to vector<16xf32>
        %swap3A_508 = vector.shape_cast %mul3A_503 : vector<16xf32> to vector<1x16xf32>
        tpu.vector_store %arg11[%swap3A_504, %swap3A_505], %swap3A_508 {strides = array<i32>} : memref<128x128xf32, #tpu.memory_space<vmem>>, vector<1x16xf32>,
        %get3A_509 = arith.index_cast %add3A_495 : i32 to index
        %get3A_510 = arith.constant 16 : index
        %get3A_511 = tpu.vector_load %arg11[%get3A_509, %get3A_510] {strides = array<i32>} : memref<128x128xf32, #tpu.memory_space<vmem>>, vector<1x16xf32>,
        %get3A_512 = vector.shape_cast %get3A_511 : vector<1x16xf32> to vector<16xf32>
        %mul3A_513 = arith.mulf %get3A_512, %broadcast_in_dim3A_498 : vector<16xf32>
        %swap3A_514 = arith.index_cast %add3A_495 : i32 to index
        %swap3A_515 = arith.constant 16 : index
        %swap3A_516 = tpu.vector_load %arg11[%swap3A_514, %swap3A_515] {strides = array<i32>} : memref<128x128xf32, #tpu.memory_space<vmem>>, vector<1x16xf32>,
        %swap3A_517 = vector.shape_cast %swap3A_516 : vector<1x16xf32> to vector<16xf32>
        %swap3A_518 = vector.shape_cast %mul3A_513 : vector<16xf32> to vector<1x16xf32>
        tpu.vector_store %arg11[%swap3A_514, %swap3A_515], %swap3A_518 {strides = array<i32>} : memref<128x128xf32, #tpu.memory_space<vmem>>, vector<1x16xf32>,
        %get3A_519 = arith.index_cast %add3A_495 : i32 to index
        %get3A_520 = arith.constant 32 : index
        %get3A_521 = tpu.vector_load %arg11[%get3A_519, %get3A_520] {strides = array<i32>} : memref<128x128xf32, #tpu.memory_space<vmem>>, vector<1x16xf32>,
        %get3A_522 = vector.shape_cast %get3A_521 : vector<1x16xf32> to vector<16xf32>
        %mul3A_523 = arith.mulf %get3A_522, %broadcast_in_dim3A_498 : vector<16xf32>
        %swap3A_524 = arith.index_cast %add3A_495 : i32 to index
        %swap3A_525 = arith.constant 32 : index
        %swap3A_526 = tpu.vector_load %arg11[%swap3A_524, %swap3A_525] {strides = array<i32>} : memref<128x128xf32, #tpu.memory_space<vmem>>, vector<1x16xf32>,
        %swap3A_527 = vector.shape_cast %swap3A_526 : vector<1x16xf32> to vector<16xf32>
        %swap3A_528 = vector.shape_cast %mul3A_523 : vector<16xf32> to vector<1x16xf32>
        tpu.vector_store %arg11[%swap3A_524, %swap3A_525], %swap3A_528 {strides = array<i32>} : memref<128x128xf32, #tpu.memory_space<vmem>>, vector<1x16xf32>,
        %get3A_529 = arith.index_cast %add3A_495 : i32 to index
        %get3A_530 = arith.constant 48 : index
        %get3A_531 = tpu.vector_load %arg11[%get3A_529, %get3A_530] {strides = array<i32>} : memref<128x128xf32, #tpu.memory_space<vmem>>, vector<1x16xf32>,
        %get3A_532 = vector.shape_cast %get3A_531 : vector<1x16xf32> to vector<16xf32>
        %mul3A_533 = arith.mulf %get3A_532, %broadcast_in_dim3A_498 : vector<16xf32>
        %swap3A_534 = arith.index_cast %add3A_495 : i32 to index
        %swap3A_535 = arith.constant 48 : index
        %swap3A_536 = tpu.vector_load %arg11[%swap3A_534, %swap3A_535] {strides = array<i32>} : memref<128x128xf32, #tpu.memory_space<vmem>>, vector<1x16xf32>,
        %swap3A_537 = vector.shape_cast %swap3A_536 : vector<1x16xf32> to vector<16xf32>
        %swap3A_538 = vector.shape_cast %mul3A_533 : vector<16xf32> to vector<1x16xf32>
        tpu.vector_store %arg11[%swap3A_534, %swap3A_535], %swap3A_538 {strides = array<i32>} : memref<128x128xf32, #tpu.memory_space<vmem>>, vector<1x16xf32>,
        %get3A_539 = arith.index_cast %add3A_495 : i32 to index
        %get3A_540 = arith.constant 64 : index
        %get3A_541 = tpu.vector_load %arg11[%get3A_539, %get3A_540] {strides = array<i32>} : memref<128x128xf32, #tpu.memory_space<vmem>>, vector<1x16xf32>,
        %get3A_542 = vector.shape_cast %get3A_541 : vector<1x16xf32> to vector<16xf32>
        %mul3A_543 = arith.mulf %get3A_542, %broadcast_in_dim3A_498 : vector<16xf32>
        %swap3A_544 = arith.index_cast %add3A_495 : i32 to index
        %swap3A_545 = arith.constant 64 : index
        %swap3A_546 = tpu.vector_load %arg11[%swap3A_544, %swap3A_545] {strides = array<i32>} : memref<128x128xf32, #tpu.memory_space<vmem>>, vector<1x16xf32>,
        %swap3A_547 = vector.shape_cast %swap3A_546 : vector<1x16xf32> to vector<16xf32>
        %swap3A_548 = vector.shape_cast %mul3A_543 : vector<16xf32> to vector<1x16xf32>
        tpu.vector_store %arg11[%swap3A_544, %swap3A_545], %swap3A_548 {strides = array<i32>} : memref<128x128xf32, #tpu.memory_space<vmem>>, vector<1x16xf32>,
        %get3A_549 = arith.index_cast %add3A_495 : i32 to index
        %get3A_550 = arith.constant 80 : index
        %get3A_551 = tpu.vector_load %arg11[%get3A_549, %get3A_550] {strides = array<i32>} : memref<128x128xf32, #tpu.memory_space<vmem>>, vector<1x16xf32>,
        %get3A_552 = vector.shape_cast %get3A_551 : vector<1x16xf32> to vector<16xf32>
        %mul3A_553 = arith.mulf %get3A_552, %broadcast_in_dim3A_498 : vector<16xf32>
        %swap3A_554 = arith.index_cast %add3A_495 : i32 to index
        %swap3A_555 = arith.constant 80 : index
        %swap3A_556 = tpu.vector_load %arg11[%swap3A_554, %swap3A_555] {strides = array<i32>} : memref<128x128xf32, #tpu.memory_space<vmem>>, vector<1x16xf32>,
        %swap3A_557 = vector.shape_cast %swap3A_556 : vector<1x16xf32> to vector<16xf32>
        %swap3A_558 = vector.shape_cast %mul3A_553 : vector<16xf32> to vector<1x16xf32>
        tpu.vector_store %arg11[%swap3A_554, %swap3A_555], %swap3A_558 {strides = array<i32>} : memref<128x128xf32, #tpu.memory_space<vmem>>, vector<1x16xf32>,
        %get3A_559 = arith.index_cast %add3A_495 : i32 to index
        %get3A_560 = arith.constant 96 : index
        %get3A_561 = tpu.vector_load %arg11[%get3A_559, %get3A_560] {strides = array<i32>} : memref<128x128xf32, #tpu.memory_space<vmem>>, vector<1x16xf32>,
        %get3A_562 = vector.shape_cast %get3A_561 : vector<1x16xf32> to vector<16xf32>
        %mul3A_563 = arith.mulf %get3A_562, %broadcast_in_dim3A_498 : vector<16xf32>
        %swap3A_564 = arith.index_cast %add3A_495 : i32 to index
        %swap3A_565 = arith.constant 96 : index
        %swap3A_566 = tpu.vector_load %arg11[%swap3A_564, %swap3A_565] {strides = array<i32>} : memref<128x128xf32, #tpu.memory_space<vmem>>, vector<1x16xf32>,
        %swap3A_567 = vector.shape_cast %swap3A_566 : vector<1x16xf32> to vector<16xf32>
        %swap3A_568 = vector.shape_cast %mul3A_563 : vector<16xf32> to vector<1x16xf32>
        tpu.vector_store %arg11[%swap3A_564, %swap3A_565], %swap3A_568 {strides = array<i32>} : memref<128x128xf32, #tpu.memory_space<vmem>>, vector<1x16xf32>,
        %get3A_569 = arith.index_cast %add3A_495 : i32 to index
        %get3A_570 = arith.constant 112 : index
        %get3A_571 = tpu.vector_load %arg11[%get3A_569, %get3A_570] {strides = array<i32>} : memref<128x128xf32, #tpu.memory_space<vmem>>, vector<1x16xf32>,
        %get3A_572 = vector.shape_cast %get3A_571 : vector<1x16xf32> to vector<16xf32>
        %mul3A_573 = arith.mulf %get3A_572, %broadcast_in_dim3A_498 : vector<16xf32>
        %swap3A_574 = arith.index_cast %add3A_495 : i32 to index
        %swap3A_575 = arith.constant 112 : index
        %swap3A_576 = tpu.vector_load %arg11[%swap3A_574, %swap3A_575] {strides = array<i32>} : memref<128x128xf32, #tpu.memory_space<vmem>>, vector<1x16xf32>,
        %swap3A_577 = vector.shape_cast %swap3A_576 : vector<1x16xf32> to vector<16xf32>
        %swap3A_578 = vector.shape_cast %mul3A_573 : vector<16xf32> to vector<1x16xf32>
        tpu.vector_store %arg11[%swap3A_574, %swap3A_575], %swap3A_578 {strides = array<i32>} : memref<128x128xf32, #tpu.memory_space<vmem>>, vector<1x16xf32>,
        %mul3A_579 = arith.constant 16 : i32
        %mul3A_580 = arith.muli %scan3A_54, %mul3A_579 : i32
        %add3A_581 = arith.constant 6 : i32
        %add3A_582 = arith.addi %mul3A_580, %add3A_581 : i32
        %slice3A_583 = vector.extract_strided_slice %get3A_60 {offsets = [6], sizes = [1], strides = [1]} : vector<16xf32> to vector<1xf32>
        %squeeze3A_584 = vector.extract %slice3A_583[0] : f32 from vector<1xf32>
        %broadcast_in_dim3A_585 = vector.broadcast %squeeze3A_584 : f32 to vector<16xf32>
        %get3A_586 = arith.index_cast %add3A_582 : i32 to index
        %get3A_587 = arith.constant 0 : index
        %get3A_588 = tpu.vector_load %arg11[%get3A_586, %get3A_587] {strides = array<i32>} : memref<128x128xf32, #tpu.memory_space<vmem>>, vector<1x16xf32>,
        %get3A_589 = vector.shape_cast %get3A_588 : vector<1x16xf32> to vector<16xf32>
        %mul3A_590 = arith.mulf %get3A_589, %broadcast_in_dim3A_585 : vector<16xf32>
        %swap3A_591 = arith.index_cast %add3A_582 : i32 to index
        %swap3A_592 = arith.constant 0 : index
        %swap3A_593 = tpu.vector_load %arg11[%swap3A_591, %swap3A_592] {strides = array<i32>} : memref<128x128xf32, #tpu.memory_space<vmem>>, vector<1x16xf32>,
        %swap3A_594 = vector.shape_cast %swap3A_593 : vector<1x16xf32> to vector<16xf32>
        %swap3A_595 = vector.shape_cast %mul3A_590 : vector<16xf32> to vector<1x16xf32>
        tpu.vector_store %arg11[%swap3A_591, %swap3A_592], %swap3A_595 {strides = array<i32>} : memref<128x128xf32, #tpu.memory_space<vmem>>, vector<1x16xf32>,
        %get3A_596 = arith.index_cast %add3A_582 : i32 to index
        %get3A_597 = arith.constant 16 : index
        %get3A_598 = tpu.vector_load %arg11[%get3A_596, %get3A_597] {strides = array<i32>} : memref<128x128xf32, #tpu.memory_space<vmem>>, vector<1x16xf32>,
        %get3A_599 = vector.shape_cast %get3A_598 : vector<1x16xf32> to vector<16xf32>
        %mul3A_600 = arith.mulf %get3A_599, %broadcast_in_dim3A_585 : vector<16xf32>
        %swap3A_601 = arith.index_cast %add3A_582 : i32 to index
        %swap3A_602 = arith.constant 16 : index
        %swap3A_603 = tpu.vector_load %arg11[%swap3A_601, %swap3A_602] {strides = array<i32>} : memref<128x128xf32, #tpu.memory_space<vmem>>, vector<1x16xf32>,
        %swap3A_604 = vector.shape_cast %swap3A_603 : vector<1x16xf32> to vector<16xf32>
        %swap3A_605 = vector.shape_cast %mul3A_600 : vector<16xf32> to vector<1x16xf32>
        tpu.vector_store %arg11[%swap3A_601, %swap3A_602], %swap3A_605 {strides = array<i32>} : memref<128x128xf32, #tpu.memory_space<vmem>>, vector<1x16xf32>,
        %get3A_606 = arith.index_cast %add3A_582 : i32 to index
        %get3A_607 = arith.constant 32 : index
        %get3A_608 = tpu.vector_load %arg11[%get3A_606, %get3A_607] {strides = array<i32>} : memref<128x128xf32, #tpu.memory_space<vmem>>, vector<1x16xf32>,
        %get3A_609 = vector.shape_cast %get3A_608 : vector<1x16xf32> to vector<16xf32>
        %mul3A_610 = arith.mulf %get3A_609, %broadcast_in_dim3A_585 : vector<16xf32>
        %swap3A_611 = arith.index_cast %add3A_582 : i32 to index
        %swap3A_612 = arith.constant 32 : index
        %swap3A_613 = tpu.vector_load %arg11[%swap3A_611, %swap3A_612] {strides = array<i32>} : memref<128x128xf32, #tpu.memory_space<vmem>>, vector<1x16xf32>,
        %swap3A_614 = vector.shape_cast %swap3A_613 : vector<1x16xf32> to vector<16xf32>
        %swap3A_615 = vector.shape_cast %mul3A_610 : vector<16xf32> to vector<1x16xf32>
        tpu.vector_store %arg11[%swap3A_611, %swap3A_612], %swap3A_615 {strides = array<i32>} : memref<128x128xf32, #tpu.memory_space<vmem>>, vector<1x16xf32>,
        %get3A_616 = arith.index_cast %add3A_582 : i32 to index
        %get3A_617 = arith.constant 48 : index
        %get3A_618 = tpu.vector_load %arg11[%get3A_616, %get3A_617] {strides = array<i32>} : memref<128x128xf32, #tpu.memory_space<vmem>>, vector<1x16xf32>,
        %get3A_619 = vector.shape_cast %get3A_618 : vector<1x16xf32> to vector<16xf32>
        %mul3A_620 = arith.mulf %get3A_619, %broadcast_in_dim3A_585 : vector<16xf32>
        %swap3A_621 = arith.index_cast %add3A_582 : i32 to index
        %swap3A_622 = arith.constant 48 : index
        %swap3A_623 = tpu.vector_load %arg11[%swap3A_621, %swap3A_622] {strides = array<i32>} : memref<128x128xf32, #tpu.memory_space<vmem>>, vector<1x16xf32>,
        %swap3A_624 = vector.shape_cast %swap3A_623 : vector<1x16xf32> to vector<16xf32>
        %swap3A_625 = vector.shape_cast %mul3A_620 : vector<16xf32> to vector<1x16xf32>
        tpu.vector_store %arg11[%swap3A_621, %swap3A_622], %swap3A_625 {strides = array<i32>} : memref<128x128xf32, #tpu.memory_space<vmem>>, vector<1x16xf32>,
        %get3A_626 = arith.index_cast %add3A_582 : i32 to index
        %get3A_627 = arith.constant 64 : index
        %get3A_628 = tpu.vector_load %arg11[%get3A_626, %get3A_627] {strides = array<i32>} : memref<128x128xf32, #tpu.memory_space<vmem>>, vector<1x16xf32>,
        %get3A_629 = vector.shape_cast %get3A_628 : vector<1x16xf32> to vector<16xf32>
        %mul3A_630 = arith.mulf %get3A_629, %broadcast_in_dim3A_585 : vector<16xf32>
        %swap3A_631 = arith.index_cast %add3A_582 : i32 to index
        %swap3A_632 = arith.constant 64 : index
        %swap3A_633 = tpu.vector_load %arg11[%swap3A_631, %swap3A_632] {strides = array<i32>} : memref<128x128xf32, #tpu.memory_space<vmem>>, vector<1x16xf32>,
        %swap3A_634 = vector.shape_cast %swap3A_633 : vector<1x16xf32> to vector<16xf32>
        %swap3A_635 = vector.shape_cast %mul3A_630 : vector<16xf32> to vector<1x16xf32>
        tpu.vector_store %arg11[%swap3A_631, %swap3A_632], %swap3A_635 {strides = array<i32>} : memref<128x128xf32, #tpu.memory_space<vmem>>, vector<1x16xf32>,
        %get3A_636 = arith.index_cast %add3A_582 : i32 to index
        %get3A_637 = arith.constant 80 : index
        %get3A_638 = tpu.vector_load %arg11[%get3A_636, %get3A_637] {strides = array<i32>} : memref<128x128xf32, #tpu.memory_space<vmem>>, vector<1x16xf32>,
        %get3A_639 = vector.shape_cast %get3A_638 : vector<1x16xf32> to vector<16xf32>
        %mul3A_640 = arith.mulf %get3A_639, %broadcast_in_dim3A_585 : vector<16xf32>
        %swap3A_641 = arith.index_cast %add3A_582 : i32 to index
        %swap3A_642 = arith.constant 80 : index
        %swap3A_643 = tpu.vector_load %arg11[%swap3A_641, %swap3A_642] {strides = array<i32>} : memref<128x128xf32, #tpu.memory_space<vmem>>, vector<1x16xf32>,
        %swap3A_644 = vector.shape_cast %swap3A_643 : vector<1x16xf32> to vector<16xf32>
        %swap3A_645 = vector.shape_cast %mul3A_640 : vector<16xf32> to vector<1x16xf32>
        tpu.vector_store %arg11[%swap3A_641, %swap3A_642], %swap3A_645 {strides = array<i32>} : memref<128x128xf32, #tpu.memory_space<vmem>>, vector<1x16xf32>,
        %get3A_646 = arith.index_cast %add3A_582 : i32 to index
        %get3A_647 = arith.constant 96 : index
        %get3A_648 = tpu.vector_load %arg11[%get3A_646, %get3A_647] {strides = array<i32>} : memref<128x128xf32, #tpu.memory_space<vmem>>, vector<1x16xf32>,
        %get3A_649 = vector.shape_cast %get3A_648 : vector<1x16xf32> to vector<16xf32>
        %mul3A_650 = arith.mulf %get3A_649, %broadcast_in_dim3A_585 : vector<16xf32>
        %swap3A_651 = arith.index_cast %add3A_582 : i32 to index
        %swap3A_652 = arith.constant 96 : index
        %swap3A_653 = tpu.vector_load %arg11[%swap3A_651, %swap3A_652] {strides = array<i32>} : memref<128x128xf32, #tpu.memory_space<vmem>>, vector<1x16xf32>,
        %swap3A_654 = vector.shape_cast %swap3A_653 : vector<1x16xf32> to vector<16xf32>
        %swap3A_655 = vector.shape_cast %mul3A_650 : vector<16xf32> to vector<1x16xf32>
        tpu.vector_store %arg11[%swap3A_651, %swap3A_652], %swap3A_655 {strides = array<i32>} : memref<128x128xf32, #tpu.memory_space<vmem>>, vector<1x16xf32>,
        %get3A_656 = arith.index_cast %add3A_582 : i32 to index
        %get3A_657 = arith.constant 112 : index
        %get3A_658 = tpu.vector_load %arg11[%get3A_656, %get3A_657] {strides = array<i32>} : memref<128x128xf32, #tpu.memory_space<vmem>>, vector<1x16xf32>,
        %get3A_659 = vector.shape_cast %get3A_658 : vector<1x16xf32> to vector<16xf32>
        %mul3A_660 = arith.mulf %get3A_659, %broadcast_in_dim3A_585 : vector<16xf32>
        %swap3A_661 = arith.index_cast %add3A_582 : i32 to index
        %swap3A_662 = arith.constant 112 : index
        %swap3A_663 = tpu.vector_load %arg11[%swap3A_661, %swap3A_662] {strides = array<i32>} : memref<128x128xf32, #tpu.memory_space<vmem>>, vector<1x16xf32>,
        %swap3A_664 = vector.shape_cast %swap3A_663 : vector<1x16xf32> to vector<16xf32>
        %swap3A_665 = vector.shape_cast %mul3A_660 : vector<16xf32> to vector<1x16xf32>
        tpu.vector_store %arg11[%swap3A_661, %swap3A_662], %swap3A_665 {strides = array<i32>} : memref<128x128xf32, #tpu.memory_space<vmem>>, vector<1x16xf32>,
        %mul3A_666 = arith.constant 16 : i32
        %mul3A_667 = arith.muli %scan3A_54, %mul3A_666 : i32
        %add3A_668 = arith.constant 7 : i32
        %add3A_669 = arith.addi %mul3A_667, %add3A_668 : i32
        %slice3A_670 = vector.extract_strided_slice %get3A_60 {offsets = [7], sizes = [1], strides = [1]} : vector<16xf32> to vector<1xf32>
        %squeeze3A_671 = vector.extract %slice3A_670[0] : f32 from vector<1xf32>
        %broadcast_in_dim3A_672 = vector.broadcast %squeeze3A_671 : f32 to vector<16xf32>
        %get3A_673 = arith.index_cast %add3A_669 : i32 to index
        %get3A_674 = arith.constant 0 : index
        %get3A_675 = tpu.vector_load %arg11[%get3A_673, %get3A_674] {strides = array<i32>} : memref<128x128xf32, #tpu.memory_space<vmem>>, vector<1x16xf32>,
        %get3A_676 = vector.shape_cast %get3A_675 : vector<1x16xf32> to vector<16xf32>
        %mul3A_677 = arith.mulf %get3A_676, %broadcast_in_dim3A_672 : vector<16xf32>
        %swap3A_678 = arith.index_cast %add3A_669 : i32 to index
        %swap3A_679 = arith.constant 0 : index
        %swap3A_680 = tpu.vector_load %arg11[%swap3A_678, %swap3A_679] {strides = array<i32>} : memref<128x128xf32, #tpu.memory_space<vmem>>, vector<1x16xf32>,
        %swap3A_681 = vector.shape_cast %swap3A_680 : vector<1x16xf32> to vector<16xf32>
        %swap3A_682 = vector.shape_cast %mul3A_677 : vector<16xf32> to vector<1x16xf32>
        tpu.vector_store %arg11[%swap3A_678, %swap3A_679], %swap3A_682 {strides = array<i32>} : memref<128x128xf32, #tpu.memory_space<vmem>>, vector<1x16xf32>,
        %get3A_683 = arith.index_cast %add3A_669 : i32 to index
        %get3A_684 = arith.constant 16 : index
        %get3A_685 = tpu.vector_load %arg11[%get3A_683, %get3A_684] {strides = array<i32>} : memref<128x128xf32, #tpu.memory_space<vmem>>, vector<1x16xf32>,
        %get3A_686 = vector.shape_cast %get3A_685 : vector<1x16xf32> to vector<16xf32>
        %mul3A_687 = arith.mulf %get3A_686, %broadcast_in_dim3A_672 : vector<16xf32>
        %swap3A_688 = arith.index_cast %add3A_669 : i32 to index
        %swap3A_689 = arith.constant 16 : index
        %swap3A_690 = tpu.vector_load %arg11[%swap3A_688, %swap3A_689] {strides = array<i32>} : memref<128x128xf32, #tpu.memory_space<vmem>>, vector<1x16xf32>,
        %swap3A_691 = vector.shape_cast %swap3A_690 : vector<1x16xf32> to vector<16xf32>
        %swap3A_692 = vector.shape_cast %mul3A_687 : vector<16xf32> to vector<1x16xf32>
        tpu.vector_store %arg11[%swap3A_688, %swap3A_689], %swap3A_692 {strides = array<i32>} : memref<128x128xf32, #tpu.memory_space<vmem>>, vector<1x16xf32>,
        %get3A_693 = arith.index_cast %add3A_669 : i32 to index
        %get3A_694 = arith.constant 32 : index
        %get3A_695 = tpu.vector_load %arg11[%get3A_693, %get3A_694] {strides = array<i32>} : memref<128x128xf32, #tpu.memory_space<vmem>>, vector<1x16xf32>,
        %get3A_696 = vector.shape_cast %get3A_695 : vector<1x16xf32> to vector<16xf32>
        %mul3A_697 = arith.mulf %get3A_696, %broadcast_in_dim3A_672 : vector<16xf32>
        %swap3A_698 = arith.index_cast %add3A_669 : i32 to index
        %swap3A_699 = arith.constant 32 : index
        %swap3A_700 = tpu.vector_load %arg11[%swap3A_698, %swap3A_699] {strides = array<i32>} : memref<128x128xf32, #tpu.memory_space<vmem>>, vector<1x16xf32>,
        %swap3A_701 = vector.shape_cast %swap3A_700 : vector<1x16xf32> to vector<16xf32>
        %swap3A_702 = vector.shape_cast %mul3A_697 : vector<16xf32> to vector<1x16xf32>
        tpu.vector_store %arg11[%swap3A_698, %swap3A_699], %swap3A_702 {strides = array<i32>} : memref<128x128xf32, #tpu.memory_space<vmem>>, vector<1x16xf32>,
        %get3A_703 = arith.index_cast %add3A_669 : i32 to index
        %get3A_704 = arith.constant 48 : index
        %get3A_705 = tpu.vector_load %arg11[%get3A_703, %get3A_704] {strides = array<i32>} : memref<128x128xf32, #tpu.memory_space<vmem>>, vector<1x16xf32>,
        %get3A_706 = vector.shape_cast %get3A_705 : vector<1x16xf32> to vector<16xf32>
        %mul3A_707 = arith.mulf %get3A_706, %broadcast_in_dim3A_672 : vector<16xf32>
        %swap3A_708 = arith.index_cast %add3A_669 : i32 to index
        %swap3A_709 = arith.constant 48 : index
        %swap3A_710 = tpu.vector_load %arg11[%swap3A_708, %swap3A_709] {strides = array<i32>} : memref<128x128xf32, #tpu.memory_space<vmem>>, vector<1x16xf32>,
        %swap3A_711 = vector.shape_cast %swap3A_710 : vector<1x16xf32> to vector<16xf32>
        %swap3A_712 = vector.shape_cast %mul3A_707 : vector<16xf32> to vector<1x16xf32>
        tpu.vector_store %arg11[%swap3A_708, %swap3A_709], %swap3A_712 {strides = array<i32>} : memref<128x128xf32, #tpu.memory_space<vmem>>, vector<1x16xf32>,
        %get3A_713 = arith.index_cast %add3A_669 : i32 to index
        %get3A_714 = arith.constant 64 : index
        %get3A_715 = tpu.vector_load %arg11[%get3A_713, %get3A_714] {strides = array<i32>} : memref<128x128xf32, #tpu.memory_space<vmem>>, vector<1x16xf32>,
        %get3A_716 = vector.shape_cast %get3A_715 : vector<1x16xf32> to vector<16xf32>
        %mul3A_717 = arith.mulf %get3A_716, %broadcast_in_dim3A_672 : vector<16xf32>
        %swap3A_718 = arith.index_cast %add3A_669 : i32 to index
        %swap3A_719 = arith.constant 64 : index
        %swap3A_720 = tpu.vector_load %arg11[%swap3A_718, %swap3A_719] {strides = array<i32>} : memref<128x128xf32, #tpu.memory_space<vmem>>, vector<1x16xf32>,
        %swap3A_721 = vector.shape_cast %swap3A_720 : vector<1x16xf32> to vector<16xf32>
        %swap3A_722 = vector.shape_cast %mul3A_717 : vector<16xf32> to vector<1x16xf32>
        tpu.vector_store %arg11[%swap3A_718, %swap3A_719], %swap3A_722 {strides = array<i32>} : memref<128x128xf32, #tpu.memory_space<vmem>>, vector<1x16xf32>,
        %get3A_723 = arith.index_cast %add3A_669 : i32 to index
        %get3A_724 = arith.constant 80 : index
        %get3A_725 = tpu.vector_load %arg11[%get3A_723, %get3A_724] {strides = array<i32>} : memref<128x128xf32, #tpu.memory_space<vmem>>, vector<1x16xf32>,
        %get3A_726 = vector.shape_cast %get3A_725 : vector<1x16xf32> to vector<16xf32>
        %mul3A_727 = arith.mulf %get3A_726, %broadcast_in_dim3A_672 : vector<16xf32>
        %swap3A_728 = arith.index_cast %add3A_669 : i32 to index
        %swap3A_729 = arith.constant 80 : index
        %swap3A_730 = tpu.vector_load %arg11[%swap3A_728, %swap3A_729] {strides = array<i32>} : memref<128x128xf32, #tpu.memory_space<vmem>>, vector<1x16xf32>,
        %swap3A_731 = vector.shape_cast %swap3A_730 : vector<1x16xf32> to vector<16xf32>
        %swap3A_732 = vector.shape_cast %mul3A_727 : vector<16xf32> to vector<1x16xf32>
        tpu.vector_store %arg11[%swap3A_728, %swap3A_729], %swap3A_732 {strides = array<i32>} : memref<128x128xf32, #tpu.memory_space<vmem>>, vector<1x16xf32>,
        %get3A_733 = arith.index_cast %add3A_669 : i32 to index
        %get3A_734 = arith.constant 96 : index
        %get3A_735 = tpu.vector_load %arg11[%get3A_733, %get3A_734] {strides = array<i32>} : memref<128x128xf32, #tpu.memory_space<vmem>>, vector<1x16xf32>,
        %get3A_736 = vector.shape_cast %get3A_735 : vector<1x16xf32> to vector<16xf32>
        %mul3A_737 = arith.mulf %get3A_736, %broadcast_in_dim3A_672 : vector<16xf32>
        %swap3A_738 = arith.index_cast %add3A_669 : i32 to index
        %swap3A_739 = arith.constant 96 : index
        %swap3A_740 = tpu.vector_load %arg11[%swap3A_738, %swap3A_739] {strides = array<i32>} : memref<128x128xf32, #tpu.memory_space<vmem>>, vector<1x16xf32>,
        %swap3A_741 = vector.shape_cast %swap3A_740 : vector<1x16xf32> to vector<16xf32>
        %swap3A_742 = vector.shape_cast %mul3A_737 : vector<16xf32> to vector<1x16xf32>
        tpu.vector_store %arg11[%swap3A_738, %swap3A_739], %swap3A_742 {strides = array<i32>} : memref<128x128xf32, #tpu.memory_space<vmem>>, vector<1x16xf32>,
        %get3A_743 = arith.index_cast %add3A_669 : i32 to index
        %get3A_744 = arith.constant 112 : index
        %get3A_745 = tpu.vector_load %arg11[%get3A_743, %get3A_744] {strides = array<i32>} : memref<128x128xf32, #tpu.memory_space<vmem>>, vector<1x16xf32>,
        %get3A_746 = vector.shape_cast %get3A_745 : vector<1x16xf32> to vector<16xf32>
        %mul3A_747 = arith.mulf %get3A_746, %broadcast_in_dim3A_672 : vector<16xf32>
        %swap3A_748 = arith.index_cast %add3A_669 : i32 to index
        %swap3A_749 = arith.constant 112 : index
        %swap3A_750 = tpu.vector_load %arg11[%swap3A_748, %swap3A_749] {strides = array<i32>} : memref<128x128xf32, #tpu.memory_space<vmem>>, vector<1x16xf32>,
        %swap3A_751 = vector.shape_cast %swap3A_750 : vector<1x16xf32> to vector<16xf32>
        %swap3A_752 = vector.shape_cast %mul3A_747 : vector<16xf32> to vector<1x16xf32>
        tpu.vector_store %arg11[%swap3A_748, %swap3A_749], %swap3A_752 {strides = array<i32>} : memref<128x128xf32, #tpu.memory_space<vmem>>, vector<1x16xf32>,
        %mul3A_753 = arith.constant 16 : i32
        %mul3A_754 = arith.muli %scan3A_54, %mul3A_753 : i32
        %add3A_755 = arith.constant 8 : i32
        %add3A_756 = arith.addi %mul3A_754, %add3A_755 : i32
        %slice3A_757 = vector.extract_strided_slice %get3A_60 {offsets = [8], sizes = [1], strides = [1]} : vector<16xf32> to vector<1xf32>
        %squeeze3A_758 = vector.extract %slice3A_757[0] : f32 from vector<1xf32>
        %broadcast_in_dim3A_759 = vector.broadcast %squeeze3A_758 : f32 to vector<16xf32>
        %get3A_760 = arith.index_cast %add3A_756 : i32 to index
        %get3A_761 = arith.constant 0 : index
        %get3A_762 = tpu.vector_load %arg11[%get3A_760, %get3A_761] {strides = array<i32>} : memref<128x128xf32, #tpu.memory_space<vmem>>, vector<1x16xf32>,
        %get3A_763 = vector.shape_cast %get3A_762 : vector<1x16xf32> to vector<16xf32>
        %mul3A_764 = arith.mulf %get3A_763, %broadcast_in_dim3A_759 : vector<16xf32>
        %swap3A_765 = arith.index_cast %add3A_756 : i32 to index
        %swap3A_766 = arith.constant 0 : index
        %swap3A_767 = tpu.vector_load %arg11[%swap3A_765, %swap3A_766] {strides = array<i32>} : memref<128x128xf32, #tpu.memory_space<vmem>>, vector<1x16xf32>,
        %swap3A_768 = vector.shape_cast %swap3A_767 : vector<1x16xf32> to vector<16xf32>
        %swap3A_769 = vector.shape_cast %mul3A_764 : vector<16xf32> to vector<1x16xf32>
        tpu.vector_store %arg11[%swap3A_765, %swap3A_766], %swap3A_769 {strides = array<i32>} : memref<128x128xf32, #tpu.memory_space<vmem>>, vector<1x16xf32>,
        %get3A_770 = arith.index_cast %add3A_756 : i32 to index
        %get3A_771 = arith.constant 16 : index
        %get3A_772 = tpu.vector_load %arg11[%get3A_770, %get3A_771] {strides = array<i32>} : memref<128x128xf32, #tpu.memory_space<vmem>>, vector<1x16xf32>,
        %get3A_773 = vector.shape_cast %get3A_772 : vector<1x16xf32> to vector<16xf32>
        %mul3A_774 = arith.mulf %get3A_773, %broadcast_in_dim3A_759 : vector<16xf32>
        %swap3A_775 = arith.index_cast %add3A_756 : i32 to index
        %swap3A_776 = arith.constant 16 : index
        %swap3A_777 = tpu.vector_load %arg11[%swap3A_775, %swap3A_776] {strides = array<i32>} : memref<128x128xf32, #tpu.memory_space<vmem>>, vector<1x16xf32>,
        %swap3A_778 = vector.shape_cast %swap3A_777 : vector<1x16xf32> to vector<16xf32>
        %swap3A_779 = vector.shape_cast %mul3A_774 : vector<16xf32> to vector<1x16xf32>
        tpu.vector_store %arg11[%swap3A_775, %swap3A_776], %swap3A_779 {strides = array<i32>} : memref<128x128xf32, #tpu.memory_space<vmem>>, vector<1x16xf32>,
        %get3A_780 = arith.index_cast %add3A_756 : i32 to index
        %get3A_781 = arith.constant 32 : index
        %get3A_782 = tpu.vector_load %arg11[%get3A_780, %get3A_781] {strides = array<i32>} : memref<128x128xf32, #tpu.memory_space<vmem>>, vector<1x16xf32>,
        %get3A_783 = vector.shape_cast %get3A_782 : vector<1x16xf32> to vector<16xf32>
        %mul3A_784 = arith.mulf %get3A_783, %broadcast_in_dim3A_759 : vector<16xf32>
        %swap3A_785 = arith.index_cast %add3A_756 : i32 to index
        %swap3A_786 = arith.constant 32 : index
        %swap3A_787 = tpu.vector_load %arg11[%swap3A_785, %swap3A_786] {strides = array<i32>} : memref<128x128xf32, #tpu.memory_space<vmem>>, vector<1x16xf32>,
        %swap3A_788 = vector.shape_cast %swap3A_787 : vector<1x16xf32> to vector<16xf32>
        %swap3A_789 = vector.shape_cast %mul3A_784 : vector<16xf32> to vector<1x16xf32>
        tpu.vector_store %arg11[%swap3A_785, %swap3A_786], %swap3A_789 {strides = array<i32>} : memref<128x128xf32, #tpu.memory_space<vmem>>, vector<1x16xf32>,
        %get3A_790 = arith.index_cast %add3A_756 : i32 to index
        %get3A_791 = arith.constant 48 : index
        %get3A_792 = tpu.vector_load %arg11[%get3A_790, %get3A_791] {strides = array<i32>} : memref<128x128xf32, #tpu.memory_space<vmem>>, vector<1x16xf32>,
        %get3A_793 = vector.shape_cast %get3A_792 : vector<1x16xf32> to vector<16xf32>
        %mul3A_794 = arith.mulf %get3A_793, %broadcast_in_dim3A_759 : vector<16xf32>
        %swap3A_795 = arith.index_cast %add3A_756 : i32 to index
        %swap3A_796 = arith.constant 48 : index
        %swap3A_797 = tpu.vector_load %arg11[%swap3A_795, %swap3A_796] {strides = array<i32>} : memref<128x128xf32, #tpu.memory_space<vmem>>, vector<1x16xf32>,
        %swap3A_798 = vector.shape_cast %swap3A_797 : vector<1x16xf32> to vector<16xf32>
        %swap3A_799 = vector.shape_cast %mul3A_794 : vector<16xf32> to vector<1x16xf32>
        tpu.vector_store %arg11[%swap3A_795, %swap3A_796], %swap3A_799 {strides = array<i32>} : memref<128x128xf32, #tpu.memory_space<vmem>>, vector<1x16xf32>,
        %get3A_800 = arith.index_cast %add3A_756 : i32 to index
        %get3A_801 = arith.constant 64 : index
        %get3A_802 = tpu.vector_load %arg11[%get3A_800, %get3A_801] {strides = array<i32>} : memref<128x128xf32, #tpu.memory_space<vmem>>, vector<1x16xf32>,
        %get3A_803 = vector.shape_cast %get3A_802 : vector<1x16xf32> to vector<16xf32>
        %mul3A_804 = arith.mulf %get3A_803, %broadcast_in_dim3A_759 : vector<16xf32>
        %swap3A_805 = arith.index_cast %add3A_756 : i32 to index
        %swap3A_806 = arith.constant 64 : index
        %swap3A_807 = tpu.vector_load %arg11[%swap3A_805, %swap3A_806] {strides = array<i32>} : memref<128x128xf32, #tpu.memory_space<vmem>>, vector<1x16xf32>,
        %swap3A_808 = vector.shape_cast %swap3A_807 : vector<1x16xf32> to vector<16xf32>
        %swap3A_809 = vector.shape_cast %mul3A_804 : vector<16xf32> to vector<1x16xf32>
        tpu.vector_store %arg11[%swap3A_805, %swap3A_806], %swap3A_809 {strides = array<i32>} : memref<128x128xf32, #tpu.memory_space<vmem>>, vector<1x16xf32>,
        %get3A_810 = arith.index_cast %add3A_756 : i32 to index
        %get3A_811 = arith.constant 80 : index
        %get3A_812 = tpu.vector_load %arg11[%get3A_810, %get3A_811] {strides = array<i32>} : memref<128x128xf32, #tpu.memory_space<vmem>>, vector<1x16xf32>,
        %get3A_813 = vector.shape_cast %get3A_812 : vector<1x16xf32> to vector<16xf32>
        %mul3A_814 = arith.mulf %get3A_813, %broadcast_in_dim3A_759 : vector<16xf32>
        %swap3A_815 = arith.index_cast %add3A_756 : i32 to index
        %swap3A_816 = arith.constant 80 : index
        %swap3A_817 = tpu.vector_load %arg11[%swap3A_815, %swap3A_816] {strides = array<i32>} : memref<128x128xf32, #tpu.memory_space<vmem>>, vector<1x16xf32>,
        %swap3A_818 = vector.shape_cast %swap3A_817 : vector<1x16xf32> to vector<16xf32>
        %swap3A_819 = vector.shape_cast %mul3A_814 : vector<16xf32> to vector<1x16xf32>
        tpu.vector_store %arg11[%swap3A_815, %swap3A_816], %swap3A_819 {strides = array<i32>} : memref<128x128xf32, #tpu.memory_space<vmem>>, vector<1x16xf32>,
        %get3A_820 = arith.index_cast %add3A_756 : i32 to index
        %get3A_821 = arith.constant 96 : index
        %get3A_822 = tpu.vector_load %arg11[%get3A_820, %get3A_821] {strides = array<i32>} : memref<128x128xf32, #tpu.memory_space<vmem>>, vector<1x16xf32>,
        %get3A_823 = vector.shape_cast %get3A_822 : vector<1x16xf32> to vector<16xf32>
        %mul3A_824 = arith.mulf %get3A_823, %broadcast_in_dim3A_759 : vector<16xf32>
        %swap3A_825 = arith.index_cast %add3A_756 : i32 to index
        %swap3A_826 = arith.constant 96 : index
        %swap3A_827 = tpu.vector_load %arg11[%swap3A_825, %swap3A_826] {strides = array<i32>} : memref<128x128xf32, #tpu.memory_space<vmem>>, vector<1x16xf32>,
        %swap3A_828 = vector.shape_cast %swap3A_827 : vector<1x16xf32> to vector<16xf32>
        %swap3A_829 = vector.shape_cast %mul3A_824 : vector<16xf32> to vector<1x16xf32>
        tpu.vector_store %arg11[%swap3A_825, %swap3A_826], %swap3A_829 {strides = array<i32>} : memref<128x128xf32, #tpu.memory_space<vmem>>, vector<1x16xf32>,
        %get3A_830 = arith.index_cast %add3A_756 : i32 to index
        %get3A_831 = arith.constant 112 : index
        %get3A_832 = tpu.vector_load %arg11[%get3A_830, %get3A_831] {strides = array<i32>} : memref<128x128xf32, #tpu.memory_space<vmem>>, vector<1x16xf32>,
        %get3A_833 = vector.shape_cast %get3A_832 : vector<1x16xf32> to vector<16xf32>
        %mul3A_834 = arith.mulf %get3A_833, %broadcast_in_dim3A_759 : vector<16xf32>
        %swap3A_835 = arith.index_cast %add3A_756 : i32 to index
        %swap3A_836 = arith.constant 112 : index
        %swap3A_837 = tpu.vector_load %arg11[%swap3A_835, %swap3A_836] {strides = array<i32>} : memref<128x128xf32, #tpu.memory_space<vmem>>, vector<1x16xf32>,
        %swap3A_838 = vector.shape_cast %swap3A_837 : vector<1x16xf32> to vector<16xf32>
        %swap3A_839 = vector.shape_cast %mul3A_834 : vector<16xf32> to vector<1x16xf32>
        tpu.vector_store %arg11[%swap3A_835, %swap3A_836], %swap3A_839 {strides = array<i32>} : memref<128x128xf32, #tpu.memory_space<vmem>>, vector<1x16xf32>,
        %mul3A_840 = arith.constant 16 : i32
        %mul3A_841 = arith.muli %scan3A_54, %mul3A_840 : i32
        %add3A_842 = arith.constant 9 : i32
        %add3A_843 = arith.addi %mul3A_841, %add3A_842 : i32
        %slice3A_844 = vector.extract_strided_slice %get3A_60 {offsets = [9], sizes = [1], strides = [1]} : vector<16xf32> to vector<1xf32>
        %squeeze3A_845 = vector.extract %slice3A_844[0] : f32 from vector<1xf32>
        %broadcast_in_dim3A_846 = vector.broadcast %squeeze3A_845 : f32 to vector<16xf32>
        %get3A_847 = arith.index_cast %add3A_843 : i32 to index
        %get3A_848 = arith.constant 0 : index
        %get3A_849 = tpu.vector_load %arg11[%get3A_847, %get3A_848] {strides = array<i32>} : memref<128x128xf32, #tpu.memory_space<vmem>>, vector<1x16xf32>,
        %get3A_850 = vector.shape_cast %get3A_849 : vector<1x16xf32> to vector<16xf32>
        %mul3A_851 = arith.mulf %get3A_850, %broadcast_in_dim3A_846 : vector<16xf32>
        %swap3A_852 = arith.index_cast %add3A_843 : i32 to index
        %swap3A_853 = arith.constant 0 : index
        %swap3A_854 = tpu.vector_load %arg11[%swap3A_852, %swap3A_853] {strides = array<i32>} : memref<128x128xf32, #tpu.memory_space<vmem>>, vector<1x16xf32>,
        %swap3A_855 = vector.shape_cast %swap3A_854 : vector<1x16xf32> to vector<16xf32>
        %swap3A_856 = vector.shape_cast %mul3A_851 : vector<16xf32> to vector<1x16xf32>
        tpu.vector_store %arg11[%swap3A_852, %swap3A_853], %swap3A_856 {strides = array<i32>} : memref<128x128xf32, #tpu.memory_space<vmem>>, vector<1x16xf32>,
        %get3A_857 = arith.index_cast %add3A_843 : i32 to index
        %get3A_858 = arith.constant 16 : index
        %get3A_859 = tpu.vector_load %arg11[%get3A_857, %get3A_858] {strides = array<i32>} : memref<128x128xf32, #tpu.memory_space<vmem>>, vector<1x16xf32>,
        %get3A_860 = vector.shape_cast %get3A_859 : vector<1x16xf32> to vector<16xf32>
        %mul3A_861 = arith.mulf %get3A_860, %broadcast_in_dim3A_846 : vector<16xf32>
        %swap3A_862 = arith.index_cast %add3A_843 : i32 to index
        %swap3A_863 = arith.constant 16 : index
        %swap3A_864 = tpu.vector_load %arg11[%swap3A_862, %swap3A_863] {strides = array<i32>} : memref<128x128xf32, #tpu.memory_space<vmem>>, vector<1x16xf32>,
        %swap3A_865 = vector.shape_cast %swap3A_864 : vector<1x16xf32> to vector<16xf32>
        %swap3A_866 = vector.shape_cast %mul3A_861 : vector<16xf32> to vector<1x16xf32>
        tpu.vector_store %arg11[%swap3A_862, %swap3A_863], %swap3A_866 {strides = array<i32>} : memref<128x128xf32, #tpu.memory_space<vmem>>, vector<1x16xf32>,
        %get3A_867 = arith.index_cast %add3A_843 : i32 to index
        %get3A_868 = arith.constant 32 : index
        %get3A_869 = tpu.vector_load %arg11[%get3A_867, %get3A_868] {strides = array<i32>} : memref<128x128xf32, #tpu.memory_space<vmem>>, vector<1x16xf32>,
        %get3A_870 = vector.shape_cast %get3A_869 : vector<1x16xf32> to vector<16xf32>
        %mul3A_871 = arith.mulf %get3A_870, %broadcast_in_dim3A_846 : vector<16xf32>
        %swap3A_872 = arith.index_cast %add3A_843 : i32 to index
        %swap3A_873 = arith.constant 32 : index
        %swap3A_874 = tpu.vector_load %arg11[%swap3A_872, %swap3A_873] {strides = array<i32>} : memref<128x128xf32, #tpu.memory_space<vmem>>, vector<1x16xf32>,
        %swap3A_875 = vector.shape_cast %swap3A_874 : vector<1x16xf32> to vector<16xf32>
        %swap3A_876 = vector.shape_cast %mul3A_871 : vector<16xf32> to vector<1x16xf32>
        tpu.vector_store %arg11[%swap3A_872, %swap3A_873], %swap3A_876 {strides = array<i32>} : memref<128x128xf32, #tpu.memory_space<vmem>>, vector<1x16xf32>,
        %get3A_877 = arith.index_cast %add3A_843 : i32 to index
        %get3A_878 = arith.constant 48 : index
        %get3A_879 = tpu.vector_load %arg11[%get3A_877, %get3A_878] {strides = array<i32>} : memref<128x128xf32, #tpu.memory_space<vmem>>, vector<1x16xf32>,
        %get3A_880 = vector.shape_cast %get3A_879 : vector<1x16xf32> to vector<16xf32>
        %mul3A_881 = arith.mulf %get3A_880, %broadcast_in_dim3A_846 : vector<16xf32>
        %swap3A_882 = arith.index_cast %add3A_843 : i32 to index
        %swap3A_883 = arith.constant 48 : index
        %swap3A_884 = tpu.vector_load %arg11[%swap3A_882, %swap3A_883] {strides = array<i32>} : memref<128x128xf32, #tpu.memory_space<vmem>>, vector<1x16xf32>,
        %swap3A_885 = vector.shape_cast %swap3A_884 : vector<1x16xf32> to vector<16xf32>
        %swap3A_886 = vector.shape_cast %mul3A_881 : vector<16xf32> to vector<1x16xf32>
        tpu.vector_store %arg11[%swap3A_882, %swap3A_883], %swap3A_886 {strides = array<i32>} : memref<128x128xf32, #tpu.memory_space<vmem>>, vector<1x16xf32>,
        %get3A_887 = arith.index_cast %add3A_843 : i32 to index
        %get3A_888 = arith.constant 64 : index
        %get3A_889 = tpu.vector_load %arg11[%get3A_887, %get3A_888] {strides = array<i32>} : memref<128x128xf32, #tpu.memory_space<vmem>>, vector<1x16xf32>,
        %get3A_890 = vector.shape_cast %get3A_889 : vector<1x16xf32> to vector<16xf32>
        %mul3A_891 = arith.mulf %get3A_890, %broadcast_in_dim3A_846 : vector<16xf32>
        %swap3A_892 = arith.index_cast %add3A_843 : i32 to index
        %swap3A_893 = arith.constant 64 : index
        %swap3A_894 = tpu.vector_load %arg11[%swap3A_892, %swap3A_893] {strides = array<i32>} : memref<128x128xf32, #tpu.memory_space<vmem>>, vector<1x16xf32>,
        %swap3A_895 = vector.shape_cast %swap3A_894 : vector<1x16xf32> to vector<16xf32>
        %swap3A_896 = vector.shape_cast %mul3A_891 : vector<16xf32> to vector<1x16xf32>
        tpu.vector_store %arg11[%swap3A_892, %swap3A_893], %swap3A_896 {strides = array<i32>} : memref<128x128xf32, #tpu.memory_space<vmem>>, vector<1x16xf32>,
        %get3A_897 = arith.index_cast %add3A_843 : i32 to index
        %get3A_898 = arith.constant 80 : index
        %get3A_899 = tpu.vector_load %arg11[%get3A_897, %get3A_898] {strides = array<i32>} : memref<128x128xf32, #tpu.memory_space<vmem>>, vector<1x16xf32>,
        %get3A_900 = vector.shape_cast %get3A_899 : vector<1x16xf32> to vector<16xf32>
        %mul3A_901 = arith.mulf %get3A_900, %broadcast_in_dim3A_846 : vector<16xf32>
        %swap3A_902 = arith.index_cast %add3A_843 : i32 to index
        %swap3A_903 = arith.constant 80 : index
        %swap3A_904 = tpu.vector_load %arg11[%swap3A_902, %swap3A_903] {strides = array<i32>} : memref<128x128xf32, #tpu.memory_space<vmem>>, vector<1x16xf32>,
        %swap3A_905 = vector.shape_cast %swap3A_904 : vector<1x16xf32> to vector<16xf32>
        %swap3A_906 = vector.shape_cast %mul3A_901 : vector<16xf32> to vector<1x16xf32>
        tpu.vector_store %arg11[%swap3A_902, %swap3A_903], %swap3A_906 {strides = array<i32>} : memref<128x128xf32, #tpu.memory_space<vmem>>, vector<1x16xf32>,
        %get3A_907 = arith.index_cast %add3A_843 : i32 to index
        %get3A_908 = arith.constant 96 : index
        %get3A_909 = tpu.vector_load %arg11[%get3A_907, %get3A_908] {strides = array<i32>} : memref<128x128xf32, #tpu.memory_space<vmem>>, vector<1x16xf32>,
        %get3A_910 = vector.shape_cast %get3A_909 : vector<1x16xf32> to vector<16xf32>
        %mul3A_911 = arith.mulf %get3A_910, %broadcast_in_dim3A_846 : vector<16xf32>
        %swap3A_912 = arith.index_cast %add3A_843 : i32 to index
        %swap3A_913 = arith.constant 96 : index
        %swap3A_914 = tpu.vector_load %arg11[%swap3A_912, %swap3A_913] {strides = array<i32>} : memref<128x128xf32, #tpu.memory_space<vmem>>, vector<1x16xf32>,
        %swap3A_915 = vector.shape_cast %swap3A_914 : vector<1x16xf32> to vector<16xf32>
        %swap3A_916 = vector.shape_cast %mul3A_911 : vector<16xf32> to vector<1x16xf32>
        tpu.vector_store %arg11[%swap3A_912, %swap3A_913], %swap3A_916 {strides = array<i32>} : memref<128x128xf32, #tpu.memory_space<vmem>>, vector<1x16xf32>,
        %get3A_917 = arith.index_cast %add3A_843 : i32 to index
        %get3A_918 = arith.constant 112 : index
        %get3A_919 = tpu.vector_load %arg11[%get3A_917, %get3A_918] {strides = array<i32>} : memref<128x128xf32, #tpu.memory_space<vmem>>, vector<1x16xf32>,
        %get3A_920 = vector.shape_cast %get3A_919 : vector<1x16xf32> to vector<16xf32>
        %mul3A_921 = arith.mulf %get3A_920, %broadcast_in_dim3A_846 : vector<16xf32>
        %swap3A_922 = arith.index_cast %add3A_843 : i32 to index
        %swap3A_923 = arith.constant 112 : index
        %swap3A_924 = tpu.vector_load %arg11[%swap3A_922, %swap3A_923] {strides = array<i32>} : memref<128x128xf32, #tpu.memory_space<vmem>>, vector<1x16xf32>,
        %swap3A_925 = vector.shape_cast %swap3A_924 : vector<1x16xf32> to vector<16xf32>
        %swap3A_926 = vector.shape_cast %mul3A_921 : vector<16xf32> to vector<1x16xf32>
        tpu.vector_store %arg11[%swap3A_922, %swap3A_923], %swap3A_926 {strides = array<i32>} : memref<128x128xf32, #tpu.memory_space<vmem>>, vector<1x16xf32>,
        %mul3A_927 = arith.constant 16 : i32
        %mul3A_928 = arith.muli %scan3A_54, %mul3A_927 : i32
        %add3A_929 = arith.constant 10 : i32
        %add3A_930 = arith.addi %mul3A_928, %add3A_929 : i32
        %slice3A_931 = vector.extract_strided_slice %get3A_60 {offsets = [10], sizes = [1], strides = [1]} : vector<16xf32> to vector<1xf32>
        %squeeze3A_932 = vector.extract %slice3A_931[0] : f32 from vector<1xf32>
        %broadcast_in_dim3A_933 = vector.broadcast %squeeze3A_932 : f32 to vector<16xf32>
        %get3A_934 = arith.index_cast %add3A_930 : i32 to index
        %get3A_935 = arith.constant 0 : index
        %get3A_936 = tpu.vector_load %arg11[%get3A_934, %get3A_935] {strides = array<i32>} : memref<128x128xf32, #tpu.memory_space<vmem>>, vector<1x16xf32>,
        %get3A_937 = vector.shape_cast %get3A_936 : vector<1x16xf32> to vector<16xf32>
        %mul3A_938 = arith.mulf %get3A_937, %broadcast_in_dim3A_933 : vector<16xf32>
        %swap3A_939 = arith.index_cast %add3A_930 : i32 to index
        %swap3A_940 = arith.constant 0 : index
        %swap3A_941 = tpu.vector_load %arg11[%swap3A_939, %swap3A_940] {strides = array<i32>} : memref<128x128xf32, #tpu.memory_space<vmem>>, vector<1x16xf32>,
        %swap3A_942 = vector.shape_cast %swap3A_941 : vector<1x16xf32> to vector<16xf32>
        %swap3A_943 = vector.shape_cast %mul3A_938 : vector<16xf32> to vector<1x16xf32>
        tpu.vector_store %arg11[%swap3A_939, %swap3A_940], %swap3A_943 {strides = array<i32>} : memref<128x128xf32, #tpu.memory_space<vmem>>, vector<1x16xf32>,
        %get3A_944 = arith.index_cast %add3A_930 : i32 to index
        %get3A_945 = arith.constant 16 : index
        %get3A_946 = tpu.vector_load %arg11[%get3A_944, %get3A_945] {strides = array<i32>} : memref<128x128xf32, #tpu.memory_space<vmem>>, vector<1x16xf32>,
        %get3A_947 = vector.shape_cast %get3A_946 : vector<1x16xf32> to vector<16xf32>
        %mul3A_948 = arith.mulf %get3A_947, %broadcast_in_dim3A_933 : vector<16xf32>
        %swap3A_949 = arith.index_cast %add3A_930 : i32 to index
        %swap3A_950 = arith.constant 16 : index
        %swap3A_951 = tpu.vector_load %arg11[%swap3A_949, %swap3A_950] {strides = array<i32>} : memref<128x128xf32, #tpu.memory_space<vmem>>, vector<1x16xf32>,
        %swap3A_952 = vector.shape_cast %swap3A_951 : vector<1x16xf32> to vector<16xf32>
        %swap3A_953 = vector.shape_cast %mul3A_948 : vector<16xf32> to vector<1x16xf32>
        tpu.vector_store %arg11[%swap3A_949, %swap3A_950], %swap3A_953 {strides = array<i32>} : memref<128x128xf32, #tpu.memory_space<vmem>>, vector<1x16xf32>,
        %get3A_954 = arith.index_cast %add3A_930 : i32 to index
        %get3A_955 = arith.constant 32 : index
        %get3A_956 = tpu.vector_load %arg11[%get3A_954, %get3A_955] {strides = array<i32>} : memref<128x128xf32, #tpu.memory_space<vmem>>, vector<1x16xf32>,
        %get3A_957 = vector.shape_cast %get3A_956 : vector<1x16xf32> to vector<16xf32>
        %mul3A_958 = arith.mulf %get3A_957, %broadcast_in_dim3A_933 : vector<16xf32>
        %swap3A_959 = arith.index_cast %add3A_930 : i32 to index
        %swap3A_960 = arith.constant 32 : index
        %swap3A_961 = tpu.vector_load %arg11[%swap3A_959, %swap3A_960] {strides = array<i32>} : memref<128x128xf32, #tpu.memory_space<vmem>>, vector<1x16xf32>,
        %swap3A_962 = vector.shape_cast %swap3A_961 : vector<1x16xf32> to vector<16xf32>
        %swap3A_963 = vector.shape_cast %mul3A_958 : vector<16xf32> to vector<1x16xf32>
        tpu.vector_store %arg11[%swap3A_959, %swap3A_960], %swap3A_963 {strides = array<i32>} : memref<128x128xf32, #tpu.memory_space<vmem>>, vector<1x16xf32>,
        %get3A_964 = arith.index_cast %add3A_930 : i32 to index
        %get3A_965 = arith.constant 48 : index
        %get3A_966 = tpu.vector_load %arg11[%get3A_964, %get3A_965] {strides = array<i32>} : memref<128x128xf32, #tpu.memory_space<vmem>>, vector<1x16xf32>,
        %get3A_967 = vector.shape_cast %get3A_966 : vector<1x16xf32> to vector<16xf32>
        %mul3A_968 = arith.mulf %get3A_967, %broadcast_in_dim3A_933 : vector<16xf32>
        %swap3A_969 = arith.index_cast %add3A_930 : i32 to index
        %swap3A_970 = arith.constant 48 : index
        %swap3A_971 = tpu.vector_load %arg11[%swap3A_969, %swap3A_970] {strides = array<i32>} : memref<128x128xf32, #tpu.memory_space<vmem>>, vector<1x16xf32>,
        %swap3A_972 = vector.shape_cast %swap3A_971 : vector<1x16xf32> to vector<16xf32>
        %swap3A_973 = vector.shape_cast %mul3A_968 : vector<16xf32> to vector<1x16xf32>
        tpu.vector_store %arg11[%swap3A_969, %swap3A_970], %swap3A_973 {strides = array<i32>} : memref<128x128xf32, #tpu.memory_space<vmem>>, vector<1x16xf32>,
        %get3A_974 = arith.index_cast %add3A_930 : i32 to index
        %get3A_975 = arith.constant 64 : index
        %get3A_976 = tpu.vector_load %arg11[%get3A_974, %get3A_975] {strides = array<i32>} : memref<128x128xf32, #tpu.memory_space<vmem>>, vector<1x16xf32>,
        %get3A_977 = vector.shape_cast %get3A_976 : vector<1x16xf32> to vector<16xf32>
        %mul3A_978 = arith.mulf %get3A_977, %broadcast_in_dim3A_933 : vector<16xf32>
        %swap3A_979 = arith.index_cast %add3A_930 : i32 to index
        %swap3A_980 = arith.constant 64 : index
        %swap3A_981 = tpu.vector_load %arg11[%swap3A_979, %swap3A_980] {strides = array<i32>} : memref<128x128xf32, #tpu.memory_space<vmem>>, vector<1x16xf32>,
        %swap3A_982 = vector.shape_cast %swap3A_981 : vector<1x16xf32> to vector<16xf32>
        %swap3A_983 = vector.shape_cast %mul3A_978 : vector<16xf32> to vector<1x16xf32>
        tpu.vector_store %arg11[%swap3A_979, %swap3A_980], %swap3A_983 {strides = array<i32>} : memref<128x128xf32, #tpu.memory_space<vmem>>, vector<1x16xf32>,
        %get3A_984 = arith.index_cast %add3A_930 : i32 to index
        %get3A_985 = arith.constant 80 : index
        %get3A_986 = tpu.vector_load %arg11[%get3A_984, %get3A_985] {strides = array<i32>} : memref<128x128xf32, #tpu.memory_space<vmem>>, vector<1x16xf32>,
        %get3A_987 = vector.shape_cast %get3A_986 : vector<1x16xf32> to vector<16xf32>
        %mul3A_988 = arith.mulf %get3A_987, %broadcast_in_dim3A_933 : vector<16xf32>
        %swap3A_989 = arith.index_cast %add3A_930 : i32 to index
        %swap3A_990 = arith.constant 80 : index
        %swap3A_991 = tpu.vector_load %arg11[%swap3A_989, %swap3A_990] {strides = array<i32>} : memref<128x128xf32, #tpu.memory_space<vmem>>, vector<1x16xf32>,
        %swap3A_992 = vector.shape_cast %swap3A_991 : vector<1x16xf32> to vector<16xf32>
        %swap3A_993 = vector.shape_cast %mul3A_988 : vector<16xf32> to vector<1x16xf32>
        tpu.vector_store %arg11[%swap3A_989, %swap3A_990], %swap3A_993 {strides = array<i32>} : memref<128x128xf32, #tpu.memory_space<vmem>>, vector<1x16xf32>,
        %get3A_994 = arith.index_cast %add3A_930 : i32 to index
        %get3A_995 = arith.constant 96 : index
        %get3A_996 = tpu.vector_load %arg11[%get3A_994, %get3A_995] {strides = array<i32>} : memref<128x128xf32, #tpu.memory_space<vmem>>, vector<1x16xf32>,
        %get3A_997 = vector.shape_cast %get3A_996 : vector<1x16xf32> to vector<16xf32>
        %mul3A_998 = arith.mulf %get3A_997, %broadcast_in_dim3A_933 : vector<16xf32>
        %swap3A_999 = arith.index_cast %add3A_930 : i32 to index
        %swap3A_1000 = arith.constant 96 : index
        %swap3A_1001 = tpu.vector_load %arg11[%swap3A_999, %swap3A_1000] {strides = array<i32>} : memref<128x128xf32, #tpu.memory_space<vmem>>, vector<1x16xf32>,
        %swap3A_1002 = vector.shape_cast %swap3A_1001 : vector<1x16xf32> to vector<16xf32>
        %swap3A_1003 = vector.shape_cast %mul3A_998 : vector<16xf32> to vector<1x16xf32>
        tpu.vector_store %arg11[%swap3A_999, %swap3A_1000], %swap3A_1003 {strides = array<i32>} : memref<128x128xf32, #tpu.memory_space<vmem>>, vector<1x16xf32>,
        %get3A_1004 = arith.index_cast %add3A_930 : i32 to index
        %get3A_1005 = arith.constant 112 : index
        %get3A_1006 = tpu.vector_load %arg11[%get3A_1004, %get3A_1005] {strides = array<i32>} : memref<128x128xf32, #tpu.memory_space<vmem>>, vector<1x16xf32>,
        %get3A_1007 = vector.shape_cast %get3A_1006 : vector<1x16xf32> to vector<16xf32>
        %mul3A_1008 = arith.mulf %get3A_1007, %broadcast_in_dim3A_933 : vector<16xf32>
        %swap3A_1009 = arith.index_cast %add3A_930 : i32 to index
        %swap3A_1010 = arith.constant 112 : index
        %swap3A_1011 = tpu.vector_load %arg11[%swap3A_1009, %swap3A_1010] {strides = array<i32>} : memref<128x128xf32, #tpu.memory_space<vmem>>, vector<1x16xf32>,
        %swap3A_1012 = vector.shape_cast %swap3A_1011 : vector<1x16xf32> to vector<16xf32>
        %swap3A_1013 = vector.shape_cast %mul3A_1008 : vector<16xf32> to vector<1x16xf32>
        tpu.vector_store %arg11[%swap3A_1009, %swap3A_1010], %swap3A_1013 {strides = array<i32>} : memref<128x128xf32, #tpu.memory_space<vmem>>, vector<1x16xf32>,
        %mul3A_1014 = arith.constant 16 : i32
        %mul3A_1015 = arith.muli %scan3A_54, %mul3A_1014 : i32
        %add3A_1016 = arith.constant 11 : i32
        %add3A_1017 = arith.addi %mul3A_1015, %add3A_1016 : i32
        %slice3A_1018 = vector.extract_strided_slice %get3A_60 {offsets = [11], sizes = [1], strides = [1]} : vector<16xf32> to vector<1xf32>
        %squeeze3A_1019 = vector.extract %slice3A_1018[0] : f32 from vector<1xf32>
        %broadcast_in_dim3A_1020 = vector.broadcast %squeeze3A_1019 : f32 to vector<16xf32>
        %get3A_1021 = arith.index_cast %add3A_1017 : i32 to index
        %get3A_1022 = arith.constant 0 : index
        %get3A_1023 = tpu.vector_load %arg11[%get3A_1021, %get3A_1022] {strides = array<i32>} : memref<128x128xf32, #tpu.memory_space<vmem>>, vector<1x16xf32>,
        %get3A_1024 = vector.shape_cast %get3A_1023 : vector<1x16xf32> to vector<16xf32>
        %mul3A_1025 = arith.mulf %get3A_1024, %broadcast_in_dim3A_1020 : vector<16xf32>
        %swap3A_1026 = arith.index_cast %add3A_1017 : i32 to index
        %swap3A_1027 = arith.constant 0 : index
        %swap3A_1028 = tpu.vector_load %arg11[%swap3A_1026, %swap3A_1027] {strides = array<i32>} : memref<128x128xf32, #tpu.memory_space<vmem>>, vector<1x16xf32>,
        %swap3A_1029 = vector.shape_cast %swap3A_1028 : vector<1x16xf32> to vector<16xf32>
        %swap3A_1030 = vector.shape_cast %mul3A_1025 : vector<16xf32> to vector<1x16xf32>
        tpu.vector_store %arg11[%swap3A_1026, %swap3A_1027], %swap3A_1030 {strides = array<i32>} : memref<128x128xf32, #tpu.memory_space<vmem>>, vector<1x16xf32>,
        %get3A_1031 = arith.index_cast %add3A_1017 : i32 to index
        %get3A_1032 = arith.constant 16 : index
        %get3A_1033 = tpu.vector_load %arg11[%get3A_1031, %get3A_1032] {strides = array<i32>} : memref<128x128xf32, #tpu.memory_space<vmem>>, vector<1x16xf32>,
        %get3A_1034 = vector.shape_cast %get3A_1033 : vector<1x16xf32> to vector<16xf32>
        %mul3A_1035 = arith.mulf %get3A_1034, %broadcast_in_dim3A_1020 : vector<16xf32>
        %swap3A_1036 = arith.index_cast %add3A_1017 : i32 to index
        %swap3A_1037 = arith.constant 16 : index
        %swap3A_1038 = tpu.vector_load %arg11[%swap3A_1036, %swap3A_1037] {strides = array<i32>} : memref<128x128xf32, #tpu.memory_space<vmem>>, vector<1x16xf32>,
        %swap3A_1039 = vector.shape_cast %swap3A_1038 : vector<1x16xf32> to vector<16xf32>
        %swap3A_1040 = vector.shape_cast %mul3A_1035 : vector<16xf32> to vector<1x16xf32>
        tpu.vector_store %arg11[%swap3A_1036, %swap3A_1037], %swap3A_1040 {strides = array<i32>} : memref<128x128xf32, #tpu.memory_space<vmem>>, vector<1x16xf32>,
        %get3A_1041 = arith.index_cast %add3A_1017 : i32 to index
        %get3A_1042 = arith.constant 32 : index
        %get3A_1043 = tpu.vector_load %arg11[%get3A_1041, %get3A_1042] {strides = array<i32>} : memref<128x128xf32, #tpu.memory_space<vmem>>, vector<1x16xf32>,
        %get3A_1044 = vector.shape_cast %get3A_1043 : vector<1x16xf32> to vector<16xf32>
        %mul3A_1045 = arith.mulf %get3A_1044, %broadcast_in_dim3A_1020 : vector<16xf32>
        %swap3A_1046 = arith.index_cast %add3A_1017 : i32 to index
        %swap3A_1047 = arith.constant 32 : index
        %swap3A_1048 = tpu.vector_load %arg11[%swap3A_1046, %swap3A_1047] {strides = array<i32>} : memref<128x128xf32, #tpu.memory_space<vmem>>, vector<1x16xf32>,
        %swap3A_1049 = vector.shape_cast %swap3A_1048 : vector<1x16xf32> to vector<16xf32>
        %swap3A_1050 = vector.shape_cast %mul3A_1045 : vector<16xf32> to vector<1x16xf32>
        tpu.vector_store %arg11[%swap3A_1046, %swap3A_1047], %swap3A_1050 {strides = array<i32>} : memref<128x128xf32, #tpu.memory_space<vmem>>, vector<1x16xf32>,
        %get3A_1051 = arith.index_cast %add3A_1017 : i32 to index
        %get3A_1052 = arith.constant 48 : index
        %get3A_1053 = tpu.vector_load %arg11[%get3A_1051, %get3A_1052] {strides = array<i32>} : memref<128x128xf32, #tpu.memory_space<vmem>>, vector<1x16xf32>,
        %get3A_1054 = vector.shape_cast %get3A_1053 : vector<1x16xf32> to vector<16xf32>
        %mul3A_1055 = arith.mulf %get3A_1054, %broadcast_in_dim3A_1020 : vector<16xf32>
        %swap3A_1056 = arith.index_cast %add3A_1017 : i32 to index
        %swap3A_1057 = arith.constant 48 : index
        %swap3A_1058 = tpu.vector_load %arg11[%swap3A_1056, %swap3A_1057] {strides = array<i32>} : memref<128x128xf32, #tpu.memory_space<vmem>>, vector<1x16xf32>,
        %swap3A_1059 = vector.shape_cast %swap3A_1058 : vector<1x16xf32> to vector<16xf32>
        %swap3A_1060 = vector.shape_cast %mul3A_1055 : vector<16xf32> to vector<1x16xf32>
        tpu.vector_store %arg11[%swap3A_1056, %swap3A_1057], %swap3A_1060 {strides = array<i32>} : memref<128x128xf32, #tpu.memory_space<vmem>>, vector<1x16xf32>,
        %get3A_1061 = arith.index_cast %add3A_1017 : i32 to index
        %get3A_1062 = arith.constant 64 : index
        %get3A_1063 = tpu.vector_load %arg11[%get3A_1061, %get3A_1062] {strides = array<i32>} : memref<128x128xf32, #tpu.memory_space<vmem>>, vector<1x16xf32>,
        %get3A_1064 = vector.shape_cast %get3A_1063 : vector<1x16xf32> to vector<16xf32>
        %mul3A_1065 = arith.mulf %get3A_1064, %broadcast_in_dim3A_1020 : vector<16xf32>
        %swap3A_1066 = arith.index_cast %add3A_1017 : i32 to index
        %swap3A_1067 = arith.constant 64 : index
        %swap3A_1068 = tpu.vector_load %arg11[%swap3A_1066, %swap3A_1067] {strides = array<i32>} : memref<128x128xf32, #tpu.memory_space<vmem>>, vector<1x16xf32>,
        %swap3A_1069 = vector.shape_cast %swap3A_1068 : vector<1x16xf32> to vector<16xf32>
        %swap3A_1070 = vector.shape_cast %mul3A_1065 : vector<16xf32> to vector<1x16xf32>
        tpu.vector_store %arg11[%swap3A_1066, %swap3A_1067], %swap3A_1070 {strides = array<i32>} : memref<128x128xf32, #tpu.memory_space<vmem>>, vector<1x16xf32>,
        %get3A_1071 = arith.index_cast %add3A_1017 : i32 to index
        %get3A_1072 = arith.constant 80 : index
        %get3A_1073 = tpu.vector_load %arg11[%get3A_1071, %get3A_1072] {strides = array<i32>} : memref<128x128xf32, #tpu.memory_space<vmem>>, vector<1x16xf32>,
        %get3A_1074 = vector.shape_cast %get3A_1073 : vector<1x16xf32> to vector<16xf32>
        %mul3A_1075 = arith.mulf %get3A_1074, %broadcast_in_dim3A_1020 : vector<16xf32>
        %swap3A_1076 = arith.index_cast %add3A_1017 : i32 to index
        %swap3A_1077 = arith.constant 80 : index
        %swap3A_1078 = tpu.vector_load %arg11[%swap3A_1076, %swap3A_1077] {strides = array<i32>} : memref<128x128xf32, #tpu.memory_space<vmem>>, vector<1x16xf32>,
        %swap3A_1079 = vector.shape_cast %swap3A_1078 : vector<1x16xf32> to vector<16xf32>
        %swap3A_1080 = vector.shape_cast %mul3A_1075 : vector<16xf32> to vector<1x16xf32>
        tpu.vector_store %arg11[%swap3A_1076, %swap3A_1077], %swap3A_1080 {strides = array<i32>} : memref<128x128xf32, #tpu.memory_space<vmem>>, vector<1x16xf32>,
        %get3A_1081 = arith.index_cast %add3A_1017 : i32 to index
        %get3A_1082 = arith.constant 96 : index
        %get3A_1083 = tpu.vector_load %arg11[%get3A_1081, %get3A_1082] {strides = array<i32>} : memref<128x128xf32, #tpu.memory_space<vmem>>, vector<1x16xf32>,
        %get3A_1084 = vector.shape_cast %get3A_1083 : vector<1x16xf32> to vector<16xf32>
        %mul3A_1085 = arith.mulf %get3A_1084, %broadcast_in_dim3A_1020 : vector<16xf32>
        %swap3A_1086 = arith.index_cast %add3A_1017 : i32 to index
        %swap3A_1087 = arith.constant 96 : index
        %swap3A_1088 = tpu.vector_load %arg11[%swap3A_1086, %swap3A_1087] {strides = array<i32>} : memref<128x128xf32, #tpu.memory_space<vmem>>, vector<1x16xf32>,
        %swap3A_1089 = vector.shape_cast %swap3A_1088 : vector<1x16xf32> to vector<16xf32>
        %swap3A_1090 = vector.shape_cast %mul3A_1085 : vector<16xf32> to vector<1x16xf32>
        tpu.vector_store %arg11[%swap3A_1086, %swap3A_1087], %swap3A_1090 {strides = array<i32>} : memref<128x128xf32, #tpu.memory_space<vmem>>, vector<1x16xf32>,
        %get3A_1091 = arith.index_cast %add3A_1017 : i32 to index
        %get3A_1092 = arith.constant 112 : index
        %get3A_1093 = tpu.vector_load %arg11[%get3A_1091, %get3A_1092] {strides = array<i32>} : memref<128x128xf32, #tpu.memory_space<vmem>>, vector<1x16xf32>,
        %get3A_1094 = vector.shape_cast %get3A_1093 : vector<1x16xf32> to vector<16xf32>
        %mul3A_1095 = arith.mulf %get3A_1094, %broadcast_in_dim3A_1020 : vector<16xf32>
        %swap3A_1096 = arith.index_cast %add3A_1017 : i32 to index
        %swap3A_1097 = arith.constant 112 : index
        %swap3A_1098 = tpu.vector_load %arg11[%swap3A_1096, %swap3A_1097] {strides = array<i32>} : memref<128x128xf32, #tpu.memory_space<vmem>>, vector<1x16xf32>,
        %swap3A_1099 = vector.shape_cast %swap3A_1098 : vector<1x16xf32> to vector<16xf32>
        %swap3A_1100 = vector.shape_cast %mul3A_1095 : vector<16xf32> to vector<1x16xf32>
        tpu.vector_store %arg11[%swap3A_1096, %swap3A_1097], %swap3A_1100 {strides = array<i32>} : memref<128x128xf32, #tpu.memory_space<vmem>>, vector<1x16xf32>,
        %mul3A_1101 = arith.constant 16 : i32
        %mul3A_1102 = arith.muli %scan3A_54, %mul3A_1101 : i32
        %add3A_1103 = arith.constant 12 : i32
        %add3A_1104 = arith.addi %mul3A_1102, %add3A_1103 : i32
        %slice3A_1105 = vector.extract_strided_slice %get3A_60 {offsets = [12], sizes = [1], strides = [1]} : vector<16xf32> to vector<1xf32>
        %squeeze3A_1106 = vector.extract %slice3A_1105[0] : f32 from vector<1xf32>
        %broadcast_in_dim3A_1107 = vector.broadcast %squeeze3A_1106 : f32 to vector<16xf32>
        %get3A_1108 = arith.index_cast %add3A_1104 : i32 to index
        %get3A_1109 = arith.constant 0 : index
        %get3A_1110 = tpu.vector_load %arg11[%get3A_1108, %get3A_1109] {strides = array<i32>} : memref<128x128xf32, #tpu.memory_space<vmem>>, vector<1x16xf32>,
        %get3A_1111 = vector.shape_cast %get3A_1110 : vector<1x16xf32> to vector<16xf32>
        %mul3A_1112 = arith.mulf %get3A_1111, %broadcast_in_dim3A_1107 : vector<16xf32>
        %swap3A_1113 = arith.index_cast %add3A_1104 : i32 to index
        %swap3A_1114 = arith.constant 0 : index
        %swap3A_1115 = tpu.vector_load %arg11[%swap3A_1113, %swap3A_1114] {strides = array<i32>} : memref<128x128xf32, #tpu.memory_space<vmem>>, vector<1x16xf32>,
        %swap3A_1116 = vector.shape_cast %swap3A_1115 : vector<1x16xf32> to vector<16xf32>
        %swap3A_1117 = vector.shape_cast %mul3A_1112 : vector<16xf32> to vector<1x16xf32>
        tpu.vector_store %arg11[%swap3A_1113, %swap3A_1114], %swap3A_1117 {strides = array<i32>} : memref<128x128xf32, #tpu.memory_space<vmem>>, vector<1x16xf32>,
        %get3A_1118 = arith.index_cast %add3A_1104 : i32 to index
        %get3A_1119 = arith.constant 16 : index
        %get3A_1120 = tpu.vector_load %arg11[%get3A_1118, %get3A_1119] {strides = array<i32>} : memref<128x128xf32, #tpu.memory_space<vmem>>, vector<1x16xf32>,
        %get3A_1121 = vector.shape_cast %get3A_1120 : vector<1x16xf32> to vector<16xf32>
        %mul3A_1122 = arith.mulf %get3A_1121, %broadcast_in_dim3A_1107 : vector<16xf32>
        %swap3A_1123 = arith.index_cast %add3A_1104 : i32 to index
        %swap3A_1124 = arith.constant 16 : index
        %swap3A_1125 = tpu.vector_load %arg11[%swap3A_1123, %swap3A_1124] {strides = array<i32>} : memref<128x128xf32, #tpu.memory_space<vmem>>, vector<1x16xf32>,
        %swap3A_1126 = vector.shape_cast %swap3A_1125 : vector<1x16xf32> to vector<16xf32>
        %swap3A_1127 = vector.shape_cast %mul3A_1122 : vector<16xf32> to vector<1x16xf32>
        tpu.vector_store %arg11[%swap3A_1123, %swap3A_1124], %swap3A_1127 {strides = array<i32>} : memref<128x128xf32, #tpu.memory_space<vmem>>, vector<1x16xf32>,
        %get3A_1128 = arith.index_cast %add3A_1104 : i32 to index
        %get3A_1129 = arith.constant 32 : index
        %get3A_1130 = tpu.vector_load %arg11[%get3A_1128, %get3A_1129] {strides = array<i32>} : memref<128x128xf32, #tpu.memory_space<vmem>>, vector<1x16xf32>,
        %get3A_1131 = vector.shape_cast %get3A_1130 : vector<1x16xf32> to vector<16xf32>
        %mul3A_1132 = arith.mulf %get3A_1131, %broadcast_in_dim3A_1107 : vector<16xf32>
        %swap3A_1133 = arith.index_cast %add3A_1104 : i32 to index
        %swap3A_1134 = arith.constant 32 : index
        %swap3A_1135 = tpu.vector_load %arg11[%swap3A_1133, %swap3A_1134] {strides = array<i32>} : memref<128x128xf32, #tpu.memory_space<vmem>>, vector<1x16xf32>,
        %swap3A_1136 = vector.shape_cast %swap3A_1135 : vector<1x16xf32> to vector<16xf32>
        %swap3A_1137 = vector.shape_cast %mul3A_1132 : vector<16xf32> to vector<1x16xf32>
        tpu.vector_store %arg11[%swap3A_1133, %swap3A_1134], %swap3A_1137 {strides = array<i32>} : memref<128x128xf32, #tpu.memory_space<vmem>>, vector<1x16xf32>,
        %get3A_1138 = arith.index_cast %add3A_1104 : i32 to index
        %get3A_1139 = arith.constant 48 : index
        %get3A_1140 = tpu.vector_load %arg11[%get3A_1138, %get3A_1139] {strides = array<i32>} : memref<128x128xf32, #tpu.memory_space<vmem>>, vector<1x16xf32>,
        %get3A_1141 = vector.shape_cast %get3A_1140 : vector<1x16xf32> to vector<16xf32>
        %mul3A_1142 = arith.mulf %get3A_1141, %broadcast_in_dim3A_1107 : vector<16xf32>
        %swap3A_1143 = arith.index_cast %add3A_1104 : i32 to index
        %swap3A_1144 = arith.constant 48 : index
        %swap3A_1145 = tpu.vector_load %arg11[%swap3A_1143, %swap3A_1144] {strides = array<i32>} : memref<128x128xf32, #tpu.memory_space<vmem>>, vector<1x16xf32>,
        %swap3A_1146 = vector.shape_cast %swap3A_1145 : vector<1x16xf32> to vector<16xf32>
        %swap3A_1147 = vector.shape_cast %mul3A_1142 : vector<16xf32> to vector<1x16xf32>
        tpu.vector_store %arg11[%swap3A_1143, %swap3A_1144], %swap3A_1147 {strides = array<i32>} : memref<128x128xf32, #tpu.memory_space<vmem>>, vector<1x16xf32>,
        %get3A_1148 = arith.index_cast %add3A_1104 : i32 to index
        %get3A_1149 = arith.constant 64 : index
        %get3A_1150 = tpu.vector_load %arg11[%get3A_1148, %get3A_1149] {strides = array<i32>} : memref<128x128xf32, #tpu.memory_space<vmem>>, vector<1x16xf32>,
        %get3A_1151 = vector.shape_cast %get3A_1150 : vector<1x16xf32> to vector<16xf32>
        %mul3A_1152 = arith.mulf %get3A_1151, %broadcast_in_dim3A_1107 : vector<16xf32>
        %swap3A_1153 = arith.index_cast %add3A_1104 : i32 to index
        %swap3A_1154 = arith.constant 64 : index
        %swap3A_1155 = tpu.vector_load %arg11[%swap3A_1153, %swap3A_1154] {strides = array<i32>} : memref<128x128xf32, #tpu.memory_space<vmem>>, vector<1x16xf32>,
        %swap3A_1156 = vector.shape_cast %swap3A_1155 : vector<1x16xf32> to vector<16xf32>
        %swap3A_1157 = vector.shape_cast %mul3A_1152 : vector<16xf32> to vector<1x16xf32>
        tpu.vector_store %arg11[%swap3A_1153, %swap3A_1154], %swap3A_1157 {strides = array<i32>} : memref<128x128xf32, #tpu.memory_space<vmem>>, vector<1x16xf32>,
        %get3A_1158 = arith.index_cast %add3A_1104 : i32 to index
        %get3A_1159 = arith.constant 80 : index
        %get3A_1160 = tpu.vector_load %arg11[%get3A_1158, %get3A_1159] {strides = array<i32>} : memref<128x128xf32, #tpu.memory_space<vmem>>, vector<1x16xf32>,
        %get3A_1161 = vector.shape_cast %get3A_1160 : vector<1x16xf32> to vector<16xf32>
        %mul3A_1162 = arith.mulf %get3A_1161, %broadcast_in_dim3A_1107 : vector<16xf32>
        %swap3A_1163 = arith.index_cast %add3A_1104 : i32 to index
        %swap3A_1164 = arith.constant 80 : index
        %swap3A_1165 = tpu.vector_load %arg11[%swap3A_1163, %swap3A_1164] {strides = array<i32>} : memref<128x128xf32, #tpu.memory_space<vmem>>, vector<1x16xf32>,
        %swap3A_1166 = vector.shape_cast %swap3A_1165 : vector<1x16xf32> to vector<16xf32>
        %swap3A_1167 = vector.shape_cast %mul3A_1162 : vector<16xf32> to vector<1x16xf32>
        tpu.vector_store %arg11[%swap3A_1163, %swap3A_1164], %swap3A_1167 {strides = array<i32>} : memref<128x128xf32, #tpu.memory_space<vmem>>, vector<1x16xf32>,
        %get3A_1168 = arith.index_cast %add3A_1104 : i32 to index
        %get3A_1169 = arith.constant 96 : index
        %get3A_1170 = tpu.vector_load %arg11[%get3A_1168, %get3A_1169] {strides = array<i32>} : memref<128x128xf32, #tpu.memory_space<vmem>>, vector<1x16xf32>,
        %get3A_1171 = vector.shape_cast %get3A_1170 : vector<1x16xf32> to vector<16xf32>
        %mul3A_1172 = arith.mulf %get3A_1171, %broadcast_in_dim3A_1107 : vector<16xf32>
        %swap3A_1173 = arith.index_cast %add3A_1104 : i32 to index
        %swap3A_1174 = arith.constant 96 : index
        %swap3A_1175 = tpu.vector_load %arg11[%swap3A_1173, %swap3A_1174] {strides = array<i32>} : memref<128x128xf32, #tpu.memory_space<vmem>>, vector<1x16xf32>,
        %swap3A_1176 = vector.shape_cast %swap3A_1175 : vector<1x16xf32> to vector<16xf32>
        %swap3A_1177 = vector.shape_cast %mul3A_1172 : vector<16xf32> to vector<1x16xf32>
        tpu.vector_store %arg11[%swap3A_1173, %swap3A_1174], %swap3A_1177 {strides = array<i32>} : memref<128x128xf32, #tpu.memory_space<vmem>>, vector<1x16xf32>,
        %get3A_1178 = arith.index_cast %add3A_1104 : i32 to index
        %get3A_1179 = arith.constant 112 : index
        %get3A_1180 = tpu.vector_load %arg11[%get3A_1178, %get3A_1179] {strides = array<i32>} : memref<128x128xf32, #tpu.memory_space<vmem>>, vector<1x16xf32>,
        %get3A_1181 = vector.shape_cast %get3A_1180 : vector<1x16xf32> to vector<16xf32>
        %mul3A_1182 = arith.mulf %get3A_1181, %broadcast_in_dim3A_1107 : vector<16xf32>
        %swap3A_1183 = arith.index_cast %add3A_1104 : i32 to index
        %swap3A_1184 = arith.constant 112 : index
        %swap3A_1185 = tpu.vector_load %arg11[%swap3A_1183, %swap3A_1184] {strides = array<i32>} : memref<128x128xf32, #tpu.memory_space<vmem>>, vector<1x16xf32>,
        %swap3A_1186 = vector.shape_cast %swap3A_1185 : vector<1x16xf32> to vector<16xf32>
        %swap3A_1187 = vector.shape_cast %mul3A_1182 : vector<16xf32> to vector<1x16xf32>
        tpu.vector_store %arg11[%swap3A_1183, %swap3A_1184], %swap3A_1187 {strides = array<i32>} : memref<128x128xf32, #tpu.memory_space<vmem>>, vector<1x16xf32>,
        %mul3A_1188 = arith.constant 16 : i32
        %mul3A_1189 = arith.muli %scan3A_54, %mul3A_1188 : i32
        %add3A_1190 = arith.constant 13 : i32
        %add3A_1191 = arith.addi %mul3A_1189, %add3A_1190 : i32
        %slice3A_1192 = vector.extract_strided_slice %get3A_60 {offsets = [13], sizes = [1], strides = [1]} : vector<16xf32> to vector<1xf32>
        %squeeze3A_1193 = vector.extract %slice3A_1192[0] : f32 from vector<1xf32>
        %broadcast_in_dim3A_1194 = vector.broadcast %squeeze3A_1193 : f32 to vector<16xf32>
        %get3A_1195 = arith.index_cast %add3A_1191 : i32 to index
        %get3A_1196 = arith.constant 0 : index
        %get3A_1197 = tpu.vector_load %arg11[%get3A_1195, %get3A_1196] {strides = array<i32>} : memref<128x128xf32, #tpu.memory_space<vmem>>, vector<1x16xf32>,
        %get3A_1198 = vector.shape_cast %get3A_1197 : vector<1x16xf32> to vector<16xf32>
        %mul3A_1199 = arith.mulf %get3A_1198, %broadcast_in_dim3A_1194 : vector<16xf32>
        %swap3A_1200 = arith.index_cast %add3A_1191 : i32 to index
        %swap3A_1201 = arith.constant 0 : index
        %swap3A_1202 = tpu.vector_load %arg11[%swap3A_1200, %swap3A_1201] {strides = array<i32>} : memref<128x128xf32, #tpu.memory_space<vmem>>, vector<1x16xf32>,
        %swap3A_1203 = vector.shape_cast %swap3A_1202 : vector<1x16xf32> to vector<16xf32>
        %swap3A_1204 = vector.shape_cast %mul3A_1199 : vector<16xf32> to vector<1x16xf32>
        tpu.vector_store %arg11[%swap3A_1200, %swap3A_1201], %swap3A_1204 {strides = array<i32>} : memref<128x128xf32, #tpu.memory_space<vmem>>, vector<1x16xf32>,
        %get3A_1205 = arith.index_cast %add3A_1191 : i32 to index
        %get3A_1206 = arith.constant 16 : index
        %get3A_1207 = tpu.vector_load %arg11[%get3A_1205, %get3A_1206] {strides = array<i32>} : memref<128x128xf32, #tpu.memory_space<vmem>>, vector<1x16xf32>,
        %get3A_1208 = vector.shape_cast %get3A_1207 : vector<1x16xf32> to vector<16xf32>
        %mul3A_1209 = arith.mulf %get3A_1208, %broadcast_in_dim3A_1194 : vector<16xf32>
        %swap3A_1210 = arith.index_cast %add3A_1191 : i32 to index
        %swap3A_1211 = arith.constant 16 : index
        %swap3A_1212 = tpu.vector_load %arg11[%swap3A_1210, %swap3A_1211] {strides = array<i32>} : memref<128x128xf32, #tpu.memory_space<vmem>>, vector<1x16xf32>,
        %swap3A_1213 = vector.shape_cast %swap3A_1212 : vector<1x16xf32> to vector<16xf32>
        %swap3A_1214 = vector.shape_cast %mul3A_1209 : vector<16xf32> to vector<1x16xf32>
        tpu.vector_store %arg11[%swap3A_1210, %swap3A_1211], %swap3A_1214 {strides = array<i32>} : memref<128x128xf32, #tpu.memory_space<vmem>>, vector<1x16xf32>,
        %get3A_1215 = arith.index_cast %add3A_1191 : i32 to index
        %get3A_1216 = arith.constant 32 : index
        %get3A_1217 = tpu.vector_load %arg11[%get3A_1215, %get3A_1216] {strides = array<i32>} : memref<128x128xf32, #tpu.memory_space<vmem>>, vector<1x16xf32>,
        %get3A_1218 = vector.shape_cast %get3A_1217 : vector<1x16xf32> to vector<16xf32>
        %mul3A_1219 = arith.mulf %get3A_1218, %broadcast_in_dim3A_1194 : vector<16xf32>
        %swap3A_1220 = arith.index_cast %add3A_1191 : i32 to index
        %swap3A_1221 = arith.constant 32 : index
        %swap3A_1222 = tpu.vector_load %arg11[%swap3A_1220, %swap3A_1221] {strides = array<i32>} : memref<128x128xf32, #tpu.memory_space<vmem>>, vector<1x16xf32>,
        %swap3A_1223 = vector.shape_cast %swap3A_1222 : vector<1x16xf32> to vector<16xf32>
        %swap3A_1224 = vector.shape_cast %mul3A_1219 : vector<16xf32> to vector<1x16xf32>
        tpu.vector_store %arg11[%swap3A_1220, %swap3A_1221], %swap3A_1224 {strides = array<i32>} : memref<128x128xf32, #tpu.memory_space<vmem>>, vector<1x16xf32>,
        %get3A_1225 = arith.index_cast %add3A_1191 : i32 to index
        %get3A_1226 = arith.constant 48 : index
        %get3A_1227 = tpu.vector_load %arg11[%get3A_1225, %get3A_1226] {strides = array<i32>} : memref<128x128xf32, #tpu.memory_space<vmem>>, vector<1x16xf32>,
        %get3A_1228 = vector.shape_cast %get3A_1227 : vector<1x16xf32> to vector<16xf32>
        %mul3A_1229 = arith.mulf %get3A_1228, %broadcast_in_dim3A_1194 : vector<16xf32>
        %swap3A_1230 = arith.index_cast %add3A_1191 : i32 to index
        %swap3A_1231 = arith.constant 48 : index
        %swap3A_1232 = tpu.vector_load %arg11[%swap3A_1230, %swap3A_1231] {strides = array<i32>} : memref<128x128xf32, #tpu.memory_space<vmem>>, vector<1x16xf32>,
        %swap3A_1233 = vector.shape_cast %swap3A_1232 : vector<1x16xf32> to vector<16xf32>
        %swap3A_1234 = vector.shape_cast %mul3A_1229 : vector<16xf32> to vector<1x16xf32>
        tpu.vector_store %arg11[%swap3A_1230, %swap3A_1231], %swap3A_1234 {strides = array<i32>} : memref<128x128xf32, #tpu.memory_space<vmem>>, vector<1x16xf32>,
        %get3A_1235 = arith.index_cast %add3A_1191 : i32 to index
        %get3A_1236 = arith.constant 64 : index
        %get3A_1237 = tpu.vector_load %arg11[%get3A_1235, %get3A_1236] {strides = array<i32>} : memref<128x128xf32, #tpu.memory_space<vmem>>, vector<1x16xf32>,
        %get3A_1238 = vector.shape_cast %get3A_1237 : vector<1x16xf32> to vector<16xf32>
        %mul3A_1239 = arith.mulf %get3A_1238, %broadcast_in_dim3A_1194 : vector<16xf32>
        %swap3A_1240 = arith.index_cast %add3A_1191 : i32 to index
        %swap3A_1241 = arith.constant 64 : index
        %swap3A_1242 = tpu.vector_load %arg11[%swap3A_1240, %swap3A_1241] {strides = array<i32>} : memref<128x128xf32, #tpu.memory_space<vmem>>, vector<1x16xf32>,
        %swap3A_1243 = vector.shape_cast %swap3A_1242 : vector<1x16xf32> to vector<16xf32>
        %swap3A_1244 = vector.shape_cast %mul3A_1239 : vector<16xf32> to vector<1x16xf32>
        tpu.vector_store %arg11[%swap3A_1240, %swap3A_1241], %swap3A_1244 {strides = array<i32>} : memref<128x128xf32, #tpu.memory_space<vmem>>, vector<1x16xf32>,
        %get3A_1245 = arith.index_cast %add3A_1191 : i32 to index
        %get3A_1246 = arith.constant 80 : index
        %get3A_1247 = tpu.vector_load %arg11[%get3A_1245, %get3A_1246] {strides = array<i32>} : memref<128x128xf32, #tpu.memory_space<vmem>>, vector<1x16xf32>,
        %get3A_1248 = vector.shape_cast %get3A_1247 : vector<1x16xf32> to vector<16xf32>
        %mul3A_1249 = arith.mulf %get3A_1248, %broadcast_in_dim3A_1194 : vector<16xf32>
        %swap3A_1250 = arith.index_cast %add3A_1191 : i32 to index
        %swap3A_1251 = arith.constant 80 : index
        %swap3A_1252 = tpu.vector_load %arg11[%swap3A_1250, %swap3A_1251] {strides = array<i32>} : memref<128x128xf32, #tpu.memory_space<vmem>>, vector<1x16xf32>,
        %swap3A_1253 = vector.shape_cast %swap3A_1252 : vector<1x16xf32> to vector<16xf32>
        %swap3A_1254 = vector.shape_cast %mul3A_1249 : vector<16xf32> to vector<1x16xf32>
        tpu.vector_store %arg11[%swap3A_1250, %swap3A_1251], %swap3A_1254 {strides = array<i32>} : memref<128x128xf32, #tpu.memory_space<vmem>>, vector<1x16xf32>,
        %get3A_1255 = arith.index_cast %add3A_1191 : i32 to index
        %get3A_1256 = arith.constant 96 : index
        %get3A_1257 = tpu.vector_load %arg11[%get3A_1255, %get3A_1256] {strides = array<i32>} : memref<128x128xf32, #tpu.memory_space<vmem>>, vector<1x16xf32>,
        %get3A_1258 = vector.shape_cast %get3A_1257 : vector<1x16xf32> to vector<16xf32>
        %mul3A_1259 = arith.mulf %get3A_1258, %broadcast_in_dim3A_1194 : vector<16xf32>
        %swap3A_1260 = arith.index_cast %add3A_1191 : i32 to index
        %swap3A_1261 = arith.constant 96 : index
        %swap3A_1262 = tpu.vector_load %arg11[%swap3A_1260, %swap3A_1261] {strides = array<i32>} : memref<128x128xf32, #tpu.memory_space<vmem>>, vector<1x16xf32>,
        %swap3A_1263 = vector.shape_cast %swap3A_1262 : vector<1x16xf32> to vector<16xf32>
        %swap3A_1264 = vector.shape_cast %mul3A_1259 : vector<16xf32> to vector<1x16xf32>
        tpu.vector_store %arg11[%swap3A_1260, %swap3A_1261], %swap3A_1264 {strides = array<i32>} : memref<128x128xf32, #tpu.memory_space<vmem>>, vector<1x16xf32>,
        %get3A_1265 = arith.index_cast %add3A_1191 : i32 to index
        %get3A_1266 = arith.constant 112 : index
        %get3A_1267 = tpu.vector_load %arg11[%get3A_1265, %get3A_1266] {strides = array<i32>} : memref<128x128xf32, #tpu.memory_space<vmem>>, vector<1x16xf32>,
        %get3A_1268 = vector.shape_cast %get3A_1267 : vector<1x16xf32> to vector<16xf32>
        %mul3A_1269 = arith.mulf %get3A_1268, %broadcast_in_dim3A_1194 : vector<16xf32>
        %swap3A_1270 = arith.index_cast %add3A_1191 : i32 to index
        %swap3A_1271 = arith.constant 112 : index
        %swap3A_1272 = tpu.vector_load %arg11[%swap3A_1270, %swap3A_1271] {strides = array<i32>} : memref<128x128xf32, #tpu.memory_space<vmem>>, vector<1x16xf32>,
        %swap3A_1273 = vector.shape_cast %swap3A_1272 : vector<1x16xf32> to vector<16xf32>
        %swap3A_1274 = vector.shape_cast %mul3A_1269 : vector<16xf32> to vector<1x16xf32>
        tpu.vector_store %arg11[%swap3A_1270, %swap3A_1271], %swap3A_1274 {strides = array<i32>} : memref<128x128xf32, #tpu.memory_space<vmem>>, vector<1x16xf32>,
        %mul3A_1275 = arith.constant 16 : i32
        %mul3A_1276 = arith.muli %scan3A_54, %mul3A_1275 : i32
        %add3A_1277 = arith.constant 14 : i32
        %add3A_1278 = arith.addi %mul3A_1276, %add3A_1277 : i32
        %slice3A_1279 = vector.extract_strided_slice %get3A_60 {offsets = [14], sizes = [1], strides = [1]} : vector<16xf32> to vector<1xf32>
        %squeeze3A_1280 = vector.extract %slice3A_1279[0] : f32 from vector<1xf32>
        %broadcast_in_dim3A_1281 = vector.broadcast %squeeze3A_1280 : f32 to vector<16xf32>
        %get3A_1282 = arith.index_cast %add3A_1278 : i32 to index
        %get3A_1283 = arith.constant 0 : index
        %get3A_1284 = tpu.vector_load %arg11[%get3A_1282, %get3A_1283] {strides = array<i32>} : memref<128x128xf32, #tpu.memory_space<vmem>>, vector<1x16xf32>,
        %get3A_1285 = vector.shape_cast %get3A_1284 : vector<1x16xf32> to vector<16xf32>
        %mul3A_1286 = arith.mulf %get3A_1285, %broadcast_in_dim3A_1281 : vector<16xf32>
        %swap3A_1287 = arith.index_cast %add3A_1278 : i32 to index
        %swap3A_1288 = arith.constant 0 : index
        %swap3A_1289 = tpu.vector_load %arg11[%swap3A_1287, %swap3A_1288] {strides = array<i32>} : memref<128x128xf32, #tpu.memory_space<vmem>>, vector<1x16xf32>,
        %swap3A_1290 = vector.shape_cast %swap3A_1289 : vector<1x16xf32> to vector<16xf32>
        %swap3A_1291 = vector.shape_cast %mul3A_1286 : vector<16xf32> to vector<1x16xf32>
        tpu.vector_store %arg11[%swap3A_1287, %swap3A_1288], %swap3A_1291 {strides = array<i32>} : memref<128x128xf32, #tpu.memory_space<vmem>>, vector<1x16xf32>,
        %get3A_1292 = arith.index_cast %add3A_1278 : i32 to index
        %get3A_1293 = arith.constant 16 : index
        %get3A_1294 = tpu.vector_load %arg11[%get3A_1292, %get3A_1293] {strides = array<i32>} : memref<128x128xf32, #tpu.memory_space<vmem>>, vector<1x16xf32>,
        %get3A_1295 = vector.shape_cast %get3A_1294 : vector<1x16xf32> to vector<16xf32>
        %mul3A_1296 = arith.mulf %get3A_1295, %broadcast_in_dim3A_1281 : vector<16xf32>
        %swap3A_1297 = arith.index_cast %add3A_1278 : i32 to index
        %swap3A_1298 = arith.constant 16 : index
        %swap3A_1299 = tpu.vector_load %arg11[%swap3A_1297, %swap3A_1298] {strides = array<i32>} : memref<128x128xf32, #tpu.memory_space<vmem>>, vector<1x16xf32>,
        %swap3A_1300 = vector.shape_cast %swap3A_1299 : vector<1x16xf32> to vector<16xf32>
        %swap3A_1301 = vector.shape_cast %mul3A_1296 : vector<16xf32> to vector<1x16xf32>
        tpu.vector_store %arg11[%swap3A_1297, %swap3A_1298], %swap3A_1301 {strides = array<i32>} : memref<128x128xf32, #tpu.memory_space<vmem>>, vector<1x16xf32>,
        %get3A_1302 = arith.index_cast %add3A_1278 : i32 to index
        %get3A_1303 = arith.constant 32 : index
        %get3A_1304 = tpu.vector_load %arg11[%get3A_1302, %get3A_1303] {strides = array<i32>} : memref<128x128xf32, #tpu.memory_space<vmem>>, vector<1x16xf32>,
        %get3A_1305 = vector.shape_cast %get3A_1304 : vector<1x16xf32> to vector<16xf32>
        %mul3A_1306 = arith.mulf %get3A_1305, %broadcast_in_dim3A_1281 : vector<16xf32>
        %swap3A_1307 = arith.index_cast %add3A_1278 : i32 to index
        %swap3A_1308 = arith.constant 32 : index
        %swap3A_1309 = tpu.vector_load %arg11[%swap3A_1307, %swap3A_1308] {strides = array<i32>} : memref<128x128xf32, #tpu.memory_space<vmem>>, vector<1x16xf32>,
        %swap3A_1310 = vector.shape_cast %swap3A_1309 : vector<1x16xf32> to vector<16xf32>
        %swap3A_1311 = vector.shape_cast %mul3A_1306 : vector<16xf32> to vector<1x16xf32>
        tpu.vector_store %arg11[%swap3A_1307, %swap3A_1308], %swap3A_1311 {strides = array<i32>} : memref<128x128xf32, #tpu.memory_space<vmem>>, vector<1x16xf32>,
        %get3A_1312 = arith.index_cast %add3A_1278 : i32 to index
        %get3A_1313 = arith.constant 48 : index
        %get3A_1314 = tpu.vector_load %arg11[%get3A_1312, %get3A_1313] {strides = array<i32>} : memref<128x128xf32, #tpu.memory_space<vmem>>, vector<1x16xf32>,
        %get3A_1315 = vector.shape_cast %get3A_1314 : vector<1x16xf32> to vector<16xf32>
        %mul3A_1316 = arith.mulf %get3A_1315, %broadcast_in_dim3A_1281 : vector<16xf32>
        %swap3A_1317 = arith.index_cast %add3A_1278 : i32 to index
        %swap3A_1318 = arith.constant 48 : index
        %swap3A_1319 = tpu.vector_load %arg11[%swap3A_1317, %swap3A_1318] {strides = array<i32>} : memref<128x128xf32, #tpu.memory_space<vmem>>, vector<1x16xf32>,
        %swap3A_1320 = vector.shape_cast %swap3A_1319 : vector<1x16xf32> to vector<16xf32>
        %swap3A_1321 = vector.shape_cast %mul3A_1316 : vector<16xf32> to vector<1x16xf32>
        tpu.vector_store %arg11[%swap3A_1317, %swap3A_1318], %swap3A_1321 {strides = array<i32>} : memref<128x128xf32, #tpu.memory_space<vmem>>, vector<1x16xf32>,
        %get3A_1322 = arith.index_cast %add3A_1278 : i32 to index
        %get3A_1323 = arith.constant 64 : index
        %get3A_1324 = tpu.vector_load %arg11[%get3A_1322, %get3A_1323] {strides = array<i32>} : memref<128x128xf32, #tpu.memory_space<vmem>>, vector<1x16xf32>,
        %get3A_1325 = vector.shape_cast %get3A_1324 : vector<1x16xf32> to vector<16xf32>
        %mul3A_1326 = arith.mulf %get3A_1325, %broadcast_in_dim3A_1281 : vector<16xf32>
        %swap3A_1327 = arith.index_cast %add3A_1278 : i32 to index
        %swap3A_1328 = arith.constant 64 : index
        %swap3A_1329 = tpu.vector_load %arg11[%swap3A_1327, %swap3A_1328] {strides = array<i32>} : memref<128x128xf32, #tpu.memory_space<vmem>>, vector<1x16xf32>,
        %swap3A_1330 = vector.shape_cast %swap3A_1329 : vector<1x16xf32> to vector<16xf32>
        %swap3A_1331 = vector.shape_cast %mul3A_1326 : vector<16xf32> to vector<1x16xf32>
        tpu.vector_store %arg11[%swap3A_1327, %swap3A_1328], %swap3A_1331 {strides = array<i32>} : memref<128x128xf32, #tpu.memory_space<vmem>>, vector<1x16xf32>,
        %get3A_1332 = arith.index_cast %add3A_1278 : i32 to index
        %get3A_1333 = arith.constant 80 : index
        %get3A_1334 = tpu.vector_load %arg11[%get3A_1332, %get3A_1333] {strides = array<i32>} : memref<128x128xf32, #tpu.memory_space<vmem>>, vector<1x16xf32>,
        %get3A_1335 = vector.shape_cast %get3A_1334 : vector<1x16xf32> to vector<16xf32>
        %mul3A_1336 = arith.mulf %get3A_1335, %broadcast_in_dim3A_1281 : vector<16xf32>
        %swap3A_1337 = arith.index_cast %add3A_1278 : i32 to index
        %swap3A_1338 = arith.constant 80 : index
        %swap3A_1339 = tpu.vector_load %arg11[%swap3A_1337, %swap3A_1338] {strides = array<i32>} : memref<128x128xf32, #tpu.memory_space<vmem>>, vector<1x16xf32>,
        %swap3A_1340 = vector.shape_cast %swap3A_1339 : vector<1x16xf32> to vector<16xf32>
        %swap3A_1341 = vector.shape_cast %mul3A_1336 : vector<16xf32> to vector<1x16xf32>
        tpu.vector_store %arg11[%swap3A_1337, %swap3A_1338], %swap3A_1341 {strides = array<i32>} : memref<128x128xf32, #tpu.memory_space<vmem>>, vector<1x16xf32>,
        %get3A_1342 = arith.index_cast %add3A_1278 : i32 to index
        %get3A_1343 = arith.constant 96 : index
        %get3A_1344 = tpu.vector_load %arg11[%get3A_1342, %get3A_1343] {strides = array<i32>} : memref<128x128xf32, #tpu.memory_space<vmem>>, vector<1x16xf32>,
        %get3A_1345 = vector.shape_cast %get3A_1344 : vector<1x16xf32> to vector<16xf32>
        %mul3A_1346 = arith.mulf %get3A_1345, %broadcast_in_dim3A_1281 : vector<16xf32>
        %swap3A_1347 = arith.index_cast %add3A_1278 : i32 to index
        %swap3A_1348 = arith.constant 96 : index
        %swap3A_1349 = tpu.vector_load %arg11[%swap3A_1347, %swap3A_1348] {strides = array<i32>} : memref<128x128xf32, #tpu.memory_space<vmem>>, vector<1x16xf32>,
        %swap3A_1350 = vector.shape_cast %swap3A_1349 : vector<1x16xf32> to vector<16xf32>
        %swap3A_1351 = vector.shape_cast %mul3A_1346 : vector<16xf32> to vector<1x16xf32>
        tpu.vector_store %arg11[%swap3A_1347, %swap3A_1348], %swap3A_1351 {strides = array<i32>} : memref<128x128xf32, #tpu.memory_space<vmem>>, vector<1x16xf32>,
        %get3A_1352 = arith.index_cast %add3A_1278 : i32 to index
        %get3A_1353 = arith.constant 112 : index
        %get3A_1354 = tpu.vector_load %arg11[%get3A_1352, %get3A_1353] {strides = array<i32>} : memref<128x128xf32, #tpu.memory_space<vmem>>, vector<1x16xf32>,
        %get3A_1355 = vector.shape_cast %get3A_1354 : vector<1x16xf32> to vector<16xf32>
        %mul3A_1356 = arith.mulf %get3A_1355, %broadcast_in_dim3A_1281 : vector<16xf32>
        %swap3A_1357 = arith.index_cast %add3A_1278 : i32 to index
        %swap3A_1358 = arith.constant 112 : index
        %swap3A_1359 = tpu.vector_load %arg11[%swap3A_1357, %swap3A_1358] {strides = array<i32>} : memref<128x128xf32, #tpu.memory_space<vmem>>, vector<1x16xf32>,
        %swap3A_1360 = vector.shape_cast %swap3A_1359 : vector<1x16xf32> to vector<16xf32>
        %swap3A_1361 = vector.shape_cast %mul3A_1356 : vector<16xf32> to vector<1x16xf32>
        tpu.vector_store %arg11[%swap3A_1357, %swap3A_1358], %swap3A_1361 {strides = array<i32>} : memref<128x128xf32, #tpu.memory_space<vmem>>, vector<1x16xf32>,
        %mul3A_1362 = arith.constant 16 : i32
        %mul3A_1363 = arith.muli %scan3A_54, %mul3A_1362 : i32
        %add3A_1364 = arith.constant 15 : i32
        %add3A_1365 = arith.addi %mul3A_1363, %add3A_1364 : i32
        %slice3A_1366 = vector.extract_strided_slice %get3A_60 {offsets = [15], sizes = [1], strides = [1]} : vector<16xf32> to vector<1xf32>
        %squeeze3A_1367 = vector.extract %slice3A_1366[0] : f32 from vector<1xf32>
        %broadcast_in_dim3A_1368 = vector.broadcast %squeeze3A_1367 : f32 to vector<16xf32>
        %get3A_1369 = arith.index_cast %add3A_1365 : i32 to index
        %get3A_1370 = arith.constant 0 : index
        %get3A_1371 = tpu.vector_load %arg11[%get3A_1369, %get3A_1370] {strides = array<i32>} : memref<128x128xf32, #tpu.memory_space<vmem>>, vector<1x16xf32>,
        %get3A_1372 = vector.shape_cast %get3A_1371 : vector<1x16xf32> to vector<16xf32>
        %mul3A_1373 = arith.mulf %get3A_1372, %broadcast_in_dim3A_1368 : vector<16xf32>
        %swap3A_1374 = arith.index_cast %add3A_1365 : i32 to index
        %swap3A_1375 = arith.constant 0 : index
        %swap3A_1376 = tpu.vector_load %arg11[%swap3A_1374, %swap3A_1375] {strides = array<i32>} : memref<128x128xf32, #tpu.memory_space<vmem>>, vector<1x16xf32>,
        %swap3A_1377 = vector.shape_cast %swap3A_1376 : vector<1x16xf32> to vector<16xf32>
        %swap3A_1378 = vector.shape_cast %mul3A_1373 : vector<16xf32> to vector<1x16xf32>
        tpu.vector_store %arg11[%swap3A_1374, %swap3A_1375], %swap3A_1378 {strides = array<i32>} : memref<128x128xf32, #tpu.memory_space<vmem>>, vector<1x16xf32>,
        %get3A_1379 = arith.index_cast %add3A_1365 : i32 to index
        %get3A_1380 = arith.constant 16 : index
        %get3A_1381 = tpu.vector_load %arg11[%get3A_1379, %get3A_1380] {strides = array<i32>} : memref<128x128xf32, #tpu.memory_space<vmem>>, vector<1x16xf32>,
        %get3A_1382 = vector.shape_cast %get3A_1381 : vector<1x16xf32> to vector<16xf32>
        %mul3A_1383 = arith.mulf %get3A_1382, %broadcast_in_dim3A_1368 : vector<16xf32>
        %swap3A_1384 = arith.index_cast %add3A_1365 : i32 to index
        %swap3A_1385 = arith.constant 16 : index
        %swap3A_1386 = tpu.vector_load %arg11[%swap3A_1384, %swap3A_1385] {strides = array<i32>} : memref<128x128xf32, #tpu.memory_space<vmem>>, vector<1x16xf32>,
        %swap3A_1387 = vector.shape_cast %swap3A_1386 : vector<1x16xf32> to vector<16xf32>
        %swap3A_1388 = vector.shape_cast %mul3A_1383 : vector<16xf32> to vector<1x16xf32>
        tpu.vector_store %arg11[%swap3A_1384, %swap3A_1385], %swap3A_1388 {strides = array<i32>} : memref<128x128xf32, #tpu.memory_space<vmem>>, vector<1x16xf32>,
        %get3A_1389 = arith.index_cast %add3A_1365 : i32 to index
        %get3A_1390 = arith.constant 32 : index
        %get3A_1391 = tpu.vector_load %arg11[%get3A_1389, %get3A_1390] {strides = array<i32>} : memref<128x128xf32, #tpu.memory_space<vmem>>, vector<1x16xf32>,
        %get3A_1392 = vector.shape_cast %get3A_1391 : vector<1x16xf32> to vector<16xf32>
        %mul3A_1393 = arith.mulf %get3A_1392, %broadcast_in_dim3A_1368 : vector<16xf32>
        %swap3A_1394 = arith.index_cast %add3A_1365 : i32 to index
        %swap3A_1395 = arith.constant 32 : index
        %swap3A_1396 = tpu.vector_load %arg11[%swap3A_1394, %swap3A_1395] {strides = array<i32>} : memref<128x128xf32, #tpu.memory_space<vmem>>, vector<1x16xf32>,
        %swap3A_1397 = vector.shape_cast %swap3A_1396 : vector<1x16xf32> to vector<16xf32>
        %swap3A_1398 = vector.shape_cast %mul3A_1393 : vector<16xf32> to vector<1x16xf32>
        tpu.vector_store %arg11[%swap3A_1394, %swap3A_1395], %swap3A_1398 {strides = array<i32>} : memref<128x128xf32, #tpu.memory_space<vmem>>, vector<1x16xf32>,
        %get3A_1399 = arith.index_cast %add3A_1365 : i32 to index
        %get3A_1400 = arith.constant 48 : index
        %get3A_1401 = tpu.vector_load %arg11[%get3A_1399, %get3A_1400] {strides = array<i32>} : memref<128x128xf32, #tpu.memory_space<vmem>>, vector<1x16xf32>,
        %get3A_1402 = vector.shape_cast %get3A_1401 : vector<1x16xf32> to vector<16xf32>
        %mul3A_1403 = arith.mulf %get3A_1402, %broadcast_in_dim3A_1368 : vector<16xf32>
        %swap3A_1404 = arith.index_cast %add3A_1365 : i32 to index
        %swap3A_1405 = arith.constant 48 : index
        %swap3A_1406 = tpu.vector_load %arg11[%swap3A_1404, %swap3A_1405] {strides = array<i32>} : memref<128x128xf32, #tpu.memory_space<vmem>>, vector<1x16xf32>,
        %swap3A_1407 = vector.shape_cast %swap3A_1406 : vector<1x16xf32> to vector<16xf32>
        %swap3A_1408 = vector.shape_cast %mul3A_1403 : vector<16xf32> to vector<1x16xf32>
        tpu.vector_store %arg11[%swap3A_1404, %swap3A_1405], %swap3A_1408 {strides = array<i32>} : memref<128x128xf32, #tpu.memory_space<vmem>>, vector<1x16xf32>,
        %get3A_1409 = arith.index_cast %add3A_1365 : i32 to index
        %get3A_1410 = arith.constant 64 : index
        %get3A_1411 = tpu.vector_load %arg11[%get3A_1409, %get3A_1410] {strides = array<i32>} : memref<128x128xf32, #tpu.memory_space<vmem>>, vector<1x16xf32>,
        %get3A_1412 = vector.shape_cast %get3A_1411 : vector<1x16xf32> to vector<16xf32>
        %mul3A_1413 = arith.mulf %get3A_1412, %broadcast_in_dim3A_1368 : vector<16xf32>
        %swap3A_1414 = arith.index_cast %add3A_1365 : i32 to index
        %swap3A_1415 = arith.constant 64 : index
        %swap3A_1416 = tpu.vector_load %arg11[%swap3A_1414, %swap3A_1415] {strides = array<i32>} : memref<128x128xf32, #tpu.memory_space<vmem>>, vector<1x16xf32>,
        %swap3A_1417 = vector.shape_cast %swap3A_1416 : vector<1x16xf32> to vector<16xf32>
        %swap3A_1418 = vector.shape_cast %mul3A_1413 : vector<16xf32> to vector<1x16xf32>
        tpu.vector_store %arg11[%swap3A_1414, %swap3A_1415], %swap3A_1418 {strides = array<i32>} : memref<128x128xf32, #tpu.memory_space<vmem>>, vector<1x16xf32>,
        %get3A_1419 = arith.index_cast %add3A_1365 : i32 to index
        %get3A_1420 = arith.constant 80 : index
        %get3A_1421 = tpu.vector_load %arg11[%get3A_1419, %get3A_1420] {strides = array<i32>} : memref<128x128xf32, #tpu.memory_space<vmem>>, vector<1x16xf32>,
        %get3A_1422 = vector.shape_cast %get3A_1421 : vector<1x16xf32> to vector<16xf32>
        %mul3A_1423 = arith.mulf %get3A_1422, %broadcast_in_dim3A_1368 : vector<16xf32>
        %swap3A_1424 = arith.index_cast %add3A_1365 : i32 to index
        %swap3A_1425 = arith.constant 80 : index
        %swap3A_1426 = tpu.vector_load %arg11[%swap3A_1424, %swap3A_1425] {strides = array<i32>} : memref<128x128xf32, #tpu.memory_space<vmem>>, vector<1x16xf32>,
        %swap3A_1427 = vector.shape_cast %swap3A_1426 : vector<1x16xf32> to vector<16xf32>
        %swap3A_1428 = vector.shape_cast %mul3A_1423 : vector<16xf32> to vector<1x16xf32>
        tpu.vector_store %arg11[%swap3A_1424, %swap3A_1425], %swap3A_1428 {strides = array<i32>} : memref<128x128xf32, #tpu.memory_space<vmem>>, vector<1x16xf32>,
        %get3A_1429 = arith.index_cast %add3A_1365 : i32 to index
        %get3A_1430 = arith.constant 96 : index
        %get3A_1431 = tpu.vector_load %arg11[%get3A_1429, %get3A_1430] {strides = array<i32>} : memref<128x128xf32, #tpu.memory_space<vmem>>, vector<1x16xf32>,
        %get3A_1432 = vector.shape_cast %get3A_1431 : vector<1x16xf32> to vector<16xf32>
        %mul3A_1433 = arith.mulf %get3A_1432, %broadcast_in_dim3A_1368 : vector<16xf32>
        %swap3A_1434 = arith.index_cast %add3A_1365 : i32 to index
        %swap3A_1435 = arith.constant 96 : index
        %swap3A_1436 = tpu.vector_load %arg11[%swap3A_1434, %swap3A_1435] {strides = array<i32>} : memref<128x128xf32, #tpu.memory_space<vmem>>, vector<1x16xf32>,
        %swap3A_1437 = vector.shape_cast %swap3A_1436 : vector<1x16xf32> to vector<16xf32>
        %swap3A_1438 = vector.shape_cast %mul3A_1433 : vector<16xf32> to vector<1x16xf32>
        tpu.vector_store %arg11[%swap3A_1434, %swap3A_1435], %swap3A_1438 {strides = array<i32>} : memref<128x128xf32, #tpu.memory_space<vmem>>, vector<1x16xf32>,
        %get3A_1439 = arith.index_cast %add3A_1365 : i32 to index
        %get3A_1440 = arith.constant 112 : index
        %get3A_1441 = tpu.vector_load %arg11[%get3A_1439, %get3A_1440] {strides = array<i32>} : memref<128x128xf32, #tpu.memory_space<vmem>>, vector<1x16xf32>,
        %get3A_1442 = vector.shape_cast %get3A_1441 : vector<1x16xf32> to vector<16xf32>
        %mul3A_1443 = arith.mulf %get3A_1442, %broadcast_in_dim3A_1368 : vector<16xf32>
        %swap3A_1444 = arith.index_cast %add3A_1365 : i32 to index
        %swap3A_1445 = arith.constant 112 : index
        %swap3A_1446 = tpu.vector_load %arg11[%swap3A_1444, %swap3A_1445] {strides = array<i32>} : memref<128x128xf32, #tpu.memory_space<vmem>>, vector<1x16xf32>,
        %swap3A_1447 = vector.shape_cast %swap3A_1446 : vector<1x16xf32> to vector<16xf32>
        %swap3A_1448 = vector.shape_cast %mul3A_1443 : vector<16xf32> to vector<1x16xf32>
        tpu.vector_store %arg11[%swap3A_1444, %swap3A_1445], %swap3A_1448 {strides = array<i32>} : memref<128x128xf32, #tpu.memory_space<vmem>>, vector<1x16xf32>,
        %scan3A_1449 = arith.constant 0 : i32
        scf.yield %scan3A_1449 : i32
      }
      %scan3A_52 = arith.constant 8 : i32
      "tpu.region"() ({
        %run_scoped3A = tpu.sem_alloc : memref<!tpu.dma_semaphore, #tpu.memory_space<semaphore_mem>>
        %dma_start3A_54 = arith.constant 0 : i32
        %dma_start3A_55 = tpu.memref_slice %arg9[%scan3A_34, %dma_start3A_54] : memref<79x128xi32, #tpu.memory_space<vmem>> -> memref<1x128xi32, #tpu.memory_space<vmem>>
        %dma_start3A_56 = tpu.memref_squeeze %dma_start3A_55 : memref<1x128xi32, #tpu.memory_space<vmem>> -> memref<128xi32, #tpu.memory_space<vmem>>
        %dma_start3A_57 = arith.constant 0 : i32
        %dma_start3A_58 = arith.constant 0 : i32
        %dma_start3A_59 = tpu.memref_slice %arg7[%dma_start3A_57, %dma_start3A_58] : memref<10000x128xf32, #tpu.memory_space<vmem_shared>> -> memref<10000x128xf32, #tpu.memory_space<vmem_shared>>
        tpu.enqueue_indirect_dma source(%arg11 : memref<128x128xf32, #tpu.memory_space<vmem>>) target(%dma_start3A_59 : memref<10000x128xf32, #tpu.memory_space<vmem_shared>>) offsets(%dma_start3A_56 : memref<128xi32, #tpu.memory_space<vmem>>) semaphore(%run_scoped3A : memref<!tpu.dma_semaphore, #tpu.memory_space<semaphore_mem>>) {add = true}
        %dma_wait3A_60 = arith.constant 0 : i32
        %dma_wait3A_61 = tpu.memref_slice %arg9[%scan3A_34, %dma_wait3A_60] : memref<79x128xi32, #tpu.memory_space<vmem>> -> memref<1x128xi32, #tpu.memory_space<vmem>>
        %dma_wait3A_62 = tpu.memref_squeeze %dma_wait3A_61 : memref<1x128xi32, #tpu.memory_space<vmem>> -> memref<128xi32, #tpu.memory_space<vmem>>
        %dma_wait3A_63 = arith.constant 0 : i32
        %dma_wait3A_64 = arith.constant 0 : i32
        %dma_wait3A_65 = tpu.memref_slice %arg7[%dma_wait3A_63, %dma_wait3A_64] : memref<10000x128xf32, #tpu.memory_space<vmem_shared>> -> memref<10000x128xf32, #tpu.memory_space<vmem_shared>>
        tpu.wait_indirect_dma semaphore(%run_scoped3A : memref<!tpu.dma_semaphore, #tpu.memory_space<semaphore_mem>>) src(%arg11 : memref<128x128xf32, #tpu.memory_space<vmem>>) dst(%dma_wait3A_65 : memref<10000x128xf32, #tpu.memory_space<vmem_shared>>)
        tpu.yield
      }) : () -> ()
      %scan3A_53 = arith.constant 0 : i32
      scf.yield %scan3A_53 : i32
    }
    %scan3A_27 = arith.constant 79 : i32
    %barrier3A_28 = arith.constant 0 : index
    tpu.barrier barrier_id(%barrier3A_28)
    "tpu.region"() ({
      %run_scoped3A = tpu.sem_alloc : memref<!tpu.dma_semaphore, #tpu.memory_space<semaphore_mem>>
      %dma_start3A = arith.constant 0 : i32
      %dma_start3A_34 = tpu.memref_slice %arg6[%arg0, %mul3A_8, %dma_start3A] : memref<2x10000x128xf32, #tpu.memory_space<hbm>> -> memref<1x624x128xf32, #tpu.memory_space<hbm>>
      %dma_start3A_35 = tpu.memref_squeeze %dma_start3A_34 : memref<1x624x128xf32, #tpu.memory_space<hbm>> -> memref<624x128xf32, #tpu.memory_space<hbm>>
      %dma_start3A_36 = arith.constant 0 : i32
      %dma_start3A_37 = tpu.memref_slice %arg7[%mul3A_8, %dma_start3A_36] : memref<10000x128xf32, #tpu.memory_space<vmem_shared>> -> memref<624x128xf32, #tpu.memory_space<vmem_shared>>
      tpu.enqueue_dma source(%dma_start3A_37 : memref<624x128xf32, #tpu.memory_space<vmem_shared>>) target(%dma_start3A_35 : memref<624x128xf32, #tpu.memory_space<hbm>>) target_semaphore(%run_scoped3A : memref<!tpu.dma_semaphore, #tpu.memory_space<semaphore_mem>>)
      %dma_wait3A = arith.constant 0 : i32
      %dma_wait3A_38 = tpu.memref_slice %arg6[%arg0, %mul3A_8, %dma_wait3A] : memref<2x10000x128xf32, #tpu.memory_space<hbm>> -> memref<1x624x128xf32, #tpu.memory_space<hbm>>
      %dma_wait3A_39 = tpu.memref_squeeze %dma_wait3A_38 : memref<1x624x128xf32, #tpu.memory_space<hbm>> -> memref<624x128xf32, #tpu.memory_space<hbm>>
      %dma_wait3A_40 = arith.constant 0 : i32
      %dma_wait3A_41 = tpu.memref_slice %arg7[%mul3A_8, %dma_wait3A_40] : memref<10000x128xf32, #tpu.memory_space<vmem_shared>> -> memref<624x128xf32, #tpu.memory_space<vmem_shared>>
      tpu.wait_dma2 semaphore(%run_scoped3A : memref<!tpu.dma_semaphore, #tpu.memory_space<semaphore_mem>>) src(%dma_wait3A_41 : memref<624x128xf32, #tpu.memory_space<vmem_shared>>) dst(%dma_wait3A_39 : memref<624x128xf32, #tpu.memory_space<hbm>>)
      tpu.yield
    }) : () -> ()
    %eq3A_29 = arith.constant 0 : i32
    %eq3A_30 = arith.cmpi eq, %arg1, %eq3A_29 : i32
    %convert_element_type3A_31 = arith.extui %eq3A_30 : i1 to i32
    %cond3A_32 = arith.constant 0 : i32
    %cond3A_33 = arith.cmpi ne, %convert_element_type3A_31, %cond3A_32 : i32
    scf.if %cond3A_33 {
      "tpu.region"() ({
        %run_scoped3A = tpu.sem_alloc : memref<!tpu.dma_semaphore, #tpu.memory_space<semaphore_mem>>
        %dma_start3A = arith.constant 9984 : i32
        %dma_start3A_34 = arith.constant 0 : i32
        %dma_start3A_35 = tpu.memref_slice %arg6[%arg0, %dma_start3A, %dma_start3A_34] : memref<2x10000x128xf32, #tpu.memory_space<hbm>> -> memref<1x16x128xf32, #tpu.memory_space<hbm>>
        %dma_start3A_36 = tpu.memref_squeeze %dma_start3A_35 : memref<1x16x128xf32, #tpu.memory_space<hbm>> -> memref<16x128xf32, #tpu.memory_space<hbm>>
        %dma_start3A_37 = arith.constant 9984 : i32
        %dma_start3A_38 = arith.constant 0 : i32
        %dma_start3A_39 = tpu.memref_slice %arg7[%dma_start3A_37, %dma_start3A_38] : memref<10000x128xf32, #tpu.memory_space<vmem_shared>> -> memref<16x128xf32, #tpu.memory_space<vmem_shared>>
        tpu.enqueue_dma source(%dma_start3A_39 : memref<16x128xf32, #tpu.memory_space<vmem_shared>>) target(%dma_start3A_36 : memref<16x128xf32, #tpu.memory_space<hbm>>) target_semaphore(%run_scoped3A : memref<!tpu.dma_semaphore, #tpu.memory_space<semaphore_mem>>)
        %dma_wait3A = arith.constant 9984 : i32
        %dma_wait3A_40 = arith.constant 0 : i32
        %dma_wait3A_41 = tpu.memref_slice %arg6[%arg0, %dma_wait3A, %dma_wait3A_40] : memref<2x10000x128xf32, #tpu.memory_space<hbm>> -> memref<1x16x128xf32, #tpu.memory_space<hbm>>
        %dma_wait3A_42 = tpu.memref_squeeze %dma_wait3A_41 : memref<1x16x128xf32, #tpu.memory_space<hbm>> -> memref<16x128xf32, #tpu.memory_space<hbm>>
        %dma_wait3A_43 = arith.constant 9984 : i32
        %dma_wait3A_44 = arith.constant 0 : i32
        %dma_wait3A_45 = tpu.memref_slice %arg7[%dma_wait3A_43, %dma_wait3A_44] : memref<10000x128xf32, #tpu.memory_space<vmem_shared>> -> memref<16x128xf32, #tpu.memory_space<vmem_shared>>
        tpu.wait_dma2 semaphore(%run_scoped3A : memref<!tpu.dma_semaphore, #tpu.memory_space<semaphore_mem>>) src(%dma_wait3A_45 : memref<16x128xf32, #tpu.memory_space<vmem_shared>>) dst(%dma_wait3A_42 : memref<16x128xf32, #tpu.memory_space<hbm>>)
        tpu.yield
      }) : () -> ()
    } else {
    }
    return
  }
}

module attributes {stable_mosaic.version = 14 : i64} {
  func.func @_embed_conv_body(%arg0: i32, %arg1: memref<1000x128xf32, #tpu.memory_space<vmem>>, %arg2: memref<128x128xf32, #tpu.memory_space<vmem>>, %arg3: memref<1x128xf32, #tpu.memory_space<vmem>>, %arg4: memref<128x128xf32, #tpu.memory_space<vmem>>, %arg5: memref<1000x128xf32, #tpu.memory_space<vmem>>, %arg6: memref<1000x128xf32, #tpu.memory_space<vmem>>) attributes {dimension_semantics = [#tpu.dimension_semantics<arbitrary>], iteration_bounds = array<i64: 10>, scalar_prefetch = 0 : i64, scratch_operands = 0 : i64, tpu.core_type = #tpu.core_type<tc>, window_params = [{transform_indices = @transform_0, window_bounds = array<i64: 1000, 128>}, {pipeline_mode = #tpu.pipeline_mode<synchronous>, transform_indices = @transform_1, window_bounds = array<i64: 128, 128>}, {pipeline_mode = #tpu.pipeline_mode<synchronous>, transform_indices = @transform_2, window_bounds = array<i64: 1, 128>}, {pipeline_mode = #tpu.pipeline_mode<synchronous>, transform_indices = @transform_3, window_bounds = array<i64: 128, 128>}, {transform_indices = @transform_4, window_bounds = array<i64: 1000, 128>}, {transform_indices = @transform_5, window_bounds = array<i64: 1000, 128>}]} {
    %get3A = arith.constant 0 : index
    %get3A_0 = arith.constant 0 : index
    %get3A_1 = vector.load %arg1[%get3A, %get3A_0] : memref<1000x128xf32, #tpu.memory_space<vmem>>, vector<1000x128xf32>
    %get3A_2 = arith.constant 0 : index
    %get3A_3 = arith.constant 0 : index
    %get3A_4 = vector.load %arg2[%get3A_2, %get3A_3] : memref<128x128xf32, #tpu.memory_space<vmem>>, vector<128x128xf32>
    %dot_general3A = arith.constant dense<0.000000e+00> : vector<1000x128xf32>
    %dot_general3A_5 = tpu.matmul %get3A_1, %get3A_4, %dot_general3A {dimension_numbers = #tpu.dot_dimension_numbers<[1], [1], [0], [0], [0, 0, 1, 0], [], []>, transpose_lhs_hint = false} : vector<1000x128xf32>, vector<128x128xf32>, vector<1000x128xf32> -> vector<1000x128xf32>
    %get3A_6 = arith.constant 0 : index
    %get3A_7 = arith.constant 0 : index
    %get3A_8 = vector.load %arg3[%get3A_6, %get3A_7] : memref<1x128xf32, #tpu.memory_space<vmem>>, vector<1x128xf32>
    %add3A = vector.broadcast %get3A_8 : vector<1x128xf32> to vector<1000x128xf32>
    %add3A_9 = arith.addf %dot_general3A_5, %add3A : vector<1000x128xf32>
    %swap3A = arith.constant 0 : index
    %swap3A_10 = arith.constant 0 : index
    %swap3A_11 = vector.load %arg5[%swap3A, %swap3A_10] : memref<1000x128xf32, #tpu.memory_space<vmem>>, vector<1000x128xf32>
    tpu.vector_store %arg5[%swap3A, %swap3A_10], %add3A_9 {strides = array<i32>} : memref<1000x128xf32, #tpu.memory_space<vmem>>, vector<1000x128xf32>,
    %get3A_12 = arith.constant 0 : index
    %get3A_13 = arith.constant 0 : index
    %get3A_14 = vector.load %arg4[%get3A_12, %get3A_13] : memref<128x128xf32, #tpu.memory_space<vmem>>, vector<128x128xf32>
    %dot_general3A_15 = arith.constant dense<0.000000e+00> : vector<1000x128xf32>
    %dot_general3A_16 = tpu.matmul %add3A_9, %get3A_14, %dot_general3A_15 {dimension_numbers = #tpu.dot_dimension_numbers<[1], [0], [0], [1], [0, 0, 1, 1], [], []>, transpose_lhs_hint = false} : vector<1000x128xf32>, vector<128x128xf32>, vector<1000x128xf32> -> vector<1000x128xf32>
    %swap3A_17 = arith.constant 0 : index
    %swap3A_18 = arith.constant 0 : index
    %swap3A_19 = vector.load %arg6[%swap3A_17, %swap3A_18] : memref<1000x128xf32, #tpu.memory_space<vmem>>, vector<1000x128xf32>
    tpu.vector_store %arg6[%swap3A_17, %swap3A_18], %dot_general3A_16 {strides = array<i32>} : memref<1000x128xf32, #tpu.memory_space<vmem>>, vector<1000x128xf32>,
    return
  }
  func.func @transform_0(%arg0: i32) -> (i32, i32) {
    %c0_i32 = arith.constant 0 : i32
    %c0_i32_0 = arith.constant 0 : i32
    return %arg0, %c0_i32 : i32, i32
  }
  func.func @transform_1(%arg0: i32) -> (i32, i32) {
    %c0_i32 = arith.constant 0 : i32
    %c0_i32_0 = arith.constant 0 : i32
    %c0_i32_1 = arith.constant 0 : i32
    return %c0_i32, %c0_i32_0 : i32, i32
  }
  func.func @transform_2(%arg0: i32) -> (i32, i32) {
    %c0_i32 = arith.constant 0 : i32
    %c0_i32_0 = arith.constant 0 : i32
    %c0_i32_1 = arith.constant 0 : i32
    return %c0_i32, %c0_i32_0 : i32, i32
  }
  func.func @transform_3(%arg0: i32) -> (i32, i32) {
    %c0_i32 = arith.constant 0 : i32
    %c0_i32_0 = arith.constant 0 : i32
    %c0_i32_1 = arith.constant 0 : i32
    return %c0_i32, %c0_i32_0 : i32, i32
  }
  func.func @transform_4(%arg0: i32) -> (i32, i32) {
    %c0_i32 = arith.constant 0 : i32
    %c0_i32_0 = arith.constant 0 : i32
    return %arg0, %c0_i32 : i32, i32
  }
  func.func @transform_5(%arg0: i32) -> (i32, i32) {
    %c0_i32 = arith.constant 0 : i32
    %c0_i32_0 = arith.constant 0 : i32
    return %arg0, %c0_i32 : i32, i32
  }
}

module attributes {stable_mosaic.version = 14 : i64} {
  func.func @_gru_conv_body(%arg0: i32, %arg1: memref<2x1000x128xf32, #tpu.memory_space<vmem>>, %arg2: memref<1000x128xf32, #tpu.memory_space<vmem>>, %arg3: memref<384x128xf32, #tpu.memory_space<vmem>>, %arg4: memref<1x384xf32, #tpu.memory_space<vmem>>, %arg5: memref<384x128xf32, #tpu.memory_space<vmem>>, %arg6: memref<1x384xf32, #tpu.memory_space<vmem>>, %arg7: memref<128x128xf32, #tpu.memory_space<vmem>>, %arg8: memref<1000x128xf32, #tpu.memory_space<vmem>>, %arg9: memref<1000x128xf32, #tpu.memory_space<vmem>>) attributes {dimension_semantics = [#tpu.dimension_semantics<arbitrary>], iteration_bounds = array<i64: 10>, scalar_prefetch = 0 : i64, scratch_operands = 0 : i64, tpu.core_type = #tpu.core_type<tc>, window_params = [{transform_indices = @transform_0, window_bounds = array<i64: 2, 1000, 128>}, {transform_indices = @transform_1, window_bounds = array<i64: 1000, 128>}, {pipeline_mode = #tpu.pipeline_mode<synchronous>, transform_indices = @transform_2, window_bounds = array<i64: 384, 128>}, {pipeline_mode = #tpu.pipeline_mode<synchronous>, transform_indices = @transform_3, window_bounds = array<i64: 1, 384>}, {pipeline_mode = #tpu.pipeline_mode<synchronous>, transform_indices = @transform_4, window_bounds = array<i64: 384, 128>}, {pipeline_mode = #tpu.pipeline_mode<synchronous>, transform_indices = @transform_5, window_bounds = array<i64: 1, 384>}, {pipeline_mode = #tpu.pipeline_mode<synchronous>, transform_indices = @transform_6, window_bounds = array<i64: 128, 128>}, {transform_indices = @transform_7, window_bounds = array<i64: 1000, 128>}, {transform_indices = @transform_8, window_bounds = array<i64: 1000, 128>}]} {
    %get3A = arith.constant 0 : index
    %get3A_0 = arith.constant 0 : index
    %get3A_1 = arith.constant 0 : index
    %get3A_2 = vector.load %arg1[%get3A, %get3A_0, %get3A_1] : memref<2x1000x128xf32, #tpu.memory_space<vmem>>, vector<1x1000x128xf32>
    %get3A_3 = vector.shape_cast %get3A_2 : vector<1x1000x128xf32> to vector<1000x128xf32>
    %get3A_4 = arith.constant 1 : index
    %get3A_5 = arith.constant 0 : index
    %get3A_6 = arith.constant 0 : index
    %get3A_7 = vector.load %arg1[%get3A_4, %get3A_5, %get3A_6] : memref<2x1000x128xf32, #tpu.memory_space<vmem>>, vector<1x1000x128xf32>
    %get3A_8 = vector.shape_cast %get3A_7 : vector<1x1000x128xf32> to vector<1000x128xf32>
    %add3A = arith.addf %get3A_3, %get3A_8 : vector<1000x128xf32>
    %get3A_9 = arith.constant 0 : index
    %get3A_10 = arith.constant 0 : index
    %get3A_11 = vector.load %arg2[%get3A_9, %get3A_10] : memref<1000x128xf32, #tpu.memory_space<vmem>>, vector<1000x128xf32>
    %get3A_12 = arith.constant 0 : index
    %get3A_13 = arith.constant 0 : index
    %get3A_14 = vector.load %arg3[%get3A_12, %get3A_13] : memref<384x128xf32, #tpu.memory_space<vmem>>, vector<384x128xf32>
    %get3A_15 = arith.constant 0 : index
    %get3A_16 = arith.constant 0 : index
    %get3A_17 = vector.load %arg4[%get3A_15, %get3A_16] : memref<1x384xf32, #tpu.memory_space<vmem>>, vector<1x384xf32>
    %get3A_18 = arith.constant 0 : index
    %get3A_19 = arith.constant 0 : index
    %get3A_20 = vector.load %arg5[%get3A_18, %get3A_19] : memref<384x128xf32, #tpu.memory_space<vmem>>, vector<384x128xf32>
    %get3A_21 = arith.constant 0 : index
    %get3A_22 = arith.constant 0 : index
    %get3A_23 = vector.load %arg6[%get3A_21, %get3A_22] : memref<1x384xf32, #tpu.memory_space<vmem>>, vector<1x384xf32>
    %dot_general3A = arith.constant dense<0.000000e+00> : vector<1000x384xf32>
    %dot_general3A_24 = tpu.matmul %add3A, %get3A_14, %dot_general3A {dimension_numbers = #tpu.dot_dimension_numbers<[1], [1], [0], [0], [0, 0, 1, 0], [], []>, transpose_lhs_hint = false} : vector<1000x128xf32>, vector<384x128xf32>, vector<1000x384xf32> -> vector<1000x384xf32>
    %add3A_25 = vector.broadcast %get3A_17 : vector<1x384xf32> to vector<1000x384xf32>
    %add3A_26 = arith.addf %dot_general3A_24, %add3A_25 : vector<1000x384xf32>
    %dot_general3A_27 = arith.constant dense<0.000000e+00> : vector<1000x384xf32>
    %dot_general3A_28 = tpu.matmul %get3A_11, %get3A_20, %dot_general3A_27 {dimension_numbers = #tpu.dot_dimension_numbers<[1], [1], [0], [0], [0, 0, 1, 0], [], []>, transpose_lhs_hint = false} : vector<1000x128xf32>, vector<384x128xf32>, vector<1000x384xf32> -> vector<1000x384xf32>
    %add3A_29 = vector.broadcast %get3A_23 : vector<1x384xf32> to vector<1000x384xf32>
    %add3A_30 = arith.addf %dot_general3A_28, %add3A_29 : vector<1000x384xf32>
    %slice3A = vector.extract_strided_slice %add3A_26 {offsets = [0, 0], sizes = [1000, 128], strides = [1, 1]} : vector<1000x384xf32> to vector<1000x128xf32>
    %slice3A_31 = vector.extract_strided_slice %add3A_30 {offsets = [0, 0], sizes = [1000, 128], strides = [1, 1]} : vector<1000x384xf32> to vector<1000x128xf32>
    %add3A_32 = arith.addf %slice3A, %slice3A_31 : vector<1000x128xf32>
    %logistic3A = arith.negf %add3A_32 : vector<1000x128xf32>
    %logistic3A_33 = math.exp %logistic3A : vector<1000x128xf32>
    %logistic3A_34 = arith.constant 1.000000e+00 : f32
    %logistic3A_35 = vector.broadcast %logistic3A_34 : f32 to vector<1000x128xf32>
    %logistic3A_36 = arith.addf %logistic3A_35, %logistic3A_33 : vector<1000x128xf32>
    %logistic3A_37 = arith.divf %logistic3A_35, %logistic3A_36 : vector<1000x128xf32>
    %slice3A_38 = vector.extract_strided_slice %add3A_26 {offsets = [0, 128], sizes = [1000, 128], strides = [1, 1]} : vector<1000x384xf32> to vector<1000x128xf32>
    %slice3A_39 = vector.extract_strided_slice %add3A_30 {offsets = [0, 128], sizes = [1000, 128], strides = [1, 1]} : vector<1000x384xf32> to vector<1000x128xf32>
    %add3A_40 = arith.addf %slice3A_38, %slice3A_39 : vector<1000x128xf32>
    %logistic3A_41 = arith.negf %add3A_40 : vector<1000x128xf32>
    %logistic3A_42 = math.exp %logistic3A_41 : vector<1000x128xf32>
    %logistic3A_43 = arith.constant 1.000000e+00 : f32
    %logistic3A_44 = vector.broadcast %logistic3A_43 : f32 to vector<1000x128xf32>
    %logistic3A_45 = arith.addf %logistic3A_44, %logistic3A_42 : vector<1000x128xf32>
    %logistic3A_46 = arith.divf %logistic3A_44, %logistic3A_45 : vector<1000x128xf32>
    %slice3A_47 = vector.extract_strided_slice %add3A_26 {offsets = [0, 256], sizes = [1000, 128], strides = [1, 1]} : vector<1000x384xf32> to vector<1000x128xf32>
    %slice3A_48 = vector.extract_strided_slice %add3A_30 {offsets = [0, 256], sizes = [1000, 128], strides = [1, 1]} : vector<1000x384xf32> to vector<1000x128xf32>
    %mul3A = arith.mulf %logistic3A_37, %slice3A_48 : vector<1000x128xf32>
    %add3A_49 = arith.addf %slice3A_47, %mul3A : vector<1000x128xf32>
    %tanh3A = math.tanh %add3A_49 : vector<1000x128xf32>
    %sub3A = arith.constant 1.000000e+00 : f32
    %sub3A_50 = vector.broadcast %sub3A : f32 to vector<1000x128xf32>
    %sub3A_51 = arith.subf %sub3A_50, %logistic3A_46 : vector<1000x128xf32>
    %mul3A_52 = arith.mulf %sub3A_51, %tanh3A : vector<1000x128xf32>
    %mul3A_53 = arith.mulf %logistic3A_46, %get3A_11 : vector<1000x128xf32>
    %add3A_54 = arith.addf %mul3A_52, %mul3A_53 : vector<1000x128xf32>
    %swap3A = arith.constant 0 : index
    %swap3A_55 = arith.constant 0 : index
    %swap3A_56 = vector.load %arg8[%swap3A, %swap3A_55] : memref<1000x128xf32, #tpu.memory_space<vmem>>, vector<1000x128xf32>
    tpu.vector_store %arg8[%swap3A, %swap3A_55], %add3A_54 {strides = array<i32>} : memref<1000x128xf32, #tpu.memory_space<vmem>>, vector<1000x128xf32>,
    %get3A_57 = arith.constant 0 : index
    %get3A_58 = arith.constant 0 : index
    %get3A_59 = vector.load %arg7[%get3A_57, %get3A_58] : memref<128x128xf32, #tpu.memory_space<vmem>>, vector<128x128xf32>
    %dot_general3A_60 = arith.constant dense<0.000000e+00> : vector<1000x128xf32>
    %dot_general3A_61 = tpu.matmul %add3A_54, %get3A_59, %dot_general3A_60 {dimension_numbers = #tpu.dot_dimension_numbers<[1], [0], [0], [1], [0, 0, 1, 1], [], []>, transpose_lhs_hint = false} : vector<1000x128xf32>, vector<128x128xf32>, vector<1000x128xf32> -> vector<1000x128xf32>
    %swap3A_62 = arith.constant 0 : index
    %swap3A_63 = arith.constant 0 : index
    %swap3A_64 = vector.load %arg9[%swap3A_62, %swap3A_63] : memref<1000x128xf32, #tpu.memory_space<vmem>>, vector<1000x128xf32>
    tpu.vector_store %arg9[%swap3A_62, %swap3A_63], %dot_general3A_61 {strides = array<i32>} : memref<1000x128xf32, #tpu.memory_space<vmem>>, vector<1000x128xf32>,
    return
  }
  func.func @transform_0(%arg0: i32) -> (i32, i32, i32) {
    %c0_i32 = arith.constant 0 : i32
    %c0_i32_0 = arith.constant 0 : i32
    %c0_i32_1 = arith.constant 0 : i32
    return %c0_i32, %arg0, %c0_i32_0 : i32, i32, i32
  }
  func.func @transform_1(%arg0: i32) -> (i32, i32) {
    %c0_i32 = arith.constant 0 : i32
    %c0_i32_0 = arith.constant 0 : i32
    return %arg0, %c0_i32 : i32, i32
  }
  func.func @transform_2(%arg0: i32) -> (i32, i32) {
    %c0_i32 = arith.constant 0 : i32
    %c0_i32_0 = arith.constant 0 : i32
    %c0_i32_1 = arith.constant 0 : i32
    return %c0_i32, %c0_i32_0 : i32, i32
  }
  func.func @transform_3(%arg0: i32) -> (i32, i32) {
    %c0_i32 = arith.constant 0 : i32
    %c0_i32_0 = arith.constant 0 : i32
    %c0_i32_1 = arith.constant 0 : i32
    return %c0_i32, %c0_i32_0 : i32, i32
  }
  func.func @transform_4(%arg0: i32) -> (i32, i32) {
    %c0_i32 = arith.constant 0 : i32
    %c0_i32_0 = arith.constant 0 : i32
    %c0_i32_1 = arith.constant 0 : i32
    return %c0_i32, %c0_i32_0 : i32, i32
  }
  func.func @transform_5(%arg0: i32) -> (i32, i32) {
    %c0_i32 = arith.constant 0 : i32
    %c0_i32_0 = arith.constant 0 : i32
    %c0_i32_1 = arith.constant 0 : i32
    return %c0_i32, %c0_i32_0 : i32, i32
  }
  func.func @transform_6(%arg0: i32) -> (i32, i32) {
    %c0_i32 = arith.constant 0 : i32
    %c0_i32_0 = arith.constant 0 : i32
    %c0_i32_1 = arith.constant 0 : i32
    return %c0_i32, %c0_i32_0 : i32, i32
  }
  func.func @transform_7(%arg0: i32) -> (i32, i32) {
    %c0_i32 = arith.constant 0 : i32
    %c0_i32_0 = arith.constant 0 : i32
    return %arg0, %c0_i32 : i32, i32
  }
  func.func @transform_8(%arg0: i32) -> (i32, i32) {
    %c0_i32 = arith.constant 0 : i32
    %c0_i32_0 = arith.constant 0 : i32
    return %arg0, %c0_i32 : i32, i32
  }
}

module attributes {stable_mosaic.version = 14 : i64} {
  func.func @_gru_head_body(%arg0: i32, %arg1: memref<2x1000x128xf32, #tpu.memory_space<vmem>>, %arg2: memref<1000x128xf32, #tpu.memory_space<vmem>>, %arg3: memref<1000x128xf32, #tpu.memory_space<vmem>>, %arg4: memref<384x128xf32, #tpu.memory_space<vmem>>, %arg5: memref<1x384xf32, #tpu.memory_space<vmem>>, %arg6: memref<384x128xf32, #tpu.memory_space<vmem>>, %arg7: memref<1x384xf32, #tpu.memory_space<vmem>>, %arg8: memref<40x128xf32, #tpu.memory_space<vmem>>, %arg9: memref<1x40xf32, #tpu.memory_space<vmem>>, %arg10: memref<1000x40xf32, #tpu.memory_space<vmem>>) attributes {dimension_semantics = [#tpu.dimension_semantics<arbitrary>], iteration_bounds = array<i64: 10>, scalar_prefetch = 0 : i64, scratch_operands = 0 : i64, tpu.core_type = #tpu.core_type<tc>, window_params = [{transform_indices = @transform_0, window_bounds = array<i64: 2, 1000, 128>}, {transform_indices = @transform_1, window_bounds = array<i64: 1000, 128>}, {transform_indices = @transform_2, window_bounds = array<i64: 1000, 128>}, {pipeline_mode = #tpu.pipeline_mode<synchronous>, transform_indices = @transform_3, window_bounds = array<i64: 384, 128>}, {pipeline_mode = #tpu.pipeline_mode<synchronous>, transform_indices = @transform_4, window_bounds = array<i64: 1, 384>}, {pipeline_mode = #tpu.pipeline_mode<synchronous>, transform_indices = @transform_5, window_bounds = array<i64: 384, 128>}, {pipeline_mode = #tpu.pipeline_mode<synchronous>, transform_indices = @transform_6, window_bounds = array<i64: 1, 384>}, {pipeline_mode = #tpu.pipeline_mode<synchronous>, transform_indices = @transform_7, window_bounds = array<i64: 40, 128>}, {pipeline_mode = #tpu.pipeline_mode<synchronous>, transform_indices = @transform_8, window_bounds = array<i64: 1, 40>}, {transform_indices = @transform_9, window_bounds = array<i64: 1000, 40>}]} {
    %get3A = arith.constant 0 : index
    %get3A_0 = arith.constant 0 : index
    %get3A_1 = arith.constant 0 : index
    %get3A_2 = vector.load %arg1[%get3A, %get3A_0, %get3A_1] : memref<2x1000x128xf32, #tpu.memory_space<vmem>>, vector<1x1000x128xf32>
    %get3A_3 = vector.shape_cast %get3A_2 : vector<1x1000x128xf32> to vector<1000x128xf32>
    %get3A_4 = arith.constant 1 : index
    %get3A_5 = arith.constant 0 : index
    %get3A_6 = arith.constant 0 : index
    %get3A_7 = vector.load %arg1[%get3A_4, %get3A_5, %get3A_6] : memref<2x1000x128xf32, #tpu.memory_space<vmem>>, vector<1x1000x128xf32>
    %get3A_8 = vector.shape_cast %get3A_7 : vector<1x1000x128xf32> to vector<1000x128xf32>
    %add3A = arith.addf %get3A_3, %get3A_8 : vector<1000x128xf32>
    %get3A_9 = arith.constant 0 : index
    %get3A_10 = arith.constant 0 : index
    %get3A_11 = vector.load %arg2[%get3A_9, %get3A_10] : memref<1000x128xf32, #tpu.memory_space<vmem>>, vector<1000x128xf32>
    %get3A_12 = arith.constant 0 : index
    %get3A_13 = arith.constant 0 : index
    %get3A_14 = vector.load %arg4[%get3A_12, %get3A_13] : memref<384x128xf32, #tpu.memory_space<vmem>>, vector<384x128xf32>
    %get3A_15 = arith.constant 0 : index
    %get3A_16 = arith.constant 0 : index
    %get3A_17 = vector.load %arg5[%get3A_15, %get3A_16] : memref<1x384xf32, #tpu.memory_space<vmem>>, vector<1x384xf32>
    %get3A_18 = arith.constant 0 : index
    %get3A_19 = arith.constant 0 : index
    %get3A_20 = vector.load %arg6[%get3A_18, %get3A_19] : memref<384x128xf32, #tpu.memory_space<vmem>>, vector<384x128xf32>
    %get3A_21 = arith.constant 0 : index
    %get3A_22 = arith.constant 0 : index
    %get3A_23 = vector.load %arg7[%get3A_21, %get3A_22] : memref<1x384xf32, #tpu.memory_space<vmem>>, vector<1x384xf32>
    %dot_general3A = arith.constant dense<0.000000e+00> : vector<1000x384xf32>
    %dot_general3A_24 = tpu.matmul %add3A, %get3A_14, %dot_general3A {dimension_numbers = #tpu.dot_dimension_numbers<[1], [1], [0], [0], [0, 0, 1, 0], [], []>, transpose_lhs_hint = false} : vector<1000x128xf32>, vector<384x128xf32>, vector<1000x384xf32> -> vector<1000x384xf32>
    %add3A_25 = vector.broadcast %get3A_17 : vector<1x384xf32> to vector<1000x384xf32>
    %add3A_26 = arith.addf %dot_general3A_24, %add3A_25 : vector<1000x384xf32>
    %dot_general3A_27 = arith.constant dense<0.000000e+00> : vector<1000x384xf32>
    %dot_general3A_28 = tpu.matmul %get3A_11, %get3A_20, %dot_general3A_27 {dimension_numbers = #tpu.dot_dimension_numbers<[1], [1], [0], [0], [0, 0, 1, 0], [], []>, transpose_lhs_hint = false} : vector<1000x128xf32>, vector<384x128xf32>, vector<1000x384xf32> -> vector<1000x384xf32>
    %add3A_29 = vector.broadcast %get3A_23 : vector<1x384xf32> to vector<1000x384xf32>
    %add3A_30 = arith.addf %dot_general3A_28, %add3A_29 : vector<1000x384xf32>
    %slice3A = vector.extract_strided_slice %add3A_26 {offsets = [0, 0], sizes = [1000, 128], strides = [1, 1]} : vector<1000x384xf32> to vector<1000x128xf32>
    %slice3A_31 = vector.extract_strided_slice %add3A_30 {offsets = [0, 0], sizes = [1000, 128], strides = [1, 1]} : vector<1000x384xf32> to vector<1000x128xf32>
    %add3A_32 = arith.addf %slice3A, %slice3A_31 : vector<1000x128xf32>
    %logistic3A = arith.negf %add3A_32 : vector<1000x128xf32>
    %logistic3A_33 = math.exp %logistic3A : vector<1000x128xf32>
    %logistic3A_34 = arith.constant 1.000000e+00 : f32
    %logistic3A_35 = vector.broadcast %logistic3A_34 : f32 to vector<1000x128xf32>
    %logistic3A_36 = arith.addf %logistic3A_35, %logistic3A_33 : vector<1000x128xf32>
    %logistic3A_37 = arith.divf %logistic3A_35, %logistic3A_36 : vector<1000x128xf32>
    %slice3A_38 = vector.extract_strided_slice %add3A_26 {offsets = [0, 128], sizes = [1000, 128], strides = [1, 1]} : vector<1000x384xf32> to vector<1000x128xf32>
    %slice3A_39 = vector.extract_strided_slice %add3A_30 {offsets = [0, 128], sizes = [1000, 128], strides = [1, 1]} : vector<1000x384xf32> to vector<1000x128xf32>
    %add3A_40 = arith.addf %slice3A_38, %slice3A_39 : vector<1000x128xf32>
    %logistic3A_41 = arith.negf %add3A_40 : vector<1000x128xf32>
    %logistic3A_42 = math.exp %logistic3A_41 : vector<1000x128xf32>
    %logistic3A_43 = arith.constant 1.000000e+00 : f32
    %logistic3A_44 = vector.broadcast %logistic3A_43 : f32 to vector<1000x128xf32>
    %logistic3A_45 = arith.addf %logistic3A_44, %logistic3A_42 : vector<1000x128xf32>
    %logistic3A_46 = arith.divf %logistic3A_44, %logistic3A_45 : vector<1000x128xf32>
    %slice3A_47 = vector.extract_strided_slice %add3A_26 {offsets = [0, 256], sizes = [1000, 128], strides = [1, 1]} : vector<1000x384xf32> to vector<1000x128xf32>
    %slice3A_48 = vector.extract_strided_slice %add3A_30 {offsets = [0, 256], sizes = [1000, 128], strides = [1, 1]} : vector<1000x384xf32> to vector<1000x128xf32>
    %mul3A = arith.mulf %logistic3A_37, %slice3A_48 : vector<1000x128xf32>
    %add3A_49 = arith.addf %slice3A_47, %mul3A : vector<1000x128xf32>
    %tanh3A = math.tanh %add3A_49 : vector<1000x128xf32>
    %sub3A = arith.constant 1.000000e+00 : f32
    %sub3A_50 = vector.broadcast %sub3A : f32 to vector<1000x128xf32>
    %sub3A_51 = arith.subf %sub3A_50, %logistic3A_46 : vector<1000x128xf32>
    %mul3A_52 = arith.mulf %sub3A_51, %tanh3A : vector<1000x128xf32>
    %mul3A_53 = arith.mulf %logistic3A_46, %get3A_11 : vector<1000x128xf32>
    %add3A_54 = arith.addf %mul3A_52, %mul3A_53 : vector<1000x128xf32>
    %get3A_55 = arith.constant 0 : index
    %get3A_56 = arith.constant 0 : index
    %get3A_57 = vector.load %arg3[%get3A_55, %get3A_56] : memref<1000x128xf32, #tpu.memory_space<vmem>>, vector<1000x128xf32>
    %add3A_58 = arith.addf %get3A_57, %add3A_54 : vector<1000x128xf32>
    %get3A_59 = arith.constant 0 : index
    %get3A_60 = arith.constant 0 : index
    %get3A_61 = vector.load %arg8[%get3A_59, %get3A_60] : memref<40x128xf32, #tpu.memory_space<vmem>>, vector<40x128xf32>
    %dot_general3A_62 = arith.constant dense<0.000000e+00> : vector<1000x40xf32>
    %dot_general3A_63 = tpu.matmul %add3A_58, %get3A_61, %dot_general3A_62 {dimension_numbers = #tpu.dot_dimension_numbers<[1], [1], [0], [0], [0, 0, 1, 0], [], []>, transpose_lhs_hint = false} : vector<1000x128xf32>, vector<40x128xf32>, vector<1000x40xf32> -> vector<1000x40xf32>
    %get3A_64 = arith.constant 0 : index
    %get3A_65 = arith.constant 0 : index
    %get3A_66 = vector.load %arg9[%get3A_64, %get3A_65] : memref<1x40xf32, #tpu.memory_space<vmem>>, vector<1x40xf32>
    %add3A_67 = vector.broadcast %get3A_66 : vector<1x40xf32> to vector<1000x40xf32>
    %add3A_68 = arith.addf %dot_general3A_63, %add3A_67 : vector<1000x40xf32>
    %reduce_max3A = arith.constant dense<0xFF800000> : vector<1000xf32>
    %reduce_max3A_69 = vector.multi_reduction <maximumf>, %add3A_68, %reduce_max3A [1] : vector<1000x40xf32> to vector<1000xf32>
    %broadcast_in_dim3A = vector.shape_cast %reduce_max3A_69 : vector<1000xf32> to vector<1000x1xf32>
    %sub3A_70 = vector.broadcast %broadcast_in_dim3A : vector<1000x1xf32> to vector<1000x40xf32>
    %sub3A_71 = arith.subf %add3A_68, %sub3A_70 : vector<1000x40xf32>
    %exp3A = math.exp %sub3A_71 : vector<1000x40xf32>
    %reduce_sum3A = arith.constant dense<0.000000e+00> : vector<1000xf32>
    %reduce_sum3A_72 = vector.multi_reduction <add>, %exp3A, %reduce_sum3A [1] : vector<1000x40xf32> to vector<1000xf32>
    %broadcast_in_dim3A_73 = vector.shape_cast %reduce_sum3A_72 : vector<1000xf32> to vector<1000x1xf32>
    %log3A = math.log %broadcast_in_dim3A_73 : vector<1000x1xf32>
    %sub3A_74 = vector.broadcast %log3A : vector<1000x1xf32> to vector<1000x40xf32>
    %sub3A_75 = arith.subf %sub3A_71, %sub3A_74 : vector<1000x40xf32>
    %swap3A = arith.constant 0 : index
    %swap3A_76 = arith.constant 0 : index
    %swap3A_77 = vector.load %arg10[%swap3A, %swap3A_76] : memref<1000x40xf32, #tpu.memory_space<vmem>>, vector<1000x40xf32>
    tpu.vector_store %arg10[%swap3A, %swap3A_76], %sub3A_75 {strides = array<i32>} : memref<1000x40xf32, #tpu.memory_space<vmem>>, vector<1000x40xf32>,
    return
  }
  func.func @transform_0(%arg0: i32) -> (i32, i32, i32) {
    %c0_i32 = arith.constant 0 : i32
    %c0_i32_0 = arith.constant 0 : i32
    %c0_i32_1 = arith.constant 0 : i32
    return %c0_i32, %arg0, %c0_i32_0 : i32, i32, i32
  }
  func.func @transform_1(%arg0: i32) -> (i32, i32) {
    %c0_i32 = arith.constant 0 : i32
    %c0_i32_0 = arith.constant 0 : i32
    return %arg0, %c0_i32 : i32, i32
  }
  func.func @transform_2(%arg0: i32) -> (i32, i32) {
    %c0_i32 = arith.constant 0 : i32
    %c0_i32_0 = arith.constant 0 : i32
    return %arg0, %c0_i32 : i32, i32
  }
  func.func @transform_3(%arg0: i32) -> (i32, i32) {
    %c0_i32 = arith.constant 0 : i32
    %c0_i32_0 = arith.constant 0 : i32
    %c0_i32_1 = arith.constant 0 : i32
    return %c0_i32, %c0_i32_0 : i32, i32
  }
  func.func @transform_4(%arg0: i32) -> (i32, i32) {
    %c0_i32 = arith.constant 0 : i32
    %c0_i32_0 = arith.constant 0 : i32
    %c0_i32_1 = arith.constant 0 : i32
    return %c0_i32, %c0_i32_0 : i32, i32
  }
  func.func @transform_5(%arg0: i32) -> (i32, i32) {
    %c0_i32 = arith.constant 0 : i32
    %c0_i32_0 = arith.constant 0 : i32
    %c0_i32_1 = arith.constant 0 : i32
    return %c0_i32, %c0_i32_0 : i32, i32
  }
  func.func @transform_6(%arg0: i32) -> (i32, i32) {
    %c0_i32 = arith.constant 0 : i32
    %c0_i32_0 = arith.constant 0 : i32
    %c0_i32_1 = arith.constant 0 : i32
    return %c0_i32, %c0_i32_0 : i32, i32
  }
  func.func @transform_7(%arg0: i32) -> (i32, i32) {
    %c0_i32 = arith.constant 0 : i32
    %c0_i32_0 = arith.constant 0 : i32
    %c0_i32_1 = arith.constant 0 : i32
    return %c0_i32, %c0_i32_0 : i32, i32
  }
  func.func @transform_8(%arg0: i32) -> (i32, i32) {
    %c0_i32 = arith.constant 0 : i32
    %c0_i32_0 = arith.constant 0 : i32
    %c0_i32_1 = arith.constant 0 : i32
    return %c0_i32, %c0_i32_0 : i32, i32
  }
  func.func @transform_9(%arg0: i32) -> (i32, i32) {
    %c0_i32 = arith.constant 0 : i32
    %c0_i32_0 = arith.constant 0 : i32
    return %arg0, %c0_i32 : i32, i32
  }
}

</mosaic_0001>

<sc_bundles>
// kernel: segsum_l1.3.cloned.1.call-start
scs
__scs_entry_jumppad:
0x0: {  	(pc) =	sbr.rel $0x88, $3  }
0x1: {  	(tag) =	ssettag $0x0;
	lr =	simm.s32 $0x1  }
0x2: {  	[smem:$0x3F95] =	sst lr;
	_ =	strace $0xD0000000  }
0x3: {  	_ = 	snop  }
0x4: {  	_ = 	snop  }
0x5: {  	_ = 	snop  }
0x6: {  	_ = 	snop  }
0x7: {  	_ = 	snop  }
__scs_overlays_trampoline_lowered:
0x8: {  	[smem:$0x3FA4] =	sst s0  }
0x9: {  	[smem:$0x3FA5] =	sst s1  }
0xa: {  	[smem:$0x3FA6] =	sst s2  }
0xb: {  	[smem:$0x3FA7] =	sst s3  }
0xc: {  	[smem:$0x3FA8] =	sst s4  }
0xd: {  	[smem:$0x3FA9] =	sst s5  }
0xe: {  	[smem:$0x3FAA] =	sst s6  }
0xf: {  	[smem:$0x3FAB] =	sst s7  }
0x10: {  	[smem:$0x3FAC] =	sst s8  }
0x11: {  	[smem:$0x3FAD] =	sst s9;
	s0 =	simm.s32 @!p0 $0x0  }
0x12: {  	s1 =	sld [smem:$0x3F93];
	s0 =	simm.s32 @p0 $0x1  }
0x13: {  	[smem:$0x3FAE] =	sst s0;
	s0 =	simm.s32 @!p1 $0x0  }
0x14: {  	s2 =	sld [smem:$0x3F92];
	s0 =	simm.s32 @p1 $0x1  }
0x15: {  	[smem:$0x3FAF] =	sst s0;
	s0 =	simm.s32 @!p2 $0x0  }
0x16: {  	s3 =	sld [smem:$0x3FDB];
	s0 =	simm.s32 @p2 $0x1  }
0x17: {  	s4 =	simm.s32 $0x1BF5;
	[smem:$0x3FB1] =	sst s0  }
0x18: {  	s0 =	sld [smem:$0x3F94];
	_ =	swait.ge [sflag:s4], $0x0  }
0x19: {  	s7 =	sld [smem:$0x3F95]  }
0x1a: {  	s8 =	sadd.s32 $0xFFFFE003, lr  }
0x1b: {  	s9 =	sadd.s32 $0xFFFFFEF7, lr;
	s5 =	simm.s32 $0xFFFFFFFF;
	p2 =	slt.u32 s8, $0xFFFFF086  }
0x1c: {  	p1 =	slt.u32 s9, $0xF7A;
	s5 =	simm.s32 @!p2 $0x0  }
0x1d: {  	s5 =	simm.s32 @p1 $0x1;
	p0 =	seq.s32 s7, s2  }
0x1e: {  	s7 =	smul.u32 @!p0 $0xF7A, s2;
	p2 =	seq.s32 @!p0 s5, $0x0  }
0x1f: {  	s9 =	smul.u32 $0xF7A, s1;
	s8 =	simm.s32 @!p0 $0x1BF5;
	p2 =	por !p2, p0  }
0x20: {  	[sflag:s8] =	ssyncset.s32 @!p0 $0xFFFFF086;
	s6 =	sadd.s32 @!p0 s3, s7;
	s7 =	simm.s32 @!p0 $0x108  }
0x21: {  	s3 =	sadd.s32 s3, s9;
	s6 =	sadd.s32 @!p0 $0x88, s6;
	s7 =	simm.s32 @p2 $0x1082  }
0x22: {  	[simem:s7], [sflag:s8] =	dma.local @!p0 [hbm:s6], $0xF7A  }
0x23: {  	s9 =	sor.u32 $0xD0000000, s2;
	s6 =	simm.s32 $0x108;
	_ =	swait.ge @!p0 [sflag:s8], $0x0  }
0x24: {  	s3 =	sadd.s32 $0x88, s3;
	s6 =	simm.s32 @!p1 $0x1082;
	[sflag:s4] =	ssyncset.s32 $0xFFFFF086  }
0x25: {  	[simem:s6], [sflag:s4] =	dma.local [hbm:s3], $0xF7A  }
0x26: {  	[smem:$0x3F95] =	sst s1;
	(tag) =	ssettag s2;
	_ =	strace s9  }
0x27: {  	s1 =	sld [smem:$0x3FA5]  }
0x28: {  	s2 =	sld [smem:$0x3FA6]  }
0x29: {  	s4 =	sld [smem:$0x3FA8]  }
0x2a: {  	p0 =	seq.s32 s5, $0x0;
	s5 =	sld [smem:$0x3FA9]  }
0x2b: {  	s6 =	sld [smem:$0x3FAA]  }
0x2c: {  	s7 =	sld [smem:$0x3FAB]  }
0x2d: {  	s3 =	simm.s32 $0x108;
	s8 =	sld [smem:$0x3FAC]  }
0x2e: {  	s3 =	simm.s32 @!p0 $0x1082;
	s9 =	sld [smem:$0x3FAD]  }
0x2f: {  	lr =	sadd.s32 s0, s3;
	s0 =	sld [smem:$0x3FA4]  }
0x30: {  	s3 =	sld [smem:$0x3FA7]  }
0x31: {  	[smem:$0x3FB0] =	sst s10  }
0x32: {  	s10 =	sld [smem:$0x3FAE];
	_ =	sdelay $0x3  }
0x33: {  	p0 =	seq.s32 s10, $0x1;
	s10 =	sld [smem:$0x3FB0];
	_ =	sdelay $0x3  }
0x34: {  	[smem:$0x3FB0] =	sst s10  }
0x35: {  	s10 =	sld [smem:$0x3FAF];
	_ =	sdelay $0x3  }
0x36: {  	p1 =	seq.s32 s10, $0x1;
	s10 =	sld [smem:$0x3FB0];
	_ =	sdelay $0x3  }
0x37: {  	[smem:$0x3FB0] =	sst s10  }
0x38: {  	s10 =	sld [smem:$0x3FB1]  }
0x39: {  	_ = 	snop;
	(pc) =	sbr.ind lr, $3  }
0x3a: {  	_ = 	snop  }
0x3b: {  	_ = 	snop  }
0x3c: {  	p2 =	seq.s32 s10, $0x1;
	s10 =	sld [smem:$0x3FB0]  }
0x3d: {  	_ =	shalt  }
0x3e: {  	_ =	shalt  }
0x3f: {  	_ =	shalt  }
0x40: {  	_ =	shalt  }
0x41: {  	_ =	shalt  }
0x42: {  	_ =	shalt  }
0x43: {  	_ =	shalt  }
0x44: {  	_ =	shalt  }
0x45: {  	_ =	shalt  }
0x46: {  	_ =	shalt  }
0x47: {  	_ =	shalt  }
0x48: {  	_ =	shalt  }
0x49: {  	_ =	shalt  }
0x4a: {  	_ =	shalt  }
0x4b: {  	_ =	shalt  }
0x4c: {  	_ =	shalt  }
0x4d: {  	_ =	shalt  }
0x4e: {  	_ =	shalt  }
0x4f: {  	_ =	shalt  }
0x50: {  	_ =	shalt  }
0x51: {  	_ =	shalt  }
0x52: {  	_ =	shalt  }
0x53: {  	_ =	shalt  }
0x54: {  	_ =	shalt  }
0x55: {  	_ =	shalt  }
0x56: {  	_ =	shalt  }
0x57: {  	_ =	shalt  }
0x58: {  	_ =	shalt  }
0x59: {  	_ =	shalt  }
0x5a: {  	_ =	shalt  }
0x5b: {  	_ =	shalt  }
0x5c: {  	_ =	shalt  }
0x5d: {  	_ =	shalt  }
0x5e: {  	_ =	shalt  }
0x5f: {  	_ =	shalt  }
0x60: {  	_ =	shalt  }
0x61: {  	_ =	shalt  }
0x62: {  	_ =	shalt  }
0x63: {  	_ =	shalt  }
0x64: {  	_ =	shalt  }
0x65: {  	_ =	shalt  }
0x66: {  	_ =	shalt  }
0x67: {  	_ =	shalt  }
0x68: {  	_ =	shalt  }
0x69: {  	_ =	shalt  }
0x6a: {  	_ =	shalt  }
0x6b: {  	_ =	shalt  }
0x6c: {  	_ =	shalt  }
0x6d: {  	_ =	shalt  }
0x6e: {  	_ =	shalt  }
0x6f: {  	_ =	shalt  }
0x70: {  	_ =	shalt  }
0x71: {  	_ =	shalt  }
0x72: {  	_ =	shalt  }
0x73: {  	_ =	shalt  }
0x74: {  	_ =	shalt  }
0x75: {  	_ =	shalt  }
0x76: {  	_ =	shalt  }
0x77: {  	_ =	shalt  }
0x78: {  	_ =	shalt  }
0x79: {  	_ =	shalt  }
0x7a: {  	_ =	shalt  }
0x7b: {  	_ =	shalt  }
0x7c: {  	_ =	shalt  }
0x7d: {  	_ =	shalt  }
0x7e: {  	_ =	shalt  }
0x7f: {  	_ =	shalt  }
0x80: {  	_ =	shalt  }
0x81: {  	_ =	shalt  }
0x82: {  	_ =	shalt  }
0x83: {  	_ =	shalt  }
0x84: {  	_ =	shalt  }
0x85: {  	_ =	shalt  }
0x86: {  	_ =	shalt  }
0x87: {  	_ =	shalt  }
.Lfunc_end0:
.L_simem_size_0:
called_computation_lowered:
.L_overlay_start_0:
0x88: {  	s2 =	sld [smem:$0x3FD9]  }
0x89: {  	s3 =	sld [smem:$0x3FFE];
	_ =	sdelay $0x1  }
0x8a: {  	s1 =	srdreg.scid  }
0x8b: {  	s0 =	sand.u32 $0x1, s1  }
0x8c: {  	s17 =	sshll.u32 s0, $0xA;
	s2 =	sadd.s32 s3, s2  }
0x8d: {  	s2 =	sadd.s32 s2, s17  }
0x8e: {  	[smem:$0x3FBC] =	sst s2  }
0x8f: {  	_ = 	snop  }
0x90: {  	s2 =	sld [smem:$0x3FD0];
	(tm) =	ssettm $0x1  }
0x91: {  	s18 =	sld [smem:$0x3FFB];
	_ =	sdelay $0x3  }
0x92: {  	_ =	strace s18  }
0x93: {  	s3 =	sld [smem:$0x3FFC];
	_ =	sdelay $0x3  }
0x94: {  	_ =	strace s3  }
0x95: {  	s3 =	sld [smem:$0x3FFD];
	_ =	sdelay $0x3  }
0x96: {  	_ =	strace s3  }
0x97: {  	_ =	strace $0x8FFFFFFF  }
0x98: {  	s19 =	sld [smem:$0x3FDB];
	_ =	sdelay $0x1  }
0x99: {  	s4 =	simm.s32 $_scs_section_size  }
0x9a: {  	s5 =	simm.s32 $_size__tile_overlayer_lowered;
	s6 =	simm.s32 $_tile_overlayer_lowered  }
0x9b: {  	s22 =	simm.s32 $0x1BFF;
	s21 =	sshll.u32 s6, $0x1;
	s3 =	sadd.s32 s4, s19  }
0x9c: {  	s7 =	simm.s32 $0x0;
	s20 =	sshll.u32 s5, $0x1;
	s5 =	sadd.s32 s21, s3  }
0x9d: {  	[timem:s7], [sflag:s22] =	dma.local [hbm:s5], s20  }
0x9e: {  	_ =	swait.ge [sflag:s22], s20  }
0x9f: {  	s4 =	ssub.s32 $0x0, s20;
	[sflag:s22] =	ssyncset.done $0x0  }
0xa0: {  	[sflag:s22] =	ssyncadd.s32 s4;
	_ =	sdelay $0x1  }
0xa1: {  	s23 =	simm.s32 $0x1B8B  }
0xa2: {  	_ =	swait.ge [sflag:s23], $0x1  }
0xa3: {  	[sflag:s23] =	ssyncset.done $0x0  }
0xa4: {  	s25 =	simm.s32 $0x1B8E;
	s24 =	sld [smem:$0x3FFE];
	[sflag:s23] =	ssyncadd.s32 $0xFFFFFFFF  }
0xa5: {  	s26 =	simm.s32 $execute0_lowered;
	[smem:$0x3FD2] =	sst s25  }
0xa6: {  	s5 =	sshll.u32 s26, $0x1;
	_ =	strace $0x80000046;
	[dreg:$0x1] =	wrdreg $0xFFFFFFFF  }
0xa7: {  	s28 =	simm.s32 $_size_execute0_lowered;
	s3 =	sadd.s32 s3, s5;
	[dreg:$0x0] =	wrdreg $0x0  }
0xa8: {  	s5 =	sshll.u32 s28, $0x1;
	[dreg:$0x2] =	wrdreg s3  }
0xa9: {  	[dreg:$0x3] =	wrdreg s5  }
0xaa: {  	[dreg:$0x4] =	wrdreg $0xC0  }
0xab: {  	_ =	task [dreg:s7], $0x5FFFF  }
0xac: {  	[dreg:$0x1] =	wrdreg $0xFFFFFFFF  }
0xad: {  	[dreg:$0x0] =	wrdreg $0x60  }
0xae: {  	[dreg:$0x2] =	wrdreg s24  }
0xaf: {  	[dreg:$0x3] =	wrdreg s2  }
0xb0: {  	[dreg:$0x4] =	wrdreg $0x0  }
0xb1: {  	[dreg:$0x5] =	wrdreg $0x9  }
0xb2: {  	_ =	task.clear_ibuf [dreg:s7], $0x6FFFF;
	_ =	strace $0x90000046  }
0xb3: {  	s29 =	simm.s32 $0x9;
	_ =	strace $0x80000048  }
0xb4: {  	_ =	swait.ge [sflag:s29], $0x1  }
0xb5: {  	[sflag:s29] =	ssyncadd.s32 $0xFFFFFFFF  }
0xb6: {  	_ =	strace $0x90000048  }
0xb7: {  	_ =	sfence  }
0xb8: {  	s30 =	sld [smem:$0x0];
	_ =	sdelay $0x2  }
0xb9: {  	s31 =	sshll.u32 s1, $0xD;
	s1 =	sshrl.u32 s1, $0x2  }
0xba: {  	s3 =	sand.u32 $0x4000, s31;
	s1 =	sadd.s32 s1, s30  }
0xbb: {  	s0 =	sor.u32 s3, s0;
	s1 =	sshll.u32 s1, $0x11  }
0xbc: {  	s0 =	sor.u32 s1, s0  }
0xbd: {  	s0 =	sadd.s32 $0x8F2B, s0  }
0xbe: {  	[sflag:s0] =	ssyncadd.remote.s32 $0x1  }
0xbf: {  	_ =	sfence.sel $0xFFFF  }
0xc0: {  	[dreg:$0x0] =	wrdreg $0xFFFFFFFF;
	(pc) =	sbr.abs _section_cstart, $3  }
0xc1: {  	[dreg:$0x1] =	wrdreg $0xFFFFFFFF  }
0xc2: {  	_ =	task.clear_ibuf [dreg:s7], $0x2FFFF;
	_ =	strace $0x9FFFFFFF  }
0xc3: {  	(tm) =	ssettm $0x7FFFFFFF  }
tec
execute0_lowered:
.L_overlay_start_1:
0x0: {  	(tag) =	ssettag $0x1  }
0x1: {  	s5 =	rddreg [dreg:$0x0]  }
0x2: {  	s0 =	srdreg.scid;
	s11 =	rddreg [dreg:$0x1]  }
0x3: {  	s1 =	rddreg [dreg:$0x2];
	s2 =	stileid.u32  }
0x4: {  	s3 =	simm.s32 $0x0;
	s18 =	simm.s32 $0x2;
	s19 =	simm.s32 $0x13880  }
0x5: {  	s20 =	simm.s32 $0x16080;
	s21 =	simm.s32 $0x18880;
	s22 =	simm.s32 $0x80  }
0x6: {  	s23 =	simm.s32 $0x1;
	s6 =	sand.u32 $0x1, s0;
	s0 =	rddreg [dreg:$0x3]  }
0x7: {  	[smem:$0x7FF] =	sst s3;
	s7 =	smul.u32 $0x4E000, s2;
	s14 =	sadd.s32 $0x3D600, s5  }
0x8: {  	s17 =	smul.u32 $0x13800, s2;
	s10 =	sadd.s32 $0x138000, s1;
	p0 =	sne.s32 s2, $0x0  }
0x9: {  	s4 =	sshll.u32 s6, $0x4;
	_ =	strace $0x80000047;
	s8 =	ssub.s32 $0x2, s6  }
0xa: {  	s15 =	smul.u32 $0x138800, s6;
	s4 =	sor.u32 s2, s4;
	s31 =	sshrl.u32 s8, $0x1  }
0xb: {  	s7 =	sshrl.u32 s7, $0x2;
	s12 =	smul.u32 $0x500, s4;
	s4 =	sadd.s32 $0x16400, s5  }
0xc: {  	s16 =	ssub.s32 s8, s31;
	s17 =	sadd.s32 s17, s15;
	s15 =	sshrl.u32 s15, $0x3  }
0xd: {  	s17 =	sshrl.u32 s17, $0x3;
	s15 =	sadd.s32 s14, s15;
	s16 =	smax.u32 s16, $0x1  }
0xe: {  	s13 =	sadd.s32 s12, s5;
	s5 =	sadd.s32 s7, s1;
	s11 =	sadd.s32 s11, s12  }
0xf: {  	s14 =	sadd.s32 s14, s17;
	s15 =	sadd.s32 $0x27000, s15;
	s17 =	simm.s32 $0x1B080  }
0x10: {  	s6 =	sadd.s32 $0x4000, s5;
	s7 =	sadd.s32 $0x8000, s5;
	s8 =	sadd.s32 $0xC000, s5  }
0x11: {  	v0 =	vimm.f32 $0.0e+00;
	s9 =	sadd.s32 $0x10000, s5;
	s12 =	sadd.s32 $0xC400, s13;
	s13 =	sadd.s32 $0x2400, s13  }
.LBB2_1:
0x12: {  	s24 =	simm.s32 $0x0;
	s25 =	simm.s32 $0x200  }
.LBB2_2:
0x13: {  	p1 =	sne.s32 s25, $0xFE00;
	[tilespmem:s24+$0x1B0F0] =	vst v0  }
0x14: {  	[tilespmem:s24+$0x1B080] =	vst v0  }
0x15: {  	[tilespmem:s24+$0x1B090] =	vst v0  }
.Ltmp0:
0x16: {  	[tilespmem:s24+$0x1B0A0] =	vst v0;
	(pc) =	sbr.rel @p1 .LBB2_2-.Ltmp0, $4  }
0x17: {  	[tilespmem:s24+$0x1B0B0] =	vst v0  }
0x18: {  	[tilespmem:s24+$0x1B0C0] =	vst v0  }
0x19: {  	[tilespmem:s24+$0x1B0D0] =	vst v0  }
0x1a: {  	[tilespmem:s24+$0x1B0E0] =	vst v0;
	s24 =	sshra.s32 s25, $0x2;
	s25 =	sadd.s32 $0x200, s25  }
0x1b: {  	[tilespmem:s24+$0x1B0F0] =	vst v0  }
0x1c: {  	[tilespmem:s24+$0x1B080] =	vst v0  }
0x1d: {  	[tilespmem:s24+$0x1B090] =	vst v0  }
0x1e: {  	[tilespmem:s24+$0x1B0A0] =	vst v0  }
0x1f: {  	[tilespmem:s24+$0x1B0B0] =	vst v0  }
0x20: {  	[tilespmem:s24+$0x1B0C0] =	vst v0  }
0x21: {  	[tilespmem:s24+$0x1B0D0] =	vst v0  }
0x22: {  	[tilespmem:s24+$0x1B0E0] =	vst v0  }
0x23: {  	[spmem:s5] =	stream.linear.scatter [tilespmem:s17], [sflag:$0x2], $0x4000, $0x38;
	[tilespmem:$0x1F080] =	vst v63  }
0x24: {  	_ =	swait.ge [sflag:s18], $0x4000  }
0x25: {  	[sflag:s18] =	ssyncset.done $0x0  }
0x26: {  	[sflag:s18] =	ssyncadd.s32 $0xFFFFC000  }
0x27: {  	[spmem:s6] =	stream.linear.scatter [tilespmem:s17], [sflag:$0x2], $0x4000, $0x38;
	[tilespmem:$0x1F080] =	vst v63  }
0x28: {  	_ =	swait.ge [sflag:s18], $0x4000  }
0x29: {  	[sflag:s18] =	ssyncset.done $0x0  }
0x2a: {  	[sflag:s18] =	ssyncadd.s32 $0xFFFFC000  }
0x2b: {  	[spmem:s7] =	stream.linear.scatter [tilespmem:s17], [sflag:$0x2], $0x4000, $0x38;
	[tilespmem:$0x1F080] =	vst v63  }
0x2c: {  	_ =	swait.ge [sflag:s18], $0x4000  }
0x2d: {  	[sflag:s18] =	ssyncset.done $0x0  }
0x2e: {  	[sflag:s18] =	ssyncadd.s32 $0xFFFFC000  }
0x2f: {  	[spmem:s8] =	stream.linear.scatter [tilespmem:s17], [sflag:$0x2], $0x4000, $0x38;
	[tilespmem:$0x1F080] =	vst v63  }
0x30: {  	_ =	swait.ge [sflag:s18], $0x4000  }
0x31: {  	[sflag:s18] =	ssyncset.done $0x0  }
0x32: {  	[sflag:s18] =	ssyncadd.s32 $0xFFFFC000  }
0x33: {  	[spmem:s9] =	stream.linear.scatter [tilespmem:s17], [sflag:$0x2], $0x3800, $0x38;
	[tilespmem:$0x1F080] =	vst v63  }
0x34: {  	_ =	swait.ge [sflag:s18], $0x3800  }
0x35: {  	[sflag:s18] =	ssyncset.done $0x0  }
0x36: {  	s24 =	simm.s32 @!p0 $0x1B080;
	[sflag:s18] =	ssyncadd.s32 $0xFFFFC800  }
0x37: {  	[spmem:s10] =	stream.linear.scatter @!p0 [tilespmem:s24], [sflag:$0x2], $0x800, $0x38;
	[tilespmem:$0x1F080] =	vst v63  }
0x38: {  	s24 =	simm.s32 @!p0 $0x2  }
0x39: {  	_ =	swait.ge @!p0 [sflag:s24], $0x800  }
0x3a: {  	[sflag:s24] =	ssyncset.done @!p0 $0x0  }
0x3b: {  	[sflag:s24] =	ssyncadd.s32 @!p0 $0xFFFFF800;
	s24 =	simm.s32 $0x0  }
0x3c: {  	[tilespmem:s19], [sflag:$0x2] =	stream.linear.gather [hbm4b:s11+s24], $0x2780, $0x38;
	[tilespmem:$0x1F080] =	vst v63  }
0x3d: {  	_ =	swait.ge [sflag:s18], $0x2780  }
0x3e: {  	[sflag:s18] =	ssyncset.done $0x0  }
0x3f: {  	[sflag:s18] =	ssyncadd.s32 $0xFFFFD880  }
0x40: {  	[tilespmem:s20], [sflag:$0x2] =	stream.linear.gather [hbm4b:s12+s24], $0x2780, $0x38;
	[tilespmem:$0x1F080] =	vst v63  }
0x41: {  	_ =	swait.ge [sflag:s18], $0x2780  }
0x42: {  	[sflag:s18] =	ssyncset.done $0x0  }
0x43: {  	[sflag:s18] =	ssyncadd.s32 $0xFFFFD880  }
0x44: {  	[tilespmem:s21], [sflag:$0x2] =	stream.linear.gather [hbm4b:s13+s24], $0x2780, $0x38;
	[tilespmem:$0x1F080] =	vst v63  }
0x45: {  	_ =	swait.ge [sflag:s18], $0x2780  }
0x46: {  	[sflag:s18] =	ssyncset.done $0x0  }
0x47: {  	[sflag:s18] =	ssyncadd.s32 $0xFFFFD880  }
0x48: {  	[bflag:$0x0] =	sbarrier.arrive $0xFFFF  }
.LBB2_4:
0x49: {  	s25 =	sshll.u32 s24, $0x7  }
0x4a: {  	s26 =	sadd.s32 $0x13880, s25;
	s31 =	sadd.s32 $0x18880, s25  }
0x4b: {  	[tilespmem:s17], [sflag:$0x1] =	stream.indirect.gather [hbm4b:s4+s22], $0x80, s26, s22, $0xb8;
	[tilespmem:$0x1F080] =	vst v63  }
0x4c: {  	v1 =	vmov s31;
	_ =	swait.ge [sflag:s23], $0x4000  }
0x4d: {  	[sflag:s23] =	ssyncset.done $0x0  }
0x4e: {  	s26 =	simm.s32 $0x0;
	[sflag:s23] =	ssyncadd.s32 $0xFFFFC000  }
.LBB2_5:
0x4f: {  	s28 =	sshll.u32 s26, $0x4  }
0x50: {  	s28 =	sand.u32 $0x3FFFFFF0, s28  }
0x51: {  	s31 =	sshll.u32 s26, $0xB;
	v2 =	vld.idx.msk [tilespmem:v1+s28+$0x0 ss:$0x1], $0xffff  }
0x52: {  	s28 =	sand.u32 $0x3FFFF800, s31  }
0x53: {  	v3 =	vld [tilespmem:s28+$0x1B080]  }
0x54: {  	v4 =	vld [tilespmem:s28+$0x1B090]  }
0x55: {  	v5 =	vld [tilespmem:s28+$0x1B0A0]  }
0x56: {  	v7 =	vld [tilespmem:s28+$0x1B0B0];
	v6 =	vbroadcast v2, $0x0  }
0x57: {  	v8 =	vld [tilespmem:s28+$0x1B0C0]  }
0x58: {  	v9 =	vld [tilespmem:s28+$0x1B0D0];
	v3 =	vmul.f32 v6, v3  }
0x59: {  	v10 =	vld [tilespmem:s28+$0x1B0E0];
	v4 =	vmul.f32 v4, v6  }
0x5a: {  	v24 =	vld [tilespmem:s28+$0x1B0F0];
	[tilespmem:s28+$0x1B080] =	vst v3;
	v3 =	vmul.f32 v5, v6  }
0x5b: {  	v26 =	vld [tilespmem:s28+$0x1B100];
	v25 =	vmul.f32 v7, v6;
	[tilespmem:s28+$0x1B090] =	vst v4  }
0x5c: {  	v27 =	vld [tilespmem:s28+$0x1B110];
	[tilespmem:s28+$0x1B0A0] =	vst v3;
	v3 =	vmul.f32 v8, v6  }
0x5d: {  	v29 =	vld [tilespmem:s28+$0x1B120];
	v28 =	vmul.f32 v9, v6;
	[tilespmem:s28+$0x1B0B0] =	vst v25  }
0x5e: {  	v11 =	vld [tilespmem:s28+$0x1B130];
	v30 =	vbroadcast v2, $0x1;
	[tilespmem:s28+$0x1B0C0] =	vst v3;
	v3 =	vmul.f32 v10, v6  }
0x5f: {  	v32 =	vld [tilespmem:s28+$0x1B140];
	v31 =	vmul.f32 v24, v6;
	[tilespmem:s28+$0x1B0D0] =	vst v28  }
0x60: {  	v33 =	vld [tilespmem:s28+$0x1B150];
	[tilespmem:s28+$0x1B0E0] =	vst v3;
	v3 =	vmul.f32 v26, v30  }
0x61: {  	v35 =	vld [tilespmem:s28+$0x1B160];
	v34 =	vmul.f32 v27, v30;
	[tilespmem:s28+$0x1B0F0] =	vst v31  }
0x62: {  	v36 =	vld [tilespmem:s28+$0x1B170];
	[tilespmem:s28+$0x1B100] =	vst v3;
	v3 =	vmul.f32 v29, v30  }
0x63: {  	v38 =	vld [tilespmem:s28+$0x1B180];
	v37 =	vmul.f32 v11, v30;
	[tilespmem:s28+$0x1B110] =	vst v34  }
0x64: {  	v39 =	vld [tilespmem:s28+$0x1B190];
	[tilespmem:s28+$0x1B120] =	vst v3;
	v3 =	vmul.f32 v32, v30  }
0x65: {  	v41 =	vld [tilespmem:s28+$0x1B1A0];
	v40 =	vmul.f32 v33, v30;
	[tilespmem:s28+$0x1B130] =	vst v37  }
0x66: {  	v43 =	vld [tilespmem:s28+$0x1B1B0];
	v42 =	vbroadcast v2, $0x2;
	[tilespmem:s28+$0x1B140] =	vst v3;
	v3 =	vmul.f32 v35, v30  }
0x67: {  	v45 =	vld [tilespmem:s28+$0x1B1C0];
	v44 =	vmul.f32 v36, v30;
	[tilespmem:s28+$0x1B150] =	vst v40  }
0x68: {  	v46 =	vld [tilespmem:s28+$0x1B1D0];
	[tilespmem:s28+$0x1B160] =	vst v3;
	v3 =	vmul.f32 v38, v42  }
0x69: {  	v48 =	vld [tilespmem:s28+$0x1B1E0];
	v47 =	vmul.f32 v39, v42;
	[tilespmem:s28+$0x1B170] =	vst v44  }
0x6a: {  	v49 =	vld [tilespmem:s28+$0x1B1F0];
	[tilespmem:s28+$0x1B180] =	vst v3;
	v3 =	vmul.f32 v41, v42  }
0x6b: {  	v51 =	vld [tilespmem:s28+$0x1B200];
	v50 =	vmul.f32 v43, v42;
	[tilespmem:s28+$0x1B190] =	vst v47  }
0x6c: {  	v52 =	vld [tilespmem:s28+$0x1B210];
	[tilespmem:s28+$0x1B1A0] =	vst v3;
	v3 =	vmul.f32 v45, v42  }
0x6d: {  	v54 =	vld [tilespmem:s28+$0x1B220];
	v53 =	vmul.f32 v46, v42;
	[tilespmem:s28+$0x1B1B0] =	vst v50  }
0x6e: {  	v56 =	vld [tilespmem:s28+$0x1B230];
	v55 =	vbroadcast v2, $0x3;
	[tilespmem:s28+$0x1B1C0] =	vst v3;
	v3 =	vmul.f32 v48, v42  }
0x6f: {  	v58 =	vld [tilespmem:s28+$0x1B240];
	v57 =	vmul.f32 v49, v42;
	[tilespmem:s28+$0x1B1D0] =	vst v53  }
0x70: {  	v59 =	vld [tilespmem:s28+$0x1B250];
	[tilespmem:s28+$0x1B1E0] =	vst v3;
	v3 =	vmul.f32 v51, v55  }
0x71: {  	v61 =	vld [tilespmem:s28+$0x1B260];
	v60 =	vmul.f32 v52, v55;
	[tilespmem:s28+$0x1B1F0] =	vst v57  }
0x72: {  	v62 =	vld [tilespmem:s28+$0x1B270];
	[tilespmem:s28+$0x1B200] =	vst v3;
	v3 =	vmul.f32 v54, v55  }
0x73: {  	v12 =	vld [tilespmem:s28+$0x1B280];
	v63 =	vmul.f32 v56, v55;
	[tilespmem:s28+$0x1B210] =	vst v60  }
0x74: {  	v13 =	vld [tilespmem:s28+$0x1B290];
	[tilespmem:s28+$0x1B220] =	vst v3;
	v3 =	vmul.f32 v58, v55  }
0x75: {  	v15 =	vld [tilespmem:s28+$0x1B2A0];
	v14 =	vmul.f32 v59, v55;
	[tilespmem:s28+$0x1B230] =	vst v63  }
0x76: {  	v17 =	vld [tilespmem:s28+$0x1B2B0];
	v16 =	vbroadcast v2, $0x4;
	[tilespmem:s28+$0x1B240] =	vst v3;
	v3 =	vmul.f32 v61, v55  }
0x77: {  	v19 =	vld [tilespmem:s28+$0x1B2C0];
	v18 =	vmul.f32 v62, v55;
	[tilespmem:s28+$0x1B250] =	vst v14  }
0x78: {  	v20 =	vld [tilespmem:s28+$0x1B2D0];
	[tilespmem:s28+$0x1B260] =	vst v3;
	v3 =	vmul.f32 v12, v16  }
0x79: {  	v22 =	vld [tilespmem:s28+$0x1B2E0];
	v21 =	vmul.f32 v13, v16;
	[tilespmem:s28+$0x1B270] =	vst v18  }
0x7a: {  	v23 =	vld [tilespmem:s28+$0x1B2F0];
	[tilespmem:s28+$0x1B280] =	vst v3;
	v3 =	vmul.f32 v15, v16  }
0x7b: {  	v24 =	vmul.f32 v17, v16;
	[tilespmem:s28+$0x1B290] =	vst v21;
	v25 =	vld [tilespmem:s28+$0x1B300]  }
0x7c: {  	v33 =	vld [tilespmem:s28+$0x1B350];
	[tilespmem:s28+$0x1B2A0] =	vst v3;
	v3 =	vmul.f32 v19, v16  }
0x7d: {  	v27 =	vmul.f32 v20, v16;
	[tilespmem:s28+$0x1B2B0] =	vst v24;
	v28 =	vld [tilespmem:s28+$0x1B320]  }
0x7e: {  	v36 =	vld [tilespmem:s28+$0x1B370];
	v29 =	vbroadcast v2, $0x5;
	[tilespmem:s28+$0x1B2C0] =	vst v3;
	v3 =	vmul.f32 v22, v16  }
0x7f: {  	[tilespmem:s28+$0x1B2D0] =	vst v27;
	v31 =	vmul.f32 v23, v16;
	v32 =	vld [tilespmem:s28+$0x1B340]  }
0x80: {  	v26 =	vld [tilespmem:s28+$0x1B310];
	[tilespmem:s28+$0x1B2E0] =	vst v3;
	v3 =	vmul.f32 v25, v29  }
0x81: {  	[tilespmem:s28+$0x1B2F0] =	vst v31;
	v40 =	vmul.f32 v33, v29;
	v35 =	vld [tilespmem:s28+$0x1B360]  }
0x82: {  	v30 =	vld [tilespmem:s28+$0x1B330];
	[tilespmem:s28+$0x1B300] =	vst v3;
	v3 =	vmul.f32 v28, v29  }
0x83: {  	v44 =	vmul.f32 v36, v29;
	[tilespmem:s28+$0x1B350] =	vst v40;
	v38 =	vld [tilespmem:s28+$0x1B380]  }
0x84: {  	v39 =	vld [tilespmem:s28+$0x1B390];
	[tilespmem:s28+$0x1B320] =	vst v3;
	v3 =	vmul.f32 v32, v29  }
0x85: {  	v34 =	vmul.f32 v26, v29;
	[tilespmem:s28+$0x1B370] =	vst v44;
	v41 =	vld [tilespmem:s28+$0x1B3A0]  }
0x86: {  	v43 =	vld [tilespmem:s28+$0x1B3B0];
	v42 =	vbroadcast v2, $0x6;
	[tilespmem:s28+$0x1B340] =	vst v3;
	v3 =	vmul.f32 v35, v29  }
0x87: {  	[tilespmem:s28+$0x1B310] =	vst v34;
	v37 =	vmul.f32 v30, v29;
	v45 =	vld [tilespmem:s28+$0x1B3C0]  }
0x88: {  	v46 =	vld [tilespmem:s28+$0x1B3D0];
	[tilespmem:s28+$0x1B360] =	vst v3;
	v3 =	vmul.f32 v38, v42  }
0x89: {  	[tilespmem:s28+$0x1B330] =	vst v37;
	v48 =	vld [tilespmem:s28+$0x1B3E0];
	v47 =	vmul.f32 v39, v42  }
0x8a: {  	v49 =	vld [tilespmem:s28+$0x1B3F0];
	[tilespmem:s28+$0x1B380] =	vst v3;
	v3 =	vmul.f32 v41, v42  }
0x8b: {  	v50 =	vmul.f32 v43, v42;
	v51 =	vld [tilespmem:s28+$0x1B400];
	[tilespmem:s28+$0x1B390] =	vst v47  }
0x8c: {  	v52 =	vld [tilespmem:s28+$0x1B410];
	[tilespmem:s28+$0x1B3A0] =	vst v3;
	v3 =	vmul.f32 v45, v42  }
0x8d: {  	v53 =	vmul.f32 v46, v42;
	[tilespmem:s28+$0x1B3B0] =	vst v50;
	v54 =	vld [tilespmem:s28+$0x1B420]  }
0x8e: {  	v56 =	vld [tilespmem:s28+$0x1B430];
	v55 =	vbroadcast v2, $0x7;
	[tilespmem:s28+$0x1B3C0] =	vst v3;
	v3 =	vmul.f32 v48, v42  }
0x8f: {  	v57 =	vmul.f32 v49, v42;
	[tilespmem:s28+$0x1B3D0] =	vst v53;
	v58 =	vld [tilespmem:s28+$0x1B440]  }
0x90: {  	v59 =	vld [tilespmem:s28+$0x1B450];
	[tilespmem:s28+$0x1B3E0] =	vst v3;
	v3 =	vmul.f32 v51, v55  }
0x91: {  	[tilespmem:s28+$0x1B3F0] =	vst v57;
	v61 =	vld [tilespmem:s28+$0x1B460];
	v60 =	vmul.f32 v52, v55  }
0x92: {  	v62 =	vld [tilespmem:s28+$0x1B470];
	[tilespmem:s28+$0x1B400] =	vst v3;
	v3 =	vmul.f32 v54, v55  }
0x93: {  	v63 =	vmul.f32 v56, v55;
	v12 =	vld [tilespmem:s28+$0x1B480];
	[tilespmem:s28+$0x1B410] =	vst v60  }
0x94: {  	v13 =	vld [tilespmem:s28+$0x1B490];
	[tilespmem:s28+$0x1B420] =	vst v3;
	v3 =	vmul.f32 v58, v55  }
0x95: {  	v14 =	vmul.f32 v59, v55;
	[tilespmem:s28+$0x1B430] =	vst v63;
	v15 =	vld [tilespmem:s28+$0x1B4A0]  }
0x96: {  	v17 =	vld [tilespmem:s28+$0x1B4B0];
	v16 =	vbroadcast v2, $0x8;
	[tilespmem:s28+$0x1B440] =	vst v3;
	v3 =	vmul.f32 v61, v55  }
0x97: {  	v18 =	vmul.f32 v62, v55;
	[tilespmem:s28+$0x1B450] =	vst v14;
	v19 =	vld [tilespmem:s28+$0x1B4C0]  }
0x98: {  	v20 =	vld [tilespmem:s28+$0x1B4D0];
	[tilespmem:s28+$0x1B460] =	vst v3;
	v3 =	vmul.f32 v12, v16  }
0x99: {  	[tilespmem:s28+$0x1B470] =	vst v18;
	v22 =	vld [tilespmem:s28+$0x1B4E0];
	v21 =	vmul.f32 v13, v16  }
0x9a: {  	v23 =	vld [tilespmem:s28+$0x1B4F0];
	[tilespmem:s28+$0x1B480] =	vst v3;
	v3 =	vmul.f32 v15, v16  }
0x9b: {  	v24 =	vmul.f32 v17, v16;
	v25 =	vld [tilespmem:s28+$0x1B500];
	[tilespmem:s28+$0x1B490] =	vst v21  }
0x9c: {  	v26 =	vld [tilespmem:s28+$0x1B510];
	[tilespmem:s28+$0x1B4A0] =	vst v3;
	v3 =	vmul.f32 v19, v16  }
0x9d: {  	v27 =	vmul.f32 v20, v16;
	[tilespmem:s28+$0x1B4B0] =	vst v24;
	v28 =	vld [tilespmem:s28+$0x1B520]  }
0x9e: {  	v30 =	vld [tilespmem:s28+$0x1B530];
	v29 =	vbroadcast v2, $0x9;
	[tilespmem:s28+$0x1B4C0] =	vst v3;
	v3 =	vmul.f32 v22, v16  }
0x9f: {  	v31 =	vmul.f32 v23, v16;
	[tilespmem:s28+$0x1B4D0] =	vst v27;
	v32 =	vld [tilespmem:s28+$0x1B540]  }
0xa0: {  	v33 =	vld [tilespmem:s28+$0x1B550];
	[tilespmem:s28+$0x1B4E0] =	vst v3;
	v3 =	vmul.f32 v25, v29  }
0xa1: {  	[tilespmem:s28+$0x1B4F0] =	vst v31;
	v35 =	vld [tilespmem:s28+$0x1B560];
	v34 =	vmul.f32 v26, v29  }
0xa2: {  	v36 =	vld [tilespmem:s28+$0x1B570];
	[tilespmem:s28+$0x1B500] =	vst v3;
	v3 =	vmul.f32 v28, v29  }
0xa3: {  	v37 =	vmul.f32 v30, v29;
	v38 =	vld [tilespmem:s28+$0x1B580];
	[tilespmem:s28+$0x1B510] =	vst v34  }
0xa4: {  	v39 =	vld [tilespmem:s28+$0x1B590];
	[tilespmem:s28+$0x1B520] =	vst v3;
	v3 =	vmul.f32 v32, v29  }
0xa5: {  	v40 =	vmul.f32 v33, v29;
	[tilespmem:s28+$0x1B530] =	vst v37;
	v41 =	vld [tilespmem:s28+$0x1B5A0]  }
0xa6: {  	v43 =	vld [tilespmem:s28+$0x1B5B0];
	v42 =	vbroadcast v2, $0xA;
	[tilespmem:s28+$0x1B540] =	vst v3;
	v3 =	vmul.f32 v35, v29  }
0xa7: {  	v44 =	vmul.f32 v36, v29;
	[tilespmem:s28+$0x1B550] =	vst v40;
	v45 =	vld [tilespmem:s28+$0x1B5C0]  }
0xa8: {  	v46 =	vld [tilespmem:s28+$0x1B5D0];
	[tilespmem:s28+$0x1B560] =	vst v3;
	v3 =	vmul.f32 v38, v42  }
0xa9: {  	[tilespmem:s28+$0x1B570] =	vst v44;
	v48 =	vld [tilespmem:s28+$0x1B5E0];
	v47 =	vmul.f32 v39, v42  }
0xaa: {  	v49 =	vld [tilespmem:s28+$0x1B5F0];
	[tilespmem:s28+$0x1B580] =	vst v3;
	v3 =	vmul.f32 v41, v42  }
0xab: {  	v50 =	vmul.f32 v43, v42;
	v51 =	vld [tilespmem:s28+$0x1B600];
	[tilespmem:s28+$0x1B590] =	vst v47  }
0xac: {  	v52 =	vld [tilespmem:s28+$0x1B610];
	[tilespmem:s28+$0x1B5A0] =	vst v3;
	v3 =	vmul.f32 v45, v42  }
0xad: {  	v53 =	vmul.f32 v46, v42;
	[tilespmem:s28+$0x1B5B0] =	vst v50;
	v54 =	vld [tilespmem:s28+$0x1B620]  }
0xae: {  	v56 =	vld [tilespmem:s28+$0x1B630];
	v55 =	vbroadcast v2, $0xB;
	[tilespmem:s28+$0x1B5C0] =	vst v3;
	v3 =	vmul.f32 v48, v42  }
0xaf: {  	v57 =	vmul.f32 v49, v42;
	[tilespmem:s28+$0x1B5D0] =	vst v53;
	v58 =	vld [tilespmem:s28+$0x1B640]  }
0xb0: {  	v59 =	vld [tilespmem:s28+$0x1B650];
	[tilespmem:s28+$0x1B5E0] =	vst v3;
	v3 =	vmul.f32 v51, v55  }
0xb1: {  	[tilespmem:s28+$0x1B5F0] =	vst v57;
	v61 =	vld [tilespmem:s28+$0x1B660];
	v60 =	vmul.f32 v52, v55  }
0xb2: {  	v62 =	vld [tilespmem:s28+$0x1B670];
	[tilespmem:s28+$0x1B600] =	vst v3;
	v3 =	vmul.f32 v54, v55  }
0xb3: {  	v63 =	vmul.f32 v56, v55;
	v12 =	vld [tilespmem:s28+$0x1B680];
	[tilespmem:s28+$0x1B610] =	vst v60  }
0xb4: {  	v13 =	vld [tilespmem:s28+$0x1B690];
	[tilespmem:s28+$0x1B620] =	vst v3;
	v3 =	vmul.f32 v58, v55  }
0xb5: {  	v14 =	vmul.f32 v59, v55;
	[tilespmem:s28+$0x1B630] =	vst v63;
	v15 =	vld [tilespmem:s28+$0x1B6A0]  }
0xb6: {  	v17 =	vld [tilespmem:s28+$0x1B6B0];
	v16 =	vbroadcast v2, $0xC;
	[tilespmem:s28+$0x1B640] =	vst v3;
	v3 =	vmul.f32 v61, v55  }
0xb7: {  	v18 =	vmul.f32 v62, v55;
	[tilespmem:s28+$0x1B650] =	vst v14;
	v19 =	vld [tilespmem:s28+$0x1B6C0]  }
0xb8: {  	v20 =	vld [tilespmem:s28+$0x1B6D0];
	[tilespmem:s28+$0x1B660] =	vst v3;
	v3 =	vmul.f32 v12, v16  }
0xb9: {  	[tilespmem:s28+$0x1B670] =	vst v18;
	v22 =	vld [tilespmem:s28+$0x1B6E0];
	v21 =	vmul.f32 v13, v16  }
0xba: {  	v23 =	vld [tilespmem:s28+$0x1B6F0];
	[tilespmem:s28+$0x1B680] =	vst v3;
	v3 =	vmul.f32 v15, v16  }
0xbb: {  	v24 =	vmul.f32 v17, v16;
	v25 =	vld [tilespmem:s28+$0x1B700];
	[tilespmem:s28+$0x1B690] =	vst v21  }
0xbc: {  	v26 =	vld [tilespmem:s28+$0x1B710];
	[tilespmem:s28+$0x1B6A0] =	vst v3;
	v3 =	vmul.f32 v19, v16  }
0xbd: {  	v27 =	vmul.f32 v20, v16;
	[tilespmem:s28+$0x1B6B0] =	vst v24;
	v28 =	vld [tilespmem:s28+$0x1B720]  }
0xbe: {  	v30 =	vld [tilespmem:s28+$0x1B730];
	v29 =	vbroadcast v2, $0xD;
	[tilespmem:s28+$0x1B6C0] =	vst v3;
	v3 =	vmul.f32 v22, v16  }
0xbf: {  	v31 =	vmul.f32 v23, v16;
	[tilespmem:s28+$0x1B6D0] =	vst v27;
	v32 =	vld [tilespmem:s28+$0x1B740]  }
0xc0: {  	v33 =	vld [tilespmem:s28+$0x1B750];
	[tilespmem:s28+$0x1B6E0] =	vst v3;
	v3 =	vmul.f32 v25, v29  }
0xc1: {  	[tilespmem:s28+$0x1B6F0] =	vst v31;
	v35 =	vld [tilespmem:s28+$0x1B760];
	v34 =	vmul.f32 v26, v29  }
0xc2: {  	v36 =	vld [tilespmem:s28+$0x1B770];
	[tilespmem:s28+$0x1B700] =	vst v3;
	v3 =	vmul.f32 v28, v29  }
0xc3: {  	v37 =	vmul.f32 v30, v29;
	v38 =	vld [tilespmem:s28+$0x1B780];
	[tilespmem:s28+$0x1B710] =	vst v34  }
0xc4: {  	v39 =	vld [tilespmem:s28+$0x1B790];
	[tilespmem:s28+$0x1B720] =	vst v3;
	v3 =	vmul.f32 v32, v29  }
0xc5: {  	v40 =	vmul.f32 v33, v29;
	[tilespmem:s28+$0x1B730] =	vst v37;
	v41 =	vld [tilespmem:s28+$0x1B7A0]  }
0xc6: {  	v43 =	vld [tilespmem:s28+$0x1B7B0];
	v42 =	vbroadcast v2, $0xE;
	[tilespmem:s28+$0x1B740] =	vst v3;
	v3 =	vmul.f32 v35, v29  }
0xc7: {  	v44 =	vmul.f32 v36, v29;
	[tilespmem:s28+$0x1B750] =	vst v40;
	v45 =	vld [tilespmem:s28+$0x1B7C0]  }
0xc8: {  	v46 =	vld [tilespmem:s28+$0x1B7D0];
	[tilespmem:s28+$0x1B760] =	vst v3;
	v3 =	vmul.f32 v38, v42  }
0xc9: {  	[tilespmem:s28+$0x1B770] =	vst v44;
	v48 =	vld [tilespmem:s28+$0x1B7E0];
	v47 =	vmul.f32 v39, v42  }
0xca: {  	v49 =	vld [tilespmem:s28+$0x1B7F0];
	[tilespmem:s28+$0x1B780] =	vst v3;
	v3 =	vmul.f32 v41, v42  }
0xcb: {  	v50 =	vmul.f32 v43, v42;
	v51 =	vld [tilespmem:s28+$0x1B800];
	[tilespmem:s28+$0x1B790] =	vst v47  }
0xcc: {  	v52 =	vld [tilespmem:s28+$0x1B810];
	[tilespmem:s28+$0x1B7A0] =	vst v3;
	v3 =	vmul.f32 v45, v42  }
0xcd: {  	v53 =	vmul.f32 v46, v42;
	[tilespmem:s28+$0x1B7B0] =	vst v50;
	v54 =	vld [tilespmem:s28+$0x1B820]  }
0xce: {  	v2 =	vbroadcast v2, $0xF;
	v58 =	vld [tilespmem:s28+$0x1B850];
	[tilespmem:s28+$0x1B7C0] =	vst v3;
	v3 =	vmul.f32 v48, v42  }
0xcf: {  	v57 =	vld [tilespmem:s28+$0x1B840];
	v56 =	vmul.f32 v49, v42;
	[tilespmem:s28+$0x1B7D0] =	vst v53  }
0xd0: {  	v55 =	vld [tilespmem:s28+$0x1B830];
	[tilespmem:s28+$0x1B7E0] =	vst v3;
	v3 =	vmul.f32 v51, v2  }
0xd1: {  	v60 =	vld [tilespmem:s28+$0x1B860];
	v59 =	vmul.f32 v52, v2;
	[tilespmem:s28+$0x1B7F0] =	vst v56  }
0xd2: {  	v61 =	vld [tilespmem:s28+$0x1B870];
	[tilespmem:s28+$0x1B800] =	vst v3;
	v3 =	vmul.f32 v54, v2  }
0xd3: {  	[tilespmem:s28+$0x1B810] =	vst v59;
	v63 =	vmul.f32 v58, v2  }
0xd4: {  	p1 =	sne.s32 s26, $0x7;
	[tilespmem:s28+$0x1B820] =	vst v3;
	v3 =	vmul.f32 v57, v2  }
.Ltmp1:
0xd5: {  	v62 =	vmul.f32 v55, v2;
	[tilespmem:s28+$0x1B850] =	vst v63;
	(pc) =	sbr.rel @p1 .LBB2_5-.Ltmp1, $4  }
0xd6: {  	[tilespmem:s28+$0x1B840] =	vst v3;
	v3 =	vmul.f32 v60, v2  }
0xd7: {  	[tilespmem:s28+$0x1B830] =	vst v62;
	v2 =	vmul.f32 v61, v2  }
0xd8: {  	[tilespmem:s28+$0x1B860] =	vst v3  }
0xd9: {  	s26 =	sadd.s32 $0x1, s26;
	[tilespmem:s28+$0x1B870] =	vst v2  }
0xda: {  	s24 =	sadd.s32 $0x1, s24  }
0xdb: {  	p1 =	sne.s32 s24, $0x4F  }
.Ltmp2:
0xdc: {  	s25 =	sadd.s32 $0x16080, s25;
	(pc) =	sbr.rel @p1 .LBB2_4-.Ltmp2, $4  }
0xdd: {  	[spmem:s1] =	stream.indirect.scatter.add.f32 [tilespmem:s17], [sflag:$0x2], $0x80, s25, s22, $0xb8;
	[tilespmem:$0x1F080] =	vst v63  }
0xde: {  	_ =	swait.ge [sflag:s18], $0x4000  }
0xdf: {  	[sflag:s18] =	ssyncset.done $0x0  }
0xe0: {  	[sflag:s18] =	ssyncadd.s32 $0xFFFFC000  }
0xe1: {  	s24 =	sshll.u32 s2, $0x6  }
0xe2: {  	[bflag:$0x0] =	sbarrier.arrive $0xFFFF;
	s25 =	sshrl.u32 s5, $0x3;
	s24 =	sor.u32 $0x1C02, s24  }
0xe3: {  	[hbm:s14], [sflag:s24] =	dma.local [spmem:s25], $0x2700  }
0xe4: {  	_ =	swait.ge [sflag:s18], $0x2700  }
0xe5: {  	s3 =	sadd.s32 $0x1, s3;
	[sflag:s18] =	ssyncset.done $0x0  }
0xe6: {  	p1 =	sne.s32 s3, s16;
	s25 =	sshrl.u32 @!p0 s10, $0x3;
	[sflag:s18] =	ssyncadd.s32 $0xFFFFD900  }
0xe7: {  	[hbm:s15], [sflag:s24] =	dma.local @!p0 [spmem:s25], $0x100  }
.Ltmp3:
0xe8: {  	_ = 	snop;
	(pc) =	sbr.rel @p1 .LBB2_1-.Ltmp3, $4  }
0xe9: {  	s24 =	simm.s32 @!p0 $0x2  }
0xea: {  	_ =	swait.ge @!p0 [sflag:s24], $0x100  }
0xeb: {  	[sflag:s24] =	ssyncset.done @!p0 $0x0  }
0xec: {  	[sflag:s24] =	ssyncadd.s32 @!p0 $0xFFFFFF00  }
0xed: {  	_ =	sfence.sel $0x180000  }
0xee: {  	[bflag:$0x0] =	sbarrier.arrive $0xFFFF  }
0xef: {  	_ =	strace $0x90000047  }
0xf0: {  	s0 =	sadd.s32 @!p0 $0x100000, s0;
	[bflag:$0x2] =	sbarrier.arrive $0xFFFF  }
0xf1: {  	[sflag:s0] =	ssyncadd.tile.s32 @!p0 $0x1;
	_ =	shalt  }
.Lfunc_end2:
_tile_overlayer_lowered:
.L_overlay_start_2:
0xf2: {  	(tag) =	ssettag $0x2  }
0xf3: {  	s0 =	rddreg [dreg:$0x0];
	s2 =	stileid.u32  }
0xf4: {  	s1 =	rddreg [dreg:$0x1];
	p0 =	sne.s32 s2, $0x0  }
0xf5: {  	s3 =	rddreg [dreg:$0x2];
	[bflag:$0x3] =	sbarrier.arrive $0xFFFF;
	s2 =	simm.s32 @!p0 $0x1C02  }
0xf6: {  	[timem:s3], [sflag:s2] =	dma.local @!p0 [hbm:s0], s1  }
0xf7: {  	s0 =	simm.s32 @!p0 $0x2  }
0xf8: {  	_ =	swait.ge @!p0 [sflag:s0], s1  }
0xf9: {  	s1 =	ssub.s32 @!p0 $0x0, s1;
	[sflag:s0] =	ssyncset.done @!p0 $0x0  }
0xfa: {  	[sflag:s0] =	ssyncadd.s32 @!p0 s1  }
0xfb: {  	[bflag:$0x3] =	sbarrier.arrive $0xFFFF  }
0xfc: {  	_ =	shalt  }

// kernel: segsum_l2.3.cloned.1.call-start
scs
__scs_entry_jumppad:
0x0: {  	(pc) =	sbr.rel $0x88, $3  }
0x1: {  	(tag) =	ssettag $0x0;
	lr =	simm.s32 $0x1  }
0x2: {  	[smem:$0x3F95] =	sst lr;
	_ =	strace $0xD0000000  }
0x3: {  	_ = 	snop  }
0x4: {  	_ = 	snop  }
0x5: {  	_ = 	snop  }
0x6: {  	_ = 	snop  }
0x7: {  	_ = 	snop  }
__scs_overlays_trampoline_lowered:
0x8: {  	[smem:$0x3FA4] =	sst s0  }
0x9: {  	[smem:$0x3FA5] =	sst s1  }
0xa: {  	[smem:$0x3FA6] =	sst s2  }
0xb: {  	[smem:$0x3FA7] =	sst s3  }
0xc: {  	[smem:$0x3FA8] =	sst s4  }
0xd: {  	[smem:$0x3FA9] =	sst s5  }
0xe: {  	[smem:$0x3FAA] =	sst s6  }
0xf: {  	[smem:$0x3FAB] =	sst s7  }
0x10: {  	[smem:$0x3FAC] =	sst s8  }
0x11: {  	[smem:$0x3FAD] =	sst s9;
	s0 =	simm.s32 @!p0 $0x0  }
0x12: {  	s1 =	sld [smem:$0x3F93];
	s0 =	simm.s32 @p0 $0x1  }
0x13: {  	[smem:$0x3FAE] =	sst s0;
	s0 =	simm.s32 @!p1 $0x0  }
0x14: {  	s2 =	sld [smem:$0x3F92];
	s0 =	simm.s32 @p1 $0x1  }
0x15: {  	[smem:$0x3FAF] =	sst s0;
	s0 =	simm.s32 @!p2 $0x0  }
0x16: {  	s3 =	sld [smem:$0x3FDB];
	s0 =	simm.s32 @p2 $0x1  }
0x17: {  	s4 =	simm.s32 $0x1BF5;
	[smem:$0x3FB1] =	sst s0  }
0x18: {  	s0 =	sld [smem:$0x3F94];
	_ =	swait.ge [sflag:s4], $0x0  }
0x19: {  	s7 =	sld [smem:$0x3F95]  }
0x1a: {  	s8 =	sadd.s32 $0xFFFFE003, lr  }
0x1b: {  	s9 =	sadd.s32 $0xFFFFFEF7, lr;
	s5 =	simm.s32 $0xFFFFFFFF;
	p2 =	slt.u32 s8, $0xFFFFF086  }
0x1c: {  	p1 =	slt.u32 s9, $0xF7A;
	s5 =	simm.s32 @!p2 $0x0  }
0x1d: {  	s5 =	simm.s32 @p1 $0x1;
	p0 =	seq.s32 s7, s2  }
0x1e: {  	s7 =	smul.u32 @!p0 $0xF7A, s2;
	p2 =	seq.s32 @!p0 s5, $0x0  }
0x1f: {  	s9 =	smul.u32 $0xF7A, s1;
	s8 =	simm.s32 @!p0 $0x1BF5;
	p2 =	por !p2, p0  }
0x20: {  	[sflag:s8] =	ssyncset.s32 @!p0 $0xFFFFF086;
	s6 =	sadd.s32 @!p0 s3, s7;
	s7 =	simm.s32 @!p0 $0x108  }
0x21: {  	s3 =	sadd.s32 s3, s9;
	s6 =	sadd.s32 @!p0 $0x88, s6;
	s7 =	simm.s32 @p2 $0x1082  }
0x22: {  	[simem:s7], [sflag:s8] =	dma.local @!p0 [hbm:s6], $0xF7A  }
0x23: {  	s9 =	sor.u32 $0xD0000000, s2;
	s6 =	simm.s32 $0x108;
	_ =	swait.ge @!p0 [sflag:s8], $0x0  }
0x24: {  	s3 =	sadd.s32 $0x88, s3;
	s6 =	simm.s32 @!p1 $0x1082;
	[sflag:s4] =	ssyncset.s32 $0xFFFFF086  }
0x25: {  	[simem:s6], [sflag:s4] =	dma.local [hbm:s3], $0xF7A  }
0x26: {  	[smem:$0x3F95] =	sst s1;
	(tag) =	ssettag s2;
	_ =	strace s9  }
0x27: {  	s1 =	sld [smem:$0x3FA5]  }
0x28: {  	s2 =	sld [smem:$0x3FA6]  }
0x29: {  	s4 =	sld [smem:$0x3FA8]  }
0x2a: {  	p0 =	seq.s32 s5, $0x0;
	s5 =	sld [smem:$0x3FA9]  }
0x2b: {  	s6 =	sld [smem:$0x3FAA]  }
0x2c: {  	s7 =	sld [smem:$0x3FAB]  }
0x2d: {  	s3 =	simm.s32 $0x108;
	s8 =	sld [smem:$0x3FAC]  }
0x2e: {  	s3 =	simm.s32 @!p0 $0x1082;
	s9 =	sld [smem:$0x3FAD]  }
0x2f: {  	lr =	sadd.s32 s0, s3;
	s0 =	sld [smem:$0x3FA4]  }
0x30: {  	s3 =	sld [smem:$0x3FA7]  }
0x31: {  	[smem:$0x3FB0] =	sst s10  }
0x32: {  	s10 =	sld [smem:$0x3FAE];
	_ =	sdelay $0x3  }
0x33: {  	p0 =	seq.s32 s10, $0x1;
	s10 =	sld [smem:$0x3FB0];
	_ =	sdelay $0x3  }
0x34: {  	[smem:$0x3FB0] =	sst s10  }
0x35: {  	s10 =	sld [smem:$0x3FAF];
	_ =	sdelay $0x3  }
0x36: {  	p1 =	seq.s32 s10, $0x1;
	s10 =	sld [smem:$0x3FB0];
	_ =	sdelay $0x3  }
0x37: {  	[smem:$0x3FB0] =	sst s10  }
0x38: {  	s10 =	sld [smem:$0x3FB1]  }
0x39: {  	_ = 	snop;
	(pc) =	sbr.ind lr, $3  }
0x3a: {  	_ = 	snop  }
0x3b: {  	_ = 	snop  }
0x3c: {  	p2 =	seq.s32 s10, $0x1;
	s10 =	sld [smem:$0x3FB0]  }
0x3d: {  	_ =	shalt  }
0x3e: {  	_ =	shalt  }
0x3f: {  	_ =	shalt  }
0x40: {  	_ =	shalt  }
0x41: {  	_ =	shalt  }
0x42: {  	_ =	shalt  }
0x43: {  	_ =	shalt  }
0x44: {  	_ =	shalt  }
0x45: {  	_ =	shalt  }
0x46: {  	_ =	shalt  }
0x47: {  	_ =	shalt  }
0x48: {  	_ =	shalt  }
0x49: {  	_ =	shalt  }
0x4a: {  	_ =	shalt  }
0x4b: {  	_ =	shalt  }
0x4c: {  	_ =	shalt  }
0x4d: {  	_ =	shalt  }
0x4e: {  	_ =	shalt  }
0x4f: {  	_ =	shalt  }
0x50: {  	_ =	shalt  }
0x51: {  	_ =	shalt  }
0x52: {  	_ =	shalt  }
0x53: {  	_ =	shalt  }
0x54: {  	_ =	shalt  }
0x55: {  	_ =	shalt  }
0x56: {  	_ =	shalt  }
0x57: {  	_ =	shalt  }
0x58: {  	_ =	shalt  }
0x59: {  	_ =	shalt  }
0x5a: {  	_ =	shalt  }
0x5b: {  	_ =	shalt  }
0x5c: {  	_ =	shalt  }
0x5d: {  	_ =	shalt  }
0x5e: {  	_ =	shalt  }
0x5f: {  	_ =	shalt  }
0x60: {  	_ =	shalt  }
0x61: {  	_ =	shalt  }
0x62: {  	_ =	shalt  }
0x63: {  	_ =	shalt  }
0x64: {  	_ =	shalt  }
0x65: {  	_ =	shalt  }
0x66: {  	_ =	shalt  }
0x67: {  	_ =	shalt  }
0x68: {  	_ =	shalt  }
0x69: {  	_ =	shalt  }
0x6a: {  	_ =	shalt  }
0x6b: {  	_ =	shalt  }
0x6c: {  	_ =	shalt  }
0x6d: {  	_ =	shalt  }
0x6e: {  	_ =	shalt  }
0x6f: {  	_ =	shalt  }
0x70: {  	_ =	shalt  }
0x71: {  	_ =	shalt  }
0x72: {  	_ =	shalt  }
0x73: {  	_ =	shalt  }
0x74: {  	_ =	shalt  }
0x75: {  	_ =	shalt  }
0x76: {  	_ =	shalt  }
0x77: {  	_ =	shalt  }
0x78: {  	_ =	shalt  }
0x79: {  	_ =	shalt  }
0x7a: {  	_ =	shalt  }
0x7b: {  	_ =	shalt  }
0x7c: {  	_ =	shalt  }
0x7d: {  	_ =	shalt  }
0x7e: {  	_ =	shalt  }
0x7f: {  	_ =	shalt  }
0x80: {  	_ =	shalt  }
0x81: {  	_ =	shalt  }
0x82: {  	_ =	shalt  }
0x83: {  	_ =	shalt  }
0x84: {  	_ =	shalt  }
0x85: {  	_ =	shalt  }
0x86: {  	_ =	shalt  }
0x87: {  	_ =	shalt  }
.Lfunc_end0:
.L_simem_size_0:
called_computation.1_lowered:
.L_overlay_start_0:
0x88: {  	s2 =	sld [smem:$0x3FD9]  }
0x89: {  	s3 =	sld [smem:$0x3FFE];
	_ =	sdelay $0x1  }
0x8a: {  	s1 =	srdreg.scid  }
0x8b: {  	s0 =	sand.u32 $0x1, s1  }
0x8c: {  	s17 =	sshll.u32 s0, $0xA;
	s2 =	sadd.s32 s3, s2  }
0x8d: {  	s2 =	sadd.s32 s2, s17  }
0x8e: {  	[smem:$0x3FBC] =	sst s2  }
0x8f: {  	_ = 	snop  }
0x90: {  	s2 =	sld [smem:$0x3FD0];
	(tm) =	ssettm $0x1  }
0x91: {  	s18 =	sld [smem:$0x3FFB];
	_ =	sdelay $0x3  }
0x92: {  	_ =	strace s18  }
0x93: {  	s3 =	sld [smem:$0x3FFC];
	_ =	sdelay $0x3  }
0x94: {  	_ =	strace s3  }
0x95: {  	s3 =	sld [smem:$0x3FFD];
	_ =	sdelay $0x3  }
0x96: {  	_ =	strace s3  }
0x97: {  	_ =	strace $0x8FFFFFFF  }
0x98: {  	s19 =	sld [smem:$0x3FDB];
	_ =	sdelay $0x1  }
0x99: {  	s4 =	simm.s32 $_scs_section_size  }
0x9a: {  	s5 =	simm.s32 $_size__tile_overlayer_lowered;
	s6 =	simm.s32 $_tile_overlayer_lowered  }
0x9b: {  	s22 =	simm.s32 $0x1BFF;
	s21 =	sshll.u32 s6, $0x1;
	s3 =	sadd.s32 s4, s19  }
0x9c: {  	s7 =	simm.s32 $0x0;
	s20 =	sshll.u32 s5, $0x1;
	s5 =	sadd.s32 s21, s3  }
0x9d: {  	[timem:s7], [sflag:s22] =	dma.local [hbm:s5], s20  }
0x9e: {  	_ =	swait.ge [sflag:s22], s20  }
0x9f: {  	s4 =	ssub.s32 $0x0, s20;
	[sflag:s22] =	ssyncset.done $0x0  }
0xa0: {  	[sflag:s22] =	ssyncadd.s32 s4;
	_ =	sdelay $0x1  }
0xa1: {  	s23 =	simm.s32 $0x1B8B  }
0xa2: {  	_ =	swait.ge [sflag:s23], $0x1  }
0xa3: {  	[sflag:s23] =	ssyncset.done $0x0  }
0xa4: {  	s25 =	simm.s32 $0x1B8E;
	s24 =	sld [smem:$0x3FFE];
	[sflag:s23] =	ssyncadd.s32 $0xFFFFFFFF  }
0xa5: {  	s26 =	simm.s32 $execute0_lowered;
	[smem:$0x3FD2] =	sst s25  }
0xa6: {  	s5 =	sshll.u32 s26, $0x1;
	_ =	strace $0x80000049;
	[dreg:$0x1] =	wrdreg $0xFFFFFFFF  }
0xa7: {  	s28 =	simm.s32 $_size_execute0_lowered;
	s3 =	sadd.s32 s3, s5;
	[dreg:$0x0] =	wrdreg $0x0  }
0xa8: {  	s5 =	sshll.u32 s28, $0x1;
	[dreg:$0x2] =	wrdreg s3  }
0xa9: {  	[dreg:$0x3] =	wrdreg s5  }
0xaa: {  	[dreg:$0x4] =	wrdreg $0xC0  }
0xab: {  	_ =	task [dreg:s7], $0x5FFFF  }
0xac: {  	[dreg:$0x1] =	wrdreg $0xFFFFFFFF  }
0xad: {  	[dreg:$0x0] =	wrdreg $0x60  }
0xae: {  	[dreg:$0x2] =	wrdreg s24  }
0xaf: {  	[dreg:$0x3] =	wrdreg s2  }
0xb0: {  	[dreg:$0x4] =	wrdreg $0x0  }
0xb1: {  	[dreg:$0x5] =	wrdreg $0x9  }
0xb2: {  	_ =	task.clear_ibuf [dreg:s7], $0x6FFFF;
	_ =	strace $0x90000049  }
0xb3: {  	s29 =	simm.s32 $0x9;
	_ =	strace $0x8000004B  }
0xb4: {  	_ =	swait.ge [sflag:s29], $0x1  }
0xb5: {  	[sflag:s29] =	ssyncadd.s32 $0xFFFFFFFF  }
0xb6: {  	_ =	strace $0x9000004B  }
0xb7: {  	_ =	sfence  }
0xb8: {  	s30 =	sld [smem:$0x0];
	_ =	sdelay $0x2  }
0xb9: {  	s31 =	sshll.u32 s1, $0xD;
	s1 =	sshrl.u32 s1, $0x2  }
0xba: {  	s3 =	sand.u32 $0x4000, s31;
	s1 =	sadd.s32 s1, s30  }
0xbb: {  	s0 =	sor.u32 s3, s0;
	s1 =	sshll.u32 s1, $0x11  }
0xbc: {  	s0 =	sor.u32 s1, s0  }
0xbd: {  	s0 =	sadd.s32 $0x8F2B, s0  }
0xbe: {  	[sflag:s0] =	ssyncadd.remote.s32 $0x1  }
0xbf: {  	_ =	sfence.sel $0xFFFF  }
0xc0: {  	[dreg:$0x0] =	wrdreg $0xFFFFFFFF;
	(pc) =	sbr.abs _section_cstart, $3  }
0xc1: {  	[dreg:$0x1] =	wrdreg $0xFFFFFFFF  }
0xc2: {  	_ =	task.clear_ibuf [dreg:s7], $0x2FFFF;
	_ =	strace $0x9FFFFFFF  }
0xc3: {  	(tm) =	ssettm $0x7FFFFFFF  }
tec
execute0_lowered:
.L_overlay_start_1:
0x0: {  	(tag) =	ssettag $0x1  }
0x1: {  	s5 =	rddreg [dreg:$0x0]  }
0x2: {  	s0 =	srdreg.scid;
	s11 =	rddreg [dreg:$0x1]  }
0x3: {  	s1 =	rddreg [dreg:$0x2];
	s2 =	stileid.u32  }
0x4: {  	s3 =	simm.s32 $0x0;
	s18 =	simm.s32 $0x2;
	s19 =	simm.s32 $0x13880  }
0x5: {  	s20 =	simm.s32 $0x16080;
	s21 =	simm.s32 $0x18880;
	s22 =	simm.s32 $0x80  }
0x6: {  	s23 =	simm.s32 $0x1;
	s6 =	sand.u32 $0x1, s0;
	s0 =	rddreg [dreg:$0x3]  }
0x7: {  	[smem:$0x7FF] =	sst s3;
	s7 =	smul.u32 $0x4E000, s2;
	s14 =	sadd.s32 $0x3D600, s5  }
0x8: {  	s17 =	smul.u32 $0x13800, s2;
	s10 =	sadd.s32 $0x138000, s1;
	p0 =	sne.s32 s2, $0x0  }
0x9: {  	s4 =	sshll.u32 s6, $0x4;
	_ =	strace $0x8000004A;
	s8 =	ssub.s32 $0x2, s6  }
0xa: {  	s15 =	smul.u32 $0x138800, s6;
	s4 =	sor.u32 s2, s4;
	s31 =	sshrl.u32 s8, $0x1  }
0xb: {  	s7 =	sshrl.u32 s7, $0x2;
	s12 =	smul.u32 $0x500, s4;
	s4 =	sadd.s32 $0x16400, s5  }
0xc: {  	s16 =	ssub.s32 s8, s31;
	s17 =	sadd.s32 s17, s15;
	s15 =	sshrl.u32 s15, $0x3  }
0xd: {  	s17 =	sshrl.u32 s17, $0x3;
	s15 =	sadd.s32 s14, s15;
	s16 =	smax.u32 s16, $0x1  }
0xe: {  	s13 =	sadd.s32 s12, s5;
	s5 =	sadd.s32 s7, s1;
	s11 =	sadd.s32 s11, s12  }
0xf: {  	s14 =	sadd.s32 s14, s17;
	s15 =	sadd.s32 $0x27000, s15;
	s17 =	simm.s32 $0x1B080  }
0x10: {  	s6 =	sadd.s32 $0x4000, s5;
	s7 =	sadd.s32 $0x8000, s5;
	s8 =	sadd.s32 $0xC000, s5  }
0x11: {  	v0 =	vimm.f32 $0.0e+00;
	s9 =	sadd.s32 $0x10000, s5;
	s12 =	sadd.s32 $0xC400, s13;
	s13 =	sadd.s32 $0x2400, s13  }
.LBB2_1:
0x12: {  	s24 =	simm.s32 $0x0;
	s25 =	simm.s32 $0x200  }
.LBB2_2:
0x13: {  	p1 =	sne.s32 s25, $0xFE00;
	[tilespmem:s24+$0x1B0F0] =	vst v0  }
0x14: {  	[tilespmem:s24+$0x1B080] =	vst v0  }
0x15: {  	[tilespmem:s24+$0x1B090] =	vst v0  }
.Ltmp0:
0x16: {  	[tilespmem:s24+$0x1B0A0] =	vst v0;
	(pc) =	sbr.rel @p1 .LBB2_2-.Ltmp0, $4  }
0x17: {  	[tilespmem:s24+$0x1B0B0] =	vst v0  }
0x18: {  	[tilespmem:s24+$0x1B0C0] =	vst v0  }
0x19: {  	[tilespmem:s24+$0x1B0D0] =	vst v0  }
0x1a: {  	[tilespmem:s24+$0x1B0E0] =	vst v0;
	s24 =	sshra.s32 s25, $0x2;
	s25 =	sadd.s32 $0x200, s25  }
0x1b: {  	[tilespmem:s24+$0x1B0F0] =	vst v0  }
0x1c: {  	[tilespmem:s24+$0x1B080] =	vst v0  }
0x1d: {  	[tilespmem:s24+$0x1B090] =	vst v0  }
0x1e: {  	[tilespmem:s24+$0x1B0A0] =	vst v0  }
0x1f: {  	[tilespmem:s24+$0x1B0B0] =	vst v0  }
0x20: {  	[tilespmem:s24+$0x1B0C0] =	vst v0  }
0x21: {  	[tilespmem:s24+$0x1B0D0] =	vst v0  }
0x22: {  	[tilespmem:s24+$0x1B0E0] =	vst v0  }
0x23: {  	[spmem:s5] =	stream.linear.scatter [tilespmem:s17], [sflag:$0x2], $0x4000, $0x38;
	[tilespmem:$0x1F080] =	vst v63  }
0x24: {  	_ =	swait.ge [sflag:s18], $0x4000  }
0x25: {  	[sflag:s18] =	ssyncset.done $0x0  }
0x26: {  	[sflag:s18] =	ssyncadd.s32 $0xFFFFC000  }
0x27: {  	[spmem:s6] =	stream.linear.scatter [tilespmem:s17], [sflag:$0x2], $0x4000, $0x38;
	[tilespmem:$0x1F080] =	vst v63  }
0x28: {  	_ =	swait.ge [sflag:s18], $0x4000  }
0x29: {  	[sflag:s18] =	ssyncset.done $0x0  }
0x2a: {  	[sflag:s18] =	ssyncadd.s32 $0xFFFFC000  }
0x2b: {  	[spmem:s7] =	stream.linear.scatter [tilespmem:s17], [sflag:$0x2], $0x4000, $0x38;
	[tilespmem:$0x1F080] =	vst v63  }
0x2c: {  	_ =	swait.ge [sflag:s18], $0x4000  }
0x2d: {  	[sflag:s18] =	ssyncset.done $0x0  }
0x2e: {  	[sflag:s18] =	ssyncadd.s32 $0xFFFFC000  }
0x2f: {  	[spmem:s8] =	stream.linear.scatter [tilespmem:s17], [sflag:$0x2], $0x4000, $0x38;
	[tilespmem:$0x1F080] =	vst v63  }
0x30: {  	_ =	swait.ge [sflag:s18], $0x4000  }
0x31: {  	[sflag:s18] =	ssyncset.done $0x0  }
0x32: {  	[sflag:s18] =	ssyncadd.s32 $0xFFFFC000  }
0x33: {  	[spmem:s9] =	stream.linear.scatter [tilespmem:s17], [sflag:$0x2], $0x3800, $0x38;
	[tilespmem:$0x1F080] =	vst v63  }
0x34: {  	_ =	swait.ge [sflag:s18], $0x3800  }
0x35: {  	[sflag:s18] =	ssyncset.done $0x0  }
0x36: {  	s24 =	simm.s32 @!p0 $0x1B080;
	[sflag:s18] =	ssyncadd.s32 $0xFFFFC800  }
0x37: {  	[spmem:s10] =	stream.linear.scatter @!p0 [tilespmem:s24], [sflag:$0x2], $0x800, $0x38;
	[tilespmem:$0x1F080] =	vst v63  }
0x38: {  	s24 =	simm.s32 @!p0 $0x2  }
0x39: {  	_ =	swait.ge @!p0 [sflag:s24], $0x800  }
0x3a: {  	[sflag:s24] =	ssyncset.done @!p0 $0x0  }
0x3b: {  	[sflag:s24] =	ssyncadd.s32 @!p0 $0xFFFFF800;
	s24 =	simm.s32 $0x0  }
0x3c: {  	[tilespmem:s19], [sflag:$0x2] =	stream.linear.gather [hbm4b:s11+s24], $0x2780, $0x38;
	[tilespmem:$0x1F080] =	vst v63  }
0x3d: {  	_ =	swait.ge [sflag:s18], $0x2780  }
0x3e: {  	[sflag:s18] =	ssyncset.done $0x0  }
0x3f: {  	[sflag:s18] =	ssyncadd.s32 $0xFFFFD880  }
0x40: {  	[tilespmem:s20], [sflag:$0x2] =	stream.linear.gather [hbm4b:s12+s24], $0x2780, $0x38;
	[tilespmem:$0x1F080] =	vst v63  }
0x41: {  	_ =	swait.ge [sflag:s18], $0x2780  }
0x42: {  	[sflag:s18] =	ssyncset.done $0x0  }
0x43: {  	[sflag:s18] =	ssyncadd.s32 $0xFFFFD880  }
0x44: {  	[tilespmem:s21], [sflag:$0x2] =	stream.linear.gather [hbm4b:s13+s24], $0x2780, $0x38;
	[tilespmem:$0x1F080] =	vst v63  }
0x45: {  	_ =	swait.ge [sflag:s18], $0x2780  }
0x46: {  	[sflag:s18] =	ssyncset.done $0x0  }
0x47: {  	[sflag:s18] =	ssyncadd.s32 $0xFFFFD880  }
0x48: {  	[bflag:$0x0] =	sbarrier.arrive $0xFFFF  }
.LBB2_4:
0x49: {  	s25 =	sshll.u32 s24, $0x7  }
0x4a: {  	s26 =	sadd.s32 $0x13880, s25;
	s31 =	sadd.s32 $0x18880, s25  }
0x4b: {  	[tilespmem:s17], [sflag:$0x1] =	stream.indirect.gather [hbm4b:s4+s22], $0x80, s26, s22, $0xb8;
	[tilespmem:$0x1F080] =	vst v63  }
0x4c: {  	v1 =	vmov s31;
	_ =	swait.ge [sflag:s23], $0x4000  }
0x4d: {  	[sflag:s23] =	ssyncset.done $0x0  }
0x4e: {  	s26 =	simm.s32 $0x0;
	[sflag:s23] =	ssyncadd.s32 $0xFFFFC000  }
.LBB2_5:
0x4f: {  	s28 =	sshll.u32 s26, $0x4  }
0x50: {  	s28 =	sand.u32 $0x3FFFFFF0, s28  }
0x51: {  	s31 =	sshll.u32 s26, $0xB;
	v2 =	vld.idx.msk [tilespmem:v1+s28+$0x0 ss:$0x1], $0xffff  }
0x52: {  	s28 =	sand.u32 $0x3FFFF800, s31  }
0x53: {  	v3 =	vld [tilespmem:s28+$0x1B080]  }
0x54: {  	v4 =	vld [tilespmem:s28+$0x1B090]  }
0x55: {  	v5 =	vld [tilespmem:s28+$0x1B0A0]  }
0x56: {  	v7 =	vld [tilespmem:s28+$0x1B0B0];
	v6 =	vbroadcast v2, $0x0  }
0x57: {  	v8 =	vld [tilespmem:s28+$0x1B0C0]  }
0x58: {  	v9 =	vld [tilespmem:s28+$0x1B0D0];
	v3 =	vmul.f32 v6, v3  }
0x59: {  	v10 =	vld [tilespmem:s28+$0x1B0E0];
	v4 =	vmul.f32 v4, v6  }
0x5a: {  	v24 =	vld [tilespmem:s28+$0x1B0F0];
	[tilespmem:s28+$0x1B080] =	vst v3;
	v3 =	vmul.f32 v5, v6  }
0x5b: {  	v26 =	vld [tilespmem:s28+$0x1B100];
	v25 =	vmul.f32 v7, v6;
	[tilespmem:s28+$0x1B090] =	vst v4  }
0x5c: {  	v27 =	vld [tilespmem:s28+$0x1B110];
	[tilespmem:s28+$0x1B0A0] =	vst v3;
	v3 =	vmul.f32 v8, v6  }
0x5d: {  	v29 =	vld [tilespmem:s28+$0x1B120];
	v28 =	vmul.f32 v9, v6;
	[tilespmem:s28+$0x1B0B0] =	vst v25  }
0x5e: {  	v11 =	vld [tilespmem:s28+$0x1B130];
	v30 =	vbroadcast v2, $0x1;
	[tilespmem:s28+$0x1B0C0] =	vst v3;
	v3 =	vmul.f32 v10, v6  }
0x5f: {  	v32 =	vld [tilespmem:s28+$0x1B140];
	v31 =	vmul.f32 v24, v6;
	[tilespmem:s28+$0x1B0D0] =	vst v28  }
0x60: {  	v33 =	vld [tilespmem:s28+$0x1B150];
	[tilespmem:s28+$0x1B0E0] =	vst v3;
	v3 =	vmul.f32 v26, v30  }
0x61: {  	v35 =	vld [tilespmem:s28+$0x1B160];
	v34 =	vmul.f32 v27, v30;
	[tilespmem:s28+$0x1B0F0] =	vst v31  }
0x62: {  	v36 =	vld [tilespmem:s28+$0x1B170];
	[tilespmem:s28+$0x1B100] =	vst v3;
	v3 =	vmul.f32 v29, v30  }
0x63: {  	v38 =	vld [tilespmem:s28+$0x1B180];
	v37 =	vmul.f32 v11, v30;
	[tilespmem:s28+$0x1B110] =	vst v34  }
0x64: {  	v39 =	vld [tilespmem:s28+$0x1B190];
	[tilespmem:s28+$0x1B120] =	vst v3;
	v3 =	vmul.f32 v32, v30  }
0x65: {  	v41 =	vld [tilespmem:s28+$0x1B1A0];
	v40 =	vmul.f32 v33, v30;
	[tilespmem:s28+$0x1B130] =	vst v37  }
0x66: {  	v43 =	vld [tilespmem:s28+$0x1B1B0];
	v42 =	vbroadcast v2, $0x2;
	[tilespmem:s28+$0x1B140] =	vst v3;
	v3 =	vmul.f32 v35, v30  }
0x67: {  	v45 =	vld [tilespmem:s28+$0x1B1C0];
	v44 =	vmul.f32 v36, v30;
	[tilespmem:s28+$0x1B150] =	vst v40  }
0x68: {  	v46 =	vld [tilespmem:s28+$0x1B1D0];
	[tilespmem:s28+$0x1B160] =	vst v3;
	v3 =	vmul.f32 v38, v42  }
0x69: {  	v48 =	vld [tilespmem:s28+$0x1B1E0];
	v47 =	vmul.f32 v39, v42;
	[tilespmem:s28+$0x1B170] =	vst v44  }
0x6a: {  	v49 =	vld [tilespmem:s28+$0x1B1F0];
	[tilespmem:s28+$0x1B180] =	vst v3;
	v3 =	vmul.f32 v41, v42  }
0x6b: {  	v51 =	vld [tilespmem:s28+$0x1B200];
	v50 =	vmul.f32 v43, v42;
	[tilespmem:s28+$0x1B190] =	vst v47  }
0x6c: {  	v52 =	vld [tilespmem:s28+$0x1B210];
	[tilespmem:s28+$0x1B1A0] =	vst v3;
	v3 =	vmul.f32 v45, v42  }
0x6d: {  	v54 =	vld [tilespmem:s28+$0x1B220];
	v53 =	vmul.f32 v46, v42;
	[tilespmem:s28+$0x1B1B0] =	vst v50  }
0x6e: {  	v56 =	vld [tilespmem:s28+$0x1B230];
	v55 =	vbroadcast v2, $0x3;
	[tilespmem:s28+$0x1B1C0] =	vst v3;
	v3 =	vmul.f32 v48, v42  }
0x6f: {  	v58 =	vld [tilespmem:s28+$0x1B240];
	v57 =	vmul.f32 v49, v42;
	[tilespmem:s28+$0x1B1D0] =	vst v53  }
0x70: {  	v59 =	vld [tilespmem:s28+$0x1B250];
	[tilespmem:s28+$0x1B1E0] =	vst v3;
	v3 =	vmul.f32 v51, v55  }
0x71: {  	v61 =	vld [tilespmem:s28+$0x1B260];
	v60 =	vmul.f32 v52, v55;
	[tilespmem:s28+$0x1B1F0] =	vst v57  }
0x72: {  	v62 =	vld [tilespmem:s28+$0x1B270];
	[tilespmem:s28+$0x1B200] =	vst v3;
	v3 =	vmul.f32 v54, v55  }
0x73: {  	v12 =	vld [tilespmem:s28+$0x1B280];
	v63 =	vmul.f32 v56, v55;
	[tilespmem:s28+$0x1B210] =	vst v60  }
0x74: {  	v13 =	vld [tilespmem:s28+$0x1B290];
	[tilespmem:s28+$0x1B220] =	vst v3;
	v3 =	vmul.f32 v58, v55  }
0x75: {  	v15 =	vld [tilespmem:s28+$0x1B2A0];
	v14 =	vmul.f32 v59, v55;
	[tilespmem:s28+$0x1B230] =	vst v63  }
0x76: {  	v17 =	vld [tilespmem:s28+$0x1B2B0];
	v16 =	vbroadcast v2, $0x4;
	[tilespmem:s28+$0x1B240] =	vst v3;
	v3 =	vmul.f32 v61, v55  }
0x77: {  	v19 =	vld [tilespmem:s28+$0x1B2C0];
	v18 =	vmul.f32 v62, v55;
	[tilespmem:s28+$0x1B250] =	vst v14  }
0x78: {  	v20 =	vld [tilespmem:s28+$0x1B2D0];
	[tilespmem:s28+$0x1B260] =	vst v3;
	v3 =	vmul.f32 v12, v16  }
0x79: {  	v22 =	vld [tilespmem:s28+$0x1B2E0];
	v21 =	vmul.f32 v13, v16;
	[tilespmem:s28+$0x1B270] =	vst v18  }
0x7a: {  	v23 =	vld [tilespmem:s28+$0x1B2F0];
	[tilespmem:s28+$0x1B280] =	vst v3;
	v3 =	vmul.f32 v15, v16  }
0x7b: {  	v24 =	vmul.f32 v17, v16;
	[tilespmem:s28+$0x1B290] =	vst v21;
	v25 =	vld [tilespmem:s28+$0x1B300]  }
0x7c: {  	v33 =	vld [tilespmem:s28+$0x1B350];
	[tilespmem:s28+$0x1B2A0] =	vst v3;
	v3 =	vmul.f32 v19, v16  }
0x7d: {  	v27 =	vmul.f32 v20, v16;
	[tilespmem:s28+$0x1B2B0] =	vst v24;
	v28 =	vld [tilespmem:s28+$0x1B320]  }
0x7e: {  	v36 =	vld [tilespmem:s28+$0x1B370];
	v29 =	vbroadcast v2, $0x5;
	[tilespmem:s28+$0x1B2C0] =	vst v3;
	v3 =	vmul.f32 v22, v16  }
0x7f: {  	[tilespmem:s28+$0x1B2D0] =	vst v27;
	v31 =	vmul.f32 v23, v16;
	v32 =	vld [tilespmem:s28+$0x1B340]  }
0x80: {  	v26 =	vld [tilespmem:s28+$0x1B310];
	[tilespmem:s28+$0x1B2E0] =	vst v3;
	v3 =	vmul.f32 v25, v29  }
0x81: {  	[tilespmem:s28+$0x1B2F0] =	vst v31;
	v40 =	vmul.f32 v33, v29;
	v35 =	vld [tilespmem:s28+$0x1B360]  }
0x82: {  	v30 =	vld [tilespmem:s28+$0x1B330];
	[tilespmem:s28+$0x1B300] =	vst v3;
	v3 =	vmul.f32 v28, v29  }
0x83: {  	v44 =	vmul.f32 v36, v29;
	[tilespmem:s28+$0x1B350] =	vst v40;
	v38 =	vld [tilespmem:s28+$0x1B380]  }
0x84: {  	v39 =	vld [tilespmem:s28+$0x1B390];
	[tilespmem:s28+$0x1B320] =	vst v3;
	v3 =	vmul.f32 v32, v29  }
0x85: {  	v34 =	vmul.f32 v26, v29;
	[tilespmem:s28+$0x1B370] =	vst v44;
	v41 =	vld [tilespmem:s28+$0x1B3A0]  }
0x86: {  	v43 =	vld [tilespmem:s28+$0x1B3B0];
	v42 =	vbroadcast v2, $0x6;
	[tilespmem:s28+$0x1B340] =	vst v3;
	v3 =	vmul.f32 v35, v29  }
0x87: {  	[tilespmem:s28+$0x1B310] =	vst v34;
	v37 =	vmul.f32 v30, v29;
	v45 =	vld [tilespmem:s28+$0x1B3C0]  }
0x88: {  	v46 =	vld [tilespmem:s28+$0x1B3D0];
	[tilespmem:s28+$0x1B360] =	vst v3;
	v3 =	vmul.f32 v38, v42  }
0x89: {  	[tilespmem:s28+$0x1B330] =	vst v37;
	v48 =	vld [tilespmem:s28+$0x1B3E0];
	v47 =	vmul.f32 v39, v42  }
0x8a: {  	v49 =	vld [tilespmem:s28+$0x1B3F0];
	[tilespmem:s28+$0x1B380] =	vst v3;
	v3 =	vmul.f32 v41, v42  }
0x8b: {  	v50 =	vmul.f32 v43, v42;
	v51 =	vld [tilespmem:s28+$0x1B400];
	[tilespmem:s28+$0x1B390] =	vst v47  }
0x8c: {  	v52 =	vld [tilespmem:s28+$0x1B410];
	[tilespmem:s28+$0x1B3A0] =	vst v3;
	v3 =	vmul.f32 v45, v42  }
0x8d: {  	v53 =	vmul.f32 v46, v42;
	[tilespmem:s28+$0x1B3B0] =	vst v50;
	v54 =	vld [tilespmem:s28+$0x1B420]  }
0x8e: {  	v56 =	vld [tilespmem:s28+$0x1B430];
	v55 =	vbroadcast v2, $0x7;
	[tilespmem:s28+$0x1B3C0] =	vst v3;
	v3 =	vmul.f32 v48, v42  }
0x8f: {  	v57 =	vmul.f32 v49, v42;
	[tilespmem:s28+$0x1B3D0] =	vst v53;
	v58 =	vld [tilespmem:s28+$0x1B440]  }
0x90: {  	v59 =	vld [tilespmem:s28+$0x1B450];
	[tilespmem:s28+$0x1B3E0] =	vst v3;
	v3 =	vmul.f32 v51, v55  }
0x91: {  	[tilespmem:s28+$0x1B3F0] =	vst v57;
	v61 =	vld [tilespmem:s28+$0x1B460];
	v60 =	vmul.f32 v52, v55  }
0x92: {  	v62 =	vld [tilespmem:s28+$0x1B470];
	[tilespmem:s28+$0x1B400] =	vst v3;
	v3 =	vmul.f32 v54, v55  }
0x93: {  	v63 =	vmul.f32 v56, v55;
	v12 =	vld [tilespmem:s28+$0x1B480];
	[tilespmem:s28+$0x1B410] =	vst v60  }
0x94: {  	v13 =	vld [tilespmem:s28+$0x1B490];
	[tilespmem:s28+$0x1B420] =	vst v3;
	v3 =	vmul.f32 v58, v55  }
0x95: {  	v14 =	vmul.f32 v59, v55;
	[tilespmem:s28+$0x1B430] =	vst v63;
	v15 =	vld [tilespmem:s28+$0x1B4A0]  }
0x96: {  	v17 =	vld [tilespmem:s28+$0x1B4B0];
	v16 =	vbroadcast v2, $0x8;
	[tilespmem:s28+$0x1B440] =	vst v3;
	v3 =	vmul.f32 v61, v55  }
0x97: {  	v18 =	vmul.f32 v62, v55;
	[tilespmem:s28+$0x1B450] =	vst v14;
	v19 =	vld [tilespmem:s28+$0x1B4C0]  }
0x98: {  	v20 =	vld [tilespmem:s28+$0x1B4D0];
	[tilespmem:s28+$0x1B460] =	vst v3;
	v3 =	vmul.f32 v12, v16  }
0x99: {  	[tilespmem:s28+$0x1B470] =	vst v18;
	v22 =	vld [tilespmem:s28+$0x1B4E0];
	v21 =	vmul.f32 v13, v16  }
0x9a: {  	v23 =	vld [tilespmem:s28+$0x1B4F0];
	[tilespmem:s28+$0x1B480] =	vst v3;
	v3 =	vmul.f32 v15, v16  }
0x9b: {  	v24 =	vmul.f32 v17, v16;
	v25 =	vld [tilespmem:s28+$0x1B500];
	[tilespmem:s28+$0x1B490] =	vst v21  }
0x9c: {  	v26 =	vld [tilespmem:s28+$0x1B510];
	[tilespmem:s28+$0x1B4A0] =	vst v3;
	v3 =	vmul.f32 v19, v16  }
0x9d: {  	v27 =	vmul.f32 v20, v16;
	[tilespmem:s28+$0x1B4B0] =	vst v24;
	v28 =	vld [tilespmem:s28+$0x1B520]  }
0x9e: {  	v30 =	vld [tilespmem:s28+$0x1B530];
	v29 =	vbroadcast v2, $0x9;
	[tilespmem:s28+$0x1B4C0] =	vst v3;
	v3 =	vmul.f32 v22, v16  }
0x9f: {  	v31 =	vmul.f32 v23, v16;
	[tilespmem:s28+$0x1B4D0] =	vst v27;
	v32 =	vld [tilespmem:s28+$0x1B540]  }
0xa0: {  	v33 =	vld [tilespmem:s28+$0x1B550];
	[tilespmem:s28+$0x1B4E0] =	vst v3;
	v3 =	vmul.f32 v25, v29  }
0xa1: {  	[tilespmem:s28+$0x1B4F0] =	vst v31;
	v35 =	vld [tilespmem:s28+$0x1B560];
	v34 =	vmul.f32 v26, v29  }
0xa2: {  	v36 =	vld [tilespmem:s28+$0x1B570];
	[tilespmem:s28+$0x1B500] =	vst v3;
	v3 =	vmul.f32 v28, v29  }
0xa3: {  	v37 =	vmul.f32 v30, v29;
	v38 =	vld [tilespmem:s28+$0x1B580];
	[tilespmem:s28+$0x1B510] =	vst v34  }
0xa4: {  	v39 =	vld [tilespmem:s28+$0x1B590];
	[tilespmem:s28+$0x1B520] =	vst v3;
	v3 =	vmul.f32 v32, v29  }
0xa5: {  	v40 =	vmul.f32 v33, v29;
	[tilespmem:s28+$0x1B530] =	vst v37;
	v41 =	vld [tilespmem:s28+$0x1B5A0]  }
0xa6: {  	v43 =	vld [tilespmem:s28+$0x1B5B0];
	v42 =	vbroadcast v2, $0xA;
	[tilespmem:s28+$0x1B540] =	vst v3;
	v3 =	vmul.f32 v35, v29  }
0xa7: {  	v44 =	vmul.f32 v36, v29;
	[tilespmem:s28+$0x1B550] =	vst v40;
	v45 =	vld [tilespmem:s28+$0x1B5C0]  }
0xa8: {  	v46 =	vld [tilespmem:s28+$0x1B5D0];
	[tilespmem:s28+$0x1B560] =	vst v3;
	v3 =	vmul.f32 v38, v42  }
0xa9: {  	[tilespmem:s28+$0x1B570] =	vst v44;
	v48 =	vld [tilespmem:s28+$0x1B5E0];
	v47 =	vmul.f32 v39, v42  }
0xaa: {  	v49 =	vld [tilespmem:s28+$0x1B5F0];
	[tilespmem:s28+$0x1B580] =	vst v3;
	v3 =	vmul.f32 v41, v42  }
0xab: {  	v50 =	vmul.f32 v43, v42;
	v51 =	vld [tilespmem:s28+$0x1B600];
	[tilespmem:s28+$0x1B590] =	vst v47  }
0xac: {  	v52 =	vld [tilespmem:s28+$0x1B610];
	[tilespmem:s28+$0x1B5A0] =	vst v3;
	v3 =	vmul.f32 v45, v42  }
0xad: {  	v53 =	vmul.f32 v46, v42;
	[tilespmem:s28+$0x1B5B0] =	vst v50;
	v54 =	vld [tilespmem:s28+$0x1B620]  }
0xae: {  	v56 =	vld [tilespmem:s28+$0x1B630];
	v55 =	vbroadcast v2, $0xB;
	[tilespmem:s28+$0x1B5C0] =	vst v3;
	v3 =	vmul.f32 v48, v42  }
0xaf: {  	v57 =	vmul.f32 v49, v42;
	[tilespmem:s28+$0x1B5D0] =	vst v53;
	v58 =	vld [tilespmem:s28+$0x1B640]  }
0xb0: {  	v59 =	vld [tilespmem:s28+$0x1B650];
	[tilespmem:s28+$0x1B5E0] =	vst v3;
	v3 =	vmul.f32 v51, v55  }
0xb1: {  	[tilespmem:s28+$0x1B5F0] =	vst v57;
	v61 =	vld [tilespmem:s28+$0x1B660];
	v60 =	vmul.f32 v52, v55  }
0xb2: {  	v62 =	vld [tilespmem:s28+$0x1B670];
	[tilespmem:s28+$0x1B600] =	vst v3;
	v3 =	vmul.f32 v54, v55  }
0xb3: {  	v63 =	vmul.f32 v56, v55;
	v12 =	vld [tilespmem:s28+$0x1B680];
	[tilespmem:s28+$0x1B610] =	vst v60  }
0xb4: {  	v13 =	vld [tilespmem:s28+$0x1B690];
	[tilespmem:s28+$0x1B620] =	vst v3;
	v3 =	vmul.f32 v58, v55  }
0xb5: {  	v14 =	vmul.f32 v59, v55;
	[tilespmem:s28+$0x1B630] =	vst v63;
	v15 =	vld [tilespmem:s28+$0x1B6A0]  }
0xb6: {  	v17 =	vld [tilespmem:s28+$0x1B6B0];
	v16 =	vbroadcast v2, $0xC;
	[tilespmem:s28+$0x1B640] =	vst v3;
	v3 =	vmul.f32 v61, v55  }
0xb7: {  	v18 =	vmul.f32 v62, v55;
	[tilespmem:s28+$0x1B650] =	vst v14;
	v19 =	vld [tilespmem:s28+$0x1B6C0]  }
0xb8: {  	v20 =	vld [tilespmem:s28+$0x1B6D0];
	[tilespmem:s28+$0x1B660] =	vst v3;
	v3 =	vmul.f32 v12, v16  }
0xb9: {  	[tilespmem:s28+$0x1B670] =	vst v18;
	v22 =	vld [tilespmem:s28+$0x1B6E0];
	v21 =	vmul.f32 v13, v16  }
0xba: {  	v23 =	vld [tilespmem:s28+$0x1B6F0];
	[tilespmem:s28+$0x1B680] =	vst v3;
	v3 =	vmul.f32 v15, v16  }
0xbb: {  	v24 =	vmul.f32 v17, v16;
	v25 =	vld [tilespmem:s28+$0x1B700];
	[tilespmem:s28+$0x1B690] =	vst v21  }
0xbc: {  	v26 =	vld [tilespmem:s28+$0x1B710];
	[tilespmem:s28+$0x1B6A0] =	vst v3;
	v3 =	vmul.f32 v19, v16  }
0xbd: {  	v27 =	vmul.f32 v20, v16;
	[tilespmem:s28+$0x1B6B0] =	vst v24;
	v28 =	vld [tilespmem:s28+$0x1B720]  }
0xbe: {  	v30 =	vld [tilespmem:s28+$0x1B730];
	v29 =	vbroadcast v2, $0xD;
	[tilespmem:s28+$0x1B6C0] =	vst v3;
	v3 =	vmul.f32 v22, v16  }
0xbf: {  	v31 =	vmul.f32 v23, v16;
	[tilespmem:s28+$0x1B6D0] =	vst v27;
	v32 =	vld [tilespmem:s28+$0x1B740]  }
0xc0: {  	v33 =	vld [tilespmem:s28+$0x1B750];
	[tilespmem:s28+$0x1B6E0] =	vst v3;
	v3 =	vmul.f32 v25, v29  }
0xc1: {  	[tilespmem:s28+$0x1B6F0] =	vst v31;
	v35 =	vld [tilespmem:s28+$0x1B760];
	v34 =	vmul.f32 v26, v29  }
0xc2: {  	v36 =	vld [tilespmem:s28+$0x1B770];
	[tilespmem:s28+$0x1B700] =	vst v3;
	v3 =	vmul.f32 v28, v29  }
0xc3: {  	v37 =	vmul.f32 v30, v29;
	v38 =	vld [tilespmem:s28+$0x1B780];
	[tilespmem:s28+$0x1B710] =	vst v34  }
0xc4: {  	v39 =	vld [tilespmem:s28+$0x1B790];
	[tilespmem:s28+$0x1B720] =	vst v3;
	v3 =	vmul.f32 v32, v29  }
0xc5: {  	v40 =	vmul.f32 v33, v29;
	[tilespmem:s28+$0x1B730] =	vst v37;
	v41 =	vld [tilespmem:s28+$0x1B7A0]  }
0xc6: {  	v43 =	vld [tilespmem:s28+$0x1B7B0];
	v42 =	vbroadcast v2, $0xE;
	[tilespmem:s28+$0x1B740] =	vst v3;
	v3 =	vmul.f32 v35, v29  }
0xc7: {  	v44 =	vmul.f32 v36, v29;
	[tilespmem:s28+$0x1B750] =	vst v40;
	v45 =	vld [tilespmem:s28+$0x1B7C0]  }
0xc8: {  	v46 =	vld [tilespmem:s28+$0x1B7D0];
	[tilespmem:s28+$0x1B760] =	vst v3;
	v3 =	vmul.f32 v38, v42  }
0xc9: {  	[tilespmem:s28+$0x1B770] =	vst v44;
	v48 =	vld [tilespmem:s28+$0x1B7E0];
	v47 =	vmul.f32 v39, v42  }
0xca: {  	v49 =	vld [tilespmem:s28+$0x1B7F0];
	[tilespmem:s28+$0x1B780] =	vst v3;
	v3 =	vmul.f32 v41, v42  }
0xcb: {  	v50 =	vmul.f32 v43, v42;
	v51 =	vld [tilespmem:s28+$0x1B800];
	[tilespmem:s28+$0x1B790] =	vst v47  }
0xcc: {  	v52 =	vld [tilespmem:s28+$0x1B810];
	[tilespmem:s28+$0x1B7A0] =	vst v3;
	v3 =	vmul.f32 v45, v42  }
0xcd: {  	v53 =	vmul.f32 v46, v42;
	[tilespmem:s28+$0x1B7B0] =	vst v50;
	v54 =	vld [tilespmem:s28+$0x1B820]  }
0xce: {  	v2 =	vbroadcast v2, $0xF;
	v58 =	vld [tilespmem:s28+$0x1B850];
	[tilespmem:s28+$0x1B7C0] =	vst v3;
	v3 =	vmul.f32 v48, v42  }
0xcf: {  	v57 =	vld [tilespmem:s28+$0x1B840];
	v56 =	vmul.f32 v49, v42;
	[tilespmem:s28+$0x1B7D0] =	vst v53  }
0xd0: {  	v55 =	vld [tilespmem:s28+$0x1B830];
	[tilespmem:s28+$0x1B7E0] =	vst v3;
	v3 =	vmul.f32 v51, v2  }
0xd1: {  	v60 =	vld [tilespmem:s28+$0x1B860];
	v59 =	vmul.f32 v52, v2;
	[tilespmem:s28+$0x1B7F0] =	vst v56  }
0xd2: {  	v61 =	vld [tilespmem:s28+$0x1B870];
	[tilespmem:s28+$0x1B800] =	vst v3;
	v3 =	vmul.f32 v54, v2  }
0xd3: {  	[tilespmem:s28+$0x1B810] =	vst v59;
	v63 =	vmul.f32 v58, v2  }
0xd4: {  	p1 =	sne.s32 s26, $0x7;
	[tilespmem:s28+$0x1B820] =	vst v3;
	v3 =	vmul.f32 v57, v2  }
.Ltmp1:
0xd5: {  	v62 =	vmul.f32 v55, v2;
	[tilespmem:s28+$0x1B850] =	vst v63;
	(pc) =	sbr.rel @p1 .LBB2_5-.Ltmp1, $4  }
0xd6: {  	[tilespmem:s28+$0x1B840] =	vst v3;
	v3 =	vmul.f32 v60, v2  }
0xd7: {  	[tilespmem:s28+$0x1B830] =	vst v62;
	v2 =	vmul.f32 v61, v2  }
0xd8: {  	[tilespmem:s28+$0x1B860] =	vst v3  }
0xd9: {  	s26 =	sadd.s32 $0x1, s26;
	[tilespmem:s28+$0x1B870] =	vst v2  }
0xda: {  	s24 =	sadd.s32 $0x1, s24  }
0xdb: {  	p1 =	sne.s32 s24, $0x4F  }
.Ltmp2:
0xdc: {  	s25 =	sadd.s32 $0x16080, s25;
	(pc) =	sbr.rel @p1 .LBB2_4-.Ltmp2, $4  }
0xdd: {  	[spmem:s1] =	stream.indirect.scatter.add.f32 [tilespmem:s17], [sflag:$0x2], $0x80, s25, s22, $0xb8;
	[tilespmem:$0x1F080] =	vst v63  }
0xde: {  	_ =	swait.ge [sflag:s18], $0x4000  }
0xdf: {  	[sflag:s18] =	ssyncset.done $0x0  }
0xe0: {  	[sflag:s18] =	ssyncadd.s32 $0xFFFFC000  }
0xe1: {  	s24 =	sshll.u32 s2, $0x6  }
0xe2: {  	[bflag:$0x0] =	sbarrier.arrive $0xFFFF;
	s25 =	sshrl.u32 s5, $0x3;
	s24 =	sor.u32 $0x1C02, s24  }
0xe3: {  	[hbm:s14], [sflag:s24] =	dma.local [spmem:s25], $0x2700  }
0xe4: {  	_ =	swait.ge [sflag:s18], $0x2700  }
0xe5: {  	s3 =	sadd.s32 $0x1, s3;
	[sflag:s18] =	ssyncset.done $0x0  }
0xe6: {  	p1 =	sne.s32 s3, s16;
	s25 =	sshrl.u32 @!p0 s10, $0x3;
	[sflag:s18] =	ssyncadd.s32 $0xFFFFD900  }
0xe7: {  	[hbm:s15], [sflag:s24] =	dma.local @!p0 [spmem:s25], $0x100  }
.Ltmp3:
0xe8: {  	_ = 	snop;
	(pc) =	sbr.rel @p1 .LBB2_1-.Ltmp3, $4  }
0xe9: {  	s24 =	simm.s32 @!p0 $0x2  }
0xea: {  	_ =	swait.ge @!p0 [sflag:s24], $0x100  }
0xeb: {  	[sflag:s24] =	ssyncset.done @!p0 $0x0  }
0xec: {  	[sflag:s24] =	ssyncadd.s32 @!p0 $0xFFFFFF00  }
0xed: {  	_ =	sfence.sel $0x180000  }
0xee: {  	[bflag:$0x0] =	sbarrier.arrive $0xFFFF  }
0xef: {  	_ =	strace $0x9000004A  }
0xf0: {  	s0 =	sadd.s32 @!p0 $0x100000, s0;
	[bflag:$0x2] =	sbarrier.arrive $0xFFFF  }
0xf1: {  	[sflag:s0] =	ssyncadd.tile.s32 @!p0 $0x1;
	_ =	shalt  }
.Lfunc_end2:
_tile_overlayer_lowered:
.L_overlay_start_2:
0xf2: {  	(tag) =	ssettag $0x2  }
0xf3: {  	s0 =	rddreg [dreg:$0x0];
	s2 =	stileid.u32  }
0xf4: {  	s1 =	rddreg [dreg:$0x1];
	p0 =	sne.s32 s2, $0x0  }
0xf5: {  	s3 =	rddreg [dreg:$0x2];
	[bflag:$0x3] =	sbarrier.arrive $0xFFFF;
	s2 =	simm.s32 @!p0 $0x1C02  }
0xf6: {  	[timem:s3], [sflag:s2] =	dma.local @!p0 [hbm:s0], s1  }
0xf7: {  	s0 =	simm.s32 @!p0 $0x2  }
0xf8: {  	_ =	swait.ge @!p0 [sflag:s0], s1  }
0xf9: {  	s1 =	ssub.s32 @!p0 $0x0, s1;
	[sflag:s0] =	ssyncset.done @!p0 $0x0  }
0xfa: {  	[sflag:s0] =	ssyncadd.s32 @!p0 s1  }
0xfb: {  	[bflag:$0x3] =	sbarrier.arrive $0xFFFF  }
0xfc: {  	_ =	shalt  }

</sc_bundles>
